<compile_context>
chip_gen: v7x
topology: tpu7x:2x2x1
jax: 0.10.2.dev20260603
libtpu: 0.0.44.dev20260713+nightly
codegen_flags: <defaults>
</compile_context>

<pallas_src>
import functools

import jax
import jax.numpy as jnp
from jax import lax
from jax.experimental import pallas as pl
from jax.experimental.pallas import tpu as pltpu
from jax.experimental.pallas import tpu_sc as plsc

_BLK = 128
_CH_BLK = 2
_NBUF = 4
_AHEAD = 2
_PHASES = 2


@functools.lru_cache(maxsize=None)
def _make_gather(n_batch: int, n_points: int, d: int, k: int, phase: int):
    batches = n_batch // _PHASES
    rows_out = batches * n_points * k
    info = plsc.get_sparse_core_info()
    nw = info.num_cores * info.num_subcores
    rows_per_w = rows_out // nw
    n_chunks = rows_per_w // (_CH_BLK * _BLK)
    ch_rows = _CH_BLK * _BLK
    pts_per_ch = ch_rows // k
    lanes = info.num_lanes
    assert rows_out % (nw * ch_rows) == 0 and n_chunks % _NBUF == 0
    assert nw % batches == 0 and k == lanes
    w_per_b = nw // batches
    pts_per_w = rows_per_w // k

    mesh = plsc.VectorSubcoreMesh(core_axis_name="c", subcore_axis_name="s")

    @functools.partial(
        pl.kernel,
        mesh=mesh,
        compiler_params=pltpu.CompilerParams(use_tc_tiling_on_sc=False),
        out_type=jax.ShapeDtypeStruct((rows_out, d), jnp.float32),
        scratch_types=[
            pltpu.VMEM((pts_per_w, k), jnp.int32),
            [pltpu.VMEM((_CH_BLK, _BLK), jnp.int32)] * _NBUF,
            [pltpu.VMEM((ch_rows, d), jnp.float32)] * _NBUF,
            [pltpu.SemaphoreType.DMA] * _NBUF,
            [pltpu.SemaphoreType.DMA] * _NBUF,
        ],
    )
    def gather_kernel(x_hbm, idx_hbm, out_hbm,
                      slab, gidx, row_bufs, gsems, wsems):
        wid = lax.axis_index("s") * info.num_cores + lax.axis_index("c")
        bidx = phase * batches + wid // w_per_b
        p_base = (wid % w_per_b) * pts_per_w
        wrow0 = wid * rows_per_w
        table = x_hbm.at[bidx]

        pltpu.sync_copy(idx_hbm.at[bidx, pl.ds(p_base, pts_per_w)], slab)

        def repack(ci, b):
            for p in range(pts_per_ch):
                vec = slab[ci * pts_per_ch + p, :]
                gidx[b][p * k // _BLK, pl.ds((p * k) % _BLK, k)] = vec

        def start_gather(ci, b):
            for j in range(_CH_BLK):
                pltpu.async_copy(
                    table.at[gidx[b].at[j]],
                    row_bufs[b].at[pl.ds(j * _BLK, _BLK)],
                    gsems[b])

        def drain_gather(ci, b):
            for j in range(_CH_BLK):
                pltpu.make_async_copy(
                    table.at[gidx[b].at[j]],
                    row_bufs[b].at[pl.ds(j * _BLK, _BLK)],
                    gsems[b]).wait()

        def write_out(ci, b):
            pltpu.async_copy(
                row_bufs[b], out_hbm.at[pl.ds(wrow0 + ci * ch_rows, ch_rows)],
                wsems[b])

        def drain_write(ci, b):
            pltpu.make_async_copy(
                row_bufs[b], out_hbm.at[pl.ds(wrow0 + ci * ch_rows, ch_rows)],
                wsems[b]).wait()

        for ci in range(_AHEAD):
            repack(ci, ci % _NBUF)
            start_gather(ci, ci % _NBUF)

        def group(g, _):
            for b in range(_NBUF):
                ci = g * _NBUF + b
                drain_gather(ci, b)
                write_out(ci, b)
                nb = (b + _AHEAD) % _NBUF

                @pl.when(ci >= _NBUF - _AHEAD)
                def _():
                    drain_write(ci - (_NBUF - _AHEAD), nb)

                @pl.when(ci + _AHEAD < n_chunks)
                def _():
                    repack(ci + _AHEAD, nb)
                    start_gather(ci + _AHEAD, nb)
            return ()

        lax.fori_loop(0, n_chunks // _NBUF, group, (), unroll=False)

        for ci in range(n_chunks - (_NBUF - _AHEAD), n_chunks):
            drain_write(ci, ci % _NBUF)

    return gather_kernel


@functools.lru_cache(maxsize=None)
def _make_relayout(n_batch: int, n_points: int, kd: int, phase: int):
    bp = 1024
    groups = kd // 128
    n_blk = n_points // bp
    batches = n_batch // _PHASES
    grid = batches * n_blk
    b0 = phase * batches

    out_shape = jax.ShapeDtypeStruct((n_batch, n_points, kd), jnp.float32)
    in_specs = [pl.BlockSpec((bp, groups, 128), lambda i: (i, 0, 0))]
    kwargs = {}
    if phase == 0:
        def body(g_ref, o_ref):
            for q in range(groups):
                o_ref[0, :, q * 128:(q + 1) * 128] = g_ref[:, q, :]
    else:
        def body(g_ref, prev_ref, o_ref):
            del prev_ref
            for q in range(groups):
                o_ref[0, :, q * 128:(q + 1) * 128] = g_ref[:, q, :]
        in_specs.append(pl.BlockSpec(memory_space=pl.ANY))
        kwargs["input_output_aliases"] = {1: 0}

    return pl.pallas_call(
        body,
        grid=(grid,),
        in_specs=in_specs,
        out_specs=pl.BlockSpec((1, bp, kd),
                               lambda i: (b0 + i // n_blk, i % n_blk, 0)),
        out_shape=out_shape,
        **kwargs,
    )


def kernel(x, refer_idx):
    b, n, d = x.shape
    k = refer_idx.shape[2]
    idx = refer_idx.astype(jnp.int32)
    out = None
    for phase in range(_PHASES):
        rows = _make_gather(b, n, d, k, phase)(x, idx)
        rows3 = rows.reshape((b // _PHASES) * n, (k * d) // 128, 128)
        if phase == 0:
            out = _make_relayout(b, n, k * d, phase)(rows3)
        else:
            out = _make_relayout(b, n, k * d, phase)(rows3, out)
    return out

# --- scband reference (transcript-rebuilt; emitter-appended) ---
"""Pipeline reference for scband-lfi-32796370272959 (READ-ONLY COPY).

The authoritative reference and input builder live on the scoring server;
editing this copy changes nothing except your own understanding.
"""

import jax, jax.numpy as jnp
import numpy as np


def setup_inputs(seed: int = 0) -> dict:
    key = jax.random.key(seed)
    k_x, k_idx = jax.random.split(key)
    x = jax.random.normal(k_x, (8, 4096, 64), dtype=jnp.float32)
    refer_idx = jax.random.randint(k_idx, (8, 4096, 16), 0, 4096, dtype=jnp.int64)
    return {"x": x, "refer_idx": refer_idx}


def reference(x, refer_idx):
    # Faithful translation of get_local_feature / LFI.forward
    batch_size, num_points, num_dims = x.shape
    k = refer_idx.shape[2]
    idx_base = jnp.arange(0, batch_size, dtype=refer_idx.dtype).reshape(-1, 1, 1) * num_points
    idx = (refer_idx + idx_base).reshape(-1)
    feature = x.reshape(batch_size * num_points, num_dims)[idx, :]
    feature = feature.reshape(batch_size, num_points, k * num_dims)
    return feature

if __name__ == "__main__":
    import jax
    _d = setup_inputs()
    print(jax.jit(kernel)(*tuple(_d.values())))

</pallas_src>

<mosaic_0001>
#map = affine_map<(d0, d1) -> (0, 0, 0)>
#map1 = affine_map<(d0, d1) -> (0, 0)>
module attributes {stable_mosaic.version = 14 : i64} {
  func.func @gather_kernel(%arg0: i32, %arg1: i32, %arg2: memref<8x4096x64xf32, #tpu.memory_space<hbm>>, %arg3: memref<8x4096x16xi32, #tpu.memory_space<hbm>>, %arg4: memref<262144x64xf32, #tpu.memory_space<hbm>>, %arg5: memref<512x16xi32, #tpu.memory_space<vmem>>, %arg6: memref<2x128xi32, #tpu.memory_space<vmem>>, %arg7: memref<2x128xi32, #tpu.memory_space<vmem>>, %arg8: memref<2x128xi32, #tpu.memory_space<vmem>>, %arg9: memref<2x128xi32, #tpu.memory_space<vmem>>, %arg10: memref<256x64xf32, #tpu.memory_space<vmem>>, %arg11: memref<256x64xf32, #tpu.memory_space<vmem>>, %arg12: memref<256x64xf32, #tpu.memory_space<vmem>>, %arg13: memref<256x64xf32, #tpu.memory_space<vmem>>, %arg14: memref<!tpu.dma_semaphore, #tpu.memory_space<semaphore_mem>>, %arg15: memref<!tpu.dma_semaphore, #tpu.memory_space<semaphore_mem>>, %arg16: memref<!tpu.dma_semaphore, #tpu.memory_space<semaphore_mem>>, %arg17: memref<!tpu.dma_semaphore, #tpu.memory_space<semaphore_mem>>, %arg18: memref<!tpu.dma_semaphore, #tpu.memory_space<semaphore_mem>>, %arg19: memref<!tpu.dma_semaphore, #tpu.memory_space<semaphore_mem>>, %arg20: memref<!tpu.dma_semaphore, #tpu.memory_space<semaphore_mem>>, %arg21: memref<!tpu.dma_semaphore, #tpu.memory_space<semaphore_mem>>) attributes {dimension_semantics = [#tpu.dimension_semantics<core_parallel>, #tpu.dimension_semantics<subcore_parallel>], iteration_bounds = array<i64: 2, 16>, scalar_prefetch = 0 : i64, scratch_operands = 17 : i64, tpu.core_type = #tpu.core_type<sc_vector_subcore>, window_params = [{transform_indices = #map}, {transform_indices = #map}, {transform_indices = #map1}]} {
    %mul3A = arith.constant 2 : i32
    %mul3A_0 = arith.muli %arg1, %mul3A : i32
    %add3A = arith.addi %mul3A_0, %arg0 : i32
    %jit3A = arith.constant 8 : i32
    %div3A = arith.divsi %add3A, %jit3A : i32
    %sign3A = arith.constant 0 : i32
    %sign3A_1 = arith.cmpi sgt, %add3A, %sign3A : i32
    %sign3A_2 = arith.extui %sign3A_1 : i1 to i32
    %sign3A_3 = arith.constant 0 : i32
    %sign3A_4 = arith.cmpi slt, %add3A, %sign3A_3 : i32
    %sign3A_5 = arith.extui %sign3A_4 : i1 to i32
    %sign3A_6 = arith.subi %sign3A_2, %sign3A_5 : i32
    %sign3A_7 = arith.constant 0 : i32
    %sign3A_8 = arith.cmpi sgt, %jit3A, %sign3A_7 : i32
    %sign3A_9 = arith.extui %sign3A_8 : i1 to i32
    %sign3A_10 = arith.constant 0 : i32
    %sign3A_11 = arith.cmpi slt, %jit3A, %sign3A_10 : i32
    %sign3A_12 = arith.extui %sign3A_11 : i1 to i32
    %sign3A_13 = arith.subi %sign3A_9, %sign3A_12 : i32
    %ne3A = arith.cmpi ne, %sign3A_6, %sign3A_13 : i32
    %rem3A = arith.remsi %add3A, %jit3A : i32
    %ne3A_14 = arith.constant 0 : i32
    %ne3A_15 = arith.cmpi ne, %rem3A, %ne3A_14 : i32
    %and3A = arith.andi %ne3A, %ne3A_15 : i1
    %sub3A = arith.constant 1 : i32
    %sub3A_16 = arith.subi %div3A, %sub3A : i32
    %select_n3A = arith.select %and3A, %sub3A_16, %div3A : i32
    %add3A_17 = arith.constant 0 : i32
    %add3A_18 = arith.addi %add3A_17, %select_n3A : i32
    %jit3A_19 = arith.constant 8 : i32
    %eq3A = arith.constant 0 : i32
    %eq3A_20 = arith.cmpi eq, %jit3A_19, %eq3A : i32
    %jit3A_21 = arith.constant 1 : i32
    %select_n3A_22 = arith.select %eq3A_20, %jit3A_21, %jit3A_19 : i32
    %rem3A_23 = arith.remsi %add3A, %select_n3A_22 : i32
    %ne3A_24 = arith.constant 0 : i32
    %ne3A_25 = arith.cmpi ne, %rem3A_23, %ne3A_24 : i32
    %lt3A = arith.constant 0 : i32
    %lt3A_26 = arith.cmpi slt, %rem3A_23, %lt3A : i32
    %lt3A_27 = arith.constant 0 : i32
    %lt3A_28 = arith.cmpi slt, %select_n3A_22, %lt3A_27 : i32
    %ne3A_29 = arith.xori %lt3A_26, %lt3A_28 : i1
    %and3A_30 = arith.andi %ne3A_29, %ne3A_25 : i1
    %add3A_31 = arith.addi %rem3A_23, %select_n3A_22 : i32
    %select_n3A_32 = arith.select %and3A_30, %add3A_31, %rem3A_23 : i32
    %mul3A_33 = arith.constant 512 : i32
    %mul3A_34 = arith.muli %select_n3A_32, %mul3A_33 : i32
    %mul3A_35 = arith.constant 8192 : i32
    %mul3A_36 = arith.muli %add3A, %mul3A_35 : i32
    "tpu.region"() ({
      %run_scoped3A = tpu.sem_alloc : memref<!tpu.dma_semaphore, #tpu.memory_space<semaphore_mem>>
      %dma_start3A_457 = arith.constant 0 : i32
      %dma_start3A_458 = tpu.memref_slice %arg3[%add3A_18, %mul3A_34, %dma_start3A_457] : memref<8x4096x16xi32, #tpu.memory_space<hbm>> -> memref<1x512x16xi32, #tpu.memory_space<hbm>>
      %dma_start3A_459 = tpu.memref_squeeze %dma_start3A_458 : memref<1x512x16xi32, #tpu.memory_space<hbm>> -> memref<512x16xi32, #tpu.memory_space<hbm>>
      %dma_start3A_460 = arith.constant 0 : i32
      %dma_start3A_461 = tpu.memref_slice %arg3[%add3A_18, %mul3A_34, %dma_start3A_460] : memref<8x4096x16xi32, #tpu.memory_space<hbm>> -> memref<1x512x16xi32, #tpu.memory_space<hbm>>
      %dma_start3A_462 = tpu.memref_squeeze %dma_start3A_461 : memref<1x512x16xi32, #tpu.memory_space<hbm>> -> memref<512x16xi32, #tpu.memory_space<hbm>>
      tpu.enqueue_dma source(%dma_start3A_462 : memref<512x16xi32, #tpu.memory_space<hbm>>) target(%arg5 : memref<512x16xi32, #tpu.memory_space<vmem>>) target_semaphore(%run_scoped3A : memref<!tpu.dma_semaphore, #tpu.memory_space<semaphore_mem>>)
      %dma_wait3A_463 = arith.constant 0 : i32
      %dma_wait3A_464 = tpu.memref_slice %arg3[%add3A_18, %mul3A_34, %dma_wait3A_463] : memref<8x4096x16xi32, #tpu.memory_space<hbm>> -> memref<1x512x16xi32, #tpu.memory_space<hbm>>
      %dma_wait3A_465 = tpu.memref_squeeze %dma_wait3A_464 : memref<1x512x16xi32, #tpu.memory_space<hbm>> -> memref<512x16xi32, #tpu.memory_space<hbm>>
      %dma_wait3A_466 = arith.constant 0 : i32
      %dma_wait3A_467 = tpu.memref_slice %arg3[%add3A_18, %mul3A_34, %dma_wait3A_466] : memref<8x4096x16xi32, #tpu.memory_space<hbm>> -> memref<1x512x16xi32, #tpu.memory_space<hbm>>
      %dma_wait3A_468 = tpu.memref_squeeze %dma_wait3A_467 : memref<1x512x16xi32, #tpu.memory_space<hbm>> -> memref<512x16xi32, #tpu.memory_space<hbm>>
      tpu.wait_dma2 semaphore(%run_scoped3A : memref<!tpu.dma_semaphore, #tpu.memory_space<semaphore_mem>>) src(%dma_wait3A_468 : memref<512x16xi32, #tpu.memory_space<hbm>>) dst(%arg5 : memref<512x16xi32, #tpu.memory_space<vmem>>)
      tpu.yield
    }) : () -> ()
    %get3A = arith.constant 0 : i32
    %get3A_37 = arith.index_cast %get3A : i32 to index
    %get3A_38 = arith.constant 0 : index
    %get3A_39 = tpu.vector_load %arg5[%get3A_37, %get3A_38] {strides = array<i32>} : memref<512x16xi32, #tpu.memory_space<vmem>>, vector<1x16xi32>,
    %get3A_40 = vector.shape_cast %get3A_39 : vector<1x16xi32> to vector<16xi32>
    %swap3A = arith.constant 0 : i32
    %swap3A_41 = arith.index_cast %swap3A : i32 to index
    %swap3A_42 = arith.constant 0 : index
    %swap3A_43 = tpu.vector_load %arg6[%swap3A_41, %swap3A_42] {strides = array<i32>} : memref<2x128xi32, #tpu.memory_space<vmem>>, vector<1x16xi32>,
    %swap3A_44 = vector.shape_cast %swap3A_43 : vector<1x16xi32> to vector<16xi32>
    %swap3A_45 = vector.shape_cast %get3A_40 : vector<16xi32> to vector<1x16xi32>
    tpu.vector_store %arg6[%swap3A_41, %swap3A_42], %swap3A_45 {strides = array<i32>} : memref<2x128xi32, #tpu.memory_space<vmem>>, vector<1x16xi32>,
    %get3A_46 = arith.constant 1 : i32
    %get3A_47 = arith.index_cast %get3A_46 : i32 to index
    %get3A_48 = arith.constant 0 : index
    %get3A_49 = tpu.vector_load %arg5[%get3A_47, %get3A_48] {strides = array<i32>} : memref<512x16xi32, #tpu.memory_space<vmem>>, vector<1x16xi32>,
    %get3A_50 = vector.shape_cast %get3A_49 : vector<1x16xi32> to vector<16xi32>
    %swap3A_51 = arith.constant 0 : i32
    %swap3A_52 = arith.index_cast %swap3A_51 : i32 to index
    %swap3A_53 = arith.constant 16 : index
    %swap3A_54 = tpu.vector_load %arg6[%swap3A_52, %swap3A_53] {strides = array<i32>} : memref<2x128xi32, #tpu.memory_space<vmem>>, vector<1x16xi32>,
    %swap3A_55 = vector.shape_cast %swap3A_54 : vector<1x16xi32> to vector<16xi32>
    %swap3A_56 = vector.shape_cast %get3A_50 : vector<16xi32> to vector<1x16xi32>
    tpu.vector_store %arg6[%swap3A_52, %swap3A_53], %swap3A_56 {strides = array<i32>} : memref<2x128xi32, #tpu.memory_space<vmem>>, vector<1x16xi32>,
    %get3A_57 = arith.constant 2 : i32
    %get3A_58 = arith.index_cast %get3A_57 : i32 to index
    %get3A_59 = arith.constant 0 : index
    %get3A_60 = tpu.vector_load %arg5[%get3A_58, %get3A_59] {strides = array<i32>} : memref<512x16xi32, #tpu.memory_space<vmem>>, vector<1x16xi32>,
    %get3A_61 = vector.shape_cast %get3A_60 : vector<1x16xi32> to vector<16xi32>
    %swap3A_62 = arith.constant 0 : i32
    %swap3A_63 = arith.index_cast %swap3A_62 : i32 to index
    %swap3A_64 = arith.constant 32 : index
    %swap3A_65 = tpu.vector_load %arg6[%swap3A_63, %swap3A_64] {strides = array<i32>} : memref<2x128xi32, #tpu.memory_space<vmem>>, vector<1x16xi32>,
    %swap3A_66 = vector.shape_cast %swap3A_65 : vector<1x16xi32> to vector<16xi32>
    %swap3A_67 = vector.shape_cast %get3A_61 : vector<16xi32> to vector<1x16xi32>
    tpu.vector_store %arg6[%swap3A_63, %swap3A_64], %swap3A_67 {strides = array<i32>} : memref<2x128xi32, #tpu.memory_space<vmem>>, vector<1x16xi32>,
    %get3A_68 = arith.constant 3 : i32
    %get3A_69 = arith.index_cast %get3A_68 : i32 to index
    %get3A_70 = arith.constant 0 : index
    %get3A_71 = tpu.vector_load %arg5[%get3A_69, %get3A_70] {strides = array<i32>} : memref<512x16xi32, #tpu.memory_space<vmem>>, vector<1x16xi32>,
    %get3A_72 = vector.shape_cast %get3A_71 : vector<1x16xi32> to vector<16xi32>
    %swap3A_73 = arith.constant 0 : i32
    %swap3A_74 = arith.index_cast %swap3A_73 : i32 to index
    %swap3A_75 = arith.constant 48 : index
    %swap3A_76 = tpu.vector_load %arg6[%swap3A_74, %swap3A_75] {strides = array<i32>} : memref<2x128xi32, #tpu.memory_space<vmem>>, vector<1x16xi32>,
    %swap3A_77 = vector.shape_cast %swap3A_76 : vector<1x16xi32> to vector<16xi32>
    %swap3A_78 = vector.shape_cast %get3A_72 : vector<16xi32> to vector<1x16xi32>
    tpu.vector_store %arg6[%swap3A_74, %swap3A_75], %swap3A_78 {strides = array<i32>} : memref<2x128xi32, #tpu.memory_space<vmem>>, vector<1x16xi32>,
    %get3A_79 = arith.constant 4 : i32
    %get3A_80 = arith.index_cast %get3A_79 : i32 to index
    %get3A_81 = arith.constant 0 : index
    %get3A_82 = tpu.vector_load %arg5[%get3A_80, %get3A_81] {strides = array<i32>} : memref<512x16xi32, #tpu.memory_space<vmem>>, vector<1x16xi32>,
    %get3A_83 = vector.shape_cast %get3A_82 : vector<1x16xi32> to vector<16xi32>
    %swap3A_84 = arith.constant 0 : i32
    %swap3A_85 = arith.index_cast %swap3A_84 : i32 to index
    %swap3A_86 = arith.constant 64 : index
    %swap3A_87 = tpu.vector_load %arg6[%swap3A_85, %swap3A_86] {strides = array<i32>} : memref<2x128xi32, #tpu.memory_space<vmem>>, vector<1x16xi32>,
    %swap3A_88 = vector.shape_cast %swap3A_87 : vector<1x16xi32> to vector<16xi32>
    %swap3A_89 = vector.shape_cast %get3A_83 : vector<16xi32> to vector<1x16xi32>
    tpu.vector_store %arg6[%swap3A_85, %swap3A_86], %swap3A_89 {strides = array<i32>} : memref<2x128xi32, #tpu.memory_space<vmem>>, vector<1x16xi32>,
    %get3A_90 = arith.constant 5 : i32
    %get3A_91 = arith.index_cast %get3A_90 : i32 to index
    %get3A_92 = arith.constant 0 : index
    %get3A_93 = tpu.vector_load %arg5[%get3A_91, %get3A_92] {strides = array<i32>} : memref<512x16xi32, #tpu.memory_space<vmem>>, vector<1x16xi32>,
    %get3A_94 = vector.shape_cast %get3A_93 : vector<1x16xi32> to vector<16xi32>
    %swap3A_95 = arith.constant 0 : i32
    %swap3A_96 = arith.index_cast %swap3A_95 : i32 to index
    %swap3A_97 = arith.constant 80 : index
    %swap3A_98 = tpu.vector_load %arg6[%swap3A_96, %swap3A_97] {strides = array<i32>} : memref<2x128xi32, #tpu.memory_space<vmem>>, vector<1x16xi32>,
    %swap3A_99 = vector.shape_cast %swap3A_98 : vector<1x16xi32> to vector<16xi32>
    %swap3A_100 = vector.shape_cast %get3A_94 : vector<16xi32> to vector<1x16xi32>
    tpu.vector_store %arg6[%swap3A_96, %swap3A_97], %swap3A_100 {strides = array<i32>} : memref<2x128xi32, #tpu.memory_space<vmem>>, vector<1x16xi32>,
    %get3A_101 = arith.constant 6 : i32
    %get3A_102 = arith.index_cast %get3A_101 : i32 to index
    %get3A_103 = arith.constant 0 : index
    %get3A_104 = tpu.vector_load %arg5[%get3A_102, %get3A_103] {strides = array<i32>} : memref<512x16xi32, #tpu.memory_space<vmem>>, vector<1x16xi32>,
    %get3A_105 = vector.shape_cast %get3A_104 : vector<1x16xi32> to vector<16xi32>
    %swap3A_106 = arith.constant 0 : i32
    %swap3A_107 = arith.index_cast %swap3A_106 : i32 to index
    %swap3A_108 = arith.constant 96 : index
    %swap3A_109 = tpu.vector_load %arg6[%swap3A_107, %swap3A_108] {strides = array<i32>} : memref<2x128xi32, #tpu.memory_space<vmem>>, vector<1x16xi32>,
    %swap3A_110 = vector.shape_cast %swap3A_109 : vector<1x16xi32> to vector<16xi32>
    %swap3A_111 = vector.shape_cast %get3A_105 : vector<16xi32> to vector<1x16xi32>
    tpu.vector_store %arg6[%swap3A_107, %swap3A_108], %swap3A_111 {strides = array<i32>} : memref<2x128xi32, #tpu.memory_space<vmem>>, vector<1x16xi32>,
    %get3A_112 = arith.constant 7 : i32
    %get3A_113 = arith.index_cast %get3A_112 : i32 to index
    %get3A_114 = arith.constant 0 : index
    %get3A_115 = tpu.vector_load %arg5[%get3A_113, %get3A_114] {strides = array<i32>} : memref<512x16xi32, #tpu.memory_space<vmem>>, vector<1x16xi32>,
    %get3A_116 = vector.shape_cast %get3A_115 : vector<1x16xi32> to vector<16xi32>
    %swap3A_117 = arith.constant 0 : i32
    %swap3A_118 = arith.index_cast %swap3A_117 : i32 to index
    %swap3A_119 = arith.constant 112 : index
    %swap3A_120 = tpu.vector_load %arg6[%swap3A_118, %swap3A_119] {strides = array<i32>} : memref<2x128xi32, #tpu.memory_space<vmem>>, vector<1x16xi32>,
    %swap3A_121 = vector.shape_cast %swap3A_120 : vector<1x16xi32> to vector<16xi32>
    %swap3A_122 = vector.shape_cast %get3A_116 : vector<16xi32> to vector<1x16xi32>
    tpu.vector_store %arg6[%swap3A_118, %swap3A_119], %swap3A_122 {strides = array<i32>} : memref<2x128xi32, #tpu.memory_space<vmem>>, vector<1x16xi32>,
    %get3A_123 = arith.constant 8 : i32
    %get3A_124 = arith.index_cast %get3A_123 : i32 to index
    %get3A_125 = arith.constant 0 : index
    %get3A_126 = tpu.vector_load %arg5[%get3A_124, %get3A_125] {strides = array<i32>} : memref<512x16xi32, #tpu.memory_space<vmem>>, vector<1x16xi32>,
    %get3A_127 = vector.shape_cast %get3A_126 : vector<1x16xi32> to vector<16xi32>
    %swap3A_128 = arith.constant 1 : i32
    %swap3A_129 = arith.index_cast %swap3A_128 : i32 to index
    %swap3A_130 = arith.constant 0 : index
    %swap3A_131 = tpu.vector_load %arg6[%swap3A_129, %swap3A_130] {strides = array<i32>} : memref<2x128xi32, #tpu.memory_space<vmem>>, vector<1x16xi32>,
    %swap3A_132 = vector.shape_cast %swap3A_131 : vector<1x16xi32> to vector<16xi32>
    %swap3A_133 = vector.shape_cast %get3A_127 : vector<16xi32> to vector<1x16xi32>
    tpu.vector_store %arg6[%swap3A_129, %swap3A_130], %swap3A_133 {strides = array<i32>} : memref<2x128xi32, #tpu.memory_space<vmem>>, vector<1x16xi32>,
    %get3A_134 = arith.constant 9 : i32
    %get3A_135 = arith.index_cast %get3A_134 : i32 to index
    %get3A_136 = arith.constant 0 : index
    %get3A_137 = tpu.vector_load %arg5[%get3A_135, %get3A_136] {strides = array<i32>} : memref<512x16xi32, #tpu.memory_space<vmem>>, vector<1x16xi32>,
    %get3A_138 = vector.shape_cast %get3A_137 : vector<1x16xi32> to vector<16xi32>
    %swap3A_139 = arith.constant 1 : i32
    %swap3A_140 = arith.index_cast %swap3A_139 : i32 to index
    %swap3A_141 = arith.constant 16 : index
    %swap3A_142 = tpu.vector_load %arg6[%swap3A_140, %swap3A_141] {strides = array<i32>} : memref<2x128xi32, #tpu.memory_space<vmem>>, vector<1x16xi32>,
    %swap3A_143 = vector.shape_cast %swap3A_142 : vector<1x16xi32> to vector<16xi32>
    %swap3A_144 = vector.shape_cast %get3A_138 : vector<16xi32> to vector<1x16xi32>
    tpu.vector_store %arg6[%swap3A_140, %swap3A_141], %swap3A_144 {strides = array<i32>} : memref<2x128xi32, #tpu.memory_space<vmem>>, vector<1x16xi32>,
    %get3A_145 = arith.constant 10 : i32
    %get3A_146 = arith.index_cast %get3A_145 : i32 to index
    %get3A_147 = arith.constant 0 : index
    %get3A_148 = tpu.vector_load %arg5[%get3A_146, %get3A_147] {strides = array<i32>} : memref<512x16xi32, #tpu.memory_space<vmem>>, vector<1x16xi32>,
    %get3A_149 = vector.shape_cast %get3A_148 : vector<1x16xi32> to vector<16xi32>
    %swap3A_150 = arith.constant 1 : i32
    %swap3A_151 = arith.index_cast %swap3A_150 : i32 to index
    %swap3A_152 = arith.constant 32 : index
    %swap3A_153 = tpu.vector_load %arg6[%swap3A_151, %swap3A_152] {strides = array<i32>} : memref<2x128xi32, #tpu.memory_space<vmem>>, vector<1x16xi32>,
    %swap3A_154 = vector.shape_cast %swap3A_153 : vector<1x16xi32> to vector<16xi32>
    %swap3A_155 = vector.shape_cast %get3A_149 : vector<16xi32> to vector<1x16xi32>
    tpu.vector_store %arg6[%swap3A_151, %swap3A_152], %swap3A_155 {strides = array<i32>} : memref<2x128xi32, #tpu.memory_space<vmem>>, vector<1x16xi32>,
    %get3A_156 = arith.constant 11 : i32
    %get3A_157 = arith.index_cast %get3A_156 : i32 to index
    %get3A_158 = arith.constant 0 : index
    %get3A_159 = tpu.vector_load %arg5[%get3A_157, %get3A_158] {strides = array<i32>} : memref<512x16xi32, #tpu.memory_space<vmem>>, vector<1x16xi32>,
    %get3A_160 = vector.shape_cast %get3A_159 : vector<1x16xi32> to vector<16xi32>
    %swap3A_161 = arith.constant 1 : i32
    %swap3A_162 = arith.index_cast %swap3A_161 : i32 to index
    %swap3A_163 = arith.constant 48 : index
    %swap3A_164 = tpu.vector_load %arg6[%swap3A_162, %swap3A_163] {strides = array<i32>} : memref<2x128xi32, #tpu.memory_space<vmem>>, vector<1x16xi32>,
    %swap3A_165 = vector.shape_cast %swap3A_164 : vector<1x16xi32> to vector<16xi32>
    %swap3A_166 = vector.shape_cast %get3A_160 : vector<16xi32> to vector<1x16xi32>
    tpu.vector_store %arg6[%swap3A_162, %swap3A_163], %swap3A_166 {strides = array<i32>} : memref<2x128xi32, #tpu.memory_space<vmem>>, vector<1x16xi32>,
    %get3A_167 = arith.constant 12 : i32
    %get3A_168 = arith.index_cast %get3A_167 : i32 to index
    %get3A_169 = arith.constant 0 : index
    %get3A_170 = tpu.vector_load %arg5[%get3A_168, %get3A_169] {strides = array<i32>} : memref<512x16xi32, #tpu.memory_space<vmem>>, vector<1x16xi32>,
    %get3A_171 = vector.shape_cast %get3A_170 : vector<1x16xi32> to vector<16xi32>
    %swap3A_172 = arith.constant 1 : i32
    %swap3A_173 = arith.index_cast %swap3A_172 : i32 to index
    %swap3A_174 = arith.constant 64 : index
    %swap3A_175 = tpu.vector_load %arg6[%swap3A_173, %swap3A_174] {strides = array<i32>} : memref<2x128xi32, #tpu.memory_space<vmem>>, vector<1x16xi32>,
    %swap3A_176 = vector.shape_cast %swap3A_175 : vector<1x16xi32> to vector<16xi32>
    %swap3A_177 = vector.shape_cast %get3A_171 : vector<16xi32> to vector<1x16xi32>
    tpu.vector_store %arg6[%swap3A_173, %swap3A_174], %swap3A_177 {strides = array<i32>} : memref<2x128xi32, #tpu.memory_space<vmem>>, vector<1x16xi32>,
    %get3A_178 = arith.constant 13 : i32
    %get3A_179 = arith.index_cast %get3A_178 : i32 to index
    %get3A_180 = arith.constant 0 : index
    %get3A_181 = tpu.vector_load %arg5[%get3A_179, %get3A_180] {strides = array<i32>} : memref<512x16xi32, #tpu.memory_space<vmem>>, vector<1x16xi32>,
    %get3A_182 = vector.shape_cast %get3A_181 : vector<1x16xi32> to vector<16xi32>
    %swap3A_183 = arith.constant 1 : i32
    %swap3A_184 = arith.index_cast %swap3A_183 : i32 to index
    %swap3A_185 = arith.constant 80 : index
    %swap3A_186 = tpu.vector_load %arg6[%swap3A_184, %swap3A_185] {strides = array<i32>} : memref<2x128xi32, #tpu.memory_space<vmem>>, vector<1x16xi32>,
    %swap3A_187 = vector.shape_cast %swap3A_186 : vector<1x16xi32> to vector<16xi32>
    %swap3A_188 = vector.shape_cast %get3A_182 : vector<16xi32> to vector<1x16xi32>
    tpu.vector_store %arg6[%swap3A_184, %swap3A_185], %swap3A_188 {strides = array<i32>} : memref<2x128xi32, #tpu.memory_space<vmem>>, vector<1x16xi32>,
    %get3A_189 = arith.constant 14 : i32
    %get3A_190 = arith.index_cast %get3A_189 : i32 to index
    %get3A_191 = arith.constant 0 : index
    %get3A_192 = tpu.vector_load %arg5[%get3A_190, %get3A_191] {strides = array<i32>} : memref<512x16xi32, #tpu.memory_space<vmem>>, vector<1x16xi32>,
    %get3A_193 = vector.shape_cast %get3A_192 : vector<1x16xi32> to vector<16xi32>
    %swap3A_194 = arith.constant 1 : i32
    %swap3A_195 = arith.index_cast %swap3A_194 : i32 to index
    %swap3A_196 = arith.constant 96 : index
    %swap3A_197 = tpu.vector_load %arg6[%swap3A_195, %swap3A_196] {strides = array<i32>} : memref<2x128xi32, #tpu.memory_space<vmem>>, vector<1x16xi32>,
    %swap3A_198 = vector.shape_cast %swap3A_197 : vector<1x16xi32> to vector<16xi32>
    %swap3A_199 = vector.shape_cast %get3A_193 : vector<16xi32> to vector<1x16xi32>
    tpu.vector_store %arg6[%swap3A_195, %swap3A_196], %swap3A_199 {strides = array<i32>} : memref<2x128xi32, #tpu.memory_space<vmem>>, vector<1x16xi32>,
    %get3A_200 = arith.constant 15 : i32
    %get3A_201 = arith.index_cast %get3A_200 : i32 to index
    %get3A_202 = arith.constant 0 : index
    %get3A_203 = tpu.vector_load %arg5[%get3A_201, %get3A_202] {strides = array<i32>} : memref<512x16xi32, #tpu.memory_space<vmem>>, vector<1x16xi32>,
    %get3A_204 = vector.shape_cast %get3A_203 : vector<1x16xi32> to vector<16xi32>
    %swap3A_205 = arith.constant 1 : i32
    %swap3A_206 = arith.index_cast %swap3A_205 : i32 to index
    %swap3A_207 = arith.constant 112 : index
    %swap3A_208 = tpu.vector_load %arg6[%swap3A_206, %swap3A_207] {strides = array<i32>} : memref<2x128xi32, #tpu.memory_space<vmem>>, vector<1x16xi32>,
    %swap3A_209 = vector.shape_cast %swap3A_208 : vector<1x16xi32> to vector<16xi32>
    %swap3A_210 = vector.shape_cast %get3A_204 : vector<16xi32> to vector<1x16xi32>
    tpu.vector_store %arg6[%swap3A_206, %swap3A_207], %swap3A_210 {strides = array<i32>} : memref<2x128xi32, #tpu.memory_space<vmem>>, vector<1x16xi32>,
    %dma_start3A = arith.constant 0 : i32
    %dma_start3A_211 = arith.constant 0 : i32
    %dma_start3A_212 = arith.constant 0 : i32
    %dma_start3A_213 = tpu.memref_slice %arg10[%dma_start3A_211, %dma_start3A_212] : memref<256x64xf32, #tpu.memory_space<vmem>> -> memref<128x64xf32, #tpu.memory_space<vmem>>
    %dma_start3A_214 = arith.constant 0 : i32
    %dma_start3A_215 = tpu.memref_slice %arg6[%dma_start3A, %dma_start3A_214] : memref<2x128xi32, #tpu.memory_space<vmem>> -> memref<1x128xi32, #tpu.memory_space<vmem>>
    %dma_start3A_216 = tpu.memref_squeeze %dma_start3A_215 : memref<1x128xi32, #tpu.memory_space<vmem>> -> memref<128xi32, #tpu.memory_space<vmem>>
    %dma_start3A_217 = arith.constant 0 : i32
    %dma_start3A_218 = arith.constant 0 : i32
    %dma_start3A_219 = tpu.memref_slice %arg2[%add3A_18, %dma_start3A_217, %dma_start3A_218] : memref<8x4096x64xf32, #tpu.memory_space<hbm>> -> memref<1x4096x64xf32, #tpu.memory_space<hbm>>
    %dma_start3A_220 = tpu.memref_squeeze %dma_start3A_219 : memref<1x4096x64xf32, #tpu.memory_space<hbm>> -> memref<4096x64xf32, #tpu.memory_space<hbm>>
    %dma_start3A_221 = arith.constant 0 : i32
    %dma_start3A_222 = arith.constant 0 : i32
    %dma_start3A_223 = tpu.memref_slice %dma_start3A_220[%dma_start3A_221, %dma_start3A_222] : memref<4096x64xf32, #tpu.memory_space<hbm>> -> memref<4096x64xf32, #tpu.memory_space<hbm>>
    tpu.enqueue_indirect_dma source(%dma_start3A_223 : memref<4096x64xf32, #tpu.memory_space<hbm>>) target(%dma_start3A_213 : memref<128x64xf32, #tpu.memory_space<vmem>>) offsets(%dma_start3A_216 : memref<128xi32, #tpu.memory_space<vmem>>) semaphore(%arg14 : memref<!tpu.dma_semaphore, #tpu.memory_space<semaphore_mem>>)
    %dma_start3A_224 = arith.constant 1 : i32
    %dma_start3A_225 = arith.constant 128 : i32
    %dma_start3A_226 = arith.constant 0 : i32
    %dma_start3A_227 = tpu.memref_slice %arg10[%dma_start3A_225, %dma_start3A_226] : memref<256x64xf32, #tpu.memory_space<vmem>> -> memref<128x64xf32, #tpu.memory_space<vmem>>
    %dma_start3A_228 = arith.constant 0 : i32
    %dma_start3A_229 = tpu.memref_slice %arg6[%dma_start3A_224, %dma_start3A_228] : memref<2x128xi32, #tpu.memory_space<vmem>> -> memref<1x128xi32, #tpu.memory_space<vmem>>
    %dma_start3A_230 = tpu.memref_squeeze %dma_start3A_229 : memref<1x128xi32, #tpu.memory_space<vmem>> -> memref<128xi32, #tpu.memory_space<vmem>>
    %dma_start3A_231 = arith.constant 0 : i32
    %dma_start3A_232 = arith.constant 0 : i32
    %dma_start3A_233 = tpu.memref_slice %arg2[%add3A_18, %dma_start3A_231, %dma_start3A_232] : memref<8x4096x64xf32, #tpu.memory_space<hbm>> -> memref<1x4096x64xf32, #tpu.memory_space<hbm>>
    %dma_start3A_234 = tpu.memref_squeeze %dma_start3A_233 : memref<1x4096x64xf32, #tpu.memory_space<hbm>> -> memref<4096x64xf32, #tpu.memory_space<hbm>>
    %dma_start3A_235 = arith.constant 0 : i32
    %dma_start3A_236 = arith.constant 0 : i32
    %dma_start3A_237 = tpu.memref_slice %dma_start3A_234[%dma_start3A_235, %dma_start3A_236] : memref<4096x64xf32, #tpu.memory_space<hbm>> -> memref<4096x64xf32, #tpu.memory_space<hbm>>
    tpu.enqueue_indirect_dma source(%dma_start3A_237 : memref<4096x64xf32, #tpu.memory_space<hbm>>) target(%dma_start3A_227 : memref<128x64xf32, #tpu.memory_space<vmem>>) offsets(%dma_start3A_230 : memref<128xi32, #tpu.memory_space<vmem>>) semaphore(%arg14 : memref<!tpu.dma_semaphore, #tpu.memory_space<semaphore_mem>>)
    %get3A_238 = arith.constant 16 : i32
    %get3A_239 = arith.index_cast %get3A_238 : i32 to index
    %get3A_240 = arith.constant 0 : index
    %get3A_241 = tpu.vector_load %arg5[%get3A_239, %get3A_240] {strides = array<i32>} : memref<512x16xi32, #tpu.memory_space<vmem>>, vector<1x16xi32>,
    %get3A_242 = vector.shape_cast %get3A_241 : vector<1x16xi32> to vector<16xi32>
    %swap3A_243 = arith.constant 0 : i32
    %swap3A_244 = arith.index_cast %swap3A_243 : i32 to index
    %swap3A_245 = arith.constant 0 : index
    %swap3A_246 = tpu.vector_load %arg7[%swap3A_244, %swap3A_245] {strides = array<i32>} : memref<2x128xi32, #tpu.memory_space<vmem>>, vector<1x16xi32>,
    %swap3A_247 = vector.shape_cast %swap3A_246 : vector<1x16xi32> to vector<16xi32>
    %swap3A_248 = vector.shape_cast %get3A_242 : vector<16xi32> to vector<1x16xi32>
    tpu.vector_store %arg7[%swap3A_244, %swap3A_245], %swap3A_248 {strides = array<i32>} : memref<2x128xi32, #tpu.memory_space<vmem>>, vector<1x16xi32>,
    %get3A_249 = arith.constant 17 : i32
    %get3A_250 = arith.index_cast %get3A_249 : i32 to index
    %get3A_251 = arith.constant 0 : index
    %get3A_252 = tpu.vector_load %arg5[%get3A_250, %get3A_251] {strides = array<i32>} : memref<512x16xi32, #tpu.memory_space<vmem>>, vector<1x16xi32>,
    %get3A_253 = vector.shape_cast %get3A_252 : vector<1x16xi32> to vector<16xi32>
    %swap3A_254 = arith.constant 0 : i32
    %swap3A_255 = arith.index_cast %swap3A_254 : i32 to index
    %swap3A_256 = arith.constant 16 : index
    %swap3A_257 = tpu.vector_load %arg7[%swap3A_255, %swap3A_256] {strides = array<i32>} : memref<2x128xi32, #tpu.memory_space<vmem>>, vector<1x16xi32>,
    %swap3A_258 = vector.shape_cast %swap3A_257 : vector<1x16xi32> to vector<16xi32>
    %swap3A_259 = vector.shape_cast %get3A_253 : vector<16xi32> to vector<1x16xi32>
    tpu.vector_store %arg7[%swap3A_255, %swap3A_256], %swap3A_259 {strides = array<i32>} : memref<2x128xi32, #tpu.memory_space<vmem>>, vector<1x16xi32>,
    %get3A_260 = arith.constant 18 : i32
    %get3A_261 = arith.index_cast %get3A_260 : i32 to index
    %get3A_262 = arith.constant 0 : index
    %get3A_263 = tpu.vector_load %arg5[%get3A_261, %get3A_262] {strides = array<i32>} : memref<512x16xi32, #tpu.memory_space<vmem>>, vector<1x16xi32>,
    %get3A_264 = vector.shape_cast %get3A_263 : vector<1x16xi32> to vector<16xi32>
    %swap3A_265 = arith.constant 0 : i32
    %swap3A_266 = arith.index_cast %swap3A_265 : i32 to index
    %swap3A_267 = arith.constant 32 : index
    %swap3A_268 = tpu.vector_load %arg7[%swap3A_266, %swap3A_267] {strides = array<i32>} : memref<2x128xi32, #tpu.memory_space<vmem>>, vector<1x16xi32>,
    %swap3A_269 = vector.shape_cast %swap3A_268 : vector<1x16xi32> to vector<16xi32>
    %swap3A_270 = vector.shape_cast %get3A_264 : vector<16xi32> to vector<1x16xi32>
    tpu.vector_store %arg7[%swap3A_266, %swap3A_267], %swap3A_270 {strides = array<i32>} : memref<2x128xi32, #tpu.memory_space<vmem>>, vector<1x16xi32>,
    %get3A_271 = arith.constant 19 : i32
    %get3A_272 = arith.index_cast %get3A_271 : i32 to index
    %get3A_273 = arith.constant 0 : index
    %get3A_274 = tpu.vector_load %arg5[%get3A_272, %get3A_273] {strides = array<i32>} : memref<512x16xi32, #tpu.memory_space<vmem>>, vector<1x16xi32>,
    %get3A_275 = vector.shape_cast %get3A_274 : vector<1x16xi32> to vector<16xi32>
    %swap3A_276 = arith.constant 0 : i32
    %swap3A_277 = arith.index_cast %swap3A_276 : i32 to index
    %swap3A_278 = arith.constant 48 : index
    %swap3A_279 = tpu.vector_load %arg7[%swap3A_277, %swap3A_278] {strides = array<i32>} : memref<2x128xi32, #tpu.memory_space<vmem>>, vector<1x16xi32>,
    %swap3A_280 = vector.shape_cast %swap3A_279 : vector<1x16xi32> to vector<16xi32>
    %swap3A_281 = vector.shape_cast %get3A_275 : vector<16xi32> to vector<1x16xi32>
    tpu.vector_store %arg7[%swap3A_277, %swap3A_278], %swap3A_281 {strides = array<i32>} : memref<2x128xi32, #tpu.memory_space<vmem>>, vector<1x16xi32>,
    %get3A_282 = arith.constant 20 : i32
    %get3A_283 = arith.index_cast %get3A_282 : i32 to index
    %get3A_284 = arith.constant 0 : index
    %get3A_285 = tpu.vector_load %arg5[%get3A_283, %get3A_284] {strides = array<i32>} : memref<512x16xi32, #tpu.memory_space<vmem>>, vector<1x16xi32>,
    %get3A_286 = vector.shape_cast %get3A_285 : vector<1x16xi32> to vector<16xi32>
    %swap3A_287 = arith.constant 0 : i32
    %swap3A_288 = arith.index_cast %swap3A_287 : i32 to index
    %swap3A_289 = arith.constant 64 : index
    %swap3A_290 = tpu.vector_load %arg7[%swap3A_288, %swap3A_289] {strides = array<i32>} : memref<2x128xi32, #tpu.memory_space<vmem>>, vector<1x16xi32>,
    %swap3A_291 = vector.shape_cast %swap3A_290 : vector<1x16xi32> to vector<16xi32>
    %swap3A_292 = vector.shape_cast %get3A_286 : vector<16xi32> to vector<1x16xi32>
    tpu.vector_store %arg7[%swap3A_288, %swap3A_289], %swap3A_292 {strides = array<i32>} : memref<2x128xi32, #tpu.memory_space<vmem>>, vector<1x16xi32>,
    %get3A_293 = arith.constant 21 : i32
    %get3A_294 = arith.index_cast %get3A_293 : i32 to index
    %get3A_295 = arith.constant 0 : index
    %get3A_296 = tpu.vector_load %arg5[%get3A_294, %get3A_295] {strides = array<i32>} : memref<512x16xi32, #tpu.memory_space<vmem>>, vector<1x16xi32>,
    %get3A_297 = vector.shape_cast %get3A_296 : vector<1x16xi32> to vector<16xi32>
    %swap3A_298 = arith.constant 0 : i32
    %swap3A_299 = arith.index_cast %swap3A_298 : i32 to index
    %swap3A_300 = arith.constant 80 : index
    %swap3A_301 = tpu.vector_load %arg7[%swap3A_299, %swap3A_300] {strides = array<i32>} : memref<2x128xi32, #tpu.memory_space<vmem>>, vector<1x16xi32>,
    %swap3A_302 = vector.shape_cast %swap3A_301 : vector<1x16xi32> to vector<16xi32>
    %swap3A_303 = vector.shape_cast %get3A_297 : vector<16xi32> to vector<1x16xi32>
    tpu.vector_store %arg7[%swap3A_299, %swap3A_300], %swap3A_303 {strides = array<i32>} : memref<2x128xi32, #tpu.memory_space<vmem>>, vector<1x16xi32>,
    %get3A_304 = arith.constant 22 : i32
    %get3A_305 = arith.index_cast %get3A_304 : i32 to index
    %get3A_306 = arith.constant 0 : index
    %get3A_307 = tpu.vector_load %arg5[%get3A_305, %get3A_306] {strides = array<i32>} : memref<512x16xi32, #tpu.memory_space<vmem>>, vector<1x16xi32>,
    %get3A_308 = vector.shape_cast %get3A_307 : vector<1x16xi32> to vector<16xi32>
    %swap3A_309 = arith.constant 0 : i32
    %swap3A_310 = arith.index_cast %swap3A_309 : i32 to index
    %swap3A_311 = arith.constant 96 : index
    %swap3A_312 = tpu.vector_load %arg7[%swap3A_310, %swap3A_311] {strides = array<i32>} : memref<2x128xi32, #tpu.memory_space<vmem>>, vector<1x16xi32>,
    %swap3A_313 = vector.shape_cast %swap3A_312 : vector<1x16xi32> to vector<16xi32>
    %swap3A_314 = vector.shape_cast %get3A_308 : vector<16xi32> to vector<1x16xi32>
    tpu.vector_store %arg7[%swap3A_310, %swap3A_311], %swap3A_314 {strides = array<i32>} : memref<2x128xi32, #tpu.memory_space<vmem>>, vector<1x16xi32>,
    %get3A_315 = arith.constant 23 : i32
    %get3A_316 = arith.index_cast %get3A_315 : i32 to index
    %get3A_317 = arith.constant 0 : index
    %get3A_318 = tpu.vector_load %arg5[%get3A_316, %get3A_317] {strides = array<i32>} : memref<512x16xi32, #tpu.memory_space<vmem>>, vector<1x16xi32>,
    %get3A_319 = vector.shape_cast %get3A_318 : vector<1x16xi32> to vector<16xi32>
    %swap3A_320 = arith.constant 0 : i32
    %swap3A_321 = arith.index_cast %swap3A_320 : i32 to index
    %swap3A_322 = arith.constant 112 : index
    %swap3A_323 = tpu.vector_load %arg7[%swap3A_321, %swap3A_322] {strides = array<i32>} : memref<2x128xi32, #tpu.memory_space<vmem>>, vector<1x16xi32>,
    %swap3A_324 = vector.shape_cast %swap3A_323 : vector<1x16xi32> to vector<16xi32>
    %swap3A_325 = vector.shape_cast %get3A_319 : vector<16xi32> to vector<1x16xi32>
    tpu.vector_store %arg7[%swap3A_321, %swap3A_322], %swap3A_325 {strides = array<i32>} : memref<2x128xi32, #tpu.memory_space<vmem>>, vector<1x16xi32>,
    %get3A_326 = arith.constant 24 : i32
    %get3A_327 = arith.index_cast %get3A_326 : i32 to index
    %get3A_328 = arith.constant 0 : index
    %get3A_329 = tpu.vector_load %arg5[%get3A_327, %get3A_328] {strides = array<i32>} : memref<512x16xi32, #tpu.memory_space<vmem>>, vector<1x16xi32>,
    %get3A_330 = vector.shape_cast %get3A_329 : vector<1x16xi32> to vector<16xi32>
    %swap3A_331 = arith.constant 1 : i32
    %swap3A_332 = arith.index_cast %swap3A_331 : i32 to index
    %swap3A_333 = arith.constant 0 : index
    %swap3A_334 = tpu.vector_load %arg7[%swap3A_332, %swap3A_333] {strides = array<i32>} : memref<2x128xi32, #tpu.memory_space<vmem>>, vector<1x16xi32>,
    %swap3A_335 = vector.shape_cast %swap3A_334 : vector<1x16xi32> to vector<16xi32>
    %swap3A_336 = vector.shape_cast %get3A_330 : vector<16xi32> to vector<1x16xi32>
    tpu.vector_store %arg7[%swap3A_332, %swap3A_333], %swap3A_336 {strides = array<i32>} : memref<2x128xi32, #tpu.memory_space<vmem>>, vector<1x16xi32>,
    %get3A_337 = arith.constant 25 : i32
    %get3A_338 = arith.index_cast %get3A_337 : i32 to index
    %get3A_339 = arith.constant 0 : index
    %get3A_340 = tpu.vector_load %arg5[%get3A_338, %get3A_339] {strides = array<i32>} : memref<512x16xi32, #tpu.memory_space<vmem>>, vector<1x16xi32>,
    %get3A_341 = vector.shape_cast %get3A_340 : vector<1x16xi32> to vector<16xi32>
    %swap3A_342 = arith.constant 1 : i32
    %swap3A_343 = arith.index_cast %swap3A_342 : i32 to index
    %swap3A_344 = arith.constant 16 : index
    %swap3A_345 = tpu.vector_load %arg7[%swap3A_343, %swap3A_344] {strides = array<i32>} : memref<2x128xi32, #tpu.memory_space<vmem>>, vector<1x16xi32>,
    %swap3A_346 = vector.shape_cast %swap3A_345 : vector<1x16xi32> to vector<16xi32>
    %swap3A_347 = vector.shape_cast %get3A_341 : vector<16xi32> to vector<1x16xi32>
    tpu.vector_store %arg7[%swap3A_343, %swap3A_344], %swap3A_347 {strides = array<i32>} : memref<2x128xi32, #tpu.memory_space<vmem>>, vector<1x16xi32>,
    %get3A_348 = arith.constant 26 : i32
    %get3A_349 = arith.index_cast %get3A_348 : i32 to index
    %get3A_350 = arith.constant 0 : index
    %get3A_351 = tpu.vector_load %arg5[%get3A_349, %get3A_350] {strides = array<i32>} : memref<512x16xi32, #tpu.memory_space<vmem>>, vector<1x16xi32>,
    %get3A_352 = vector.shape_cast %get3A_351 : vector<1x16xi32> to vector<16xi32>
    %swap3A_353 = arith.constant 1 : i32
    %swap3A_354 = arith.index_cast %swap3A_353 : i32 to index
    %swap3A_355 = arith.constant 32 : index
    %swap3A_356 = tpu.vector_load %arg7[%swap3A_354, %swap3A_355] {strides = array<i32>} : memref<2x128xi32, #tpu.memory_space<vmem>>, vector<1x16xi32>,
    %swap3A_357 = vector.shape_cast %swap3A_356 : vector<1x16xi32> to vector<16xi32>
    %swap3A_358 = vector.shape_cast %get3A_352 : vector<16xi32> to vector<1x16xi32>
    tpu.vector_store %arg7[%swap3A_354, %swap3A_355], %swap3A_358 {strides = array<i32>} : memref<2x128xi32, #tpu.memory_space<vmem>>, vector<1x16xi32>,
    %get3A_359 = arith.constant 27 : i32
    %get3A_360 = arith.index_cast %get3A_359 : i32 to index
    %get3A_361 = arith.constant 0 : index
    %get3A_362 = tpu.vector_load %arg5[%get3A_360, %get3A_361] {strides = array<i32>} : memref<512x16xi32, #tpu.memory_space<vmem>>, vector<1x16xi32>,
    %get3A_363 = vector.shape_cast %get3A_362 : vector<1x16xi32> to vector<16xi32>
    %swap3A_364 = arith.constant 1 : i32
    %swap3A_365 = arith.index_cast %swap3A_364 : i32 to index
    %swap3A_366 = arith.constant 48 : index
    %swap3A_367 = tpu.vector_load %arg7[%swap3A_365, %swap3A_366] {strides = array<i32>} : memref<2x128xi32, #tpu.memory_space<vmem>>, vector<1x16xi32>,
    %swap3A_368 = vector.shape_cast %swap3A_367 : vector<1x16xi32> to vector<16xi32>
    %swap3A_369 = vector.shape_cast %get3A_363 : vector<16xi32> to vector<1x16xi32>
    tpu.vector_store %arg7[%swap3A_365, %swap3A_366], %swap3A_369 {strides = array<i32>} : memref<2x128xi32, #tpu.memory_space<vmem>>, vector<1x16xi32>,
    %get3A_370 = arith.constant 28 : i32
    %get3A_371 = arith.index_cast %get3A_370 : i32 to index
    %get3A_372 = arith.constant 0 : index
    %get3A_373 = tpu.vector_load %arg5[%get3A_371, %get3A_372] {strides = array<i32>} : memref<512x16xi32, #tpu.memory_space<vmem>>, vector<1x16xi32>,
    %get3A_374 = vector.shape_cast %get3A_373 : vector<1x16xi32> to vector<16xi32>
    %swap3A_375 = arith.constant 1 : i32
    %swap3A_376 = arith.index_cast %swap3A_375 : i32 to index
    %swap3A_377 = arith.constant 64 : index
    %swap3A_378 = tpu.vector_load %arg7[%swap3A_376, %swap3A_377] {strides = array<i32>} : memref<2x128xi32, #tpu.memory_space<vmem>>, vector<1x16xi32>,
    %swap3A_379 = vector.shape_cast %swap3A_378 : vector<1x16xi32> to vector<16xi32>
    %swap3A_380 = vector.shape_cast %get3A_374 : vector<16xi32> to vector<1x16xi32>
    tpu.vector_store %arg7[%swap3A_376, %swap3A_377], %swap3A_380 {strides = array<i32>} : memref<2x128xi32, #tpu.memory_space<vmem>>, vector<1x16xi32>,
    %get3A_381 = arith.constant 29 : i32
    %get3A_382 = arith.index_cast %get3A_381 : i32 to index
    %get3A_383 = arith.constant 0 : index
    %get3A_384 = tpu.vector_load %arg5[%get3A_382, %get3A_383] {strides = array<i32>} : memref<512x16xi32, #tpu.memory_space<vmem>>, vector<1x16xi32>,
    %get3A_385 = vector.shape_cast %get3A_384 : vector<1x16xi32> to vector<16xi32>
    %swap3A_386 = arith.constant 1 : i32
    %swap3A_387 = arith.index_cast %swap3A_386 : i32 to index
    %swap3A_388 = arith.constant 80 : index
    %swap3A_389 = tpu.vector_load %arg7[%swap3A_387, %swap3A_388] {strides = array<i32>} : memref<2x128xi32, #tpu.memory_space<vmem>>, vector<1x16xi32>,
    %swap3A_390 = vector.shape_cast %swap3A_389 : vector<1x16xi32> to vector<16xi32>
    %swap3A_391 = vector.shape_cast %get3A_385 : vector<16xi32> to vector<1x16xi32>
    tpu.vector_store %arg7[%swap3A_387, %swap3A_388], %swap3A_391 {strides = array<i32>} : memref<2x128xi32, #tpu.memory_space<vmem>>, vector<1x16xi32>,
    %get3A_392 = arith.constant 30 : i32
    %get3A_393 = arith.index_cast %get3A_392 : i32 to index
    %get3A_394 = arith.constant 0 : index
    %get3A_395 = tpu.vector_load %arg5[%get3A_393, %get3A_394] {strides = array<i32>} : memref<512x16xi32, #tpu.memory_space<vmem>>, vector<1x16xi32>,
    %get3A_396 = vector.shape_cast %get3A_395 : vector<1x16xi32> to vector<16xi32>
    %swap3A_397 = arith.constant 1 : i32
    %swap3A_398 = arith.index_cast %swap3A_397 : i32 to index
    %swap3A_399 = arith.constant 96 : index
    %swap3A_400 = tpu.vector_load %arg7[%swap3A_398, %swap3A_399] {strides = array<i32>} : memref<2x128xi32, #tpu.memory_space<vmem>>, vector<1x16xi32>,
    %swap3A_401 = vector.shape_cast %swap3A_400 : vector<1x16xi32> to vector<16xi32>
    %swap3A_402 = vector.shape_cast %get3A_396 : vector<16xi32> to vector<1x16xi32>
    tpu.vector_store %arg7[%swap3A_398, %swap3A_399], %swap3A_402 {strides = array<i32>} : memref<2x128xi32, #tpu.memory_space<vmem>>, vector<1x16xi32>,
    %get3A_403 = arith.constant 31 : i32
    %get3A_404 = arith.index_cast %get3A_403 : i32 to index
    %get3A_405 = arith.constant 0 : index
    %get3A_406 = tpu.vector_load %arg5[%get3A_404, %get3A_405] {strides = array<i32>} : memref<512x16xi32, #tpu.memory_space<vmem>>, vector<1x16xi32>,
    %get3A_407 = vector.shape_cast %get3A_406 : vector<1x16xi32> to vector<16xi32>
    %swap3A_408 = arith.constant 1 : i32
    %swap3A_409 = arith.index_cast %swap3A_408 : i32 to index
    %swap3A_410 = arith.constant 112 : index
    %swap3A_411 = tpu.vector_load %arg7[%swap3A_409, %swap3A_410] {strides = array<i32>} : memref<2x128xi32, #tpu.memory_space<vmem>>, vector<1x16xi32>,
    %swap3A_412 = vector.shape_cast %swap3A_411 : vector<1x16xi32> to vector<16xi32>
    %swap3A_413 = vector.shape_cast %get3A_407 : vector<16xi32> to vector<1x16xi32>
    tpu.vector_store %arg7[%swap3A_409, %swap3A_410], %swap3A_413 {strides = array<i32>} : memref<2x128xi32, #tpu.memory_space<vmem>>, vector<1x16xi32>,
    %dma_start3A_414 = arith.constant 0 : i32
    %dma_start3A_415 = arith.constant 0 : i32
    %dma_start3A_416 = arith.constant 0 : i32
    %dma_start3A_417 = tpu.memref_slice %arg11[%dma_start3A_415, %dma_start3A_416] : memref<256x64xf32, #tpu.memory_space<vmem>> -> memref<128x64xf32, #tpu.memory_space<vmem>>
    %dma_start3A_418 = arith.constant 0 : i32
    %dma_start3A_419 = tpu.memref_slice %arg7[%dma_start3A_414, %dma_start3A_418] : memref<2x128xi32, #tpu.memory_space<vmem>> -> memref<1x128xi32, #tpu.memory_space<vmem>>
    %dma_start3A_420 = tpu.memref_squeeze %dma_start3A_419 : memref<1x128xi32, #tpu.memory_space<vmem>> -> memref<128xi32, #tpu.memory_space<vmem>>
    %dma_start3A_421 = arith.constant 0 : i32
    %dma_start3A_422 = arith.constant 0 : i32
    %dma_start3A_423 = tpu.memref_slice %arg2[%add3A_18, %dma_start3A_421, %dma_start3A_422] : memref<8x4096x64xf32, #tpu.memory_space<hbm>> -> memref<1x4096x64xf32, #tpu.memory_space<hbm>>
    %dma_start3A_424 = tpu.memref_squeeze %dma_start3A_423 : memref<1x4096x64xf32, #tpu.memory_space<hbm>> -> memref<4096x64xf32, #tpu.memory_space<hbm>>
    %dma_start3A_425 = arith.constant 0 : i32
    %dma_start3A_426 = arith.constant 0 : i32
    %dma_start3A_427 = tpu.memref_slice %dma_start3A_424[%dma_start3A_425, %dma_start3A_426] : memref<4096x64xf32, #tpu.memory_space<hbm>> -> memref<4096x64xf32, #tpu.memory_space<hbm>>
    tpu.enqueue_indirect_dma source(%dma_start3A_427 : memref<4096x64xf32, #tpu.memory_space<hbm>>) target(%dma_start3A_417 : memref<128x64xf32, #tpu.memory_space<vmem>>) offsets(%dma_start3A_420 : memref<128xi32, #tpu.memory_space<vmem>>) semaphore(%arg15 : memref<!tpu.dma_semaphore, #tpu.memory_space<semaphore_mem>>)
    %dma_start3A_428 = arith.constant 1 : i32
    %dma_start3A_429 = arith.constant 128 : i32
    %dma_start3A_430 = arith.constant 0 : i32
    %dma_start3A_431 = tpu.memref_slice %arg11[%dma_start3A_429, %dma_start3A_430] : memref<256x64xf32, #tpu.memory_space<vmem>> -> memref<128x64xf32, #tpu.memory_space<vmem>>
    %dma_start3A_432 = arith.constant 0 : i32
    %dma_start3A_433 = tpu.memref_slice %arg7[%dma_start3A_428, %dma_start3A_432] : memref<2x128xi32, #tpu.memory_space<vmem>> -> memref<1x128xi32, #tpu.memory_space<vmem>>
    %dma_start3A_434 = tpu.memref_squeeze %dma_start3A_433 : memref<1x128xi32, #tpu.memory_space<vmem>> -> memref<128xi32, #tpu.memory_space<vmem>>
    %dma_start3A_435 = arith.constant 0 : i32
    %dma_start3A_436 = arith.constant 0 : i32
    %dma_start3A_437 = tpu.memref_slice %arg2[%add3A_18, %dma_start3A_435, %dma_start3A_436] : memref<8x4096x64xf32, #tpu.memory_space<hbm>> -> memref<1x4096x64xf32, #tpu.memory_space<hbm>>
    %dma_start3A_438 = tpu.memref_squeeze %dma_start3A_437 : memref<1x4096x64xf32, #tpu.memory_space<hbm>> -> memref<4096x64xf32, #tpu.memory_space<hbm>>
    %dma_start3A_439 = arith.constant 0 : i32
    %dma_start3A_440 = arith.constant 0 : i32
    %dma_start3A_441 = tpu.memref_slice %dma_start3A_438[%dma_start3A_439, %dma_start3A_440] : memref<4096x64xf32, #tpu.memory_space<hbm>> -> memref<4096x64xf32, #tpu.memory_space<hbm>>
    tpu.enqueue_indirect_dma source(%dma_start3A_441 : memref<4096x64xf32, #tpu.memory_space<hbm>>) target(%dma_start3A_431 : memref<128x64xf32, #tpu.memory_space<vmem>>) offsets(%dma_start3A_434 : memref<128xi32, #tpu.memory_space<vmem>>) semaphore(%arg15 : memref<!tpu.dma_semaphore, #tpu.memory_space<semaphore_mem>>)
    %scan3A = arith.constant 0 : i32
    %scan3A_442 = arith.constant 8 : i32
    %scan3A_443 = arith.addi %scan3A, %scan3A_442 : i32
    %scan3A_444 = arith.constant 1 : i32
    scf.for %scan3A_457 = %scan3A to %scan3A_443 step %scan3A_444  : i32 {
      %mul3A_458 = arith.constant 4 : i32
      %mul3A_459 = arith.muli %scan3A_457, %mul3A_458 : i32
      %add3A_460 = arith.constant 0 : i32
      %add3A_461 = arith.addi %mul3A_459, %add3A_460 : i32
      %dma_wait3A_462 = arith.constant 0 : i32
      %dma_wait3A_463 = arith.constant 0 : i32
      %dma_wait3A_464 = arith.constant 0 : i32
      %dma_wait3A_465 = tpu.memref_slice %arg10[%dma_wait3A_463, %dma_wait3A_464] : memref<256x64xf32, #tpu.memory_space<vmem>> -> memref<128x64xf32, #tpu.memory_space<vmem>>
      %dma_wait3A_466 = arith.constant 0 : i32
      %dma_wait3A_467 = tpu.memref_slice %arg6[%dma_wait3A_462, %dma_wait3A_466] : memref<2x128xi32, #tpu.memory_space<vmem>> -> memref<1x128xi32, #tpu.memory_space<vmem>>
      %dma_wait3A_468 = tpu.memref_squeeze %dma_wait3A_467 : memref<1x128xi32, #tpu.memory_space<vmem>> -> memref<128xi32, #tpu.memory_space<vmem>>
      %dma_wait3A_469 = arith.constant 0 : i32
      %dma_wait3A_470 = arith.constant 0 : i32
      %dma_wait3A_471 = tpu.memref_slice %arg2[%add3A_18, %dma_wait3A_469, %dma_wait3A_470] : memref<8x4096x64xf32, #tpu.memory_space<hbm>> -> memref<1x4096x64xf32, #tpu.memory_space<hbm>>
      %dma_wait3A_472 = tpu.memref_squeeze %dma_wait3A_471 : memref<1x4096x64xf32, #tpu.memory_space<hbm>> -> memref<4096x64xf32, #tpu.memory_space<hbm>>
      %dma_wait3A_473 = arith.constant 0 : i32
      %dma_wait3A_474 = arith.constant 0 : i32
      %dma_wait3A_475 = tpu.memref_slice %dma_wait3A_472[%dma_wait3A_473, %dma_wait3A_474] : memref<4096x64xf32, #tpu.memory_space<hbm>> -> memref<4096x64xf32, #tpu.memory_space<hbm>>
      tpu.wait_indirect_dma semaphore(%arg14 : memref<!tpu.dma_semaphore, #tpu.memory_space<semaphore_mem>>) src(%dma_wait3A_475 : memref<4096x64xf32, #tpu.memory_space<hbm>>) dst(%dma_wait3A_465 : memref<128x64xf32, #tpu.memory_space<vmem>>)
      %dma_wait3A_476 = arith.constant 1 : i32
      %dma_wait3A_477 = arith.constant 128 : i32
      %dma_wait3A_478 = arith.constant 0 : i32
      %dma_wait3A_479 = tpu.memref_slice %arg10[%dma_wait3A_477, %dma_wait3A_478] : memref<256x64xf32, #tpu.memory_space<vmem>> -> memref<128x64xf32, #tpu.memory_space<vmem>>
      %dma_wait3A_480 = arith.constant 0 : i32
      %dma_wait3A_481 = tpu.memref_slice %arg6[%dma_wait3A_476, %dma_wait3A_480] : memref<2x128xi32, #tpu.memory_space<vmem>> -> memref<1x128xi32, #tpu.memory_space<vmem>>
      %dma_wait3A_482 = tpu.memref_squeeze %dma_wait3A_481 : memref<1x128xi32, #tpu.memory_space<vmem>> -> memref<128xi32, #tpu.memory_space<vmem>>
      %dma_wait3A_483 = arith.constant 0 : i32
      %dma_wait3A_484 = arith.constant 0 : i32
      %dma_wait3A_485 = tpu.memref_slice %arg2[%add3A_18, %dma_wait3A_483, %dma_wait3A_484] : memref<8x4096x64xf32, #tpu.memory_space<hbm>> -> memref<1x4096x64xf32, #tpu.memory_space<hbm>>
      %dma_wait3A_486 = tpu.memref_squeeze %dma_wait3A_485 : memref<1x4096x64xf32, #tpu.memory_space<hbm>> -> memref<4096x64xf32, #tpu.memory_space<hbm>>
      %dma_wait3A_487 = arith.constant 0 : i32
      %dma_wait3A_488 = arith.constant 0 : i32
      %dma_wait3A_489 = tpu.memref_slice %dma_wait3A_486[%dma_wait3A_487, %dma_wait3A_488] : memref<4096x64xf32, #tpu.memory_space<hbm>> -> memref<4096x64xf32, #tpu.memory_space<hbm>>
      tpu.wait_indirect_dma semaphore(%arg14 : memref<!tpu.dma_semaphore, #tpu.memory_space<semaphore_mem>>) src(%dma_wait3A_489 : memref<4096x64xf32, #tpu.memory_space<hbm>>) dst(%dma_wait3A_479 : memref<128x64xf32, #tpu.memory_space<vmem>>)
      %mul3A_490 = arith.constant 256 : i32
      %mul3A_491 = arith.muli %add3A_461, %mul3A_490 : i32
      %add3A_492 = arith.addi %mul3A_36, %mul3A_491 : i32
      %dma_start3A_493 = arith.constant 0 : i32
      %dma_start3A_494 = tpu.memref_slice %arg4[%add3A_492, %dma_start3A_493] : memref<262144x64xf32, #tpu.memory_space<hbm>> -> memref<256x64xf32, #tpu.memory_space<hbm>>
      %dma_start3A_495 = arith.constant 0 : i32
      %dma_start3A_496 = tpu.memref_slice %arg4[%add3A_492, %dma_start3A_495] : memref<262144x64xf32, #tpu.memory_space<hbm>> -> memref<256x64xf32, #tpu.memory_space<hbm>>
      tpu.enqueue_dma source(%arg10 : memref<256x64xf32, #tpu.memory_space<vmem>>) target(%dma_start3A_496 : memref<256x64xf32, #tpu.memory_space<hbm>>) target_semaphore(%arg18 : memref<!tpu.dma_semaphore, #tpu.memory_space<semaphore_mem>>)
      %ge3A = arith.constant 2 : i32
      %ge3A_497 = arith.cmpi sge, %add3A_461, %ge3A : i32
      %convert_element_type3A = arith.extui %ge3A_497 : i1 to i32
      %cond3A = arith.constant 0 : i32
      %cond3A_498 = arith.cmpi ne, %convert_element_type3A, %cond3A : i32
      scf.if %cond3A_498 {
        %sub3A_659 = arith.constant 2 : i32
        %sub3A_660 = arith.subi %add3A_461, %sub3A_659 : i32
        %mul3A_661 = arith.constant 256 : i32
        %mul3A_662 = arith.muli %sub3A_660, %mul3A_661 : i32
        %add3A_663 = arith.addi %mul3A_36, %mul3A_662 : i32
        %dma_wait3A_664 = arith.constant 0 : i32
        %dma_wait3A_665 = tpu.memref_slice %arg4[%add3A_663, %dma_wait3A_664] : memref<262144x64xf32, #tpu.memory_space<hbm>> -> memref<256x64xf32, #tpu.memory_space<hbm>>
        %dma_wait3A_666 = arith.constant 0 : i32
        %dma_wait3A_667 = tpu.memref_slice %arg4[%add3A_663, %dma_wait3A_666] : memref<262144x64xf32, #tpu.memory_space<hbm>> -> memref<256x64xf32, #tpu.memory_space<hbm>>
        tpu.wait_dma2 semaphore(%arg20 : memref<!tpu.dma_semaphore, #tpu.memory_space<semaphore_mem>>) src(%arg12 : memref<256x64xf32, #tpu.memory_space<vmem>>) dst(%dma_wait3A_667 : memref<256x64xf32, #tpu.memory_space<hbm>>)
      } else {
      }
      %add3A_499 = arith.constant 2 : i32
      %add3A_500 = arith.addi %add3A_461, %add3A_499 : i32
      %lt3A_501 = arith.constant 32 : i32
      %lt3A_502 = arith.cmpi slt, %add3A_500, %lt3A_501 : i32
      %convert_element_type3A_503 = arith.extui %lt3A_502 : i1 to i32
      %cond3A_504 = arith.constant 0 : i32
      %cond3A_505 = arith.cmpi ne, %convert_element_type3A_503, %cond3A_504 : i32
      scf.if %cond3A_505 {
        %add3A_659 = arith.constant 2 : i32
        %add3A_660 = arith.addi %add3A_461, %add3A_659 : i32
        %mul3A_661 = arith.constant 16 : i32
        %mul3A_662 = arith.muli %add3A_660, %mul3A_661 : i32
        %add3A_663 = arith.constant 0 : i32
        %add3A_664 = arith.addi %mul3A_662, %add3A_663 : i32
        %get3A_665 = arith.index_cast %add3A_664 : i32 to index
        %get3A_666 = arith.constant 0 : index
        %get3A_667 = tpu.vector_load %arg5[%get3A_665, %get3A_666] {strides = array<i32>} : memref<512x16xi32, #tpu.memory_space<vmem>>, vector<1x16xi32>,
        %get3A_668 = vector.shape_cast %get3A_667 : vector<1x16xi32> to vector<16xi32>
        %swap3A_669 = arith.constant 0 : i32
        %swap3A_670 = arith.index_cast %swap3A_669 : i32 to index
        %swap3A_671 = arith.constant 0 : index
        %swap3A_672 = tpu.vector_load %arg8[%swap3A_670, %swap3A_671] {strides = array<i32>} : memref<2x128xi32, #tpu.memory_space<vmem>>, vector<1x16xi32>,
        %swap3A_673 = vector.shape_cast %swap3A_672 : vector<1x16xi32> to vector<16xi32>
        %swap3A_674 = vector.shape_cast %get3A_668 : vector<16xi32> to vector<1x16xi32>
        tpu.vector_store %arg8[%swap3A_670, %swap3A_671], %swap3A_674 {strides = array<i32>} : memref<2x128xi32, #tpu.memory_space<vmem>>, vector<1x16xi32>,
        %mul3A_675 = arith.constant 16 : i32
        %mul3A_676 = arith.muli %add3A_660, %mul3A_675 : i32
        %add3A_677 = arith.constant 1 : i32
        %add3A_678 = arith.addi %mul3A_676, %add3A_677 : i32
        %get3A_679 = arith.index_cast %add3A_678 : i32 to index
        %get3A_680 = arith.constant 0 : index
        %get3A_681 = tpu.vector_load %arg5[%get3A_679, %get3A_680] {strides = array<i32>} : memref<512x16xi32, #tpu.memory_space<vmem>>, vector<1x16xi32>,
        %get3A_682 = vector.shape_cast %get3A_681 : vector<1x16xi32> to vector<16xi32>
        %swap3A_683 = arith.constant 0 : i32
        %swap3A_684 = arith.index_cast %swap3A_683 : i32 to index
        %swap3A_685 = arith.constant 16 : index
        %swap3A_686 = tpu.vector_load %arg8[%swap3A_684, %swap3A_685] {strides = array<i32>} : memref<2x128xi32, #tpu.memory_space<vmem>>, vector<1x16xi32>,
        %swap3A_687 = vector.shape_cast %swap3A_686 : vector<1x16xi32> to vector<16xi32>
        %swap3A_688 = vector.shape_cast %get3A_682 : vector<16xi32> to vector<1x16xi32>
        tpu.vector_store %arg8[%swap3A_684, %swap3A_685], %swap3A_688 {strides = array<i32>} : memref<2x128xi32, #tpu.memory_space<vmem>>, vector<1x16xi32>,
        %mul3A_689 = arith.constant 16 : i32
        %mul3A_690 = arith.muli %add3A_660, %mul3A_689 : i32
        %add3A_691 = arith.constant 2 : i32
        %add3A_692 = arith.addi %mul3A_690, %add3A_691 : i32
        %get3A_693 = arith.index_cast %add3A_692 : i32 to index
        %get3A_694 = arith.constant 0 : index
        %get3A_695 = tpu.vector_load %arg5[%get3A_693, %get3A_694] {strides = array<i32>} : memref<512x16xi32, #tpu.memory_space<vmem>>, vector<1x16xi32>,
        %get3A_696 = vector.shape_cast %get3A_695 : vector<1x16xi32> to vector<16xi32>
        %swap3A_697 = arith.constant 0 : i32
        %swap3A_698 = arith.index_cast %swap3A_697 : i32 to index
        %swap3A_699 = arith.constant 32 : index
        %swap3A_700 = tpu.vector_load %arg8[%swap3A_698, %swap3A_699] {strides = array<i32>} : memref<2x128xi32, #tpu.memory_space<vmem>>, vector<1x16xi32>,
        %swap3A_701 = vector.shape_cast %swap3A_700 : vector<1x16xi32> to vector<16xi32>
        %swap3A_702 = vector.shape_cast %get3A_696 : vector<16xi32> to vector<1x16xi32>
        tpu.vector_store %arg8[%swap3A_698, %swap3A_699], %swap3A_702 {strides = array<i32>} : memref<2x128xi32, #tpu.memory_space<vmem>>, vector<1x16xi32>,
        %mul3A_703 = arith.constant 16 : i32
        %mul3A_704 = arith.muli %add3A_660, %mul3A_703 : i32
        %add3A_705 = arith.constant 3 : i32
        %add3A_706 = arith.addi %mul3A_704, %add3A_705 : i32
        %get3A_707 = arith.index_cast %add3A_706 : i32 to index
        %get3A_708 = arith.constant 0 : index
        %get3A_709 = tpu.vector_load %arg5[%get3A_707, %get3A_708] {strides = array<i32>} : memref<512x16xi32, #tpu.memory_space<vmem>>, vector<1x16xi32>,
        %get3A_710 = vector.shape_cast %get3A_709 : vector<1x16xi32> to vector<16xi32>
        %swap3A_711 = arith.constant 0 : i32
        %swap3A_712 = arith.index_cast %swap3A_711 : i32 to index
        %swap3A_713 = arith.constant 48 : index
        %swap3A_714 = tpu.vector_load %arg8[%swap3A_712, %swap3A_713] {strides = array<i32>} : memref<2x128xi32, #tpu.memory_space<vmem>>, vector<1x16xi32>,
        %swap3A_715 = vector.shape_cast %swap3A_714 : vector<1x16xi32> to vector<16xi32>
        %swap3A_716 = vector.shape_cast %get3A_710 : vector<16xi32> to vector<1x16xi32>
        tpu.vector_store %arg8[%swap3A_712, %swap3A_713], %swap3A_716 {strides = array<i32>} : memref<2x128xi32, #tpu.memory_space<vmem>>, vector<1x16xi32>,
        %mul3A_717 = arith.constant 16 : i32
        %mul3A_718 = arith.muli %add3A_660, %mul3A_717 : i32
        %add3A_719 = arith.constant 4 : i32
        %add3A_720 = arith.addi %mul3A_718, %add3A_719 : i32
        %get3A_721 = arith.index_cast %add3A_720 : i32 to index
        %get3A_722 = arith.constant 0 : index
        %get3A_723 = tpu.vector_load %arg5[%get3A_721, %get3A_722] {strides = array<i32>} : memref<512x16xi32, #tpu.memory_space<vmem>>, vector<1x16xi32>,
        %get3A_724 = vector.shape_cast %get3A_723 : vector<1x16xi32> to vector<16xi32>
        %swap3A_725 = arith.constant 0 : i32
        %swap3A_726 = arith.index_cast %swap3A_725 : i32 to index
        %swap3A_727 = arith.constant 64 : index
        %swap3A_728 = tpu.vector_load %arg8[%swap3A_726, %swap3A_727] {strides = array<i32>} : memref<2x128xi32, #tpu.memory_space<vmem>>, vector<1x16xi32>,
        %swap3A_729 = vector.shape_cast %swap3A_728 : vector<1x16xi32> to vector<16xi32>
        %swap3A_730 = vector.shape_cast %get3A_724 : vector<16xi32> to vector<1x16xi32>
        tpu.vector_store %arg8[%swap3A_726, %swap3A_727], %swap3A_730 {strides = array<i32>} : memref<2x128xi32, #tpu.memory_space<vmem>>, vector<1x16xi32>,
        %mul3A_731 = arith.constant 16 : i32
        %mul3A_732 = arith.muli %add3A_660, %mul3A_731 : i32
        %add3A_733 = arith.constant 5 : i32
        %add3A_734 = arith.addi %mul3A_732, %add3A_733 : i32
        %get3A_735 = arith.index_cast %add3A_734 : i32 to index
        %get3A_736 = arith.constant 0 : index
        %get3A_737 = tpu.vector_load %arg5[%get3A_735, %get3A_736] {strides = array<i32>} : memref<512x16xi32, #tpu.memory_space<vmem>>, vector<1x16xi32>,
        %get3A_738 = vector.shape_cast %get3A_737 : vector<1x16xi32> to vector<16xi32>
        %swap3A_739 = arith.constant 0 : i32
        %swap3A_740 = arith.index_cast %swap3A_739 : i32 to index
        %swap3A_741 = arith.constant 80 : index
        %swap3A_742 = tpu.vector_load %arg8[%swap3A_740, %swap3A_741] {strides = array<i32>} : memref<2x128xi32, #tpu.memory_space<vmem>>, vector<1x16xi32>,
        %swap3A_743 = vector.shape_cast %swap3A_742 : vector<1x16xi32> to vector<16xi32>
        %swap3A_744 = vector.shape_cast %get3A_738 : vector<16xi32> to vector<1x16xi32>
        tpu.vector_store %arg8[%swap3A_740, %swap3A_741], %swap3A_744 {strides = array<i32>} : memref<2x128xi32, #tpu.memory_space<vmem>>, vector<1x16xi32>,
        %mul3A_745 = arith.constant 16 : i32
        %mul3A_746 = arith.muli %add3A_660, %mul3A_745 : i32
        %add3A_747 = arith.constant 6 : i32
        %add3A_748 = arith.addi %mul3A_746, %add3A_747 : i32
        %get3A_749 = arith.index_cast %add3A_748 : i32 to index
        %get3A_750 = arith.constant 0 : index
        %get3A_751 = tpu.vector_load %arg5[%get3A_749, %get3A_750] {strides = array<i32>} : memref<512x16xi32, #tpu.memory_space<vmem>>, vector<1x16xi32>,
        %get3A_752 = vector.shape_cast %get3A_751 : vector<1x16xi32> to vector<16xi32>
        %swap3A_753 = arith.constant 0 : i32
        %swap3A_754 = arith.index_cast %swap3A_753 : i32 to index
        %swap3A_755 = arith.constant 96 : index
        %swap3A_756 = tpu.vector_load %arg8[%swap3A_754, %swap3A_755] {strides = array<i32>} : memref<2x128xi32, #tpu.memory_space<vmem>>, vector<1x16xi32>,
        %swap3A_757 = vector.shape_cast %swap3A_756 : vector<1x16xi32> to vector<16xi32>
        %swap3A_758 = vector.shape_cast %get3A_752 : vector<16xi32> to vector<1x16xi32>
        tpu.vector_store %arg8[%swap3A_754, %swap3A_755], %swap3A_758 {strides = array<i32>} : memref<2x128xi32, #tpu.memory_space<vmem>>, vector<1x16xi32>,
        %mul3A_759 = arith.constant 16 : i32
        %mul3A_760 = arith.muli %add3A_660, %mul3A_759 : i32
        %add3A_761 = arith.constant 7 : i32
        %add3A_762 = arith.addi %mul3A_760, %add3A_761 : i32
        %get3A_763 = arith.index_cast %add3A_762 : i32 to index
        %get3A_764 = arith.constant 0 : index
        %get3A_765 = tpu.vector_load %arg5[%get3A_763, %get3A_764] {strides = array<i32>} : memref<512x16xi32, #tpu.memory_space<vmem>>, vector<1x16xi32>,
        %get3A_766 = vector.shape_cast %get3A_765 : vector<1x16xi32> to vector<16xi32>
        %swap3A_767 = arith.constant 0 : i32
        %swap3A_768 = arith.index_cast %swap3A_767 : i32 to index
        %swap3A_769 = arith.constant 112 : index
        %swap3A_770 = tpu.vector_load %arg8[%swap3A_768, %swap3A_769] {strides = array<i32>} : memref<2x128xi32, #tpu.memory_space<vmem>>, vector<1x16xi32>,
        %swap3A_771 = vector.shape_cast %swap3A_770 : vector<1x16xi32> to vector<16xi32>
        %swap3A_772 = vector.shape_cast %get3A_766 : vector<16xi32> to vector<1x16xi32>
        tpu.vector_store %arg8[%swap3A_768, %swap3A_769], %swap3A_772 {strides = array<i32>} : memref<2x128xi32, #tpu.memory_space<vmem>>, vector<1x16xi32>,
        %mul3A_773 = arith.constant 16 : i32
        %mul3A_774 = arith.muli %add3A_660, %mul3A_773 : i32
        %add3A_775 = arith.constant 8 : i32
        %add3A_776 = arith.addi %mul3A_774, %add3A_775 : i32
        %get3A_777 = arith.index_cast %add3A_776 : i32 to index
        %get3A_778 = arith.constant 0 : index
        %get3A_779 = tpu.vector_load %arg5[%get3A_777, %get3A_778] {strides = array<i32>} : memref<512x16xi32, #tpu.memory_space<vmem>>, vector<1x16xi32>,
        %get3A_780 = vector.shape_cast %get3A_779 : vector<1x16xi32> to vector<16xi32>
        %swap3A_781 = arith.constant 1 : i32
        %swap3A_782 = arith.index_cast %swap3A_781 : i32 to index
        %swap3A_783 = arith.constant 0 : index
        %swap3A_784 = tpu.vector_load %arg8[%swap3A_782, %swap3A_783] {strides = array<i32>} : memref<2x128xi32, #tpu.memory_space<vmem>>, vector<1x16xi32>,
        %swap3A_785 = vector.shape_cast %swap3A_784 : vector<1x16xi32> to vector<16xi32>
        %swap3A_786 = vector.shape_cast %get3A_780 : vector<16xi32> to vector<1x16xi32>
        tpu.vector_store %arg8[%swap3A_782, %swap3A_783], %swap3A_786 {strides = array<i32>} : memref<2x128xi32, #tpu.memory_space<vmem>>, vector<1x16xi32>,
        %mul3A_787 = arith.constant 16 : i32
        %mul3A_788 = arith.muli %add3A_660, %mul3A_787 : i32
        %add3A_789 = arith.constant 9 : i32
        %add3A_790 = arith.addi %mul3A_788, %add3A_789 : i32
        %get3A_791 = arith.index_cast %add3A_790 : i32 to index
        %get3A_792 = arith.constant 0 : index
        %get3A_793 = tpu.vector_load %arg5[%get3A_791, %get3A_792] {strides = array<i32>} : memref<512x16xi32, #tpu.memory_space<vmem>>, vector<1x16xi32>,
        %get3A_794 = vector.shape_cast %get3A_793 : vector<1x16xi32> to vector<16xi32>
        %swap3A_795 = arith.constant 1 : i32
        %swap3A_796 = arith.index_cast %swap3A_795 : i32 to index
        %swap3A_797 = arith.constant 16 : index
        %swap3A_798 = tpu.vector_load %arg8[%swap3A_796, %swap3A_797] {strides = array<i32>} : memref<2x128xi32, #tpu.memory_space<vmem>>, vector<1x16xi32>,
        %swap3A_799 = vector.shape_cast %swap3A_798 : vector<1x16xi32> to vector<16xi32>
        %swap3A_800 = vector.shape_cast %get3A_794 : vector<16xi32> to vector<1x16xi32>
        tpu.vector_store %arg8[%swap3A_796, %swap3A_797], %swap3A_800 {strides = array<i32>} : memref<2x128xi32, #tpu.memory_space<vmem>>, vector<1x16xi32>,
        %mul3A_801 = arith.constant 16 : i32
        %mul3A_802 = arith.muli %add3A_660, %mul3A_801 : i32
        %add3A_803 = arith.constant 10 : i32
        %add3A_804 = arith.addi %mul3A_802, %add3A_803 : i32
        %get3A_805 = arith.index_cast %add3A_804 : i32 to index
        %get3A_806 = arith.constant 0 : index
        %get3A_807 = tpu.vector_load %arg5[%get3A_805, %get3A_806] {strides = array<i32>} : memref<512x16xi32, #tpu.memory_space<vmem>>, vector<1x16xi32>,
        %get3A_808 = vector.shape_cast %get3A_807 : vector<1x16xi32> to vector<16xi32>
        %swap3A_809 = arith.constant 1 : i32
        %swap3A_810 = arith.index_cast %swap3A_809 : i32 to index
        %swap3A_811 = arith.constant 32 : index
        %swap3A_812 = tpu.vector_load %arg8[%swap3A_810, %swap3A_811] {strides = array<i32>} : memref<2x128xi32, #tpu.memory_space<vmem>>, vector<1x16xi32>,
        %swap3A_813 = vector.shape_cast %swap3A_812 : vector<1x16xi32> to vector<16xi32>
        %swap3A_814 = vector.shape_cast %get3A_808 : vector<16xi32> to vector<1x16xi32>
        tpu.vector_store %arg8[%swap3A_810, %swap3A_811], %swap3A_814 {strides = array<i32>} : memref<2x128xi32, #tpu.memory_space<vmem>>, vector<1x16xi32>,
        %mul3A_815 = arith.constant 16 : i32
        %mul3A_816 = arith.muli %add3A_660, %mul3A_815 : i32
        %add3A_817 = arith.constant 11 : i32
        %add3A_818 = arith.addi %mul3A_816, %add3A_817 : i32
        %get3A_819 = arith.index_cast %add3A_818 : i32 to index
        %get3A_820 = arith.constant 0 : index
        %get3A_821 = tpu.vector_load %arg5[%get3A_819, %get3A_820] {strides = array<i32>} : memref<512x16xi32, #tpu.memory_space<vmem>>, vector<1x16xi32>,
        %get3A_822 = vector.shape_cast %get3A_821 : vector<1x16xi32> to vector<16xi32>
        %swap3A_823 = arith.constant 1 : i32
        %swap3A_824 = arith.index_cast %swap3A_823 : i32 to index
        %swap3A_825 = arith.constant 48 : index
        %swap3A_826 = tpu.vector_load %arg8[%swap3A_824, %swap3A_825] {strides = array<i32>} : memref<2x128xi32, #tpu.memory_space<vmem>>, vector<1x16xi32>,
        %swap3A_827 = vector.shape_cast %swap3A_826 : vector<1x16xi32> to vector<16xi32>
        %swap3A_828 = vector.shape_cast %get3A_822 : vector<16xi32> to vector<1x16xi32>
        tpu.vector_store %arg8[%swap3A_824, %swap3A_825], %swap3A_828 {strides = array<i32>} : memref<2x128xi32, #tpu.memory_space<vmem>>, vector<1x16xi32>,
        %mul3A_829 = arith.constant 16 : i32
        %mul3A_830 = arith.muli %add3A_660, %mul3A_829 : i32
        %add3A_831 = arith.constant 12 : i32
        %add3A_832 = arith.addi %mul3A_830, %add3A_831 : i32
        %get3A_833 = arith.index_cast %add3A_832 : i32 to index
        %get3A_834 = arith.constant 0 : index
        %get3A_835 = tpu.vector_load %arg5[%get3A_833, %get3A_834] {strides = array<i32>} : memref<512x16xi32, #tpu.memory_space<vmem>>, vector<1x16xi32>,
        %get3A_836 = vector.shape_cast %get3A_835 : vector<1x16xi32> to vector<16xi32>
        %swap3A_837 = arith.constant 1 : i32
        %swap3A_838 = arith.index_cast %swap3A_837 : i32 to index
        %swap3A_839 = arith.constant 64 : index
        %swap3A_840 = tpu.vector_load %arg8[%swap3A_838, %swap3A_839] {strides = array<i32>} : memref<2x128xi32, #tpu.memory_space<vmem>>, vector<1x16xi32>,
        %swap3A_841 = vector.shape_cast %swap3A_840 : vector<1x16xi32> to vector<16xi32>
        %swap3A_842 = vector.shape_cast %get3A_836 : vector<16xi32> to vector<1x16xi32>
        tpu.vector_store %arg8[%swap3A_838, %swap3A_839], %swap3A_842 {strides = array<i32>} : memref<2x128xi32, #tpu.memory_space<vmem>>, vector<1x16xi32>,
        %mul3A_843 = arith.constant 16 : i32
        %mul3A_844 = arith.muli %add3A_660, %mul3A_843 : i32
        %add3A_845 = arith.constant 13 : i32
        %add3A_846 = arith.addi %mul3A_844, %add3A_845 : i32
        %get3A_847 = arith.index_cast %add3A_846 : i32 to index
        %get3A_848 = arith.constant 0 : index
        %get3A_849 = tpu.vector_load %arg5[%get3A_847, %get3A_848] {strides = array<i32>} : memref<512x16xi32, #tpu.memory_space<vmem>>, vector<1x16xi32>,
        %get3A_850 = vector.shape_cast %get3A_849 : vector<1x16xi32> to vector<16xi32>
        %swap3A_851 = arith.constant 1 : i32
        %swap3A_852 = arith.index_cast %swap3A_851 : i32 to index
        %swap3A_853 = arith.constant 80 : index
        %swap3A_854 = tpu.vector_load %arg8[%swap3A_852, %swap3A_853] {strides = array<i32>} : memref<2x128xi32, #tpu.memory_space<vmem>>, vector<1x16xi32>,
        %swap3A_855 = vector.shape_cast %swap3A_854 : vector<1x16xi32> to vector<16xi32>
        %swap3A_856 = vector.shape_cast %get3A_850 : vector<16xi32> to vector<1x16xi32>
        tpu.vector_store %arg8[%swap3A_852, %swap3A_853], %swap3A_856 {strides = array<i32>} : memref<2x128xi32, #tpu.memory_space<vmem>>, vector<1x16xi32>,
        %mul3A_857 = arith.constant 16 : i32
        %mul3A_858 = arith.muli %add3A_660, %mul3A_857 : i32
        %add3A_859 = arith.constant 14 : i32
        %add3A_860 = arith.addi %mul3A_858, %add3A_859 : i32
        %get3A_861 = arith.index_cast %add3A_860 : i32 to index
        %get3A_862 = arith.constant 0 : index
        %get3A_863 = tpu.vector_load %arg5[%get3A_861, %get3A_862] {strides = array<i32>} : memref<512x16xi32, #tpu.memory_space<vmem>>, vector<1x16xi32>,
        %get3A_864 = vector.shape_cast %get3A_863 : vector<1x16xi32> to vector<16xi32>
        %swap3A_865 = arith.constant 1 : i32
        %swap3A_866 = arith.index_cast %swap3A_865 : i32 to index
        %swap3A_867 = arith.constant 96 : index
        %swap3A_868 = tpu.vector_load %arg8[%swap3A_866, %swap3A_867] {strides = array<i32>} : memref<2x128xi32, #tpu.memory_space<vmem>>, vector<1x16xi32>,
        %swap3A_869 = vector.shape_cast %swap3A_868 : vector<1x16xi32> to vector<16xi32>
        %swap3A_870 = vector.shape_cast %get3A_864 : vector<16xi32> to vector<1x16xi32>
        tpu.vector_store %arg8[%swap3A_866, %swap3A_867], %swap3A_870 {strides = array<i32>} : memref<2x128xi32, #tpu.memory_space<vmem>>, vector<1x16xi32>,
        %mul3A_871 = arith.constant 16 : i32
        %mul3A_872 = arith.muli %add3A_660, %mul3A_871 : i32
        %add3A_873 = arith.constant 15 : i32
        %add3A_874 = arith.addi %mul3A_872, %add3A_873 : i32
        %get3A_875 = arith.index_cast %add3A_874 : i32 to index
        %get3A_876 = arith.constant 0 : index
        %get3A_877 = tpu.vector_load %arg5[%get3A_875, %get3A_876] {strides = array<i32>} : memref<512x16xi32, #tpu.memory_space<vmem>>, vector<1x16xi32>,
        %get3A_878 = vector.shape_cast %get3A_877 : vector<1x16xi32> to vector<16xi32>
        %swap3A_879 = arith.constant 1 : i32
        %swap3A_880 = arith.index_cast %swap3A_879 : i32 to index
        %swap3A_881 = arith.constant 112 : index
        %swap3A_882 = tpu.vector_load %arg8[%swap3A_880, %swap3A_881] {strides = array<i32>} : memref<2x128xi32, #tpu.memory_space<vmem>>, vector<1x16xi32>,
        %swap3A_883 = vector.shape_cast %swap3A_882 : vector<1x16xi32> to vector<16xi32>
        %swap3A_884 = vector.shape_cast %get3A_878 : vector<16xi32> to vector<1x16xi32>
        tpu.vector_store %arg8[%swap3A_880, %swap3A_881], %swap3A_884 {strides = array<i32>} : memref<2x128xi32, #tpu.memory_space<vmem>>, vector<1x16xi32>,
        %add3A_885 = arith.constant 2 : i32
        %add3A_886 = arith.addi %add3A_461, %add3A_885 : i32
        %dma_start3A_887 = arith.constant 0 : i32
        %dma_start3A_888 = arith.constant 0 : i32
        %dma_start3A_889 = arith.constant 0 : i32
        %dma_start3A_890 = tpu.memref_slice %arg12[%dma_start3A_888, %dma_start3A_889] : memref<256x64xf32, #tpu.memory_space<vmem>> -> memref<128x64xf32, #tpu.memory_space<vmem>>
        %dma_start3A_891 = arith.constant 0 : i32
        %dma_start3A_892 = tpu.memref_slice %arg8[%dma_start3A_887, %dma_start3A_891] : memref<2x128xi32, #tpu.memory_space<vmem>> -> memref<1x128xi32, #tpu.memory_space<vmem>>
        %dma_start3A_893 = tpu.memref_squeeze %dma_start3A_892 : memref<1x128xi32, #tpu.memory_space<vmem>> -> memref<128xi32, #tpu.memory_space<vmem>>
        %dma_start3A_894 = arith.constant 0 : i32
        %dma_start3A_895 = arith.constant 0 : i32
        %dma_start3A_896 = tpu.memref_slice %arg2[%add3A_18, %dma_start3A_894, %dma_start3A_895] : memref<8x4096x64xf32, #tpu.memory_space<hbm>> -> memref<1x4096x64xf32, #tpu.memory_space<hbm>>
        %dma_start3A_897 = tpu.memref_squeeze %dma_start3A_896 : memref<1x4096x64xf32, #tpu.memory_space<hbm>> -> memref<4096x64xf32, #tpu.memory_space<hbm>>
        %dma_start3A_898 = arith.constant 0 : i32
        %dma_start3A_899 = arith.constant 0 : i32
        %dma_start3A_900 = tpu.memref_slice %dma_start3A_897[%dma_start3A_898, %dma_start3A_899] : memref<4096x64xf32, #tpu.memory_space<hbm>> -> memref<4096x64xf32, #tpu.memory_space<hbm>>
        tpu.enqueue_indirect_dma source(%dma_start3A_900 : memref<4096x64xf32, #tpu.memory_space<hbm>>) target(%dma_start3A_890 : memref<128x64xf32, #tpu.memory_space<vmem>>) offsets(%dma_start3A_893 : memref<128xi32, #tpu.memory_space<vmem>>) semaphore(%arg16 : memref<!tpu.dma_semaphore, #tpu.memory_space<semaphore_mem>>)
        %dma_start3A_901 = arith.constant 1 : i32
        %dma_start3A_902 = arith.constant 128 : i32
        %dma_start3A_903 = arith.constant 0 : i32
        %dma_start3A_904 = tpu.memref_slice %arg12[%dma_start3A_902, %dma_start3A_903] : memref<256x64xf32, #tpu.memory_space<vmem>> -> memref<128x64xf32, #tpu.memory_space<vmem>>
        %dma_start3A_905 = arith.constant 0 : i32
        %dma_start3A_906 = tpu.memref_slice %arg8[%dma_start3A_901, %dma_start3A_905] : memref<2x128xi32, #tpu.memory_space<vmem>> -> memref<1x128xi32, #tpu.memory_space<vmem>>
        %dma_start3A_907 = tpu.memref_squeeze %dma_start3A_906 : memref<1x128xi32, #tpu.memory_space<vmem>> -> memref<128xi32, #tpu.memory_space<vmem>>
        %dma_start3A_908 = arith.constant 0 : i32
        %dma_start3A_909 = arith.constant 0 : i32
        %dma_start3A_910 = tpu.memref_slice %arg2[%add3A_18, %dma_start3A_908, %dma_start3A_909] : memref<8x4096x64xf32, #tpu.memory_space<hbm>> -> memref<1x4096x64xf32, #tpu.memory_space<hbm>>
        %dma_start3A_911 = tpu.memref_squeeze %dma_start3A_910 : memref<1x4096x64xf32, #tpu.memory_space<hbm>> -> memref<4096x64xf32, #tpu.memory_space<hbm>>
        %dma_start3A_912 = arith.constant 0 : i32
        %dma_start3A_913 = arith.constant 0 : i32
        %dma_start3A_914 = tpu.memref_slice %dma_start3A_911[%dma_start3A_912, %dma_start3A_913] : memref<4096x64xf32, #tpu.memory_space<hbm>> -> memref<4096x64xf32, #tpu.memory_space<hbm>>
        tpu.enqueue_indirect_dma source(%dma_start3A_914 : memref<4096x64xf32, #tpu.memory_space<hbm>>) target(%dma_start3A_904 : memref<128x64xf32, #tpu.memory_space<vmem>>) offsets(%dma_start3A_907 : memref<128xi32, #tpu.memory_space<vmem>>) semaphore(%arg16 : memref<!tpu.dma_semaphore, #tpu.memory_space<semaphore_mem>>)
      } else {
      }
      %mul3A_506 = arith.constant 4 : i32
      %mul3A_507 = arith.muli %scan3A_457, %mul3A_506 : i32
      %add3A_508 = arith.constant 1 : i32
      %add3A_509 = arith.addi %mul3A_507, %add3A_508 : i32
      %dma_wait3A_510 = arith.constant 0 : i32
      %dma_wait3A_511 = arith.constant 0 : i32
      %dma_wait3A_512 = arith.constant 0 : i32
      %dma_wait3A_513 = tpu.memref_slice %arg11[%dma_wait3A_511, %dma_wait3A_512] : memref<256x64xf32, #tpu.memory_space<vmem>> -> memref<128x64xf32, #tpu.memory_space<vmem>>
      %dma_wait3A_514 = arith.constant 0 : i32
      %dma_wait3A_515 = tpu.memref_slice %arg7[%dma_wait3A_510, %dma_wait3A_514] : memref<2x128xi32, #tpu.memory_space<vmem>> -> memref<1x128xi32, #tpu.memory_space<vmem>>
      %dma_wait3A_516 = tpu.memref_squeeze %dma_wait3A_515 : memref<1x128xi32, #tpu.memory_space<vmem>> -> memref<128xi32, #tpu.memory_space<vmem>>
      %dma_wait3A_517 = arith.constant 0 : i32
      %dma_wait3A_518 = arith.constant 0 : i32
      %dma_wait3A_519 = tpu.memref_slice %arg2[%add3A_18, %dma_wait3A_517, %dma_wait3A_518] : memref<8x4096x64xf32, #tpu.memory_space<hbm>> -> memref<1x4096x64xf32, #tpu.memory_space<hbm>>
      %dma_wait3A_520 = tpu.memref_squeeze %dma_wait3A_519 : memref<1x4096x64xf32, #tpu.memory_space<hbm>> -> memref<4096x64xf32, #tpu.memory_space<hbm>>
      %dma_wait3A_521 = arith.constant 0 : i32
      %dma_wait3A_522 = arith.constant 0 : i32
      %dma_wait3A_523 = tpu.memref_slice %dma_wait3A_520[%dma_wait3A_521, %dma_wait3A_522] : memref<4096x64xf32, #tpu.memory_space<hbm>> -> memref<4096x64xf32, #tpu.memory_space<hbm>>
      tpu.wait_indirect_dma semaphore(%arg15 : memref<!tpu.dma_semaphore, #tpu.memory_space<semaphore_mem>>) src(%dma_wait3A_523 : memref<4096x64xf32, #tpu.memory_space<hbm>>) dst(%dma_wait3A_513 : memref<128x64xf32, #tpu.memory_space<vmem>>)
      %dma_wait3A_524 = arith.constant 1 : i32
      %dma_wait3A_525 = arith.constant 128 : i32
      %dma_wait3A_526 = arith.constant 0 : i32
      %dma_wait3A_527 = tpu.memref_slice %arg11[%dma_wait3A_525, %dma_wait3A_526] : memref<256x64xf32, #tpu.memory_space<vmem>> -> memref<128x64xf32, #tpu.memory_space<vmem>>
      %dma_wait3A_528 = arith.constant 0 : i32
      %dma_wait3A_529 = tpu.memref_slice %arg7[%dma_wait3A_524, %dma_wait3A_528] : memref<2x128xi32, #tpu.memory_space<vmem>> -> memref<1x128xi32, #tpu.memory_space<vmem>>
      %dma_wait3A_530 = tpu.memref_squeeze %dma_wait3A_529 : memref<1x128xi32, #tpu.memory_space<vmem>> -> memref<128xi32, #tpu.memory_space<vmem>>
      %dma_wait3A_531 = arith.constant 0 : i32
      %dma_wait3A_532 = arith.constant 0 : i32
      %dma_wait3A_533 = tpu.memref_slice %arg2[%add3A_18, %dma_wait3A_531, %dma_wait3A_532] : memref<8x4096x64xf32, #tpu.memory_space<hbm>> -> memref<1x4096x64xf32, #tpu.memory_space<hbm>>
      %dma_wait3A_534 = tpu.memref_squeeze %dma_wait3A_533 : memref<1x4096x64xf32, #tpu.memory_space<hbm>> -> memref<4096x64xf32, #tpu.memory_space<hbm>>
      %dma_wait3A_535 = arith.constant 0 : i32
      %dma_wait3A_536 = arith.constant 0 : i32
      %dma_wait3A_537 = tpu.memref_slice %dma_wait3A_534[%dma_wait3A_535, %dma_wait3A_536] : memref<4096x64xf32, #tpu.memory_space<hbm>> -> memref<4096x64xf32, #tpu.memory_space<hbm>>
      tpu.wait_indirect_dma semaphore(%arg15 : memref<!tpu.dma_semaphore, #tpu.memory_space<semaphore_mem>>) src(%dma_wait3A_537 : memref<4096x64xf32, #tpu.memory_space<hbm>>) dst(%dma_wait3A_527 : memref<128x64xf32, #tpu.memory_space<vmem>>)
      %mul3A_538 = arith.constant 256 : i32
      %mul3A_539 = arith.muli %add3A_509, %mul3A_538 : i32
      %add3A_540 = arith.addi %mul3A_36, %mul3A_539 : i32
      %dma_start3A_541 = arith.constant 0 : i32
      %dma_start3A_542 = tpu.memref_slice %arg4[%add3A_540, %dma_start3A_541] : memref<262144x64xf32, #tpu.memory_space<hbm>> -> memref<256x64xf32, #tpu.memory_space<hbm>>
      %dma_start3A_543 = arith.constant 0 : i32
      %dma_start3A_544 = tpu.memref_slice %arg4[%add3A_540, %dma_start3A_543] : memref<262144x64xf32, #tpu.memory_space<hbm>> -> memref<256x64xf32, #tpu.memory_space<hbm>>
      tpu.enqueue_dma source(%arg11 : memref<256x64xf32, #tpu.memory_space<vmem>>) target(%dma_start3A_544 : memref<256x64xf32, #tpu.memory_space<hbm>>) target_semaphore(%arg19 : memref<!tpu.dma_semaphore, #tpu.memory_space<semaphore_mem>>)
      %ge3A_545 = arith.constant 2 : i32
      %ge3A_546 = arith.cmpi sge, %add3A_509, %ge3A_545 : i32
      %convert_element_type3A_547 = arith.extui %ge3A_546 : i1 to i32
      %cond3A_548 = arith.constant 0 : i32
      %cond3A_549 = arith.cmpi ne, %convert_element_type3A_547, %cond3A_548 : i32
      scf.if %cond3A_549 {
        %sub3A_659 = arith.constant 2 : i32
        %sub3A_660 = arith.subi %add3A_509, %sub3A_659 : i32
        %mul3A_661 = arith.constant 256 : i32
        %mul3A_662 = arith.muli %sub3A_660, %mul3A_661 : i32
        %add3A_663 = arith.addi %mul3A_36, %mul3A_662 : i32
        %dma_wait3A_664 = arith.constant 0 : i32
        %dma_wait3A_665 = tpu.memref_slice %arg4[%add3A_663, %dma_wait3A_664] : memref<262144x64xf32, #tpu.memory_space<hbm>> -> memref<256x64xf32, #tpu.memory_space<hbm>>
        %dma_wait3A_666 = arith.constant 0 : i32
        %dma_wait3A_667 = tpu.memref_slice %arg4[%add3A_663, %dma_wait3A_666] : memref<262144x64xf32, #tpu.memory_space<hbm>> -> memref<256x64xf32, #tpu.memory_space<hbm>>
        tpu.wait_dma2 semaphore(%arg21 : memref<!tpu.dma_semaphore, #tpu.memory_space<semaphore_mem>>) src(%arg13 : memref<256x64xf32, #tpu.memory_space<vmem>>) dst(%dma_wait3A_667 : memref<256x64xf32, #tpu.memory_space<hbm>>)
      } else {
      }
      %add3A_550 = arith.constant 2 : i32
      %add3A_551 = arith.addi %add3A_509, %add3A_550 : i32
      %lt3A_552 = arith.constant 32 : i32
      %lt3A_553 = arith.cmpi slt, %add3A_551, %lt3A_552 : i32
      %convert_element_type3A_554 = arith.extui %lt3A_553 : i1 to i32
      %cond3A_555 = arith.constant 0 : i32
      %cond3A_556 = arith.cmpi ne, %convert_element_type3A_554, %cond3A_555 : i32
      scf.if %cond3A_556 {
        %add3A_659 = arith.constant 2 : i32
        %add3A_660 = arith.addi %add3A_509, %add3A_659 : i32
        %mul3A_661 = arith.constant 16 : i32
        %mul3A_662 = arith.muli %add3A_660, %mul3A_661 : i32
        %add3A_663 = arith.constant 0 : i32
        %add3A_664 = arith.addi %mul3A_662, %add3A_663 : i32
        %get3A_665 = arith.index_cast %add3A_664 : i32 to index
        %get3A_666 = arith.constant 0 : index
        %get3A_667 = tpu.vector_load %arg5[%get3A_665, %get3A_666] {strides = array<i32>} : memref<512x16xi32, #tpu.memory_space<vmem>>, vector<1x16xi32>,
        %get3A_668 = vector.shape_cast %get3A_667 : vector<1x16xi32> to vector<16xi32>
        %swap3A_669 = arith.constant 0 : i32
        %swap3A_670 = arith.index_cast %swap3A_669 : i32 to index
        %swap3A_671 = arith.constant 0 : index
        %swap3A_672 = tpu.vector_load %arg9[%swap3A_670, %swap3A_671] {strides = array<i32>} : memref<2x128xi32, #tpu.memory_space<vmem>>, vector<1x16xi32>,
        %swap3A_673 = vector.shape_cast %swap3A_672 : vector<1x16xi32> to vector<16xi32>
        %swap3A_674 = vector.shape_cast %get3A_668 : vector<16xi32> to vector<1x16xi32>
        tpu.vector_store %arg9[%swap3A_670, %swap3A_671], %swap3A_674 {strides = array<i32>} : memref<2x128xi32, #tpu.memory_space<vmem>>, vector<1x16xi32>,
        %mul3A_675 = arith.constant 16 : i32
        %mul3A_676 = arith.muli %add3A_660, %mul3A_675 : i32
        %add3A_677 = arith.constant 1 : i32
        %add3A_678 = arith.addi %mul3A_676, %add3A_677 : i32
        %get3A_679 = arith.index_cast %add3A_678 : i32 to index
        %get3A_680 = arith.constant 0 : index
        %get3A_681 = tpu.vector_load %arg5[%get3A_679, %get3A_680] {strides = array<i32>} : memref<512x16xi32, #tpu.memory_space<vmem>>, vector<1x16xi32>,
        %get3A_682 = vector.shape_cast %get3A_681 : vector<1x16xi32> to vector<16xi32>
        %swap3A_683 = arith.constant 0 : i32
        %swap3A_684 = arith.index_cast %swap3A_683 : i32 to index
        %swap3A_685 = arith.constant 16 : index
        %swap3A_686 = tpu.vector_load %arg9[%swap3A_684, %swap3A_685] {strides = array<i32>} : memref<2x128xi32, #tpu.memory_space<vmem>>, vector<1x16xi32>,
        %swap3A_687 = vector.shape_cast %swap3A_686 : vector<1x16xi32> to vector<16xi32>
        %swap3A_688 = vector.shape_cast %get3A_682 : vector<16xi32> to vector<1x16xi32>
        tpu.vector_store %arg9[%swap3A_684, %swap3A_685], %swap3A_688 {strides = array<i32>} : memref<2x128xi32, #tpu.memory_space<vmem>>, vector<1x16xi32>,
        %mul3A_689 = arith.constant 16 : i32
        %mul3A_690 = arith.muli %add3A_660, %mul3A_689 : i32
        %add3A_691 = arith.constant 2 : i32
        %add3A_692 = arith.addi %mul3A_690, %add3A_691 : i32
        %get3A_693 = arith.index_cast %add3A_692 : i32 to index
        %get3A_694 = arith.constant 0 : index
        %get3A_695 = tpu.vector_load %arg5[%get3A_693, %get3A_694] {strides = array<i32>} : memref<512x16xi32, #tpu.memory_space<vmem>>, vector<1x16xi32>,
        %get3A_696 = vector.shape_cast %get3A_695 : vector<1x16xi32> to vector<16xi32>
        %swap3A_697 = arith.constant 0 : i32
        %swap3A_698 = arith.index_cast %swap3A_697 : i32 to index
        %swap3A_699 = arith.constant 32 : index
        %swap3A_700 = tpu.vector_load %arg9[%swap3A_698, %swap3A_699] {strides = array<i32>} : memref<2x128xi32, #tpu.memory_space<vmem>>, vector<1x16xi32>,
        %swap3A_701 = vector.shape_cast %swap3A_700 : vector<1x16xi32> to vector<16xi32>
        %swap3A_702 = vector.shape_cast %get3A_696 : vector<16xi32> to vector<1x16xi32>
        tpu.vector_store %arg9[%swap3A_698, %swap3A_699], %swap3A_702 {strides = array<i32>} : memref<2x128xi32, #tpu.memory_space<vmem>>, vector<1x16xi32>,
        %mul3A_703 = arith.constant 16 : i32
        %mul3A_704 = arith.muli %add3A_660, %mul3A_703 : i32
        %add3A_705 = arith.constant 3 : i32
        %add3A_706 = arith.addi %mul3A_704, %add3A_705 : i32
        %get3A_707 = arith.index_cast %add3A_706 : i32 to index
        %get3A_708 = arith.constant 0 : index
        %get3A_709 = tpu.vector_load %arg5[%get3A_707, %get3A_708] {strides = array<i32>} : memref<512x16xi32, #tpu.memory_space<vmem>>, vector<1x16xi32>,
        %get3A_710 = vector.shape_cast %get3A_709 : vector<1x16xi32> to vector<16xi32>
        %swap3A_711 = arith.constant 0 : i32
        %swap3A_712 = arith.index_cast %swap3A_711 : i32 to index
        %swap3A_713 = arith.constant 48 : index
        %swap3A_714 = tpu.vector_load %arg9[%swap3A_712, %swap3A_713] {strides = array<i32>} : memref<2x128xi32, #tpu.memory_space<vmem>>, vector<1x16xi32>,
        %swap3A_715 = vector.shape_cast %swap3A_714 : vector<1x16xi32> to vector<16xi32>
        %swap3A_716 = vector.shape_cast %get3A_710 : vector<16xi32> to vector<1x16xi32>
        tpu.vector_store %arg9[%swap3A_712, %swap3A_713], %swap3A_716 {strides = array<i32>} : memref<2x128xi32, #tpu.memory_space<vmem>>, vector<1x16xi32>,
        %mul3A_717 = arith.constant 16 : i32
        %mul3A_718 = arith.muli %add3A_660, %mul3A_717 : i32
        %add3A_719 = arith.constant 4 : i32
        %add3A_720 = arith.addi %mul3A_718, %add3A_719 : i32
        %get3A_721 = arith.index_cast %add3A_720 : i32 to index
        %get3A_722 = arith.constant 0 : index
        %get3A_723 = tpu.vector_load %arg5[%get3A_721, %get3A_722] {strides = array<i32>} : memref<512x16xi32, #tpu.memory_space<vmem>>, vector<1x16xi32>,
        %get3A_724 = vector.shape_cast %get3A_723 : vector<1x16xi32> to vector<16xi32>
        %swap3A_725 = arith.constant 0 : i32
        %swap3A_726 = arith.index_cast %swap3A_725 : i32 to index
        %swap3A_727 = arith.constant 64 : index
        %swap3A_728 = tpu.vector_load %arg9[%swap3A_726, %swap3A_727] {strides = array<i32>} : memref<2x128xi32, #tpu.memory_space<vmem>>, vector<1x16xi32>,
        %swap3A_729 = vector.shape_cast %swap3A_728 : vector<1x16xi32> to vector<16xi32>
        %swap3A_730 = vector.shape_cast %get3A_724 : vector<16xi32> to vector<1x16xi32>
        tpu.vector_store %arg9[%swap3A_726, %swap3A_727], %swap3A_730 {strides = array<i32>} : memref<2x128xi32, #tpu.memory_space<vmem>>, vector<1x16xi32>,
        %mul3A_731 = arith.constant 16 : i32
        %mul3A_732 = arith.muli %add3A_660, %mul3A_731 : i32
        %add3A_733 = arith.constant 5 : i32
        %add3A_734 = arith.addi %mul3A_732, %add3A_733 : i32
        %get3A_735 = arith.index_cast %add3A_734 : i32 to index
        %get3A_736 = arith.constant 0 : index
        %get3A_737 = tpu.vector_load %arg5[%get3A_735, %get3A_736] {strides = array<i32>} : memref<512x16xi32, #tpu.memory_space<vmem>>, vector<1x16xi32>,
        %get3A_738 = vector.shape_cast %get3A_737 : vector<1x16xi32> to vector<16xi32>
        %swap3A_739 = arith.constant 0 : i32
        %swap3A_740 = arith.index_cast %swap3A_739 : i32 to index
        %swap3A_741 = arith.constant 80 : index
        %swap3A_742 = tpu.vector_load %arg9[%swap3A_740, %swap3A_741] {strides = array<i32>} : memref<2x128xi32, #tpu.memory_space<vmem>>, vector<1x16xi32>,
        %swap3A_743 = vector.shape_cast %swap3A_742 : vector<1x16xi32> to vector<16xi32>
        %swap3A_744 = vector.shape_cast %get3A_738 : vector<16xi32> to vector<1x16xi32>
        tpu.vector_store %arg9[%swap3A_740, %swap3A_741], %swap3A_744 {strides = array<i32>} : memref<2x128xi32, #tpu.memory_space<vmem>>, vector<1x16xi32>,
        %mul3A_745 = arith.constant 16 : i32
        %mul3A_746 = arith.muli %add3A_660, %mul3A_745 : i32
        %add3A_747 = arith.constant 6 : i32
        %add3A_748 = arith.addi %mul3A_746, %add3A_747 : i32
        %get3A_749 = arith.index_cast %add3A_748 : i32 to index
        %get3A_750 = arith.constant 0 : index
        %get3A_751 = tpu.vector_load %arg5[%get3A_749, %get3A_750] {strides = array<i32>} : memref<512x16xi32, #tpu.memory_space<vmem>>, vector<1x16xi32>,
        %get3A_752 = vector.shape_cast %get3A_751 : vector<1x16xi32> to vector<16xi32>
        %swap3A_753 = arith.constant 0 : i32
        %swap3A_754 = arith.index_cast %swap3A_753 : i32 to index
        %swap3A_755 = arith.constant 96 : index
        %swap3A_756 = tpu.vector_load %arg9[%swap3A_754, %swap3A_755] {strides = array<i32>} : memref<2x128xi32, #tpu.memory_space<vmem>>, vector<1x16xi32>,
        %swap3A_757 = vector.shape_cast %swap3A_756 : vector<1x16xi32> to vector<16xi32>
        %swap3A_758 = vector.shape_cast %get3A_752 : vector<16xi32> to vector<1x16xi32>
        tpu.vector_store %arg9[%swap3A_754, %swap3A_755], %swap3A_758 {strides = array<i32>} : memref<2x128xi32, #tpu.memory_space<vmem>>, vector<1x16xi32>,
        %mul3A_759 = arith.constant 16 : i32
        %mul3A_760 = arith.muli %add3A_660, %mul3A_759 : i32
        %add3A_761 = arith.constant 7 : i32
        %add3A_762 = arith.addi %mul3A_760, %add3A_761 : i32
        %get3A_763 = arith.index_cast %add3A_762 : i32 to index
        %get3A_764 = arith.constant 0 : index
        %get3A_765 = tpu.vector_load %arg5[%get3A_763, %get3A_764] {strides = array<i32>} : memref<512x16xi32, #tpu.memory_space<vmem>>, vector<1x16xi32>,
        %get3A_766 = vector.shape_cast %get3A_765 : vector<1x16xi32> to vector<16xi32>
        %swap3A_767 = arith.constant 0 : i32
        %swap3A_768 = arith.index_cast %swap3A_767 : i32 to index
        %swap3A_769 = arith.constant 112 : index
        %swap3A_770 = tpu.vector_load %arg9[%swap3A_768, %swap3A_769] {strides = array<i32>} : memref<2x128xi32, #tpu.memory_space<vmem>>, vector<1x16xi32>,
        %swap3A_771 = vector.shape_cast %swap3A_770 : vector<1x16xi32> to vector<16xi32>
        %swap3A_772 = vector.shape_cast %get3A_766 : vector<16xi32> to vector<1x16xi32>
        tpu.vector_store %arg9[%swap3A_768, %swap3A_769], %swap3A_772 {strides = array<i32>} : memref<2x128xi32, #tpu.memory_space<vmem>>, vector<1x16xi32>,
        %mul3A_773 = arith.constant 16 : i32
        %mul3A_774 = arith.muli %add3A_660, %mul3A_773 : i32
        %add3A_775 = arith.constant 8 : i32
        %add3A_776 = arith.addi %mul3A_774, %add3A_775 : i32
        %get3A_777 = arith.index_cast %add3A_776 : i32 to index
        %get3A_778 = arith.constant 0 : index
        %get3A_779 = tpu.vector_load %arg5[%get3A_777, %get3A_778] {strides = array<i32>} : memref<512x16xi32, #tpu.memory_space<vmem>>, vector<1x16xi32>,
        %get3A_780 = vector.shape_cast %get3A_779 : vector<1x16xi32> to vector<16xi32>
        %swap3A_781 = arith.constant 1 : i32
        %swap3A_782 = arith.index_cast %swap3A_781 : i32 to index
        %swap3A_783 = arith.constant 0 : index
        %swap3A_784 = tpu.vector_load %arg9[%swap3A_782, %swap3A_783] {strides = array<i32>} : memref<2x128xi32, #tpu.memory_space<vmem>>, vector<1x16xi32>,
        %swap3A_785 = vector.shape_cast %swap3A_784 : vector<1x16xi32> to vector<16xi32>
        %swap3A_786 = vector.shape_cast %get3A_780 : vector<16xi32> to vector<1x16xi32>
        tpu.vector_store %arg9[%swap3A_782, %swap3A_783], %swap3A_786 {strides = array<i32>} : memref<2x128xi32, #tpu.memory_space<vmem>>, vector<1x16xi32>,
        %mul3A_787 = arith.constant 16 : i32
        %mul3A_788 = arith.muli %add3A_660, %mul3A_787 : i32
        %add3A_789 = arith.constant 9 : i32
        %add3A_790 = arith.addi %mul3A_788, %add3A_789 : i32
        %get3A_791 = arith.index_cast %add3A_790 : i32 to index
        %get3A_792 = arith.constant 0 : index
        %get3A_793 = tpu.vector_load %arg5[%get3A_791, %get3A_792] {strides = array<i32>} : memref<512x16xi32, #tpu.memory_space<vmem>>, vector<1x16xi32>,
        %get3A_794 = vector.shape_cast %get3A_793 : vector<1x16xi32> to vector<16xi32>
        %swap3A_795 = arith.constant 1 : i32
        %swap3A_796 = arith.index_cast %swap3A_795 : i32 to index
        %swap3A_797 = arith.constant 16 : index
        %swap3A_798 = tpu.vector_load %arg9[%swap3A_796, %swap3A_797] {strides = array<i32>} : memref<2x128xi32, #tpu.memory_space<vmem>>, vector<1x16xi32>,
        %swap3A_799 = vector.shape_cast %swap3A_798 : vector<1x16xi32> to vector<16xi32>
        %swap3A_800 = vector.shape_cast %get3A_794 : vector<16xi32> to vector<1x16xi32>
        tpu.vector_store %arg9[%swap3A_796, %swap3A_797], %swap3A_800 {strides = array<i32>} : memref<2x128xi32, #tpu.memory_space<vmem>>, vector<1x16xi32>,
        %mul3A_801 = arith.constant 16 : i32
        %mul3A_802 = arith.muli %add3A_660, %mul3A_801 : i32
        %add3A_803 = arith.constant 10 : i32
        %add3A_804 = arith.addi %mul3A_802, %add3A_803 : i32
        %get3A_805 = arith.index_cast %add3A_804 : i32 to index
        %get3A_806 = arith.constant 0 : index
        %get3A_807 = tpu.vector_load %arg5[%get3A_805, %get3A_806] {strides = array<i32>} : memref<512x16xi32, #tpu.memory_space<vmem>>, vector<1x16xi32>,
        %get3A_808 = vector.shape_cast %get3A_807 : vector<1x16xi32> to vector<16xi32>
        %swap3A_809 = arith.constant 1 : i32
        %swap3A_810 = arith.index_cast %swap3A_809 : i32 to index
        %swap3A_811 = arith.constant 32 : index
        %swap3A_812 = tpu.vector_load %arg9[%swap3A_810, %swap3A_811] {strides = array<i32>} : memref<2x128xi32, #tpu.memory_space<vmem>>, vector<1x16xi32>,
        %swap3A_813 = vector.shape_cast %swap3A_812 : vector<1x16xi32> to vector<16xi32>
        %swap3A_814 = vector.shape_cast %get3A_808 : vector<16xi32> to vector<1x16xi32>
        tpu.vector_store %arg9[%swap3A_810, %swap3A_811], %swap3A_814 {strides = array<i32>} : memref<2x128xi32, #tpu.memory_space<vmem>>, vector<1x16xi32>,
        %mul3A_815 = arith.constant 16 : i32
        %mul3A_816 = arith.muli %add3A_660, %mul3A_815 : i32
        %add3A_817 = arith.constant 11 : i32
        %add3A_818 = arith.addi %mul3A_816, %add3A_817 : i32
        %get3A_819 = arith.index_cast %add3A_818 : i32 to index
        %get3A_820 = arith.constant 0 : index
        %get3A_821 = tpu.vector_load %arg5[%get3A_819, %get3A_820] {strides = array<i32>} : memref<512x16xi32, #tpu.memory_space<vmem>>, vector<1x16xi32>,
        %get3A_822 = vector.shape_cast %get3A_821 : vector<1x16xi32> to vector<16xi32>
        %swap3A_823 = arith.constant 1 : i32
        %swap3A_824 = arith.index_cast %swap3A_823 : i32 to index
        %swap3A_825 = arith.constant 48 : index
        %swap3A_826 = tpu.vector_load %arg9[%swap3A_824, %swap3A_825] {strides = array<i32>} : memref<2x128xi32, #tpu.memory_space<vmem>>, vector<1x16xi32>,
        %swap3A_827 = vector.shape_cast %swap3A_826 : vector<1x16xi32> to vector<16xi32>
        %swap3A_828 = vector.shape_cast %get3A_822 : vector<16xi32> to vector<1x16xi32>
        tpu.vector_store %arg9[%swap3A_824, %swap3A_825], %swap3A_828 {strides = array<i32>} : memref<2x128xi32, #tpu.memory_space<vmem>>, vector<1x16xi32>,
        %mul3A_829 = arith.constant 16 : i32
        %mul3A_830 = arith.muli %add3A_660, %mul3A_829 : i32
        %add3A_831 = arith.constant 12 : i32
        %add3A_832 = arith.addi %mul3A_830, %add3A_831 : i32
        %get3A_833 = arith.index_cast %add3A_832 : i32 to index
        %get3A_834 = arith.constant 0 : index
        %get3A_835 = tpu.vector_load %arg5[%get3A_833, %get3A_834] {strides = array<i32>} : memref<512x16xi32, #tpu.memory_space<vmem>>, vector<1x16xi32>,
        %get3A_836 = vector.shape_cast %get3A_835 : vector<1x16xi32> to vector<16xi32>
        %swap3A_837 = arith.constant 1 : i32
        %swap3A_838 = arith.index_cast %swap3A_837 : i32 to index
        %swap3A_839 = arith.constant 64 : index
        %swap3A_840 = tpu.vector_load %arg9[%swap3A_838, %swap3A_839] {strides = array<i32>} : memref<2x128xi32, #tpu.memory_space<vmem>>, vector<1x16xi32>,
        %swap3A_841 = vector.shape_cast %swap3A_840 : vector<1x16xi32> to vector<16xi32>
        %swap3A_842 = vector.shape_cast %get3A_836 : vector<16xi32> to vector<1x16xi32>
        tpu.vector_store %arg9[%swap3A_838, %swap3A_839], %swap3A_842 {strides = array<i32>} : memref<2x128xi32, #tpu.memory_space<vmem>>, vector<1x16xi32>,
        %mul3A_843 = arith.constant 16 : i32
        %mul3A_844 = arith.muli %add3A_660, %mul3A_843 : i32
        %add3A_845 = arith.constant 13 : i32
        %add3A_846 = arith.addi %mul3A_844, %add3A_845 : i32
        %get3A_847 = arith.index_cast %add3A_846 : i32 to index
        %get3A_848 = arith.constant 0 : index
        %get3A_849 = tpu.vector_load %arg5[%get3A_847, %get3A_848] {strides = array<i32>} : memref<512x16xi32, #tpu.memory_space<vmem>>, vector<1x16xi32>,
        %get3A_850 = vector.shape_cast %get3A_849 : vector<1x16xi32> to vector<16xi32>
        %swap3A_851 = arith.constant 1 : i32
        %swap3A_852 = arith.index_cast %swap3A_851 : i32 to index
        %swap3A_853 = arith.constant 80 : index
        %swap3A_854 = tpu.vector_load %arg9[%swap3A_852, %swap3A_853] {strides = array<i32>} : memref<2x128xi32, #tpu.memory_space<vmem>>, vector<1x16xi32>,
        %swap3A_855 = vector.shape_cast %swap3A_854 : vector<1x16xi32> to vector<16xi32>
        %swap3A_856 = vector.shape_cast %get3A_850 : vector<16xi32> to vector<1x16xi32>
        tpu.vector_store %arg9[%swap3A_852, %swap3A_853], %swap3A_856 {strides = array<i32>} : memref<2x128xi32, #tpu.memory_space<vmem>>, vector<1x16xi32>,
        %mul3A_857 = arith.constant 16 : i32
        %mul3A_858 = arith.muli %add3A_660, %mul3A_857 : i32
        %add3A_859 = arith.constant 14 : i32
        %add3A_860 = arith.addi %mul3A_858, %add3A_859 : i32
        %get3A_861 = arith.index_cast %add3A_860 : i32 to index
        %get3A_862 = arith.constant 0 : index
        %get3A_863 = tpu.vector_load %arg5[%get3A_861, %get3A_862] {strides = array<i32>} : memref<512x16xi32, #tpu.memory_space<vmem>>, vector<1x16xi32>,
        %get3A_864 = vector.shape_cast %get3A_863 : vector<1x16xi32> to vector<16xi32>
        %swap3A_865 = arith.constant 1 : i32
        %swap3A_866 = arith.index_cast %swap3A_865 : i32 to index
        %swap3A_867 = arith.constant 96 : index
        %swap3A_868 = tpu.vector_load %arg9[%swap3A_866, %swap3A_867] {strides = array<i32>} : memref<2x128xi32, #tpu.memory_space<vmem>>, vector<1x16xi32>,
        %swap3A_869 = vector.shape_cast %swap3A_868 : vector<1x16xi32> to vector<16xi32>
        %swap3A_870 = vector.shape_cast %get3A_864 : vector<16xi32> to vector<1x16xi32>
        tpu.vector_store %arg9[%swap3A_866, %swap3A_867], %swap3A_870 {strides = array<i32>} : memref<2x128xi32, #tpu.memory_space<vmem>>, vector<1x16xi32>,
        %mul3A_871 = arith.constant 16 : i32
        %mul3A_872 = arith.muli %add3A_660, %mul3A_871 : i32
        %add3A_873 = arith.constant 15 : i32
        %add3A_874 = arith.addi %mul3A_872, %add3A_873 : i32
        %get3A_875 = arith.index_cast %add3A_874 : i32 to index
        %get3A_876 = arith.constant 0 : index
        %get3A_877 = tpu.vector_load %arg5[%get3A_875, %get3A_876] {strides = array<i32>} : memref<512x16xi32, #tpu.memory_space<vmem>>, vector<1x16xi32>,
        %get3A_878 = vector.shape_cast %get3A_877 : vector<1x16xi32> to vector<16xi32>
        %swap3A_879 = arith.constant 1 : i32
        %swap3A_880 = arith.index_cast %swap3A_879 : i32 to index
        %swap3A_881 = arith.constant 112 : index
        %swap3A_882 = tpu.vector_load %arg9[%swap3A_880, %swap3A_881] {strides = array<i32>} : memref<2x128xi32, #tpu.memory_space<vmem>>, vector<1x16xi32>,
        %swap3A_883 = vector.shape_cast %swap3A_882 : vector<1x16xi32> to vector<16xi32>
        %swap3A_884 = vector.shape_cast %get3A_878 : vector<16xi32> to vector<1x16xi32>
        tpu.vector_store %arg9[%swap3A_880, %swap3A_881], %swap3A_884 {strides = array<i32>} : memref<2x128xi32, #tpu.memory_space<vmem>>, vector<1x16xi32>,
        %add3A_885 = arith.constant 2 : i32
        %add3A_886 = arith.addi %add3A_509, %add3A_885 : i32
        %dma_start3A_887 = arith.constant 0 : i32
        %dma_start3A_888 = arith.constant 0 : i32
        %dma_start3A_889 = arith.constant 0 : i32
        %dma_start3A_890 = tpu.memref_slice %arg13[%dma_start3A_888, %dma_start3A_889] : memref<256x64xf32, #tpu.memory_space<vmem>> -> memref<128x64xf32, #tpu.memory_space<vmem>>
        %dma_start3A_891 = arith.constant 0 : i32
        %dma_start3A_892 = tpu.memref_slice %arg9[%dma_start3A_887, %dma_start3A_891] : memref<2x128xi32, #tpu.memory_space<vmem>> -> memref<1x128xi32, #tpu.memory_space<vmem>>
        %dma_start3A_893 = tpu.memref_squeeze %dma_start3A_892 : memref<1x128xi32, #tpu.memory_space<vmem>> -> memref<128xi32, #tpu.memory_space<vmem>>
        %dma_start3A_894 = arith.constant 0 : i32
        %dma_start3A_895 = arith.constant 0 : i32
        %dma_start3A_896 = tpu.memref_slice %arg2[%add3A_18, %dma_start3A_894, %dma_start3A_895] : memref<8x4096x64xf32, #tpu.memory_space<hbm>> -> memref<1x4096x64xf32, #tpu.memory_space<hbm>>
        %dma_start3A_897 = tpu.memref_squeeze %dma_start3A_896 : memref<1x4096x64xf32, #tpu.memory_space<hbm>> -> memref<4096x64xf32, #tpu.memory_space<hbm>>
        %dma_start3A_898 = arith.constant 0 : i32
        %dma_start3A_899 = arith.constant 0 : i32
        %dma_start3A_900 = tpu.memref_slice %dma_start3A_897[%dma_start3A_898, %dma_start3A_899] : memref<4096x64xf32, #tpu.memory_space<hbm>> -> memref<4096x64xf32, #tpu.memory_space<hbm>>
        tpu.enqueue_indirect_dma source(%dma_start3A_900 : memref<4096x64xf32, #tpu.memory_space<hbm>>) target(%dma_start3A_890 : memref<128x64xf32, #tpu.memory_space<vmem>>) offsets(%dma_start3A_893 : memref<128xi32, #tpu.memory_space<vmem>>) semaphore(%arg17 : memref<!tpu.dma_semaphore, #tpu.memory_space<semaphore_mem>>)
        %dma_start3A_901 = arith.constant 1 : i32
        %dma_start3A_902 = arith.constant 128 : i32
        %dma_start3A_903 = arith.constant 0 : i32
        %dma_start3A_904 = tpu.memref_slice %arg13[%dma_start3A_902, %dma_start3A_903] : memref<256x64xf32, #tpu.memory_space<vmem>> -> memref<128x64xf32, #tpu.memory_space<vmem>>
        %dma_start3A_905 = arith.constant 0 : i32
        %dma_start3A_906 = tpu.memref_slice %arg9[%dma_start3A_901, %dma_start3A_905] : memref<2x128xi32, #tpu.memory_space<vmem>> -> memref<1x128xi32, #tpu.memory_space<vmem>>
        %dma_start3A_907 = tpu.memref_squeeze %dma_start3A_906 : memref<1x128xi32, #tpu.memory_space<vmem>> -> memref<128xi32, #tpu.memory_space<vmem>>
        %dma_start3A_908 = arith.constant 0 : i32
        %dma_start3A_909 = arith.constant 0 : i32
        %dma_start3A_910 = tpu.memref_slice %arg2[%add3A_18, %dma_start3A_908, %dma_start3A_909] : memref<8x4096x64xf32, #tpu.memory_space<hbm>> -> memref<1x4096x64xf32, #tpu.memory_space<hbm>>
        %dma_start3A_911 = tpu.memref_squeeze %dma_start3A_910 : memref<1x4096x64xf32, #tpu.memory_space<hbm>> -> memref<4096x64xf32, #tpu.memory_space<hbm>>
        %dma_start3A_912 = arith.constant 0 : i32
        %dma_start3A_913 = arith.constant 0 : i32
        %dma_start3A_914 = tpu.memref_slice %dma_start3A_911[%dma_start3A_912, %dma_start3A_913] : memref<4096x64xf32, #tpu.memory_space<hbm>> -> memref<4096x64xf32, #tpu.memory_space<hbm>>
        tpu.enqueue_indirect_dma source(%dma_start3A_914 : memref<4096x64xf32, #tpu.memory_space<hbm>>) target(%dma_start3A_904 : memref<128x64xf32, #tpu.memory_space<vmem>>) offsets(%dma_start3A_907 : memref<128xi32, #tpu.memory_space<vmem>>) semaphore(%arg17 : memref<!tpu.dma_semaphore, #tpu.memory_space<semaphore_mem>>)
      } else {
      }
      %mul3A_557 = arith.constant 4 : i32
      %mul3A_558 = arith.muli %scan3A_457, %mul3A_557 : i32
      %add3A_559 = arith.constant 2 : i32
      %add3A_560 = arith.addi %mul3A_558, %add3A_559 : i32
      %dma_wait3A_561 = arith.constant 0 : i32
      %dma_wait3A_562 = arith.constant 0 : i32
      %dma_wait3A_563 = arith.constant 0 : i32
      %dma_wait3A_564 = tpu.memref_slice %arg12[%dma_wait3A_562, %dma_wait3A_563] : memref<256x64xf32, #tpu.memory_space<vmem>> -> memref<128x64xf32, #tpu.memory_space<vmem>>
      %dma_wait3A_565 = arith.constant 0 : i32
      %dma_wait3A_566 = tpu.memref_slice %arg8[%dma_wait3A_561, %dma_wait3A_565] : memref<2x128xi32, #tpu.memory_space<vmem>> -> memref<1x128xi32, #tpu.memory_space<vmem>>
      %dma_wait3A_567 = tpu.memref_squeeze %dma_wait3A_566 : memref<1x128xi32, #tpu.memory_space<vmem>> -> memref<128xi32, #tpu.memory_space<vmem>>
      %dma_wait3A_568 = arith.constant 0 : i32
      %dma_wait3A_569 = arith.constant 0 : i32
      %dma_wait3A_570 = tpu.memref_slice %arg2[%add3A_18, %dma_wait3A_568, %dma_wait3A_569] : memref<8x4096x64xf32, #tpu.memory_space<hbm>> -> memref<1x4096x64xf32, #tpu.memory_space<hbm>>
      %dma_wait3A_571 = tpu.memref_squeeze %dma_wait3A_570 : memref<1x4096x64xf32, #tpu.memory_space<hbm>> -> memref<4096x64xf32, #tpu.memory_space<hbm>>
      %dma_wait3A_572 = arith.constant 0 : i32
      %dma_wait3A_573 = arith.constant 0 : i32
      %dma_wait3A_574 = tpu.memref_slice %dma_wait3A_571[%dma_wait3A_572, %dma_wait3A_573] : memref<4096x64xf32, #tpu.memory_space<hbm>> -> memref<4096x64xf32, #tpu.memory_space<hbm>>
      tpu.wait_indirect_dma semaphore(%arg16 : memref<!tpu.dma_semaphore, #tpu.memory_space<semaphore_mem>>) src(%dma_wait3A_574 : memref<4096x64xf32, #tpu.memory_space<hbm>>) dst(%dma_wait3A_564 : memref<128x64xf32, #tpu.memory_space<vmem>>)
      %dma_wait3A_575 = arith.constant 1 : i32
      %dma_wait3A_576 = arith.constant 128 : i32
      %dma_wait3A_577 = arith.constant 0 : i32
      %dma_wait3A_578 = tpu.memref_slice %arg12[%dma_wait3A_576, %dma_wait3A_577] : memref<256x64xf32, #tpu.memory_space<vmem>> -> memref<128x64xf32, #tpu.memory_space<vmem>>
      %dma_wait3A_579 = arith.constant 0 : i32
      %dma_wait3A_580 = tpu.memref_slice %arg8[%dma_wait3A_575, %dma_wait3A_579] : memref<2x128xi32, #tpu.memory_space<vmem>> -> memref<1x128xi32, #tpu.memory_space<vmem>>
      %dma_wait3A_581 = tpu.memref_squeeze %dma_wait3A_580 : memref<1x128xi32, #tpu.memory_space<vmem>> -> memref<128xi32, #tpu.memory_space<vmem>>
      %dma_wait3A_582 = arith.constant 0 : i32
      %dma_wait3A_583 = arith.constant 0 : i32
      %dma_wait3A_584 = tpu.memref_slice %arg2[%add3A_18, %dma_wait3A_582, %dma_wait3A_583] : memref<8x4096x64xf32, #tpu.memory_space<hbm>> -> memref<1x4096x64xf32, #tpu.memory_space<hbm>>
      %dma_wait3A_585 = tpu.memref_squeeze %dma_wait3A_584 : memref<1x4096x64xf32, #tpu.memory_space<hbm>> -> memref<4096x64xf32, #tpu.memory_space<hbm>>
      %dma_wait3A_586 = arith.constant 0 : i32
      %dma_wait3A_587 = arith.constant 0 : i32
      %dma_wait3A_588 = tpu.memref_slice %dma_wait3A_585[%dma_wait3A_586, %dma_wait3A_587] : memref<4096x64xf32, #tpu.memory_space<hbm>> -> memref<4096x64xf32, #tpu.memory_space<hbm>>
      tpu.wait_indirect_dma semaphore(%arg16 : memref<!tpu.dma_semaphore, #tpu.memory_space<semaphore_mem>>) src(%dma_wait3A_588 : memref<4096x64xf32, #tpu.memory_space<hbm>>) dst(%dma_wait3A_578 : memref<128x64xf32, #tpu.memory_space<vmem>>)
      %mul3A_589 = arith.constant 256 : i32
      %mul3A_590 = arith.muli %add3A_560, %mul3A_589 : i32
      %add3A_591 = arith.addi %mul3A_36, %mul3A_590 : i32
      %dma_start3A_592 = arith.constant 0 : i32
      %dma_start3A_593 = tpu.memref_slice %arg4[%add3A_591, %dma_start3A_592] : memref<262144x64xf32, #tpu.memory_space<hbm>> -> memref<256x64xf32, #tpu.memory_space<hbm>>
      %dma_start3A_594 = arith.constant 0 : i32
      %dma_start3A_595 = tpu.memref_slice %arg4[%add3A_591, %dma_start3A_594] : memref<262144x64xf32, #tpu.memory_space<hbm>> -> memref<256x64xf32, #tpu.memory_space<hbm>>
      tpu.enqueue_dma source(%arg12 : memref<256x64xf32, #tpu.memory_space<vmem>>) target(%dma_start3A_595 : memref<256x64xf32, #tpu.memory_space<hbm>>) target_semaphore(%arg20 : memref<!tpu.dma_semaphore, #tpu.memory_space<semaphore_mem>>)
      %ge3A_596 = arith.constant 2 : i32
      %ge3A_597 = arith.cmpi sge, %add3A_560, %ge3A_596 : i32
      %convert_element_type3A_598 = arith.extui %ge3A_597 : i1 to i32
      %cond3A_599 = arith.constant 0 : i32
      %cond3A_600 = arith.cmpi ne, %convert_element_type3A_598, %cond3A_599 : i32
      scf.if %cond3A_600 {
        %sub3A_659 = arith.constant 2 : i32
        %sub3A_660 = arith.subi %add3A_560, %sub3A_659 : i32
        %mul3A_661 = arith.constant 256 : i32
        %mul3A_662 = arith.muli %sub3A_660, %mul3A_661 : i32
        %add3A_663 = arith.addi %mul3A_36, %mul3A_662 : i32
        %dma_wait3A_664 = arith.constant 0 : i32
        %dma_wait3A_665 = tpu.memref_slice %arg4[%add3A_663, %dma_wait3A_664] : memref<262144x64xf32, #tpu.memory_space<hbm>> -> memref<256x64xf32, #tpu.memory_space<hbm>>
        %dma_wait3A_666 = arith.constant 0 : i32
        %dma_wait3A_667 = tpu.memref_slice %arg4[%add3A_663, %dma_wait3A_666] : memref<262144x64xf32, #tpu.memory_space<hbm>> -> memref<256x64xf32, #tpu.memory_space<hbm>>
        tpu.wait_dma2 semaphore(%arg18 : memref<!tpu.dma_semaphore, #tpu.memory_space<semaphore_mem>>) src(%arg10 : memref<256x64xf32, #tpu.memory_space<vmem>>) dst(%dma_wait3A_667 : memref<256x64xf32, #tpu.memory_space<hbm>>)
      } else {
      }
      %add3A_601 = arith.constant 2 : i32
      %add3A_602 = arith.addi %add3A_560, %add3A_601 : i32
      %lt3A_603 = arith.constant 32 : i32
      %lt3A_604 = arith.cmpi slt, %add3A_602, %lt3A_603 : i32
      %convert_element_type3A_605 = arith.extui %lt3A_604 : i1 to i32
      %cond3A_606 = arith.constant 0 : i32
      %cond3A_607 = arith.cmpi ne, %convert_element_type3A_605, %cond3A_606 : i32
      scf.if %cond3A_607 {
        %add3A_659 = arith.constant 2 : i32
        %add3A_660 = arith.addi %add3A_560, %add3A_659 : i32
        %mul3A_661 = arith.constant 16 : i32
        %mul3A_662 = arith.muli %add3A_660, %mul3A_661 : i32
        %add3A_663 = arith.constant 0 : i32
        %add3A_664 = arith.addi %mul3A_662, %add3A_663 : i32
        %get3A_665 = arith.index_cast %add3A_664 : i32 to index
        %get3A_666 = arith.constant 0 : index
        %get3A_667 = tpu.vector_load %arg5[%get3A_665, %get3A_666] {strides = array<i32>} : memref<512x16xi32, #tpu.memory_space<vmem>>, vector<1x16xi32>,
        %get3A_668 = vector.shape_cast %get3A_667 : vector<1x16xi32> to vector<16xi32>
        %swap3A_669 = arith.constant 0 : i32
        %swap3A_670 = arith.index_cast %swap3A_669 : i32 to index
        %swap3A_671 = arith.constant 0 : index
        %swap3A_672 = tpu.vector_load %arg6[%swap3A_670, %swap3A_671] {strides = array<i32>} : memref<2x128xi32, #tpu.memory_space<vmem>>, vector<1x16xi32>,
        %swap3A_673 = vector.shape_cast %swap3A_672 : vector<1x16xi32> to vector<16xi32>
        %swap3A_674 = vector.shape_cast %get3A_668 : vector<16xi32> to vector<1x16xi32>
        tpu.vector_store %arg6[%swap3A_670, %swap3A_671], %swap3A_674 {strides = array<i32>} : memref<2x128xi32, #tpu.memory_space<vmem>>, vector<1x16xi32>,
        %mul3A_675 = arith.constant 16 : i32
        %mul3A_676 = arith.muli %add3A_660, %mul3A_675 : i32
        %add3A_677 = arith.constant 1 : i32
        %add3A_678 = arith.addi %mul3A_676, %add3A_677 : i32
        %get3A_679 = arith.index_cast %add3A_678 : i32 to index
        %get3A_680 = arith.constant 0 : index
        %get3A_681 = tpu.vector_load %arg5[%get3A_679, %get3A_680] {strides = array<i32>} : memref<512x16xi32, #tpu.memory_space<vmem>>, vector<1x16xi32>,
        %get3A_682 = vector.shape_cast %get3A_681 : vector<1x16xi32> to vector<16xi32>
        %swap3A_683 = arith.constant 0 : i32
        %swap3A_684 = arith.index_cast %swap3A_683 : i32 to index
        %swap3A_685 = arith.constant 16 : index
        %swap3A_686 = tpu.vector_load %arg6[%swap3A_684, %swap3A_685] {strides = array<i32>} : memref<2x128xi32, #tpu.memory_space<vmem>>, vector<1x16xi32>,
        %swap3A_687 = vector.shape_cast %swap3A_686 : vector<1x16xi32> to vector<16xi32>
        %swap3A_688 = vector.shape_cast %get3A_682 : vector<16xi32> to vector<1x16xi32>
        tpu.vector_store %arg6[%swap3A_684, %swap3A_685], %swap3A_688 {strides = array<i32>} : memref<2x128xi32, #tpu.memory_space<vmem>>, vector<1x16xi32>,
        %mul3A_689 = arith.constant 16 : i32
        %mul3A_690 = arith.muli %add3A_660, %mul3A_689 : i32
        %add3A_691 = arith.constant 2 : i32
        %add3A_692 = arith.addi %mul3A_690, %add3A_691 : i32
        %get3A_693 = arith.index_cast %add3A_692 : i32 to index
        %get3A_694 = arith.constant 0 : index
        %get3A_695 = tpu.vector_load %arg5[%get3A_693, %get3A_694] {strides = array<i32>} : memref<512x16xi32, #tpu.memory_space<vmem>>, vector<1x16xi32>,
        %get3A_696 = vector.shape_cast %get3A_695 : vector<1x16xi32> to vector<16xi32>
        %swap3A_697 = arith.constant 0 : i32
        %swap3A_698 = arith.index_cast %swap3A_697 : i32 to index
        %swap3A_699 = arith.constant 32 : index
        %swap3A_700 = tpu.vector_load %arg6[%swap3A_698, %swap3A_699] {strides = array<i32>} : memref<2x128xi32, #tpu.memory_space<vmem>>, vector<1x16xi32>,
        %swap3A_701 = vector.shape_cast %swap3A_700 : vector<1x16xi32> to vector<16xi32>
        %swap3A_702 = vector.shape_cast %get3A_696 : vector<16xi32> to vector<1x16xi32>
        tpu.vector_store %arg6[%swap3A_698, %swap3A_699], %swap3A_702 {strides = array<i32>} : memref<2x128xi32, #tpu.memory_space<vmem>>, vector<1x16xi32>,
        %mul3A_703 = arith.constant 16 : i32
        %mul3A_704 = arith.muli %add3A_660, %mul3A_703 : i32
        %add3A_705 = arith.constant 3 : i32
        %add3A_706 = arith.addi %mul3A_704, %add3A_705 : i32
        %get3A_707 = arith.index_cast %add3A_706 : i32 to index
        %get3A_708 = arith.constant 0 : index
        %get3A_709 = tpu.vector_load %arg5[%get3A_707, %get3A_708] {strides = array<i32>} : memref<512x16xi32, #tpu.memory_space<vmem>>, vector<1x16xi32>,
        %get3A_710 = vector.shape_cast %get3A_709 : vector<1x16xi32> to vector<16xi32>
        %swap3A_711 = arith.constant 0 : i32
        %swap3A_712 = arith.index_cast %swap3A_711 : i32 to index
        %swap3A_713 = arith.constant 48 : index
        %swap3A_714 = tpu.vector_load %arg6[%swap3A_712, %swap3A_713] {strides = array<i32>} : memref<2x128xi32, #tpu.memory_space<vmem>>, vector<1x16xi32>,
        %swap3A_715 = vector.shape_cast %swap3A_714 : vector<1x16xi32> to vector<16xi32>
        %swap3A_716 = vector.shape_cast %get3A_710 : vector<16xi32> to vector<1x16xi32>
        tpu.vector_store %arg6[%swap3A_712, %swap3A_713], %swap3A_716 {strides = array<i32>} : memref<2x128xi32, #tpu.memory_space<vmem>>, vector<1x16xi32>,
        %mul3A_717 = arith.constant 16 : i32
        %mul3A_718 = arith.muli %add3A_660, %mul3A_717 : i32
        %add3A_719 = arith.constant 4 : i32
        %add3A_720 = arith.addi %mul3A_718, %add3A_719 : i32
        %get3A_721 = arith.index_cast %add3A_720 : i32 to index
        %get3A_722 = arith.constant 0 : index
        %get3A_723 = tpu.vector_load %arg5[%get3A_721, %get3A_722] {strides = array<i32>} : memref<512x16xi32, #tpu.memory_space<vmem>>, vector<1x16xi32>,
        %get3A_724 = vector.shape_cast %get3A_723 : vector<1x16xi32> to vector<16xi32>
        %swap3A_725 = arith.constant 0 : i32
        %swap3A_726 = arith.index_cast %swap3A_725 : i32 to index
        %swap3A_727 = arith.constant 64 : index
        %swap3A_728 = tpu.vector_load %arg6[%swap3A_726, %swap3A_727] {strides = array<i32>} : memref<2x128xi32, #tpu.memory_space<vmem>>, vector<1x16xi32>,
        %swap3A_729 = vector.shape_cast %swap3A_728 : vector<1x16xi32> to vector<16xi32>
        %swap3A_730 = vector.shape_cast %get3A_724 : vector<16xi32> to vector<1x16xi32>
        tpu.vector_store %arg6[%swap3A_726, %swap3A_727], %swap3A_730 {strides = array<i32>} : memref<2x128xi32, #tpu.memory_space<vmem>>, vector<1x16xi32>,
        %mul3A_731 = arith.constant 16 : i32
        %mul3A_732 = arith.muli %add3A_660, %mul3A_731 : i32
        %add3A_733 = arith.constant 5 : i32
        %add3A_734 = arith.addi %mul3A_732, %add3A_733 : i32
        %get3A_735 = arith.index_cast %add3A_734 : i32 to index
        %get3A_736 = arith.constant 0 : index
        %get3A_737 = tpu.vector_load %arg5[%get3A_735, %get3A_736] {strides = array<i32>} : memref<512x16xi32, #tpu.memory_space<vmem>>, vector<1x16xi32>,
        %get3A_738 = vector.shape_cast %get3A_737 : vector<1x16xi32> to vector<16xi32>
        %swap3A_739 = arith.constant 0 : i32
        %swap3A_740 = arith.index_cast %swap3A_739 : i32 to index
        %swap3A_741 = arith.constant 80 : index
        %swap3A_742 = tpu.vector_load %arg6[%swap3A_740, %swap3A_741] {strides = array<i32>} : memref<2x128xi32, #tpu.memory_space<vmem>>, vector<1x16xi32>,
        %swap3A_743 = vector.shape_cast %swap3A_742 : vector<1x16xi32> to vector<16xi32>
        %swap3A_744 = vector.shape_cast %get3A_738 : vector<16xi32> to vector<1x16xi32>
        tpu.vector_store %arg6[%swap3A_740, %swap3A_741], %swap3A_744 {strides = array<i32>} : memref<2x128xi32, #tpu.memory_space<vmem>>, vector<1x16xi32>,
        %mul3A_745 = arith.constant 16 : i32
        %mul3A_746 = arith.muli %add3A_660, %mul3A_745 : i32
        %add3A_747 = arith.constant 6 : i32
        %add3A_748 = arith.addi %mul3A_746, %add3A_747 : i32
        %get3A_749 = arith.index_cast %add3A_748 : i32 to index
        %get3A_750 = arith.constant 0 : index
        %get3A_751 = tpu.vector_load %arg5[%get3A_749, %get3A_750] {strides = array<i32>} : memref<512x16xi32, #tpu.memory_space<vmem>>, vector<1x16xi32>,
        %get3A_752 = vector.shape_cast %get3A_751 : vector<1x16xi32> to vector<16xi32>
        %swap3A_753 = arith.constant 0 : i32
        %swap3A_754 = arith.index_cast %swap3A_753 : i32 to index
        %swap3A_755 = arith.constant 96 : index
        %swap3A_756 = tpu.vector_load %arg6[%swap3A_754, %swap3A_755] {strides = array<i32>} : memref<2x128xi32, #tpu.memory_space<vmem>>, vector<1x16xi32>,
        %swap3A_757 = vector.shape_cast %swap3A_756 : vector<1x16xi32> to vector<16xi32>
        %swap3A_758 = vector.shape_cast %get3A_752 : vector<16xi32> to vector<1x16xi32>
        tpu.vector_store %arg6[%swap3A_754, %swap3A_755], %swap3A_758 {strides = array<i32>} : memref<2x128xi32, #tpu.memory_space<vmem>>, vector<1x16xi32>,
        %mul3A_759 = arith.constant 16 : i32
        %mul3A_760 = arith.muli %add3A_660, %mul3A_759 : i32
        %add3A_761 = arith.constant 7 : i32
        %add3A_762 = arith.addi %mul3A_760, %add3A_761 : i32
        %get3A_763 = arith.index_cast %add3A_762 : i32 to index
        %get3A_764 = arith.constant 0 : index
        %get3A_765 = tpu.vector_load %arg5[%get3A_763, %get3A_764] {strides = array<i32>} : memref<512x16xi32, #tpu.memory_space<vmem>>, vector<1x16xi32>,
        %get3A_766 = vector.shape_cast %get3A_765 : vector<1x16xi32> to vector<16xi32>
        %swap3A_767 = arith.constant 0 : i32
        %swap3A_768 = arith.index_cast %swap3A_767 : i32 to index
        %swap3A_769 = arith.constant 112 : index
        %swap3A_770 = tpu.vector_load %arg6[%swap3A_768, %swap3A_769] {strides = array<i32>} : memref<2x128xi32, #tpu.memory_space<vmem>>, vector<1x16xi32>,
        %swap3A_771 = vector.shape_cast %swap3A_770 : vector<1x16xi32> to vector<16xi32>
        %swap3A_772 = vector.shape_cast %get3A_766 : vector<16xi32> to vector<1x16xi32>
        tpu.vector_store %arg6[%swap3A_768, %swap3A_769], %swap3A_772 {strides = array<i32>} : memref<2x128xi32, #tpu.memory_space<vmem>>, vector<1x16xi32>,
        %mul3A_773 = arith.constant 16 : i32
        %mul3A_774 = arith.muli %add3A_660, %mul3A_773 : i32
        %add3A_775 = arith.constant 8 : i32
        %add3A_776 = arith.addi %mul3A_774, %add3A_775 : i32
        %get3A_777 = arith.index_cast %add3A_776 : i32 to index
        %get3A_778 = arith.constant 0 : index
        %get3A_779 = tpu.vector_load %arg5[%get3A_777, %get3A_778] {strides = array<i32>} : memref<512x16xi32, #tpu.memory_space<vmem>>, vector<1x16xi32>,
        %get3A_780 = vector.shape_cast %get3A_779 : vector<1x16xi32> to vector<16xi32>
        %swap3A_781 = arith.constant 1 : i32
        %swap3A_782 = arith.index_cast %swap3A_781 : i32 to index
        %swap3A_783 = arith.constant 0 : index
        %swap3A_784 = tpu.vector_load %arg6[%swap3A_782, %swap3A_783] {strides = array<i32>} : memref<2x128xi32, #tpu.memory_space<vmem>>, vector<1x16xi32>,
        %swap3A_785 = vector.shape_cast %swap3A_784 : vector<1x16xi32> to vector<16xi32>
        %swap3A_786 = vector.shape_cast %get3A_780 : vector<16xi32> to vector<1x16xi32>
        tpu.vector_store %arg6[%swap3A_782, %swap3A_783], %swap3A_786 {strides = array<i32>} : memref<2x128xi32, #tpu.memory_space<vmem>>, vector<1x16xi32>,
        %mul3A_787 = arith.constant 16 : i32
        %mul3A_788 = arith.muli %add3A_660, %mul3A_787 : i32
        %add3A_789 = arith.constant 9 : i32
        %add3A_790 = arith.addi %mul3A_788, %add3A_789 : i32
        %get3A_791 = arith.index_cast %add3A_790 : i32 to index
        %get3A_792 = arith.constant 0 : index
        %get3A_793 = tpu.vector_load %arg5[%get3A_791, %get3A_792] {strides = array<i32>} : memref<512x16xi32, #tpu.memory_space<vmem>>, vector<1x16xi32>,
        %get3A_794 = vector.shape_cast %get3A_793 : vector<1x16xi32> to vector<16xi32>
        %swap3A_795 = arith.constant 1 : i32
        %swap3A_796 = arith.index_cast %swap3A_795 : i32 to index
        %swap3A_797 = arith.constant 16 : index
        %swap3A_798 = tpu.vector_load %arg6[%swap3A_796, %swap3A_797] {strides = array<i32>} : memref<2x128xi32, #tpu.memory_space<vmem>>, vector<1x16xi32>,
        %swap3A_799 = vector.shape_cast %swap3A_798 : vector<1x16xi32> to vector<16xi32>
        %swap3A_800 = vector.shape_cast %get3A_794 : vector<16xi32> to vector<1x16xi32>
        tpu.vector_store %arg6[%swap3A_796, %swap3A_797], %swap3A_800 {strides = array<i32>} : memref<2x128xi32, #tpu.memory_space<vmem>>, vector<1x16xi32>,
        %mul3A_801 = arith.constant 16 : i32
        %mul3A_802 = arith.muli %add3A_660, %mul3A_801 : i32
        %add3A_803 = arith.constant 10 : i32
        %add3A_804 = arith.addi %mul3A_802, %add3A_803 : i32
        %get3A_805 = arith.index_cast %add3A_804 : i32 to index
        %get3A_806 = arith.constant 0 : index
        %get3A_807 = tpu.vector_load %arg5[%get3A_805, %get3A_806] {strides = array<i32>} : memref<512x16xi32, #tpu.memory_space<vmem>>, vector<1x16xi32>,
        %get3A_808 = vector.shape_cast %get3A_807 : vector<1x16xi32> to vector<16xi32>
        %swap3A_809 = arith.constant 1 : i32
        %swap3A_810 = arith.index_cast %swap3A_809 : i32 to index
        %swap3A_811 = arith.constant 32 : index
        %swap3A_812 = tpu.vector_load %arg6[%swap3A_810, %swap3A_811] {strides = array<i32>} : memref<2x128xi32, #tpu.memory_space<vmem>>, vector<1x16xi32>,
        %swap3A_813 = vector.shape_cast %swap3A_812 : vector<1x16xi32> to vector<16xi32>
        %swap3A_814 = vector.shape_cast %get3A_808 : vector<16xi32> to vector<1x16xi32>
        tpu.vector_store %arg6[%swap3A_810, %swap3A_811], %swap3A_814 {strides = array<i32>} : memref<2x128xi32, #tpu.memory_space<vmem>>, vector<1x16xi32>,
        %mul3A_815 = arith.constant 16 : i32
        %mul3A_816 = arith.muli %add3A_660, %mul3A_815 : i32
        %add3A_817 = arith.constant 11 : i32
        %add3A_818 = arith.addi %mul3A_816, %add3A_817 : i32
        %get3A_819 = arith.index_cast %add3A_818 : i32 to index
        %get3A_820 = arith.constant 0 : index
        %get3A_821 = tpu.vector_load %arg5[%get3A_819, %get3A_820] {strides = array<i32>} : memref<512x16xi32, #tpu.memory_space<vmem>>, vector<1x16xi32>,
        %get3A_822 = vector.shape_cast %get3A_821 : vector<1x16xi32> to vector<16xi32>
        %swap3A_823 = arith.constant 1 : i32
        %swap3A_824 = arith.index_cast %swap3A_823 : i32 to index
        %swap3A_825 = arith.constant 48 : index
        %swap3A_826 = tpu.vector_load %arg6[%swap3A_824, %swap3A_825] {strides = array<i32>} : memref<2x128xi32, #tpu.memory_space<vmem>>, vector<1x16xi32>,
        %swap3A_827 = vector.shape_cast %swap3A_826 : vector<1x16xi32> to vector<16xi32>
        %swap3A_828 = vector.shape_cast %get3A_822 : vector<16xi32> to vector<1x16xi32>
        tpu.vector_store %arg6[%swap3A_824, %swap3A_825], %swap3A_828 {strides = array<i32>} : memref<2x128xi32, #tpu.memory_space<vmem>>, vector<1x16xi32>,
        %mul3A_829 = arith.constant 16 : i32
        %mul3A_830 = arith.muli %add3A_660, %mul3A_829 : i32
        %add3A_831 = arith.constant 12 : i32
        %add3A_832 = arith.addi %mul3A_830, %add3A_831 : i32
        %get3A_833 = arith.index_cast %add3A_832 : i32 to index
        %get3A_834 = arith.constant 0 : index
        %get3A_835 = tpu.vector_load %arg5[%get3A_833, %get3A_834] {strides = array<i32>} : memref<512x16xi32, #tpu.memory_space<vmem>>, vector<1x16xi32>,
        %get3A_836 = vector.shape_cast %get3A_835 : vector<1x16xi32> to vector<16xi32>
        %swap3A_837 = arith.constant 1 : i32
        %swap3A_838 = arith.index_cast %swap3A_837 : i32 to index
        %swap3A_839 = arith.constant 64 : index
        %swap3A_840 = tpu.vector_load %arg6[%swap3A_838, %swap3A_839] {strides = array<i32>} : memref<2x128xi32, #tpu.memory_space<vmem>>, vector<1x16xi32>,
        %swap3A_841 = vector.shape_cast %swap3A_840 : vector<1x16xi32> to vector<16xi32>
        %swap3A_842 = vector.shape_cast %get3A_836 : vector<16xi32> to vector<1x16xi32>
        tpu.vector_store %arg6[%swap3A_838, %swap3A_839], %swap3A_842 {strides = array<i32>} : memref<2x128xi32, #tpu.memory_space<vmem>>, vector<1x16xi32>,
        %mul3A_843 = arith.constant 16 : i32
        %mul3A_844 = arith.muli %add3A_660, %mul3A_843 : i32
        %add3A_845 = arith.constant 13 : i32
        %add3A_846 = arith.addi %mul3A_844, %add3A_845 : i32
        %get3A_847 = arith.index_cast %add3A_846 : i32 to index
        %get3A_848 = arith.constant 0 : index
        %get3A_849 = tpu.vector_load %arg5[%get3A_847, %get3A_848] {strides = array<i32>} : memref<512x16xi32, #tpu.memory_space<vmem>>, vector<1x16xi32>,
        %get3A_850 = vector.shape_cast %get3A_849 : vector<1x16xi32> to vector<16xi32>
        %swap3A_851 = arith.constant 1 : i32
        %swap3A_852 = arith.index_cast %swap3A_851 : i32 to index
        %swap3A_853 = arith.constant 80 : index
        %swap3A_854 = tpu.vector_load %arg6[%swap3A_852, %swap3A_853] {strides = array<i32>} : memref<2x128xi32, #tpu.memory_space<vmem>>, vector<1x16xi32>,
        %swap3A_855 = vector.shape_cast %swap3A_854 : vector<1x16xi32> to vector<16xi32>
        %swap3A_856 = vector.shape_cast %get3A_850 : vector<16xi32> to vector<1x16xi32>
        tpu.vector_store %arg6[%swap3A_852, %swap3A_853], %swap3A_856 {strides = array<i32>} : memref<2x128xi32, #tpu.memory_space<vmem>>, vector<1x16xi32>,
        %mul3A_857 = arith.constant 16 : i32
        %mul3A_858 = arith.muli %add3A_660, %mul3A_857 : i32
        %add3A_859 = arith.constant 14 : i32
        %add3A_860 = arith.addi %mul3A_858, %add3A_859 : i32
        %get3A_861 = arith.index_cast %add3A_860 : i32 to index
        %get3A_862 = arith.constant 0 : index
        %get3A_863 = tpu.vector_load %arg5[%get3A_861, %get3A_862] {strides = array<i32>} : memref<512x16xi32, #tpu.memory_space<vmem>>, vector<1x16xi32>,
        %get3A_864 = vector.shape_cast %get3A_863 : vector<1x16xi32> to vector<16xi32>
        %swap3A_865 = arith.constant 1 : i32
        %swap3A_866 = arith.index_cast %swap3A_865 : i32 to index
        %swap3A_867 = arith.constant 96 : index
        %swap3A_868 = tpu.vector_load %arg6[%swap3A_866, %swap3A_867] {strides = array<i32>} : memref<2x128xi32, #tpu.memory_space<vmem>>, vector<1x16xi32>,
        %swap3A_869 = vector.shape_cast %swap3A_868 : vector<1x16xi32> to vector<16xi32>
        %swap3A_870 = vector.shape_cast %get3A_864 : vector<16xi32> to vector<1x16xi32>
        tpu.vector_store %arg6[%swap3A_866, %swap3A_867], %swap3A_870 {strides = array<i32>} : memref<2x128xi32, #tpu.memory_space<vmem>>, vector<1x16xi32>,
        %mul3A_871 = arith.constant 16 : i32
        %mul3A_872 = arith.muli %add3A_660, %mul3A_871 : i32
        %add3A_873 = arith.constant 15 : i32
        %add3A_874 = arith.addi %mul3A_872, %add3A_873 : i32
        %get3A_875 = arith.index_cast %add3A_874 : i32 to index
        %get3A_876 = arith.constant 0 : index
        %get3A_877 = tpu.vector_load %arg5[%get3A_875, %get3A_876] {strides = array<i32>} : memref<512x16xi32, #tpu.memory_space<vmem>>, vector<1x16xi32>,
        %get3A_878 = vector.shape_cast %get3A_877 : vector<1x16xi32> to vector<16xi32>
        %swap3A_879 = arith.constant 1 : i32
        %swap3A_880 = arith.index_cast %swap3A_879 : i32 to index
        %swap3A_881 = arith.constant 112 : index
        %swap3A_882 = tpu.vector_load %arg6[%swap3A_880, %swap3A_881] {strides = array<i32>} : memref<2x128xi32, #tpu.memory_space<vmem>>, vector<1x16xi32>,
        %swap3A_883 = vector.shape_cast %swap3A_882 : vector<1x16xi32> to vector<16xi32>
        %swap3A_884 = vector.shape_cast %get3A_878 : vector<16xi32> to vector<1x16xi32>
        tpu.vector_store %arg6[%swap3A_880, %swap3A_881], %swap3A_884 {strides = array<i32>} : memref<2x128xi32, #tpu.memory_space<vmem>>, vector<1x16xi32>,
        %add3A_885 = arith.constant 2 : i32
        %add3A_886 = arith.addi %add3A_560, %add3A_885 : i32
        %dma_start3A_887 = arith.constant 0 : i32
        %dma_start3A_888 = arith.constant 0 : i32
        %dma_start3A_889 = arith.constant 0 : i32
        %dma_start3A_890 = tpu.memref_slice %arg10[%dma_start3A_888, %dma_start3A_889] : memref<256x64xf32, #tpu.memory_space<vmem>> -> memref<128x64xf32, #tpu.memory_space<vmem>>
        %dma_start3A_891 = arith.constant 0 : i32
        %dma_start3A_892 = tpu.memref_slice %arg6[%dma_start3A_887, %dma_start3A_891] : memref<2x128xi32, #tpu.memory_space<vmem>> -> memref<1x128xi32, #tpu.memory_space<vmem>>
        %dma_start3A_893 = tpu.memref_squeeze %dma_start3A_892 : memref<1x128xi32, #tpu.memory_space<vmem>> -> memref<128xi32, #tpu.memory_space<vmem>>
        %dma_start3A_894 = arith.constant 0 : i32
        %dma_start3A_895 = arith.constant 0 : i32
        %dma_start3A_896 = tpu.memref_slice %arg2[%add3A_18, %dma_start3A_894, %dma_start3A_895] : memref<8x4096x64xf32, #tpu.memory_space<hbm>> -> memref<1x4096x64xf32, #tpu.memory_space<hbm>>
        %dma_start3A_897 = tpu.memref_squeeze %dma_start3A_896 : memref<1x4096x64xf32, #tpu.memory_space<hbm>> -> memref<4096x64xf32, #tpu.memory_space<hbm>>
        %dma_start3A_898 = arith.constant 0 : i32
        %dma_start3A_899 = arith.constant 0 : i32
        %dma_start3A_900 = tpu.memref_slice %dma_start3A_897[%dma_start3A_898, %dma_start3A_899] : memref<4096x64xf32, #tpu.memory_space<hbm>> -> memref<4096x64xf32, #tpu.memory_space<hbm>>
        tpu.enqueue_indirect_dma source(%dma_start3A_900 : memref<4096x64xf32, #tpu.memory_space<hbm>>) target(%dma_start3A_890 : memref<128x64xf32, #tpu.memory_space<vmem>>) offsets(%dma_start3A_893 : memref<128xi32, #tpu.memory_space<vmem>>) semaphore(%arg14 : memref<!tpu.dma_semaphore, #tpu.memory_space<semaphore_mem>>)
        %dma_start3A_901 = arith.constant 1 : i32
        %dma_start3A_902 = arith.constant 128 : i32
        %dma_start3A_903 = arith.constant 0 : i32
        %dma_start3A_904 = tpu.memref_slice %arg10[%dma_start3A_902, %dma_start3A_903] : memref<256x64xf32, #tpu.memory_space<vmem>> -> memref<128x64xf32, #tpu.memory_space<vmem>>
        %dma_start3A_905 = arith.constant 0 : i32
        %dma_start3A_906 = tpu.memref_slice %arg6[%dma_start3A_901, %dma_start3A_905] : memref<2x128xi32, #tpu.memory_space<vmem>> -> memref<1x128xi32, #tpu.memory_space<vmem>>
        %dma_start3A_907 = tpu.memref_squeeze %dma_start3A_906 : memref<1x128xi32, #tpu.memory_space<vmem>> -> memref<128xi32, #tpu.memory_space<vmem>>
        %dma_start3A_908 = arith.constant 0 : i32
        %dma_start3A_909 = arith.constant 0 : i32
        %dma_start3A_910 = tpu.memref_slice %arg2[%add3A_18, %dma_start3A_908, %dma_start3A_909] : memref<8x4096x64xf32, #tpu.memory_space<hbm>> -> memref<1x4096x64xf32, #tpu.memory_space<hbm>>
        %dma_start3A_911 = tpu.memref_squeeze %dma_start3A_910 : memref<1x4096x64xf32, #tpu.memory_space<hbm>> -> memref<4096x64xf32, #tpu.memory_space<hbm>>
        %dma_start3A_912 = arith.constant 0 : i32
        %dma_start3A_913 = arith.constant 0 : i32
        %dma_start3A_914 = tpu.memref_slice %dma_start3A_911[%dma_start3A_912, %dma_start3A_913] : memref<4096x64xf32, #tpu.memory_space<hbm>> -> memref<4096x64xf32, #tpu.memory_space<hbm>>
        tpu.enqueue_indirect_dma source(%dma_start3A_914 : memref<4096x64xf32, #tpu.memory_space<hbm>>) target(%dma_start3A_904 : memref<128x64xf32, #tpu.memory_space<vmem>>) offsets(%dma_start3A_907 : memref<128xi32, #tpu.memory_space<vmem>>) semaphore(%arg14 : memref<!tpu.dma_semaphore, #tpu.memory_space<semaphore_mem>>)
      } else {
      }
      %mul3A_608 = arith.constant 4 : i32
      %mul3A_609 = arith.muli %scan3A_457, %mul3A_608 : i32
      %add3A_610 = arith.constant 3 : i32
      %add3A_611 = arith.addi %mul3A_609, %add3A_610 : i32
      %dma_wait3A_612 = arith.constant 0 : i32
      %dma_wait3A_613 = arith.constant 0 : i32
      %dma_wait3A_614 = arith.constant 0 : i32
      %dma_wait3A_615 = tpu.memref_slice %arg13[%dma_wait3A_613, %dma_wait3A_614] : memref<256x64xf32, #tpu.memory_space<vmem>> -> memref<128x64xf32, #tpu.memory_space<vmem>>
      %dma_wait3A_616 = arith.constant 0 : i32
      %dma_wait3A_617 = tpu.memref_slice %arg9[%dma_wait3A_612, %dma_wait3A_616] : memref<2x128xi32, #tpu.memory_space<vmem>> -> memref<1x128xi32, #tpu.memory_space<vmem>>
      %dma_wait3A_618 = tpu.memref_squeeze %dma_wait3A_617 : memref<1x128xi32, #tpu.memory_space<vmem>> -> memref<128xi32, #tpu.memory_space<vmem>>
      %dma_wait3A_619 = arith.constant 0 : i32
      %dma_wait3A_620 = arith.constant 0 : i32
      %dma_wait3A_621 = tpu.memref_slice %arg2[%add3A_18, %dma_wait3A_619, %dma_wait3A_620] : memref<8x4096x64xf32, #tpu.memory_space<hbm>> -> memref<1x4096x64xf32, #tpu.memory_space<hbm>>
      %dma_wait3A_622 = tpu.memref_squeeze %dma_wait3A_621 : memref<1x4096x64xf32, #tpu.memory_space<hbm>> -> memref<4096x64xf32, #tpu.memory_space<hbm>>
      %dma_wait3A_623 = arith.constant 0 : i32
      %dma_wait3A_624 = arith.constant 0 : i32
      %dma_wait3A_625 = tpu.memref_slice %dma_wait3A_622[%dma_wait3A_623, %dma_wait3A_624] : memref<4096x64xf32, #tpu.memory_space<hbm>> -> memref<4096x64xf32, #tpu.memory_space<hbm>>
      tpu.wait_indirect_dma semaphore(%arg17 : memref<!tpu.dma_semaphore, #tpu.memory_space<semaphore_mem>>) src(%dma_wait3A_625 : memref<4096x64xf32, #tpu.memory_space<hbm>>) dst(%dma_wait3A_615 : memref<128x64xf32, #tpu.memory_space<vmem>>)
      %dma_wait3A_626 = arith.constant 1 : i32
      %dma_wait3A_627 = arith.constant 128 : i32
      %dma_wait3A_628 = arith.constant 0 : i32
      %dma_wait3A_629 = tpu.memref_slice %arg13[%dma_wait3A_627, %dma_wait3A_628] : memref<256x64xf32, #tpu.memory_space<vmem>> -> memref<128x64xf32, #tpu.memory_space<vmem>>
      %dma_wait3A_630 = arith.constant 0 : i32
      %dma_wait3A_631 = tpu.memref_slice %arg9[%dma_wait3A_626, %dma_wait3A_630] : memref<2x128xi32, #tpu.memory_space<vmem>> -> memref<1x128xi32, #tpu.memory_space<vmem>>
      %dma_wait3A_632 = tpu.memref_squeeze %dma_wait3A_631 : memref<1x128xi32, #tpu.memory_space<vmem>> -> memref<128xi32, #tpu.memory_space<vmem>>
      %dma_wait3A_633 = arith.constant 0 : i32
      %dma_wait3A_634 = arith.constant 0 : i32
      %dma_wait3A_635 = tpu.memref_slice %arg2[%add3A_18, %dma_wait3A_633, %dma_wait3A_634] : memref<8x4096x64xf32, #tpu.memory_space<hbm>> -> memref<1x4096x64xf32, #tpu.memory_space<hbm>>
      %dma_wait3A_636 = tpu.memref_squeeze %dma_wait3A_635 : memref<1x4096x64xf32, #tpu.memory_space<hbm>> -> memref<4096x64xf32, #tpu.memory_space<hbm>>
      %dma_wait3A_637 = arith.constant 0 : i32
      %dma_wait3A_638 = arith.constant 0 : i32
      %dma_wait3A_639 = tpu.memref_slice %dma_wait3A_636[%dma_wait3A_637, %dma_wait3A_638] : memref<4096x64xf32, #tpu.memory_space<hbm>> -> memref<4096x64xf32, #tpu.memory_space<hbm>>
      tpu.wait_indirect_dma semaphore(%arg17 : memref<!tpu.dma_semaphore, #tpu.memory_space<semaphore_mem>>) src(%dma_wait3A_639 : memref<4096x64xf32, #tpu.memory_space<hbm>>) dst(%dma_wait3A_629 : memref<128x64xf32, #tpu.memory_space<vmem>>)
      %mul3A_640 = arith.constant 256 : i32
      %mul3A_641 = arith.muli %add3A_611, %mul3A_640 : i32
      %add3A_642 = arith.addi %mul3A_36, %mul3A_641 : i32
      %dma_start3A_643 = arith.constant 0 : i32
      %dma_start3A_644 = tpu.memref_slice %arg4[%add3A_642, %dma_start3A_643] : memref<262144x64xf32, #tpu.memory_space<hbm>> -> memref<256x64xf32, #tpu.memory_space<hbm>>
      %dma_start3A_645 = arith.constant 0 : i32
      %dma_start3A_646 = tpu.memref_slice %arg4[%add3A_642, %dma_start3A_645] : memref<262144x64xf32, #tpu.memory_space<hbm>> -> memref<256x64xf32, #tpu.memory_space<hbm>>
      tpu.enqueue_dma source(%arg13 : memref<256x64xf32, #tpu.memory_space<vmem>>) target(%dma_start3A_646 : memref<256x64xf32, #tpu.memory_space<hbm>>) target_semaphore(%arg21 : memref<!tpu.dma_semaphore, #tpu.memory_space<semaphore_mem>>)
      %ge3A_647 = arith.constant 2 : i32
      %ge3A_648 = arith.cmpi sge, %add3A_611, %ge3A_647 : i32
      %convert_element_type3A_649 = arith.extui %ge3A_648 : i1 to i32
      %cond3A_650 = arith.constant 0 : i32
      %cond3A_651 = arith.cmpi ne, %convert_element_type3A_649, %cond3A_650 : i32
      scf.if %cond3A_651 {
        %sub3A_659 = arith.constant 2 : i32
        %sub3A_660 = arith.subi %add3A_611, %sub3A_659 : i32
        %mul3A_661 = arith.constant 256 : i32
        %mul3A_662 = arith.muli %sub3A_660, %mul3A_661 : i32
        %add3A_663 = arith.addi %mul3A_36, %mul3A_662 : i32
        %dma_wait3A_664 = arith.constant 0 : i32
        %dma_wait3A_665 = tpu.memref_slice %arg4[%add3A_663, %dma_wait3A_664] : memref<262144x64xf32, #tpu.memory_space<hbm>> -> memref<256x64xf32, #tpu.memory_space<hbm>>
        %dma_wait3A_666 = arith.constant 0 : i32
        %dma_wait3A_667 = tpu.memref_slice %arg4[%add3A_663, %dma_wait3A_666] : memref<262144x64xf32, #tpu.memory_space<hbm>> -> memref<256x64xf32, #tpu.memory_space<hbm>>
        tpu.wait_dma2 semaphore(%arg19 : memref<!tpu.dma_semaphore, #tpu.memory_space<semaphore_mem>>) src(%arg11 : memref<256x64xf32, #tpu.memory_space<vmem>>) dst(%dma_wait3A_667 : memref<256x64xf32, #tpu.memory_space<hbm>>)
      } else {
      }
      %add3A_652 = arith.constant 2 : i32
      %add3A_653 = arith.addi %add3A_611, %add3A_652 : i32
      %lt3A_654 = arith.constant 32 : i32
      %lt3A_655 = arith.cmpi slt, %add3A_653, %lt3A_654 : i32
      %convert_element_type3A_656 = arith.extui %lt3A_655 : i1 to i32
      %cond3A_657 = arith.constant 0 : i32
      %cond3A_658 = arith.cmpi ne, %convert_element_type3A_656, %cond3A_657 : i32
      scf.if %cond3A_658 {
        %add3A_659 = arith.constant 2 : i32
        %add3A_660 = arith.addi %add3A_611, %add3A_659 : i32
        %mul3A_661 = arith.constant 16 : i32
        %mul3A_662 = arith.muli %add3A_660, %mul3A_661 : i32
        %add3A_663 = arith.constant 0 : i32
        %add3A_664 = arith.addi %mul3A_662, %add3A_663 : i32
        %get3A_665 = arith.index_cast %add3A_664 : i32 to index
        %get3A_666 = arith.constant 0 : index
        %get3A_667 = tpu.vector_load %arg5[%get3A_665, %get3A_666] {strides = array<i32>} : memref<512x16xi32, #tpu.memory_space<vmem>>, vector<1x16xi32>,
        %get3A_668 = vector.shape_cast %get3A_667 : vector<1x16xi32> to vector<16xi32>
        %swap3A_669 = arith.constant 0 : i32
        %swap3A_670 = arith.index_cast %swap3A_669 : i32 to index
        %swap3A_671 = arith.constant 0 : index
        %swap3A_672 = tpu.vector_load %arg7[%swap3A_670, %swap3A_671] {strides = array<i32>} : memref<2x128xi32, #tpu.memory_space<vmem>>, vector<1x16xi32>,
        %swap3A_673 = vector.shape_cast %swap3A_672 : vector<1x16xi32> to vector<16xi32>
        %swap3A_674 = vector.shape_cast %get3A_668 : vector<16xi32> to vector<1x16xi32>
        tpu.vector_store %arg7[%swap3A_670, %swap3A_671], %swap3A_674 {strides = array<i32>} : memref<2x128xi32, #tpu.memory_space<vmem>>, vector<1x16xi32>,
        %mul3A_675 = arith.constant 16 : i32
        %mul3A_676 = arith.muli %add3A_660, %mul3A_675 : i32
        %add3A_677 = arith.constant 1 : i32
        %add3A_678 = arith.addi %mul3A_676, %add3A_677 : i32
        %get3A_679 = arith.index_cast %add3A_678 : i32 to index
        %get3A_680 = arith.constant 0 : index
        %get3A_681 = tpu.vector_load %arg5[%get3A_679, %get3A_680] {strides = array<i32>} : memref<512x16xi32, #tpu.memory_space<vmem>>, vector<1x16xi32>,
        %get3A_682 = vector.shape_cast %get3A_681 : vector<1x16xi32> to vector<16xi32>
        %swap3A_683 = arith.constant 0 : i32
        %swap3A_684 = arith.index_cast %swap3A_683 : i32 to index
        %swap3A_685 = arith.constant 16 : index
        %swap3A_686 = tpu.vector_load %arg7[%swap3A_684, %swap3A_685] {strides = array<i32>} : memref<2x128xi32, #tpu.memory_space<vmem>>, vector<1x16xi32>,
        %swap3A_687 = vector.shape_cast %swap3A_686 : vector<1x16xi32> to vector<16xi32>
        %swap3A_688 = vector.shape_cast %get3A_682 : vector<16xi32> to vector<1x16xi32>
        tpu.vector_store %arg7[%swap3A_684, %swap3A_685], %swap3A_688 {strides = array<i32>} : memref<2x128xi32, #tpu.memory_space<vmem>>, vector<1x16xi32>,
        %mul3A_689 = arith.constant 16 : i32
        %mul3A_690 = arith.muli %add3A_660, %mul3A_689 : i32
        %add3A_691 = arith.constant 2 : i32
        %add3A_692 = arith.addi %mul3A_690, %add3A_691 : i32
        %get3A_693 = arith.index_cast %add3A_692 : i32 to index
        %get3A_694 = arith.constant 0 : index
        %get3A_695 = tpu.vector_load %arg5[%get3A_693, %get3A_694] {strides = array<i32>} : memref<512x16xi32, #tpu.memory_space<vmem>>, vector<1x16xi32>,
        %get3A_696 = vector.shape_cast %get3A_695 : vector<1x16xi32> to vector<16xi32>
        %swap3A_697 = arith.constant 0 : i32
        %swap3A_698 = arith.index_cast %swap3A_697 : i32 to index
        %swap3A_699 = arith.constant 32 : index
        %swap3A_700 = tpu.vector_load %arg7[%swap3A_698, %swap3A_699] {strides = array<i32>} : memref<2x128xi32, #tpu.memory_space<vmem>>, vector<1x16xi32>,
        %swap3A_701 = vector.shape_cast %swap3A_700 : vector<1x16xi32> to vector<16xi32>
        %swap3A_702 = vector.shape_cast %get3A_696 : vector<16xi32> to vector<1x16xi32>
        tpu.vector_store %arg7[%swap3A_698, %swap3A_699], %swap3A_702 {strides = array<i32>} : memref<2x128xi32, #tpu.memory_space<vmem>>, vector<1x16xi32>,
        %mul3A_703 = arith.constant 16 : i32
        %mul3A_704 = arith.muli %add3A_660, %mul3A_703 : i32
        %add3A_705 = arith.constant 3 : i32
        %add3A_706 = arith.addi %mul3A_704, %add3A_705 : i32
        %get3A_707 = arith.index_cast %add3A_706 : i32 to index
        %get3A_708 = arith.constant 0 : index
        %get3A_709 = tpu.vector_load %arg5[%get3A_707, %get3A_708] {strides = array<i32>} : memref<512x16xi32, #tpu.memory_space<vmem>>, vector<1x16xi32>,
        %get3A_710 = vector.shape_cast %get3A_709 : vector<1x16xi32> to vector<16xi32>
        %swap3A_711 = arith.constant 0 : i32
        %swap3A_712 = arith.index_cast %swap3A_711 : i32 to index
        %swap3A_713 = arith.constant 48 : index
        %swap3A_714 = tpu.vector_load %arg7[%swap3A_712, %swap3A_713] {strides = array<i32>} : memref<2x128xi32, #tpu.memory_space<vmem>>, vector<1x16xi32>,
        %swap3A_715 = vector.shape_cast %swap3A_714 : vector<1x16xi32> to vector<16xi32>
        %swap3A_716 = vector.shape_cast %get3A_710 : vector<16xi32> to vector<1x16xi32>
        tpu.vector_store %arg7[%swap3A_712, %swap3A_713], %swap3A_716 {strides = array<i32>} : memref<2x128xi32, #tpu.memory_space<vmem>>, vector<1x16xi32>,
        %mul3A_717 = arith.constant 16 : i32
        %mul3A_718 = arith.muli %add3A_660, %mul3A_717 : i32
        %add3A_719 = arith.constant 4 : i32
        %add3A_720 = arith.addi %mul3A_718, %add3A_719 : i32
        %get3A_721 = arith.index_cast %add3A_720 : i32 to index
        %get3A_722 = arith.constant 0 : index
        %get3A_723 = tpu.vector_load %arg5[%get3A_721, %get3A_722] {strides = array<i32>} : memref<512x16xi32, #tpu.memory_space<vmem>>, vector<1x16xi32>,
        %get3A_724 = vector.shape_cast %get3A_723 : vector<1x16xi32> to vector<16xi32>
        %swap3A_725 = arith.constant 0 : i32
        %swap3A_726 = arith.index_cast %swap3A_725 : i32 to index
        %swap3A_727 = arith.constant 64 : index
        %swap3A_728 = tpu.vector_load %arg7[%swap3A_726, %swap3A_727] {strides = array<i32>} : memref<2x128xi32, #tpu.memory_space<vmem>>, vector<1x16xi32>,
        %swap3A_729 = vector.shape_cast %swap3A_728 : vector<1x16xi32> to vector<16xi32>
        %swap3A_730 = vector.shape_cast %get3A_724 : vector<16xi32> to vector<1x16xi32>
        tpu.vector_store %arg7[%swap3A_726, %swap3A_727], %swap3A_730 {strides = array<i32>} : memref<2x128xi32, #tpu.memory_space<vmem>>, vector<1x16xi32>,
        %mul3A_731 = arith.constant 16 : i32
        %mul3A_732 = arith.muli %add3A_660, %mul3A_731 : i32
        %add3A_733 = arith.constant 5 : i32
        %add3A_734 = arith.addi %mul3A_732, %add3A_733 : i32
        %get3A_735 = arith.index_cast %add3A_734 : i32 to index
        %get3A_736 = arith.constant 0 : index
        %get3A_737 = tpu.vector_load %arg5[%get3A_735, %get3A_736] {strides = array<i32>} : memref<512x16xi32, #tpu.memory_space<vmem>>, vector<1x16xi32>,
        %get3A_738 = vector.shape_cast %get3A_737 : vector<1x16xi32> to vector<16xi32>
        %swap3A_739 = arith.constant 0 : i32
        %swap3A_740 = arith.index_cast %swap3A_739 : i32 to index
        %swap3A_741 = arith.constant 80 : index
        %swap3A_742 = tpu.vector_load %arg7[%swap3A_740, %swap3A_741] {strides = array<i32>} : memref<2x128xi32, #tpu.memory_space<vmem>>, vector<1x16xi32>,
        %swap3A_743 = vector.shape_cast %swap3A_742 : vector<1x16xi32> to vector<16xi32>
        %swap3A_744 = vector.shape_cast %get3A_738 : vector<16xi32> to vector<1x16xi32>
        tpu.vector_store %arg7[%swap3A_740, %swap3A_741], %swap3A_744 {strides = array<i32>} : memref<2x128xi32, #tpu.memory_space<vmem>>, vector<1x16xi32>,
        %mul3A_745 = arith.constant 16 : i32
        %mul3A_746 = arith.muli %add3A_660, %mul3A_745 : i32
        %add3A_747 = arith.constant 6 : i32
        %add3A_748 = arith.addi %mul3A_746, %add3A_747 : i32
        %get3A_749 = arith.index_cast %add3A_748 : i32 to index
        %get3A_750 = arith.constant 0 : index
        %get3A_751 = tpu.vector_load %arg5[%get3A_749, %get3A_750] {strides = array<i32>} : memref<512x16xi32, #tpu.memory_space<vmem>>, vector<1x16xi32>,
        %get3A_752 = vector.shape_cast %get3A_751 : vector<1x16xi32> to vector<16xi32>
        %swap3A_753 = arith.constant 0 : i32
        %swap3A_754 = arith.index_cast %swap3A_753 : i32 to index
        %swap3A_755 = arith.constant 96 : index
        %swap3A_756 = tpu.vector_load %arg7[%swap3A_754, %swap3A_755] {strides = array<i32>} : memref<2x128xi32, #tpu.memory_space<vmem>>, vector<1x16xi32>,
        %swap3A_757 = vector.shape_cast %swap3A_756 : vector<1x16xi32> to vector<16xi32>
        %swap3A_758 = vector.shape_cast %get3A_752 : vector<16xi32> to vector<1x16xi32>
        tpu.vector_store %arg7[%swap3A_754, %swap3A_755], %swap3A_758 {strides = array<i32>} : memref<2x128xi32, #tpu.memory_space<vmem>>, vector<1x16xi32>,
        %mul3A_759 = arith.constant 16 : i32
        %mul3A_760 = arith.muli %add3A_660, %mul3A_759 : i32
        %add3A_761 = arith.constant 7 : i32
        %add3A_762 = arith.addi %mul3A_760, %add3A_761 : i32
        %get3A_763 = arith.index_cast %add3A_762 : i32 to index
        %get3A_764 = arith.constant 0 : index
        %get3A_765 = tpu.vector_load %arg5[%get3A_763, %get3A_764] {strides = array<i32>} : memref<512x16xi32, #tpu.memory_space<vmem>>, vector<1x16xi32>,
        %get3A_766 = vector.shape_cast %get3A_765 : vector<1x16xi32> to vector<16xi32>
        %swap3A_767 = arith.constant 0 : i32
        %swap3A_768 = arith.index_cast %swap3A_767 : i32 to index
        %swap3A_769 = arith.constant 112 : index
        %swap3A_770 = tpu.vector_load %arg7[%swap3A_768, %swap3A_769] {strides = array<i32>} : memref<2x128xi32, #tpu.memory_space<vmem>>, vector<1x16xi32>,
        %swap3A_771 = vector.shape_cast %swap3A_770 : vector<1x16xi32> to vector<16xi32>
        %swap3A_772 = vector.shape_cast %get3A_766 : vector<16xi32> to vector<1x16xi32>
        tpu.vector_store %arg7[%swap3A_768, %swap3A_769], %swap3A_772 {strides = array<i32>} : memref<2x128xi32, #tpu.memory_space<vmem>>, vector<1x16xi32>,
        %mul3A_773 = arith.constant 16 : i32
        %mul3A_774 = arith.muli %add3A_660, %mul3A_773 : i32
        %add3A_775 = arith.constant 8 : i32
        %add3A_776 = arith.addi %mul3A_774, %add3A_775 : i32
        %get3A_777 = arith.index_cast %add3A_776 : i32 to index
        %get3A_778 = arith.constant 0 : index
        %get3A_779 = tpu.vector_load %arg5[%get3A_777, %get3A_778] {strides = array<i32>} : memref<512x16xi32, #tpu.memory_space<vmem>>, vector<1x16xi32>,
        %get3A_780 = vector.shape_cast %get3A_779 : vector<1x16xi32> to vector<16xi32>
        %swap3A_781 = arith.constant 1 : i32
        %swap3A_782 = arith.index_cast %swap3A_781 : i32 to index
        %swap3A_783 = arith.constant 0 : index
        %swap3A_784 = tpu.vector_load %arg7[%swap3A_782, %swap3A_783] {strides = array<i32>} : memref<2x128xi32, #tpu.memory_space<vmem>>, vector<1x16xi32>,
        %swap3A_785 = vector.shape_cast %swap3A_784 : vector<1x16xi32> to vector<16xi32>
        %swap3A_786 = vector.shape_cast %get3A_780 : vector<16xi32> to vector<1x16xi32>
        tpu.vector_store %arg7[%swap3A_782, %swap3A_783], %swap3A_786 {strides = array<i32>} : memref<2x128xi32, #tpu.memory_space<vmem>>, vector<1x16xi32>,
        %mul3A_787 = arith.constant 16 : i32
        %mul3A_788 = arith.muli %add3A_660, %mul3A_787 : i32
        %add3A_789 = arith.constant 9 : i32
        %add3A_790 = arith.addi %mul3A_788, %add3A_789 : i32
        %get3A_791 = arith.index_cast %add3A_790 : i32 to index
        %get3A_792 = arith.constant 0 : index
        %get3A_793 = tpu.vector_load %arg5[%get3A_791, %get3A_792] {strides = array<i32>} : memref<512x16xi32, #tpu.memory_space<vmem>>, vector<1x16xi32>,
        %get3A_794 = vector.shape_cast %get3A_793 : vector<1x16xi32> to vector<16xi32>
        %swap3A_795 = arith.constant 1 : i32
        %swap3A_796 = arith.index_cast %swap3A_795 : i32 to index
        %swap3A_797 = arith.constant 16 : index
        %swap3A_798 = tpu.vector_load %arg7[%swap3A_796, %swap3A_797] {strides = array<i32>} : memref<2x128xi32, #tpu.memory_space<vmem>>, vector<1x16xi32>,
        %swap3A_799 = vector.shape_cast %swap3A_798 : vector<1x16xi32> to vector<16xi32>
        %swap3A_800 = vector.shape_cast %get3A_794 : vector<16xi32> to vector<1x16xi32>
        tpu.vector_store %arg7[%swap3A_796, %swap3A_797], %swap3A_800 {strides = array<i32>} : memref<2x128xi32, #tpu.memory_space<vmem>>, vector<1x16xi32>,
        %mul3A_801 = arith.constant 16 : i32
        %mul3A_802 = arith.muli %add3A_660, %mul3A_801 : i32
        %add3A_803 = arith.constant 10 : i32
        %add3A_804 = arith.addi %mul3A_802, %add3A_803 : i32
        %get3A_805 = arith.index_cast %add3A_804 : i32 to index
        %get3A_806 = arith.constant 0 : index
        %get3A_807 = tpu.vector_load %arg5[%get3A_805, %get3A_806] {strides = array<i32>} : memref<512x16xi32, #tpu.memory_space<vmem>>, vector<1x16xi32>,
        %get3A_808 = vector.shape_cast %get3A_807 : vector<1x16xi32> to vector<16xi32>
        %swap3A_809 = arith.constant 1 : i32
        %swap3A_810 = arith.index_cast %swap3A_809 : i32 to index
        %swap3A_811 = arith.constant 32 : index
        %swap3A_812 = tpu.vector_load %arg7[%swap3A_810, %swap3A_811] {strides = array<i32>} : memref<2x128xi32, #tpu.memory_space<vmem>>, vector<1x16xi32>,
        %swap3A_813 = vector.shape_cast %swap3A_812 : vector<1x16xi32> to vector<16xi32>
        %swap3A_814 = vector.shape_cast %get3A_808 : vector<16xi32> to vector<1x16xi32>
        tpu.vector_store %arg7[%swap3A_810, %swap3A_811], %swap3A_814 {strides = array<i32>} : memref<2x128xi32, #tpu.memory_space<vmem>>, vector<1x16xi32>,
        %mul3A_815 = arith.constant 16 : i32
        %mul3A_816 = arith.muli %add3A_660, %mul3A_815 : i32
        %add3A_817 = arith.constant 11 : i32
        %add3A_818 = arith.addi %mul3A_816, %add3A_817 : i32
        %get3A_819 = arith.index_cast %add3A_818 : i32 to index
        %get3A_820 = arith.constant 0 : index
        %get3A_821 = tpu.vector_load %arg5[%get3A_819, %get3A_820] {strides = array<i32>} : memref<512x16xi32, #tpu.memory_space<vmem>>, vector<1x16xi32>,
        %get3A_822 = vector.shape_cast %get3A_821 : vector<1x16xi32> to vector<16xi32>
        %swap3A_823 = arith.constant 1 : i32
        %swap3A_824 = arith.index_cast %swap3A_823 : i32 to index
        %swap3A_825 = arith.constant 48 : index
        %swap3A_826 = tpu.vector_load %arg7[%swap3A_824, %swap3A_825] {strides = array<i32>} : memref<2x128xi32, #tpu.memory_space<vmem>>, vector<1x16xi32>,
        %swap3A_827 = vector.shape_cast %swap3A_826 : vector<1x16xi32> to vector<16xi32>
        %swap3A_828 = vector.shape_cast %get3A_822 : vector<16xi32> to vector<1x16xi32>
        tpu.vector_store %arg7[%swap3A_824, %swap3A_825], %swap3A_828 {strides = array<i32>} : memref<2x128xi32, #tpu.memory_space<vmem>>, vector<1x16xi32>,
        %mul3A_829 = arith.constant 16 : i32
        %mul3A_830 = arith.muli %add3A_660, %mul3A_829 : i32
        %add3A_831 = arith.constant 12 : i32
        %add3A_832 = arith.addi %mul3A_830, %add3A_831 : i32
        %get3A_833 = arith.index_cast %add3A_832 : i32 to index
        %get3A_834 = arith.constant 0 : index
        %get3A_835 = tpu.vector_load %arg5[%get3A_833, %get3A_834] {strides = array<i32>} : memref<512x16xi32, #tpu.memory_space<vmem>>, vector<1x16xi32>,
        %get3A_836 = vector.shape_cast %get3A_835 : vector<1x16xi32> to vector<16xi32>
        %swap3A_837 = arith.constant 1 : i32
        %swap3A_838 = arith.index_cast %swap3A_837 : i32 to index
        %swap3A_839 = arith.constant 64 : index
        %swap3A_840 = tpu.vector_load %arg7[%swap3A_838, %swap3A_839] {strides = array<i32>} : memref<2x128xi32, #tpu.memory_space<vmem>>, vector<1x16xi32>,
        %swap3A_841 = vector.shape_cast %swap3A_840 : vector<1x16xi32> to vector<16xi32>
        %swap3A_842 = vector.shape_cast %get3A_836 : vector<16xi32> to vector<1x16xi32>
        tpu.vector_store %arg7[%swap3A_838, %swap3A_839], %swap3A_842 {strides = array<i32>} : memref<2x128xi32, #tpu.memory_space<vmem>>, vector<1x16xi32>,
        %mul3A_843 = arith.constant 16 : i32
        %mul3A_844 = arith.muli %add3A_660, %mul3A_843 : i32
        %add3A_845 = arith.constant 13 : i32
        %add3A_846 = arith.addi %mul3A_844, %add3A_845 : i32
        %get3A_847 = arith.index_cast %add3A_846 : i32 to index
        %get3A_848 = arith.constant 0 : index
        %get3A_849 = tpu.vector_load %arg5[%get3A_847, %get3A_848] {strides = array<i32>} : memref<512x16xi32, #tpu.memory_space<vmem>>, vector<1x16xi32>,
        %get3A_850 = vector.shape_cast %get3A_849 : vector<1x16xi32> to vector<16xi32>
        %swap3A_851 = arith.constant 1 : i32
        %swap3A_852 = arith.index_cast %swap3A_851 : i32 to index
        %swap3A_853 = arith.constant 80 : index
        %swap3A_854 = tpu.vector_load %arg7[%swap3A_852, %swap3A_853] {strides = array<i32>} : memref<2x128xi32, #tpu.memory_space<vmem>>, vector<1x16xi32>,
        %swap3A_855 = vector.shape_cast %swap3A_854 : vector<1x16xi32> to vector<16xi32>
        %swap3A_856 = vector.shape_cast %get3A_850 : vector<16xi32> to vector<1x16xi32>
        tpu.vector_store %arg7[%swap3A_852, %swap3A_853], %swap3A_856 {strides = array<i32>} : memref<2x128xi32, #tpu.memory_space<vmem>>, vector<1x16xi32>,
        %mul3A_857 = arith.constant 16 : i32
        %mul3A_858 = arith.muli %add3A_660, %mul3A_857 : i32
        %add3A_859 = arith.constant 14 : i32
        %add3A_860 = arith.addi %mul3A_858, %add3A_859 : i32
        %get3A_861 = arith.index_cast %add3A_860 : i32 to index
        %get3A_862 = arith.constant 0 : index
        %get3A_863 = tpu.vector_load %arg5[%get3A_861, %get3A_862] {strides = array<i32>} : memref<512x16xi32, #tpu.memory_space<vmem>>, vector<1x16xi32>,
        %get3A_864 = vector.shape_cast %get3A_863 : vector<1x16xi32> to vector<16xi32>
        %swap3A_865 = arith.constant 1 : i32
        %swap3A_866 = arith.index_cast %swap3A_865 : i32 to index
        %swap3A_867 = arith.constant 96 : index
        %swap3A_868 = tpu.vector_load %arg7[%swap3A_866, %swap3A_867] {strides = array<i32>} : memref<2x128xi32, #tpu.memory_space<vmem>>, vector<1x16xi32>,
        %swap3A_869 = vector.shape_cast %swap3A_868 : vector<1x16xi32> to vector<16xi32>
        %swap3A_870 = vector.shape_cast %get3A_864 : vector<16xi32> to vector<1x16xi32>
        tpu.vector_store %arg7[%swap3A_866, %swap3A_867], %swap3A_870 {strides = array<i32>} : memref<2x128xi32, #tpu.memory_space<vmem>>, vector<1x16xi32>,
        %mul3A_871 = arith.constant 16 : i32
        %mul3A_872 = arith.muli %add3A_660, %mul3A_871 : i32
        %add3A_873 = arith.constant 15 : i32
        %add3A_874 = arith.addi %mul3A_872, %add3A_873 : i32
        %get3A_875 = arith.index_cast %add3A_874 : i32 to index
        %get3A_876 = arith.constant 0 : index
        %get3A_877 = tpu.vector_load %arg5[%get3A_875, %get3A_876] {strides = array<i32>} : memref<512x16xi32, #tpu.memory_space<vmem>>, vector<1x16xi32>,
        %get3A_878 = vector.shape_cast %get3A_877 : vector<1x16xi32> to vector<16xi32>
        %swap3A_879 = arith.constant 1 : i32
        %swap3A_880 = arith.index_cast %swap3A_879 : i32 to index
        %swap3A_881 = arith.constant 112 : index
        %swap3A_882 = tpu.vector_load %arg7[%swap3A_880, %swap3A_881] {strides = array<i32>} : memref<2x128xi32, #tpu.memory_space<vmem>>, vector<1x16xi32>,
        %swap3A_883 = vector.shape_cast %swap3A_882 : vector<1x16xi32> to vector<16xi32>
        %swap3A_884 = vector.shape_cast %get3A_878 : vector<16xi32> to vector<1x16xi32>
        tpu.vector_store %arg7[%swap3A_880, %swap3A_881], %swap3A_884 {strides = array<i32>} : memref<2x128xi32, #tpu.memory_space<vmem>>, vector<1x16xi32>,
        %add3A_885 = arith.constant 2 : i32
        %add3A_886 = arith.addi %add3A_611, %add3A_885 : i32
        %dma_start3A_887 = arith.constant 0 : i32
        %dma_start3A_888 = arith.constant 0 : i32
        %dma_start3A_889 = arith.constant 0 : i32
        %dma_start3A_890 = tpu.memref_slice %arg11[%dma_start3A_888, %dma_start3A_889] : memref<256x64xf32, #tpu.memory_space<vmem>> -> memref<128x64xf32, #tpu.memory_space<vmem>>
        %dma_start3A_891 = arith.constant 0 : i32
        %dma_start3A_892 = tpu.memref_slice %arg7[%dma_start3A_887, %dma_start3A_891] : memref<2x128xi32, #tpu.memory_space<vmem>> -> memref<1x128xi32, #tpu.memory_space<vmem>>
        %dma_start3A_893 = tpu.memref_squeeze %dma_start3A_892 : memref<1x128xi32, #tpu.memory_space<vmem>> -> memref<128xi32, #tpu.memory_space<vmem>>
        %dma_start3A_894 = arith.constant 0 : i32
        %dma_start3A_895 = arith.constant 0 : i32
        %dma_start3A_896 = tpu.memref_slice %arg2[%add3A_18, %dma_start3A_894, %dma_start3A_895] : memref<8x4096x64xf32, #tpu.memory_space<hbm>> -> memref<1x4096x64xf32, #tpu.memory_space<hbm>>
        %dma_start3A_897 = tpu.memref_squeeze %dma_start3A_896 : memref<1x4096x64xf32, #tpu.memory_space<hbm>> -> memref<4096x64xf32, #tpu.memory_space<hbm>>
        %dma_start3A_898 = arith.constant 0 : i32
        %dma_start3A_899 = arith.constant 0 : i32
        %dma_start3A_900 = tpu.memref_slice %dma_start3A_897[%dma_start3A_898, %dma_start3A_899] : memref<4096x64xf32, #tpu.memory_space<hbm>> -> memref<4096x64xf32, #tpu.memory_space<hbm>>
        tpu.enqueue_indirect_dma source(%dma_start3A_900 : memref<4096x64xf32, #tpu.memory_space<hbm>>) target(%dma_start3A_890 : memref<128x64xf32, #tpu.memory_space<vmem>>) offsets(%dma_start3A_893 : memref<128xi32, #tpu.memory_space<vmem>>) semaphore(%arg15 : memref<!tpu.dma_semaphore, #tpu.memory_space<semaphore_mem>>)
        %dma_start3A_901 = arith.constant 1 : i32
        %dma_start3A_902 = arith.constant 128 : i32
        %dma_start3A_903 = arith.constant 0 : i32
        %dma_start3A_904 = tpu.memref_slice %arg11[%dma_start3A_902, %dma_start3A_903] : memref<256x64xf32, #tpu.memory_space<vmem>> -> memref<128x64xf32, #tpu.memory_space<vmem>>
        %dma_start3A_905 = arith.constant 0 : i32
        %dma_start3A_906 = tpu.memref_slice %arg7[%dma_start3A_901, %dma_start3A_905] : memref<2x128xi32, #tpu.memory_space<vmem>> -> memref<1x128xi32, #tpu.memory_space<vmem>>
        %dma_start3A_907 = tpu.memref_squeeze %dma_start3A_906 : memref<1x128xi32, #tpu.memory_space<vmem>> -> memref<128xi32, #tpu.memory_space<vmem>>
        %dma_start3A_908 = arith.constant 0 : i32
        %dma_start3A_909 = arith.constant 0 : i32
        %dma_start3A_910 = tpu.memref_slice %arg2[%add3A_18, %dma_start3A_908, %dma_start3A_909] : memref<8x4096x64xf32, #tpu.memory_space<hbm>> -> memref<1x4096x64xf32, #tpu.memory_space<hbm>>
        %dma_start3A_911 = tpu.memref_squeeze %dma_start3A_910 : memref<1x4096x64xf32, #tpu.memory_space<hbm>> -> memref<4096x64xf32, #tpu.memory_space<hbm>>
        %dma_start3A_912 = arith.constant 0 : i32
        %dma_start3A_913 = arith.constant 0 : i32
        %dma_start3A_914 = tpu.memref_slice %dma_start3A_911[%dma_start3A_912, %dma_start3A_913] : memref<4096x64xf32, #tpu.memory_space<hbm>> -> memref<4096x64xf32, #tpu.memory_space<hbm>>
        tpu.enqueue_indirect_dma source(%dma_start3A_914 : memref<4096x64xf32, #tpu.memory_space<hbm>>) target(%dma_start3A_904 : memref<128x64xf32, #tpu.memory_space<vmem>>) offsets(%dma_start3A_907 : memref<128xi32, #tpu.memory_space<vmem>>) semaphore(%arg15 : memref<!tpu.dma_semaphore, #tpu.memory_space<semaphore_mem>>)
      } else {
      }
    }
    %scan3A_445 = arith.constant 8 : i32
    %add3A_446 = arith.constant 7680 : i32
    %add3A_447 = arith.addi %mul3A_36, %add3A_446 : i32
    %dma_wait3A = arith.constant 0 : i32
    %dma_wait3A_448 = tpu.memref_slice %arg4[%add3A_447, %dma_wait3A] : memref<262144x64xf32, #tpu.memory_space<hbm>> -> memref<256x64xf32, #tpu.memory_space<hbm>>
    %dma_wait3A_449 = arith.constant 0 : i32
    %dma_wait3A_450 = tpu.memref_slice %arg4[%add3A_447, %dma_wait3A_449] : memref<262144x64xf32, #tpu.memory_space<hbm>> -> memref<256x64xf32, #tpu.memory_space<hbm>>
    tpu.wait_dma2 semaphore(%arg20 : memref<!tpu.dma_semaphore, #tpu.memory_space<semaphore_mem>>) src(%arg12 : memref<256x64xf32, #tpu.memory_space<vmem>>) dst(%dma_wait3A_450 : memref<256x64xf32, #tpu.memory_space<hbm>>)
    %add3A_451 = arith.constant 7936 : i32
    %add3A_452 = arith.addi %mul3A_36, %add3A_451 : i32
    %dma_wait3A_453 = arith.constant 0 : i32
    %dma_wait3A_454 = tpu.memref_slice %arg4[%add3A_452, %dma_wait3A_453] : memref<262144x64xf32, #tpu.memory_space<hbm>> -> memref<256x64xf32, #tpu.memory_space<hbm>>
    %dma_wait3A_455 = arith.constant 0 : i32
    %dma_wait3A_456 = tpu.memref_slice %arg4[%add3A_452, %dma_wait3A_455] : memref<262144x64xf32, #tpu.memory_space<hbm>> -> memref<256x64xf32, #tpu.memory_space<hbm>>
    tpu.wait_dma2 semaphore(%arg21 : memref<!tpu.dma_semaphore, #tpu.memory_space<semaphore_mem>>) src(%arg13 : memref<256x64xf32, #tpu.memory_space<vmem>>) dst(%dma_wait3A_456 : memref<256x64xf32, #tpu.memory_space<hbm>>)
    return
  }
}

#map = affine_map<(d0, d1) -> (0, 0, 0)>
#map1 = affine_map<(d0, d1) -> (0, 0)>
module attributes {stable_mosaic.version = 14 : i64} {
  func.func @gather_kernel(%arg0: i32, %arg1: i32, %arg2: memref<8x4096x64xf32, #tpu.memory_space<hbm>>, %arg3: memref<8x4096x16xi32, #tpu.memory_space<hbm>>, %arg4: memref<262144x64xf32, #tpu.memory_space<hbm>>, %arg5: memref<512x16xi32, #tpu.memory_space<vmem>>, %arg6: memref<2x128xi32, #tpu.memory_space<vmem>>, %arg7: memref<2x128xi32, #tpu.memory_space<vmem>>, %arg8: memref<2x128xi32, #tpu.memory_space<vmem>>, %arg9: memref<2x128xi32, #tpu.memory_space<vmem>>, %arg10: memref<256x64xf32, #tpu.memory_space<vmem>>, %arg11: memref<256x64xf32, #tpu.memory_space<vmem>>, %arg12: memref<256x64xf32, #tpu.memory_space<vmem>>, %arg13: memref<256x64xf32, #tpu.memory_space<vmem>>, %arg14: memref<!tpu.dma_semaphore, #tpu.memory_space<semaphore_mem>>, %arg15: memref<!tpu.dma_semaphore, #tpu.memory_space<semaphore_mem>>, %arg16: memref<!tpu.dma_semaphore, #tpu.memory_space<semaphore_mem>>, %arg17: memref<!tpu.dma_semaphore, #tpu.memory_space<semaphore_mem>>, %arg18: memref<!tpu.dma_semaphore, #tpu.memory_space<semaphore_mem>>, %arg19: memref<!tpu.dma_semaphore, #tpu.memory_space<semaphore_mem>>, %arg20: memref<!tpu.dma_semaphore, #tpu.memory_space<semaphore_mem>>, %arg21: memref<!tpu.dma_semaphore, #tpu.memory_space<semaphore_mem>>) attributes {dimension_semantics = [#tpu.dimension_semantics<core_parallel>, #tpu.dimension_semantics<subcore_parallel>], iteration_bounds = array<i64: 2, 16>, scalar_prefetch = 0 : i64, scratch_operands = 17 : i64, tpu.core_type = #tpu.core_type<sc_vector_subcore>, window_params = [{transform_indices = #map}, {transform_indices = #map}, {transform_indices = #map1}]} {
    %mul3A = arith.constant 2 : i32
    %mul3A_0 = arith.muli %arg1, %mul3A : i32
    %add3A = arith.addi %mul3A_0, %arg0 : i32
    %jit3A = arith.constant 8 : i32
    %div3A = arith.divsi %add3A, %jit3A : i32
    %sign3A = arith.constant 0 : i32
    %sign3A_1 = arith.cmpi sgt, %add3A, %sign3A : i32
    %sign3A_2 = arith.extui %sign3A_1 : i1 to i32
    %sign3A_3 = arith.constant 0 : i32
    %sign3A_4 = arith.cmpi slt, %add3A, %sign3A_3 : i32
    %sign3A_5 = arith.extui %sign3A_4 : i1 to i32
    %sign3A_6 = arith.subi %sign3A_2, %sign3A_5 : i32
    %sign3A_7 = arith.constant 0 : i32
    %sign3A_8 = arith.cmpi sgt, %jit3A, %sign3A_7 : i32
    %sign3A_9 = arith.extui %sign3A_8 : i1 to i32
    %sign3A_10 = arith.constant 0 : i32
    %sign3A_11 = arith.cmpi slt, %jit3A, %sign3A_10 : i32
    %sign3A_12 = arith.extui %sign3A_11 : i1 to i32
    %sign3A_13 = arith.subi %sign3A_9, %sign3A_12 : i32
    %ne3A = arith.cmpi ne, %sign3A_6, %sign3A_13 : i32
    %rem3A = arith.remsi %add3A, %jit3A : i32
    %ne3A_14 = arith.constant 0 : i32
    %ne3A_15 = arith.cmpi ne, %rem3A, %ne3A_14 : i32
    %and3A = arith.andi %ne3A, %ne3A_15 : i1
    %sub3A = arith.constant 1 : i32
    %sub3A_16 = arith.subi %div3A, %sub3A : i32
    %select_n3A = arith.select %and3A, %sub3A_16, %div3A : i32
    %add3A_17 = arith.constant 4 : i32
    %add3A_18 = arith.addi %add3A_17, %select_n3A : i32
    %jit3A_19 = arith.constant 8 : i32
    %eq3A = arith.constant 0 : i32
    %eq3A_20 = arith.cmpi eq, %jit3A_19, %eq3A : i32
    %jit3A_21 = arith.constant 1 : i32
    %select_n3A_22 = arith.select %eq3A_20, %jit3A_21, %jit3A_19 : i32
    %rem3A_23 = arith.remsi %add3A, %select_n3A_22 : i32
    %ne3A_24 = arith.constant 0 : i32
    %ne3A_25 = arith.cmpi ne, %rem3A_23, %ne3A_24 : i32
    %lt3A = arith.constant 0 : i32
    %lt3A_26 = arith.cmpi slt, %rem3A_23, %lt3A : i32
    %lt3A_27 = arith.constant 0 : i32
    %lt3A_28 = arith.cmpi slt, %select_n3A_22, %lt3A_27 : i32
    %ne3A_29 = arith.xori %lt3A_26, %lt3A_28 : i1
    %and3A_30 = arith.andi %ne3A_29, %ne3A_25 : i1
    %add3A_31 = arith.addi %rem3A_23, %select_n3A_22 : i32
    %select_n3A_32 = arith.select %and3A_30, %add3A_31, %rem3A_23 : i32
    %mul3A_33 = arith.constant 512 : i32
    %mul3A_34 = arith.muli %select_n3A_32, %mul3A_33 : i32
    %mul3A_35 = arith.constant 8192 : i32
    %mul3A_36 = arith.muli %add3A, %mul3A_35 : i32
    "tpu.region"() ({
      %run_scoped3A = tpu.sem_alloc : memref<!tpu.dma_semaphore, #tpu.memory_space<semaphore_mem>>
      %dma_start3A_457 = arith.constant 0 : i32
      %dma_start3A_458 = tpu.memref_slice %arg3[%add3A_18, %mul3A_34, %dma_start3A_457] : memref<8x4096x16xi32, #tpu.memory_space<hbm>> -> memref<1x512x16xi32, #tpu.memory_space<hbm>>
      %dma_start3A_459 = tpu.memref_squeeze %dma_start3A_458 : memref<1x512x16xi32, #tpu.memory_space<hbm>> -> memref<512x16xi32, #tpu.memory_space<hbm>>
      %dma_start3A_460 = arith.constant 0 : i32
      %dma_start3A_461 = tpu.memref_slice %arg3[%add3A_18, %mul3A_34, %dma_start3A_460] : memref<8x4096x16xi32, #tpu.memory_space<hbm>> -> memref<1x512x16xi32, #tpu.memory_space<hbm>>
      %dma_start3A_462 = tpu.memref_squeeze %dma_start3A_461 : memref<1x512x16xi32, #tpu.memory_space<hbm>> -> memref<512x16xi32, #tpu.memory_space<hbm>>
      tpu.enqueue_dma source(%dma_start3A_462 : memref<512x16xi32, #tpu.memory_space<hbm>>) target(%arg5 : memref<512x16xi32, #tpu.memory_space<vmem>>) target_semaphore(%run_scoped3A : memref<!tpu.dma_semaphore, #tpu.memory_space<semaphore_mem>>)
      %dma_wait3A_463 = arith.constant 0 : i32
      %dma_wait3A_464 = tpu.memref_slice %arg3[%add3A_18, %mul3A_34, %dma_wait3A_463] : memref<8x4096x16xi32, #tpu.memory_space<hbm>> -> memref<1x512x16xi32, #tpu.memory_space<hbm>>
      %dma_wait3A_465 = tpu.memref_squeeze %dma_wait3A_464 : memref<1x512x16xi32, #tpu.memory_space<hbm>> -> memref<512x16xi32, #tpu.memory_space<hbm>>
      %dma_wait3A_466 = arith.constant 0 : i32
      %dma_wait3A_467 = tpu.memref_slice %arg3[%add3A_18, %mul3A_34, %dma_wait3A_466] : memref<8x4096x16xi32, #tpu.memory_space<hbm>> -> memref<1x512x16xi32, #tpu.memory_space<hbm>>
      %dma_wait3A_468 = tpu.memref_squeeze %dma_wait3A_467 : memref<1x512x16xi32, #tpu.memory_space<hbm>> -> memref<512x16xi32, #tpu.memory_space<hbm>>
      tpu.wait_dma2 semaphore(%run_scoped3A : memref<!tpu.dma_semaphore, #tpu.memory_space<semaphore_mem>>) src(%dma_wait3A_468 : memref<512x16xi32, #tpu.memory_space<hbm>>) dst(%arg5 : memref<512x16xi32, #tpu.memory_space<vmem>>)
      tpu.yield
    }) : () -> ()
    %get3A = arith.constant 0 : i32
    %get3A_37 = arith.index_cast %get3A : i32 to index
    %get3A_38 = arith.constant 0 : index
    %get3A_39 = tpu.vector_load %arg5[%get3A_37, %get3A_38] {strides = array<i32>} : memref<512x16xi32, #tpu.memory_space<vmem>>, vector<1x16xi32>,
    %get3A_40 = vector.shape_cast %get3A_39 : vector<1x16xi32> to vector<16xi32>
    %swap3A = arith.constant 0 : i32
    %swap3A_41 = arith.index_cast %swap3A : i32 to index
    %swap3A_42 = arith.constant 0 : index
    %swap3A_43 = tpu.vector_load %arg6[%swap3A_41, %swap3A_42] {strides = array<i32>} : memref<2x128xi32, #tpu.memory_space<vmem>>, vector<1x16xi32>,
    %swap3A_44 = vector.shape_cast %swap3A_43 : vector<1x16xi32> to vector<16xi32>
    %swap3A_45 = vector.shape_cast %get3A_40 : vector<16xi32> to vector<1x16xi32>
    tpu.vector_store %arg6[%swap3A_41, %swap3A_42], %swap3A_45 {strides = array<i32>} : memref<2x128xi32, #tpu.memory_space<vmem>>, vector<1x16xi32>,
    %get3A_46 = arith.constant 1 : i32
    %get3A_47 = arith.index_cast %get3A_46 : i32 to index
    %get3A_48 = arith.constant 0 : index
    %get3A_49 = tpu.vector_load %arg5[%get3A_47, %get3A_48] {strides = array<i32>} : memref<512x16xi32, #tpu.memory_space<vmem>>, vector<1x16xi32>,
    %get3A_50 = vector.shape_cast %get3A_49 : vector<1x16xi32> to vector<16xi32>
    %swap3A_51 = arith.constant 0 : i32
    %swap3A_52 = arith.index_cast %swap3A_51 : i32 to index
    %swap3A_53 = arith.constant 16 : index
    %swap3A_54 = tpu.vector_load %arg6[%swap3A_52, %swap3A_53] {strides = array<i32>} : memref<2x128xi32, #tpu.memory_space<vmem>>, vector<1x16xi32>,
    %swap3A_55 = vector.shape_cast %swap3A_54 : vector<1x16xi32> to vector<16xi32>
    %swap3A_56 = vector.shape_cast %get3A_50 : vector<16xi32> to vector<1x16xi32>
    tpu.vector_store %arg6[%swap3A_52, %swap3A_53], %swap3A_56 {strides = array<i32>} : memref<2x128xi32, #tpu.memory_space<vmem>>, vector<1x16xi32>,
    %get3A_57 = arith.constant 2 : i32
    %get3A_58 = arith.index_cast %get3A_57 : i32 to index
    %get3A_59 = arith.constant 0 : index
    %get3A_60 = tpu.vector_load %arg5[%get3A_58, %get3A_59] {strides = array<i32>} : memref<512x16xi32, #tpu.memory_space<vmem>>, vector<1x16xi32>,
    %get3A_61 = vector.shape_cast %get3A_60 : vector<1x16xi32> to vector<16xi32>
    %swap3A_62 = arith.constant 0 : i32
    %swap3A_63 = arith.index_cast %swap3A_62 : i32 to index
    %swap3A_64 = arith.constant 32 : index
    %swap3A_65 = tpu.vector_load %arg6[%swap3A_63, %swap3A_64] {strides = array<i32>} : memref<2x128xi32, #tpu.memory_space<vmem>>, vector<1x16xi32>,
    %swap3A_66 = vector.shape_cast %swap3A_65 : vector<1x16xi32> to vector<16xi32>
    %swap3A_67 = vector.shape_cast %get3A_61 : vector<16xi32> to vector<1x16xi32>
    tpu.vector_store %arg6[%swap3A_63, %swap3A_64], %swap3A_67 {strides = array<i32>} : memref<2x128xi32, #tpu.memory_space<vmem>>, vector<1x16xi32>,
    %get3A_68 = arith.constant 3 : i32
    %get3A_69 = arith.index_cast %get3A_68 : i32 to index
    %get3A_70 = arith.constant 0 : index
    %get3A_71 = tpu.vector_load %arg5[%get3A_69, %get3A_70] {strides = array<i32>} : memref<512x16xi32, #tpu.memory_space<vmem>>, vector<1x16xi32>,
    %get3A_72 = vector.shape_cast %get3A_71 : vector<1x16xi32> to vector<16xi32>
    %swap3A_73 = arith.constant 0 : i32
    %swap3A_74 = arith.index_cast %swap3A_73 : i32 to index
    %swap3A_75 = arith.constant 48 : index
    %swap3A_76 = tpu.vector_load %arg6[%swap3A_74, %swap3A_75] {strides = array<i32>} : memref<2x128xi32, #tpu.memory_space<vmem>>, vector<1x16xi32>,
    %swap3A_77 = vector.shape_cast %swap3A_76 : vector<1x16xi32> to vector<16xi32>
    %swap3A_78 = vector.shape_cast %get3A_72 : vector<16xi32> to vector<1x16xi32>
    tpu.vector_store %arg6[%swap3A_74, %swap3A_75], %swap3A_78 {strides = array<i32>} : memref<2x128xi32, #tpu.memory_space<vmem>>, vector<1x16xi32>,
    %get3A_79 = arith.constant 4 : i32
    %get3A_80 = arith.index_cast %get3A_79 : i32 to index
    %get3A_81 = arith.constant 0 : index
    %get3A_82 = tpu.vector_load %arg5[%get3A_80, %get3A_81] {strides = array<i32>} : memref<512x16xi32, #tpu.memory_space<vmem>>, vector<1x16xi32>,
    %get3A_83 = vector.shape_cast %get3A_82 : vector<1x16xi32> to vector<16xi32>
    %swap3A_84 = arith.constant 0 : i32
    %swap3A_85 = arith.index_cast %swap3A_84 : i32 to index
    %swap3A_86 = arith.constant 64 : index
    %swap3A_87 = tpu.vector_load %arg6[%swap3A_85, %swap3A_86] {strides = array<i32>} : memref<2x128xi32, #tpu.memory_space<vmem>>, vector<1x16xi32>,
    %swap3A_88 = vector.shape_cast %swap3A_87 : vector<1x16xi32> to vector<16xi32>
    %swap3A_89 = vector.shape_cast %get3A_83 : vector<16xi32> to vector<1x16xi32>
    tpu.vector_store %arg6[%swap3A_85, %swap3A_86], %swap3A_89 {strides = array<i32>} : memref<2x128xi32, #tpu.memory_space<vmem>>, vector<1x16xi32>,
    %get3A_90 = arith.constant 5 : i32
    %get3A_91 = arith.index_cast %get3A_90 : i32 to index
    %get3A_92 = arith.constant 0 : index
    %get3A_93 = tpu.vector_load %arg5[%get3A_91, %get3A_92] {strides = array<i32>} : memref<512x16xi32, #tpu.memory_space<vmem>>, vector<1x16xi32>,
    %get3A_94 = vector.shape_cast %get3A_93 : vector<1x16xi32> to vector<16xi32>
    %swap3A_95 = arith.constant 0 : i32
    %swap3A_96 = arith.index_cast %swap3A_95 : i32 to index
    %swap3A_97 = arith.constant 80 : index
    %swap3A_98 = tpu.vector_load %arg6[%swap3A_96, %swap3A_97] {strides = array<i32>} : memref<2x128xi32, #tpu.memory_space<vmem>>, vector<1x16xi32>,
    %swap3A_99 = vector.shape_cast %swap3A_98 : vector<1x16xi32> to vector<16xi32>
    %swap3A_100 = vector.shape_cast %get3A_94 : vector<16xi32> to vector<1x16xi32>
    tpu.vector_store %arg6[%swap3A_96, %swap3A_97], %swap3A_100 {strides = array<i32>} : memref<2x128xi32, #tpu.memory_space<vmem>>, vector<1x16xi32>,
    %get3A_101 = arith.constant 6 : i32
    %get3A_102 = arith.index_cast %get3A_101 : i32 to index
    %get3A_103 = arith.constant 0 : index
    %get3A_104 = tpu.vector_load %arg5[%get3A_102, %get3A_103] {strides = array<i32>} : memref<512x16xi32, #tpu.memory_space<vmem>>, vector<1x16xi32>,
    %get3A_105 = vector.shape_cast %get3A_104 : vector<1x16xi32> to vector<16xi32>
    %swap3A_106 = arith.constant 0 : i32
    %swap3A_107 = arith.index_cast %swap3A_106 : i32 to index
    %swap3A_108 = arith.constant 96 : index
    %swap3A_109 = tpu.vector_load %arg6[%swap3A_107, %swap3A_108] {strides = array<i32>} : memref<2x128xi32, #tpu.memory_space<vmem>>, vector<1x16xi32>,
    %swap3A_110 = vector.shape_cast %swap3A_109 : vector<1x16xi32> to vector<16xi32>
    %swap3A_111 = vector.shape_cast %get3A_105 : vector<16xi32> to vector<1x16xi32>
    tpu.vector_store %arg6[%swap3A_107, %swap3A_108], %swap3A_111 {strides = array<i32>} : memref<2x128xi32, #tpu.memory_space<vmem>>, vector<1x16xi32>,
    %get3A_112 = arith.constant 7 : i32
    %get3A_113 = arith.index_cast %get3A_112 : i32 to index
    %get3A_114 = arith.constant 0 : index
    %get3A_115 = tpu.vector_load %arg5[%get3A_113, %get3A_114] {strides = array<i32>} : memref<512x16xi32, #tpu.memory_space<vmem>>, vector<1x16xi32>,
    %get3A_116 = vector.shape_cast %get3A_115 : vector<1x16xi32> to vector<16xi32>
    %swap3A_117 = arith.constant 0 : i32
    %swap3A_118 = arith.index_cast %swap3A_117 : i32 to index
    %swap3A_119 = arith.constant 112 : index
    %swap3A_120 = tpu.vector_load %arg6[%swap3A_118, %swap3A_119] {strides = array<i32>} : memref<2x128xi32, #tpu.memory_space<vmem>>, vector<1x16xi32>,
    %swap3A_121 = vector.shape_cast %swap3A_120 : vector<1x16xi32> to vector<16xi32>
    %swap3A_122 = vector.shape_cast %get3A_116 : vector<16xi32> to vector<1x16xi32>
    tpu.vector_store %arg6[%swap3A_118, %swap3A_119], %swap3A_122 {strides = array<i32>} : memref<2x128xi32, #tpu.memory_space<vmem>>, vector<1x16xi32>,
    %get3A_123 = arith.constant 8 : i32
    %get3A_124 = arith.index_cast %get3A_123 : i32 to index
    %get3A_125 = arith.constant 0 : index
    %get3A_126 = tpu.vector_load %arg5[%get3A_124, %get3A_125] {strides = array<i32>} : memref<512x16xi32, #tpu.memory_space<vmem>>, vector<1x16xi32>,
    %get3A_127 = vector.shape_cast %get3A_126 : vector<1x16xi32> to vector<16xi32>
    %swap3A_128 = arith.constant 1 : i32
    %swap3A_129 = arith.index_cast %swap3A_128 : i32 to index
    %swap3A_130 = arith.constant 0 : index
    %swap3A_131 = tpu.vector_load %arg6[%swap3A_129, %swap3A_130] {strides = array<i32>} : memref<2x128xi32, #tpu.memory_space<vmem>>, vector<1x16xi32>,
    %swap3A_132 = vector.shape_cast %swap3A_131 : vector<1x16xi32> to vector<16xi32>
    %swap3A_133 = vector.shape_cast %get3A_127 : vector<16xi32> to vector<1x16xi32>
    tpu.vector_store %arg6[%swap3A_129, %swap3A_130], %swap3A_133 {strides = array<i32>} : memref<2x128xi32, #tpu.memory_space<vmem>>, vector<1x16xi32>,
    %get3A_134 = arith.constant 9 : i32
    %get3A_135 = arith.index_cast %get3A_134 : i32 to index
    %get3A_136 = arith.constant 0 : index
    %get3A_137 = tpu.vector_load %arg5[%get3A_135, %get3A_136] {strides = array<i32>} : memref<512x16xi32, #tpu.memory_space<vmem>>, vector<1x16xi32>,
    %get3A_138 = vector.shape_cast %get3A_137 : vector<1x16xi32> to vector<16xi32>
    %swap3A_139 = arith.constant 1 : i32
    %swap3A_140 = arith.index_cast %swap3A_139 : i32 to index
    %swap3A_141 = arith.constant 16 : index
    %swap3A_142 = tpu.vector_load %arg6[%swap3A_140, %swap3A_141] {strides = array<i32>} : memref<2x128xi32, #tpu.memory_space<vmem>>, vector<1x16xi32>,
    %swap3A_143 = vector.shape_cast %swap3A_142 : vector<1x16xi32> to vector<16xi32>
    %swap3A_144 = vector.shape_cast %get3A_138 : vector<16xi32> to vector<1x16xi32>
    tpu.vector_store %arg6[%swap3A_140, %swap3A_141], %swap3A_144 {strides = array<i32>} : memref<2x128xi32, #tpu.memory_space<vmem>>, vector<1x16xi32>,
    %get3A_145 = arith.constant 10 : i32
    %get3A_146 = arith.index_cast %get3A_145 : i32 to index
    %get3A_147 = arith.constant 0 : index
    %get3A_148 = tpu.vector_load %arg5[%get3A_146, %get3A_147] {strides = array<i32>} : memref<512x16xi32, #tpu.memory_space<vmem>>, vector<1x16xi32>,
    %get3A_149 = vector.shape_cast %get3A_148 : vector<1x16xi32> to vector<16xi32>
    %swap3A_150 = arith.constant 1 : i32
    %swap3A_151 = arith.index_cast %swap3A_150 : i32 to index
    %swap3A_152 = arith.constant 32 : index
    %swap3A_153 = tpu.vector_load %arg6[%swap3A_151, %swap3A_152] {strides = array<i32>} : memref<2x128xi32, #tpu.memory_space<vmem>>, vector<1x16xi32>,
    %swap3A_154 = vector.shape_cast %swap3A_153 : vector<1x16xi32> to vector<16xi32>
    %swap3A_155 = vector.shape_cast %get3A_149 : vector<16xi32> to vector<1x16xi32>
    tpu.vector_store %arg6[%swap3A_151, %swap3A_152], %swap3A_155 {strides = array<i32>} : memref<2x128xi32, #tpu.memory_space<vmem>>, vector<1x16xi32>,
    %get3A_156 = arith.constant 11 : i32
    %get3A_157 = arith.index_cast %get3A_156 : i32 to index
    %get3A_158 = arith.constant 0 : index
    %get3A_159 = tpu.vector_load %arg5[%get3A_157, %get3A_158] {strides = array<i32>} : memref<512x16xi32, #tpu.memory_space<vmem>>, vector<1x16xi32>,
    %get3A_160 = vector.shape_cast %get3A_159 : vector<1x16xi32> to vector<16xi32>
    %swap3A_161 = arith.constant 1 : i32
    %swap3A_162 = arith.index_cast %swap3A_161 : i32 to index
    %swap3A_163 = arith.constant 48 : index
    %swap3A_164 = tpu.vector_load %arg6[%swap3A_162, %swap3A_163] {strides = array<i32>} : memref<2x128xi32, #tpu.memory_space<vmem>>, vector<1x16xi32>,
    %swap3A_165 = vector.shape_cast %swap3A_164 : vector<1x16xi32> to vector<16xi32>
    %swap3A_166 = vector.shape_cast %get3A_160 : vector<16xi32> to vector<1x16xi32>
    tpu.vector_store %arg6[%swap3A_162, %swap3A_163], %swap3A_166 {strides = array<i32>} : memref<2x128xi32, #tpu.memory_space<vmem>>, vector<1x16xi32>,
    %get3A_167 = arith.constant 12 : i32
    %get3A_168 = arith.index_cast %get3A_167 : i32 to index
    %get3A_169 = arith.constant 0 : index
    %get3A_170 = tpu.vector_load %arg5[%get3A_168, %get3A_169] {strides = array<i32>} : memref<512x16xi32, #tpu.memory_space<vmem>>, vector<1x16xi32>,
    %get3A_171 = vector.shape_cast %get3A_170 : vector<1x16xi32> to vector<16xi32>
    %swap3A_172 = arith.constant 1 : i32
    %swap3A_173 = arith.index_cast %swap3A_172 : i32 to index
    %swap3A_174 = arith.constant 64 : index
    %swap3A_175 = tpu.vector_load %arg6[%swap3A_173, %swap3A_174] {strides = array<i32>} : memref<2x128xi32, #tpu.memory_space<vmem>>, vector<1x16xi32>,
    %swap3A_176 = vector.shape_cast %swap3A_175 : vector<1x16xi32> to vector<16xi32>
    %swap3A_177 = vector.shape_cast %get3A_171 : vector<16xi32> to vector<1x16xi32>
    tpu.vector_store %arg6[%swap3A_173, %swap3A_174], %swap3A_177 {strides = array<i32>} : memref<2x128xi32, #tpu.memory_space<vmem>>, vector<1x16xi32>,
    %get3A_178 = arith.constant 13 : i32
    %get3A_179 = arith.index_cast %get3A_178 : i32 to index
    %get3A_180 = arith.constant 0 : index
    %get3A_181 = tpu.vector_load %arg5[%get3A_179, %get3A_180] {strides = array<i32>} : memref<512x16xi32, #tpu.memory_space<vmem>>, vector<1x16xi32>,
    %get3A_182 = vector.shape_cast %get3A_181 : vector<1x16xi32> to vector<16xi32>
    %swap3A_183 = arith.constant 1 : i32
    %swap3A_184 = arith.index_cast %swap3A_183 : i32 to index
    %swap3A_185 = arith.constant 80 : index
    %swap3A_186 = tpu.vector_load %arg6[%swap3A_184, %swap3A_185] {strides = array<i32>} : memref<2x128xi32, #tpu.memory_space<vmem>>, vector<1x16xi32>,
    %swap3A_187 = vector.shape_cast %swap3A_186 : vector<1x16xi32> to vector<16xi32>
    %swap3A_188 = vector.shape_cast %get3A_182 : vector<16xi32> to vector<1x16xi32>
    tpu.vector_store %arg6[%swap3A_184, %swap3A_185], %swap3A_188 {strides = array<i32>} : memref<2x128xi32, #tpu.memory_space<vmem>>, vector<1x16xi32>,
    %get3A_189 = arith.constant 14 : i32
    %get3A_190 = arith.index_cast %get3A_189 : i32 to index
    %get3A_191 = arith.constant 0 : index
    %get3A_192 = tpu.vector_load %arg5[%get3A_190, %get3A_191] {strides = array<i32>} : memref<512x16xi32, #tpu.memory_space<vmem>>, vector<1x16xi32>,
    %get3A_193 = vector.shape_cast %get3A_192 : vector<1x16xi32> to vector<16xi32>
    %swap3A_194 = arith.constant 1 : i32
    %swap3A_195 = arith.index_cast %swap3A_194 : i32 to index
    %swap3A_196 = arith.constant 96 : index
    %swap3A_197 = tpu.vector_load %arg6[%swap3A_195, %swap3A_196] {strides = array<i32>} : memref<2x128xi32, #tpu.memory_space<vmem>>, vector<1x16xi32>,
    %swap3A_198 = vector.shape_cast %swap3A_197 : vector<1x16xi32> to vector<16xi32>
    %swap3A_199 = vector.shape_cast %get3A_193 : vector<16xi32> to vector<1x16xi32>
    tpu.vector_store %arg6[%swap3A_195, %swap3A_196], %swap3A_199 {strides = array<i32>} : memref<2x128xi32, #tpu.memory_space<vmem>>, vector<1x16xi32>,
    %get3A_200 = arith.constant 15 : i32
    %get3A_201 = arith.index_cast %get3A_200 : i32 to index
    %get3A_202 = arith.constant 0 : index
    %get3A_203 = tpu.vector_load %arg5[%get3A_201, %get3A_202] {strides = array<i32>} : memref<512x16xi32, #tpu.memory_space<vmem>>, vector<1x16xi32>,
    %get3A_204 = vector.shape_cast %get3A_203 : vector<1x16xi32> to vector<16xi32>
    %swap3A_205 = arith.constant 1 : i32
    %swap3A_206 = arith.index_cast %swap3A_205 : i32 to index
    %swap3A_207 = arith.constant 112 : index
    %swap3A_208 = tpu.vector_load %arg6[%swap3A_206, %swap3A_207] {strides = array<i32>} : memref<2x128xi32, #tpu.memory_space<vmem>>, vector<1x16xi32>,
    %swap3A_209 = vector.shape_cast %swap3A_208 : vector<1x16xi32> to vector<16xi32>
    %swap3A_210 = vector.shape_cast %get3A_204 : vector<16xi32> to vector<1x16xi32>
    tpu.vector_store %arg6[%swap3A_206, %swap3A_207], %swap3A_210 {strides = array<i32>} : memref<2x128xi32, #tpu.memory_space<vmem>>, vector<1x16xi32>,
    %dma_start3A = arith.constant 0 : i32
    %dma_start3A_211 = arith.constant 0 : i32
    %dma_start3A_212 = arith.constant 0 : i32
    %dma_start3A_213 = tpu.memref_slice %arg10[%dma_start3A_211, %dma_start3A_212] : memref<256x64xf32, #tpu.memory_space<vmem>> -> memref<128x64xf32, #tpu.memory_space<vmem>>
    %dma_start3A_214 = arith.constant 0 : i32
    %dma_start3A_215 = tpu.memref_slice %arg6[%dma_start3A, %dma_start3A_214] : memref<2x128xi32, #tpu.memory_space<vmem>> -> memref<1x128xi32, #tpu.memory_space<vmem>>
    %dma_start3A_216 = tpu.memref_squeeze %dma_start3A_215 : memref<1x128xi32, #tpu.memory_space<vmem>> -> memref<128xi32, #tpu.memory_space<vmem>>
    %dma_start3A_217 = arith.constant 0 : i32
    %dma_start3A_218 = arith.constant 0 : i32
    %dma_start3A_219 = tpu.memref_slice %arg2[%add3A_18, %dma_start3A_217, %dma_start3A_218] : memref<8x4096x64xf32, #tpu.memory_space<hbm>> -> memref<1x4096x64xf32, #tpu.memory_space<hbm>>
    %dma_start3A_220 = tpu.memref_squeeze %dma_start3A_219 : memref<1x4096x64xf32, #tpu.memory_space<hbm>> -> memref<4096x64xf32, #tpu.memory_space<hbm>>
    %dma_start3A_221 = arith.constant 0 : i32
    %dma_start3A_222 = arith.constant 0 : i32
    %dma_start3A_223 = tpu.memref_slice %dma_start3A_220[%dma_start3A_221, %dma_start3A_222] : memref<4096x64xf32, #tpu.memory_space<hbm>> -> memref<4096x64xf32, #tpu.memory_space<hbm>>
    tpu.enqueue_indirect_dma source(%dma_start3A_223 : memref<4096x64xf32, #tpu.memory_space<hbm>>) target(%dma_start3A_213 : memref<128x64xf32, #tpu.memory_space<vmem>>) offsets(%dma_start3A_216 : memref<128xi32, #tpu.memory_space<vmem>>) semaphore(%arg14 : memref<!tpu.dma_semaphore, #tpu.memory_space<semaphore_mem>>)
    %dma_start3A_224 = arith.constant 1 : i32
    %dma_start3A_225 = arith.constant 128 : i32
    %dma_start3A_226 = arith.constant 0 : i32
    %dma_start3A_227 = tpu.memref_slice %arg10[%dma_start3A_225, %dma_start3A_226] : memref<256x64xf32, #tpu.memory_space<vmem>> -> memref<128x64xf32, #tpu.memory_space<vmem>>
    %dma_start3A_228 = arith.constant 0 : i32
    %dma_start3A_229 = tpu.memref_slice %arg6[%dma_start3A_224, %dma_start3A_228] : memref<2x128xi32, #tpu.memory_space<vmem>> -> memref<1x128xi32, #tpu.memory_space<vmem>>
    %dma_start3A_230 = tpu.memref_squeeze %dma_start3A_229 : memref<1x128xi32, #tpu.memory_space<vmem>> -> memref<128xi32, #tpu.memory_space<vmem>>
    %dma_start3A_231 = arith.constant 0 : i32
    %dma_start3A_232 = arith.constant 0 : i32
    %dma_start3A_233 = tpu.memref_slice %arg2[%add3A_18, %dma_start3A_231, %dma_start3A_232] : memref<8x4096x64xf32, #tpu.memory_space<hbm>> -> memref<1x4096x64xf32, #tpu.memory_space<hbm>>
    %dma_start3A_234 = tpu.memref_squeeze %dma_start3A_233 : memref<1x4096x64xf32, #tpu.memory_space<hbm>> -> memref<4096x64xf32, #tpu.memory_space<hbm>>
    %dma_start3A_235 = arith.constant 0 : i32
    %dma_start3A_236 = arith.constant 0 : i32
    %dma_start3A_237 = tpu.memref_slice %dma_start3A_234[%dma_start3A_235, %dma_start3A_236] : memref<4096x64xf32, #tpu.memory_space<hbm>> -> memref<4096x64xf32, #tpu.memory_space<hbm>>
    tpu.enqueue_indirect_dma source(%dma_start3A_237 : memref<4096x64xf32, #tpu.memory_space<hbm>>) target(%dma_start3A_227 : memref<128x64xf32, #tpu.memory_space<vmem>>) offsets(%dma_start3A_230 : memref<128xi32, #tpu.memory_space<vmem>>) semaphore(%arg14 : memref<!tpu.dma_semaphore, #tpu.memory_space<semaphore_mem>>)
    %get3A_238 = arith.constant 16 : i32
    %get3A_239 = arith.index_cast %get3A_238 : i32 to index
    %get3A_240 = arith.constant 0 : index
    %get3A_241 = tpu.vector_load %arg5[%get3A_239, %get3A_240] {strides = array<i32>} : memref<512x16xi32, #tpu.memory_space<vmem>>, vector<1x16xi32>,
    %get3A_242 = vector.shape_cast %get3A_241 : vector<1x16xi32> to vector<16xi32>
    %swap3A_243 = arith.constant 0 : i32
    %swap3A_244 = arith.index_cast %swap3A_243 : i32 to index
    %swap3A_245 = arith.constant 0 : index
    %swap3A_246 = tpu.vector_load %arg7[%swap3A_244, %swap3A_245] {strides = array<i32>} : memref<2x128xi32, #tpu.memory_space<vmem>>, vector<1x16xi32>,
    %swap3A_247 = vector.shape_cast %swap3A_246 : vector<1x16xi32> to vector<16xi32>
    %swap3A_248 = vector.shape_cast %get3A_242 : vector<16xi32> to vector<1x16xi32>
    tpu.vector_store %arg7[%swap3A_244, %swap3A_245], %swap3A_248 {strides = array<i32>} : memref<2x128xi32, #tpu.memory_space<vmem>>, vector<1x16xi32>,
    %get3A_249 = arith.constant 17 : i32
    %get3A_250 = arith.index_cast %get3A_249 : i32 to index
    %get3A_251 = arith.constant 0 : index
    %get3A_252 = tpu.vector_load %arg5[%get3A_250, %get3A_251] {strides = array<i32>} : memref<512x16xi32, #tpu.memory_space<vmem>>, vector<1x16xi32>,
    %get3A_253 = vector.shape_cast %get3A_252 : vector<1x16xi32> to vector<16xi32>
    %swap3A_254 = arith.constant 0 : i32
    %swap3A_255 = arith.index_cast %swap3A_254 : i32 to index
    %swap3A_256 = arith.constant 16 : index
    %swap3A_257 = tpu.vector_load %arg7[%swap3A_255, %swap3A_256] {strides = array<i32>} : memref<2x128xi32, #tpu.memory_space<vmem>>, vector<1x16xi32>,
    %swap3A_258 = vector.shape_cast %swap3A_257 : vector<1x16xi32> to vector<16xi32>
    %swap3A_259 = vector.shape_cast %get3A_253 : vector<16xi32> to vector<1x16xi32>
    tpu.vector_store %arg7[%swap3A_255, %swap3A_256], %swap3A_259 {strides = array<i32>} : memref<2x128xi32, #tpu.memory_space<vmem>>, vector<1x16xi32>,
    %get3A_260 = arith.constant 18 : i32
    %get3A_261 = arith.index_cast %get3A_260 : i32 to index
    %get3A_262 = arith.constant 0 : index
    %get3A_263 = tpu.vector_load %arg5[%get3A_261, %get3A_262] {strides = array<i32>} : memref<512x16xi32, #tpu.memory_space<vmem>>, vector<1x16xi32>,
    %get3A_264 = vector.shape_cast %get3A_263 : vector<1x16xi32> to vector<16xi32>
    %swap3A_265 = arith.constant 0 : i32
    %swap3A_266 = arith.index_cast %swap3A_265 : i32 to index
    %swap3A_267 = arith.constant 32 : index
    %swap3A_268 = tpu.vector_load %arg7[%swap3A_266, %swap3A_267] {strides = array<i32>} : memref<2x128xi32, #tpu.memory_space<vmem>>, vector<1x16xi32>,
    %swap3A_269 = vector.shape_cast %swap3A_268 : vector<1x16xi32> to vector<16xi32>
    %swap3A_270 = vector.shape_cast %get3A_264 : vector<16xi32> to vector<1x16xi32>
    tpu.vector_store %arg7[%swap3A_266, %swap3A_267], %swap3A_270 {strides = array<i32>} : memref<2x128xi32, #tpu.memory_space<vmem>>, vector<1x16xi32>,
    %get3A_271 = arith.constant 19 : i32
    %get3A_272 = arith.index_cast %get3A_271 : i32 to index
    %get3A_273 = arith.constant 0 : index
    %get3A_274 = tpu.vector_load %arg5[%get3A_272, %get3A_273] {strides = array<i32>} : memref<512x16xi32, #tpu.memory_space<vmem>>, vector<1x16xi32>,
    %get3A_275 = vector.shape_cast %get3A_274 : vector<1x16xi32> to vector<16xi32>
    %swap3A_276 = arith.constant 0 : i32
    %swap3A_277 = arith.index_cast %swap3A_276 : i32 to index
    %swap3A_278 = arith.constant 48 : index
    %swap3A_279 = tpu.vector_load %arg7[%swap3A_277, %swap3A_278] {strides = array<i32>} : memref<2x128xi32, #tpu.memory_space<vmem>>, vector<1x16xi32>,
    %swap3A_280 = vector.shape_cast %swap3A_279 : vector<1x16xi32> to vector<16xi32>
    %swap3A_281 = vector.shape_cast %get3A_275 : vector<16xi32> to vector<1x16xi32>
    tpu.vector_store %arg7[%swap3A_277, %swap3A_278], %swap3A_281 {strides = array<i32>} : memref<2x128xi32, #tpu.memory_space<vmem>>, vector<1x16xi32>,
    %get3A_282 = arith.constant 20 : i32
    %get3A_283 = arith.index_cast %get3A_282 : i32 to index
    %get3A_284 = arith.constant 0 : index
    %get3A_285 = tpu.vector_load %arg5[%get3A_283, %get3A_284] {strides = array<i32>} : memref<512x16xi32, #tpu.memory_space<vmem>>, vector<1x16xi32>,
    %get3A_286 = vector.shape_cast %get3A_285 : vector<1x16xi32> to vector<16xi32>
    %swap3A_287 = arith.constant 0 : i32
    %swap3A_288 = arith.index_cast %swap3A_287 : i32 to index
    %swap3A_289 = arith.constant 64 : index
    %swap3A_290 = tpu.vector_load %arg7[%swap3A_288, %swap3A_289] {strides = array<i32>} : memref<2x128xi32, #tpu.memory_space<vmem>>, vector<1x16xi32>,
    %swap3A_291 = vector.shape_cast %swap3A_290 : vector<1x16xi32> to vector<16xi32>
    %swap3A_292 = vector.shape_cast %get3A_286 : vector<16xi32> to vector<1x16xi32>
    tpu.vector_store %arg7[%swap3A_288, %swap3A_289], %swap3A_292 {strides = array<i32>} : memref<2x128xi32, #tpu.memory_space<vmem>>, vector<1x16xi32>,
    %get3A_293 = arith.constant 21 : i32
    %get3A_294 = arith.index_cast %get3A_293 : i32 to index
    %get3A_295 = arith.constant 0 : index
    %get3A_296 = tpu.vector_load %arg5[%get3A_294, %get3A_295] {strides = array<i32>} : memref<512x16xi32, #tpu.memory_space<vmem>>, vector<1x16xi32>,
    %get3A_297 = vector.shape_cast %get3A_296 : vector<1x16xi32> to vector<16xi32>
    %swap3A_298 = arith.constant 0 : i32
    %swap3A_299 = arith.index_cast %swap3A_298 : i32 to index
    %swap3A_300 = arith.constant 80 : index
    %swap3A_301 = tpu.vector_load %arg7[%swap3A_299, %swap3A_300] {strides = array<i32>} : memref<2x128xi32, #tpu.memory_space<vmem>>, vector<1x16xi32>,
    %swap3A_302 = vector.shape_cast %swap3A_301 : vector<1x16xi32> to vector<16xi32>
    %swap3A_303 = vector.shape_cast %get3A_297 : vector<16xi32> to vector<1x16xi32>
    tpu.vector_store %arg7[%swap3A_299, %swap3A_300], %swap3A_303 {strides = array<i32>} : memref<2x128xi32, #tpu.memory_space<vmem>>, vector<1x16xi32>,
    %get3A_304 = arith.constant 22 : i32
    %get3A_305 = arith.index_cast %get3A_304 : i32 to index
    %get3A_306 = arith.constant 0 : index
    %get3A_307 = tpu.vector_load %arg5[%get3A_305, %get3A_306] {strides = array<i32>} : memref<512x16xi32, #tpu.memory_space<vmem>>, vector<1x16xi32>,
    %get3A_308 = vector.shape_cast %get3A_307 : vector<1x16xi32> to vector<16xi32>
    %swap3A_309 = arith.constant 0 : i32
    %swap3A_310 = arith.index_cast %swap3A_309 : i32 to index
    %swap3A_311 = arith.constant 96 : index
    %swap3A_312 = tpu.vector_load %arg7[%swap3A_310, %swap3A_311] {strides = array<i32>} : memref<2x128xi32, #tpu.memory_space<vmem>>, vector<1x16xi32>,
    %swap3A_313 = vector.shape_cast %swap3A_312 : vector<1x16xi32> to vector<16xi32>
    %swap3A_314 = vector.shape_cast %get3A_308 : vector<16xi32> to vector<1x16xi32>
    tpu.vector_store %arg7[%swap3A_310, %swap3A_311], %swap3A_314 {strides = array<i32>} : memref<2x128xi32, #tpu.memory_space<vmem>>, vector<1x16xi32>,
    %get3A_315 = arith.constant 23 : i32
    %get3A_316 = arith.index_cast %get3A_315 : i32 to index
    %get3A_317 = arith.constant 0 : index
    %get3A_318 = tpu.vector_load %arg5[%get3A_316, %get3A_317] {strides = array<i32>} : memref<512x16xi32, #tpu.memory_space<vmem>>, vector<1x16xi32>,
    %get3A_319 = vector.shape_cast %get3A_318 : vector<1x16xi32> to vector<16xi32>
    %swap3A_320 = arith.constant 0 : i32
    %swap3A_321 = arith.index_cast %swap3A_320 : i32 to index
    %swap3A_322 = arith.constant 112 : index
    %swap3A_323 = tpu.vector_load %arg7[%swap3A_321, %swap3A_322] {strides = array<i32>} : memref<2x128xi32, #tpu.memory_space<vmem>>, vector<1x16xi32>,
    %swap3A_324 = vector.shape_cast %swap3A_323 : vector<1x16xi32> to vector<16xi32>
    %swap3A_325 = vector.shape_cast %get3A_319 : vector<16xi32> to vector<1x16xi32>
    tpu.vector_store %arg7[%swap3A_321, %swap3A_322], %swap3A_325 {strides = array<i32>} : memref<2x128xi32, #tpu.memory_space<vmem>>, vector<1x16xi32>,
    %get3A_326 = arith.constant 24 : i32
    %get3A_327 = arith.index_cast %get3A_326 : i32 to index
    %get3A_328 = arith.constant 0 : index
    %get3A_329 = tpu.vector_load %arg5[%get3A_327, %get3A_328] {strides = array<i32>} : memref<512x16xi32, #tpu.memory_space<vmem>>, vector<1x16xi32>,
    %get3A_330 = vector.shape_cast %get3A_329 : vector<1x16xi32> to vector<16xi32>
    %swap3A_331 = arith.constant 1 : i32
    %swap3A_332 = arith.index_cast %swap3A_331 : i32 to index
    %swap3A_333 = arith.constant 0 : index
    %swap3A_334 = tpu.vector_load %arg7[%swap3A_332, %swap3A_333] {strides = array<i32>} : memref<2x128xi32, #tpu.memory_space<vmem>>, vector<1x16xi32>,
    %swap3A_335 = vector.shape_cast %swap3A_334 : vector<1x16xi32> to vector<16xi32>
    %swap3A_336 = vector.shape_cast %get3A_330 : vector<16xi32> to vector<1x16xi32>
    tpu.vector_store %arg7[%swap3A_332, %swap3A_333], %swap3A_336 {strides = array<i32>} : memref<2x128xi32, #tpu.memory_space<vmem>>, vector<1x16xi32>,
    %get3A_337 = arith.constant 25 : i32
    %get3A_338 = arith.index_cast %get3A_337 : i32 to index
    %get3A_339 = arith.constant 0 : index
    %get3A_340 = tpu.vector_load %arg5[%get3A_338, %get3A_339] {strides = array<i32>} : memref<512x16xi32, #tpu.memory_space<vmem>>, vector<1x16xi32>,
    %get3A_341 = vector.shape_cast %get3A_340 : vector<1x16xi32> to vector<16xi32>
    %swap3A_342 = arith.constant 1 : i32
    %swap3A_343 = arith.index_cast %swap3A_342 : i32 to index
    %swap3A_344 = arith.constant 16 : index
    %swap3A_345 = tpu.vector_load %arg7[%swap3A_343, %swap3A_344] {strides = array<i32>} : memref<2x128xi32, #tpu.memory_space<vmem>>, vector<1x16xi32>,
    %swap3A_346 = vector.shape_cast %swap3A_345 : vector<1x16xi32> to vector<16xi32>
    %swap3A_347 = vector.shape_cast %get3A_341 : vector<16xi32> to vector<1x16xi32>
    tpu.vector_store %arg7[%swap3A_343, %swap3A_344], %swap3A_347 {strides = array<i32>} : memref<2x128xi32, #tpu.memory_space<vmem>>, vector<1x16xi32>,
    %get3A_348 = arith.constant 26 : i32
    %get3A_349 = arith.index_cast %get3A_348 : i32 to index
    %get3A_350 = arith.constant 0 : index
    %get3A_351 = tpu.vector_load %arg5[%get3A_349, %get3A_350] {strides = array<i32>} : memref<512x16xi32, #tpu.memory_space<vmem>>, vector<1x16xi32>,
    %get3A_352 = vector.shape_cast %get3A_351 : vector<1x16xi32> to vector<16xi32>
    %swap3A_353 = arith.constant 1 : i32
    %swap3A_354 = arith.index_cast %swap3A_353 : i32 to index
    %swap3A_355 = arith.constant 32 : index
    %swap3A_356 = tpu.vector_load %arg7[%swap3A_354, %swap3A_355] {strides = array<i32>} : memref<2x128xi32, #tpu.memory_space<vmem>>, vector<1x16xi32>,
    %swap3A_357 = vector.shape_cast %swap3A_356 : vector<1x16xi32> to vector<16xi32>
    %swap3A_358 = vector.shape_cast %get3A_352 : vector<16xi32> to vector<1x16xi32>
    tpu.vector_store %arg7[%swap3A_354, %swap3A_355], %swap3A_358 {strides = array<i32>} : memref<2x128xi32, #tpu.memory_space<vmem>>, vector<1x16xi32>,
    %get3A_359 = arith.constant 27 : i32
    %get3A_360 = arith.index_cast %get3A_359 : i32 to index
    %get3A_361 = arith.constant 0 : index
    %get3A_362 = tpu.vector_load %arg5[%get3A_360, %get3A_361] {strides = array<i32>} : memref<512x16xi32, #tpu.memory_space<vmem>>, vector<1x16xi32>,
    %get3A_363 = vector.shape_cast %get3A_362 : vector<1x16xi32> to vector<16xi32>
    %swap3A_364 = arith.constant 1 : i32
    %swap3A_365 = arith.index_cast %swap3A_364 : i32 to index
    %swap3A_366 = arith.constant 48 : index
    %swap3A_367 = tpu.vector_load %arg7[%swap3A_365, %swap3A_366] {strides = array<i32>} : memref<2x128xi32, #tpu.memory_space<vmem>>, vector<1x16xi32>,
    %swap3A_368 = vector.shape_cast %swap3A_367 : vector<1x16xi32> to vector<16xi32>
    %swap3A_369 = vector.shape_cast %get3A_363 : vector<16xi32> to vector<1x16xi32>
    tpu.vector_store %arg7[%swap3A_365, %swap3A_366], %swap3A_369 {strides = array<i32>} : memref<2x128xi32, #tpu.memory_space<vmem>>, vector<1x16xi32>,
    %get3A_370 = arith.constant 28 : i32
    %get3A_371 = arith.index_cast %get3A_370 : i32 to index
    %get3A_372 = arith.constant 0 : index
    %get3A_373 = tpu.vector_load %arg5[%get3A_371, %get3A_372] {strides = array<i32>} : memref<512x16xi32, #tpu.memory_space<vmem>>, vector<1x16xi32>,
    %get3A_374 = vector.shape_cast %get3A_373 : vector<1x16xi32> to vector<16xi32>
    %swap3A_375 = arith.constant 1 : i32
    %swap3A_376 = arith.index_cast %swap3A_375 : i32 to index
    %swap3A_377 = arith.constant 64 : index
    %swap3A_378 = tpu.vector_load %arg7[%swap3A_376, %swap3A_377] {strides = array<i32>} : memref<2x128xi32, #tpu.memory_space<vmem>>, vector<1x16xi32>,
    %swap3A_379 = vector.shape_cast %swap3A_378 : vector<1x16xi32> to vector<16xi32>
    %swap3A_380 = vector.shape_cast %get3A_374 : vector<16xi32> to vector<1x16xi32>
    tpu.vector_store %arg7[%swap3A_376, %swap3A_377], %swap3A_380 {strides = array<i32>} : memref<2x128xi32, #tpu.memory_space<vmem>>, vector<1x16xi32>,
    %get3A_381 = arith.constant 29 : i32
    %get3A_382 = arith.index_cast %get3A_381 : i32 to index
    %get3A_383 = arith.constant 0 : index
    %get3A_384 = tpu.vector_load %arg5[%get3A_382, %get3A_383] {strides = array<i32>} : memref<512x16xi32, #tpu.memory_space<vmem>>, vector<1x16xi32>,
    %get3A_385 = vector.shape_cast %get3A_384 : vector<1x16xi32> to vector<16xi32>
    %swap3A_386 = arith.constant 1 : i32
    %swap3A_387 = arith.index_cast %swap3A_386 : i32 to index
    %swap3A_388 = arith.constant 80 : index
    %swap3A_389 = tpu.vector_load %arg7[%swap3A_387, %swap3A_388] {strides = array<i32>} : memref<2x128xi32, #tpu.memory_space<vmem>>, vector<1x16xi32>,
    %swap3A_390 = vector.shape_cast %swap3A_389 : vector<1x16xi32> to vector<16xi32>
    %swap3A_391 = vector.shape_cast %get3A_385 : vector<16xi32> to vector<1x16xi32>
    tpu.vector_store %arg7[%swap3A_387, %swap3A_388], %swap3A_391 {strides = array<i32>} : memref<2x128xi32, #tpu.memory_space<vmem>>, vector<1x16xi32>,
    %get3A_392 = arith.constant 30 : i32
    %get3A_393 = arith.index_cast %get3A_392 : i32 to index
    %get3A_394 = arith.constant 0 : index
    %get3A_395 = tpu.vector_load %arg5[%get3A_393, %get3A_394] {strides = array<i32>} : memref<512x16xi32, #tpu.memory_space<vmem>>, vector<1x16xi32>,
    %get3A_396 = vector.shape_cast %get3A_395 : vector<1x16xi32> to vector<16xi32>
    %swap3A_397 = arith.constant 1 : i32
    %swap3A_398 = arith.index_cast %swap3A_397 : i32 to index
    %swap3A_399 = arith.constant 96 : index
    %swap3A_400 = tpu.vector_load %arg7[%swap3A_398, %swap3A_399] {strides = array<i32>} : memref<2x128xi32, #tpu.memory_space<vmem>>, vector<1x16xi32>,
    %swap3A_401 = vector.shape_cast %swap3A_400 : vector<1x16xi32> to vector<16xi32>
    %swap3A_402 = vector.shape_cast %get3A_396 : vector<16xi32> to vector<1x16xi32>
    tpu.vector_store %arg7[%swap3A_398, %swap3A_399], %swap3A_402 {strides = array<i32>} : memref<2x128xi32, #tpu.memory_space<vmem>>, vector<1x16xi32>,
    %get3A_403 = arith.constant 31 : i32
    %get3A_404 = arith.index_cast %get3A_403 : i32 to index
    %get3A_405 = arith.constant 0 : index
    %get3A_406 = tpu.vector_load %arg5[%get3A_404, %get3A_405] {strides = array<i32>} : memref<512x16xi32, #tpu.memory_space<vmem>>, vector<1x16xi32>,
    %get3A_407 = vector.shape_cast %get3A_406 : vector<1x16xi32> to vector<16xi32>
    %swap3A_408 = arith.constant 1 : i32
    %swap3A_409 = arith.index_cast %swap3A_408 : i32 to index
    %swap3A_410 = arith.constant 112 : index
    %swap3A_411 = tpu.vector_load %arg7[%swap3A_409, %swap3A_410] {strides = array<i32>} : memref<2x128xi32, #tpu.memory_space<vmem>>, vector<1x16xi32>,
    %swap3A_412 = vector.shape_cast %swap3A_411 : vector<1x16xi32> to vector<16xi32>
    %swap3A_413 = vector.shape_cast %get3A_407 : vector<16xi32> to vector<1x16xi32>
    tpu.vector_store %arg7[%swap3A_409, %swap3A_410], %swap3A_413 {strides = array<i32>} : memref<2x128xi32, #tpu.memory_space<vmem>>, vector<1x16xi32>,
    %dma_start3A_414 = arith.constant 0 : i32
    %dma_start3A_415 = arith.constant 0 : i32
    %dma_start3A_416 = arith.constant 0 : i32
    %dma_start3A_417 = tpu.memref_slice %arg11[%dma_start3A_415, %dma_start3A_416] : memref<256x64xf32, #tpu.memory_space<vmem>> -> memref<128x64xf32, #tpu.memory_space<vmem>>
    %dma_start3A_418 = arith.constant 0 : i32
    %dma_start3A_419 = tpu.memref_slice %arg7[%dma_start3A_414, %dma_start3A_418] : memref<2x128xi32, #tpu.memory_space<vmem>> -> memref<1x128xi32, #tpu.memory_space<vmem>>
    %dma_start3A_420 = tpu.memref_squeeze %dma_start3A_419 : memref<1x128xi32, #tpu.memory_space<vmem>> -> memref<128xi32, #tpu.memory_space<vmem>>
    %dma_start3A_421 = arith.constant 0 : i32
    %dma_start3A_422 = arith.constant 0 : i32
    %dma_start3A_423 = tpu.memref_slice %arg2[%add3A_18, %dma_start3A_421, %dma_start3A_422] : memref<8x4096x64xf32, #tpu.memory_space<hbm>> -> memref<1x4096x64xf32, #tpu.memory_space<hbm>>
    %dma_start3A_424 = tpu.memref_squeeze %dma_start3A_423 : memref<1x4096x64xf32, #tpu.memory_space<hbm>> -> memref<4096x64xf32, #tpu.memory_space<hbm>>
    %dma_start3A_425 = arith.constant 0 : i32
    %dma_start3A_426 = arith.constant 0 : i32
    %dma_start3A_427 = tpu.memref_slice %dma_start3A_424[%dma_start3A_425, %dma_start3A_426] : memref<4096x64xf32, #tpu.memory_space<hbm>> -> memref<4096x64xf32, #tpu.memory_space<hbm>>
    tpu.enqueue_indirect_dma source(%dma_start3A_427 : memref<4096x64xf32, #tpu.memory_space<hbm>>) target(%dma_start3A_417 : memref<128x64xf32, #tpu.memory_space<vmem>>) offsets(%dma_start3A_420 : memref<128xi32, #tpu.memory_space<vmem>>) semaphore(%arg15 : memref<!tpu.dma_semaphore, #tpu.memory_space<semaphore_mem>>)
    %dma_start3A_428 = arith.constant 1 : i32
    %dma_start3A_429 = arith.constant 128 : i32
    %dma_start3A_430 = arith.constant 0 : i32
    %dma_start3A_431 = tpu.memref_slice %arg11[%dma_start3A_429, %dma_start3A_430] : memref<256x64xf32, #tpu.memory_space<vmem>> -> memref<128x64xf32, #tpu.memory_space<vmem>>
    %dma_start3A_432 = arith.constant 0 : i32
    %dma_start3A_433 = tpu.memref_slice %arg7[%dma_start3A_428, %dma_start3A_432] : memref<2x128xi32, #tpu.memory_space<vmem>> -> memref<1x128xi32, #tpu.memory_space<vmem>>
    %dma_start3A_434 = tpu.memref_squeeze %dma_start3A_433 : memref<1x128xi32, #tpu.memory_space<vmem>> -> memref<128xi32, #tpu.memory_space<vmem>>
    %dma_start3A_435 = arith.constant 0 : i32
    %dma_start3A_436 = arith.constant 0 : i32
    %dma_start3A_437 = tpu.memref_slice %arg2[%add3A_18, %dma_start3A_435, %dma_start3A_436] : memref<8x4096x64xf32, #tpu.memory_space<hbm>> -> memref<1x4096x64xf32, #tpu.memory_space<hbm>>
    %dma_start3A_438 = tpu.memref_squeeze %dma_start3A_437 : memref<1x4096x64xf32, #tpu.memory_space<hbm>> -> memref<4096x64xf32, #tpu.memory_space<hbm>>
    %dma_start3A_439 = arith.constant 0 : i32
    %dma_start3A_440 = arith.constant 0 : i32
    %dma_start3A_441 = tpu.memref_slice %dma_start3A_438[%dma_start3A_439, %dma_start3A_440] : memref<4096x64xf32, #tpu.memory_space<hbm>> -> memref<4096x64xf32, #tpu.memory_space<hbm>>
    tpu.enqueue_indirect_dma source(%dma_start3A_441 : memref<4096x64xf32, #tpu.memory_space<hbm>>) target(%dma_start3A_431 : memref<128x64xf32, #tpu.memory_space<vmem>>) offsets(%dma_start3A_434 : memref<128xi32, #tpu.memory_space<vmem>>) semaphore(%arg15 : memref<!tpu.dma_semaphore, #tpu.memory_space<semaphore_mem>>)
    %scan3A = arith.constant 0 : i32
    %scan3A_442 = arith.constant 8 : i32
    %scan3A_443 = arith.addi %scan3A, %scan3A_442 : i32
    %scan3A_444 = arith.constant 1 : i32
    scf.for %scan3A_457 = %scan3A to %scan3A_443 step %scan3A_444  : i32 {
      %mul3A_458 = arith.constant 4 : i32
      %mul3A_459 = arith.muli %scan3A_457, %mul3A_458 : i32
      %add3A_460 = arith.constant 0 : i32
      %add3A_461 = arith.addi %mul3A_459, %add3A_460 : i32
      %dma_wait3A_462 = arith.constant 0 : i32
      %dma_wait3A_463 = arith.constant 0 : i32
      %dma_wait3A_464 = arith.constant 0 : i32
      %dma_wait3A_465 = tpu.memref_slice %arg10[%dma_wait3A_463, %dma_wait3A_464] : memref<256x64xf32, #tpu.memory_space<vmem>> -> memref<128x64xf32, #tpu.memory_space<vmem>>
      %dma_wait3A_466 = arith.constant 0 : i32
      %dma_wait3A_467 = tpu.memref_slice %arg6[%dma_wait3A_462, %dma_wait3A_466] : memref<2x128xi32, #tpu.memory_space<vmem>> -> memref<1x128xi32, #tpu.memory_space<vmem>>
      %dma_wait3A_468 = tpu.memref_squeeze %dma_wait3A_467 : memref<1x128xi32, #tpu.memory_space<vmem>> -> memref<128xi32, #tpu.memory_space<vmem>>
      %dma_wait3A_469 = arith.constant 0 : i32
      %dma_wait3A_470 = arith.constant 0 : i32
      %dma_wait3A_471 = tpu.memref_slice %arg2[%add3A_18, %dma_wait3A_469, %dma_wait3A_470] : memref<8x4096x64xf32, #tpu.memory_space<hbm>> -> memref<1x4096x64xf32, #tpu.memory_space<hbm>>
      %dma_wait3A_472 = tpu.memref_squeeze %dma_wait3A_471 : memref<1x4096x64xf32, #tpu.memory_space<hbm>> -> memref<4096x64xf32, #tpu.memory_space<hbm>>
      %dma_wait3A_473 = arith.constant 0 : i32
      %dma_wait3A_474 = arith.constant 0 : i32
      %dma_wait3A_475 = tpu.memref_slice %dma_wait3A_472[%dma_wait3A_473, %dma_wait3A_474] : memref<4096x64xf32, #tpu.memory_space<hbm>> -> memref<4096x64xf32, #tpu.memory_space<hbm>>
      tpu.wait_indirect_dma semaphore(%arg14 : memref<!tpu.dma_semaphore, #tpu.memory_space<semaphore_mem>>) src(%dma_wait3A_475 : memref<4096x64xf32, #tpu.memory_space<hbm>>) dst(%dma_wait3A_465 : memref<128x64xf32, #tpu.memory_space<vmem>>)
      %dma_wait3A_476 = arith.constant 1 : i32
      %dma_wait3A_477 = arith.constant 128 : i32
      %dma_wait3A_478 = arith.constant 0 : i32
      %dma_wait3A_479 = tpu.memref_slice %arg10[%dma_wait3A_477, %dma_wait3A_478] : memref<256x64xf32, #tpu.memory_space<vmem>> -> memref<128x64xf32, #tpu.memory_space<vmem>>
      %dma_wait3A_480 = arith.constant 0 : i32
      %dma_wait3A_481 = tpu.memref_slice %arg6[%dma_wait3A_476, %dma_wait3A_480] : memref<2x128xi32, #tpu.memory_space<vmem>> -> memref<1x128xi32, #tpu.memory_space<vmem>>
      %dma_wait3A_482 = tpu.memref_squeeze %dma_wait3A_481 : memref<1x128xi32, #tpu.memory_space<vmem>> -> memref<128xi32, #tpu.memory_space<vmem>>
      %dma_wait3A_483 = arith.constant 0 : i32
      %dma_wait3A_484 = arith.constant 0 : i32
      %dma_wait3A_485 = tpu.memref_slice %arg2[%add3A_18, %dma_wait3A_483, %dma_wait3A_484] : memref<8x4096x64xf32, #tpu.memory_space<hbm>> -> memref<1x4096x64xf32, #tpu.memory_space<hbm>>
      %dma_wait3A_486 = tpu.memref_squeeze %dma_wait3A_485 : memref<1x4096x64xf32, #tpu.memory_space<hbm>> -> memref<4096x64xf32, #tpu.memory_space<hbm>>
      %dma_wait3A_487 = arith.constant 0 : i32
      %dma_wait3A_488 = arith.constant 0 : i32
      %dma_wait3A_489 = tpu.memref_slice %dma_wait3A_486[%dma_wait3A_487, %dma_wait3A_488] : memref<4096x64xf32, #tpu.memory_space<hbm>> -> memref<4096x64xf32, #tpu.memory_space<hbm>>
      tpu.wait_indirect_dma semaphore(%arg14 : memref<!tpu.dma_semaphore, #tpu.memory_space<semaphore_mem>>) src(%dma_wait3A_489 : memref<4096x64xf32, #tpu.memory_space<hbm>>) dst(%dma_wait3A_479 : memref<128x64xf32, #tpu.memory_space<vmem>>)
      %mul3A_490 = arith.constant 256 : i32
      %mul3A_491 = arith.muli %add3A_461, %mul3A_490 : i32
      %add3A_492 = arith.addi %mul3A_36, %mul3A_491 : i32
      %dma_start3A_493 = arith.constant 0 : i32
      %dma_start3A_494 = tpu.memref_slice %arg4[%add3A_492, %dma_start3A_493] : memref<262144x64xf32, #tpu.memory_space<hbm>> -> memref<256x64xf32, #tpu.memory_space<hbm>>
      %dma_start3A_495 = arith.constant 0 : i32
      %dma_start3A_496 = tpu.memref_slice %arg4[%add3A_492, %dma_start3A_495] : memref<262144x64xf32, #tpu.memory_space<hbm>> -> memref<256x64xf32, #tpu.memory_space<hbm>>
      tpu.enqueue_dma source(%arg10 : memref<256x64xf32, #tpu.memory_space<vmem>>) target(%dma_start3A_496 : memref<256x64xf32, #tpu.memory_space<hbm>>) target_semaphore(%arg18 : memref<!tpu.dma_semaphore, #tpu.memory_space<semaphore_mem>>)
      %ge3A = arith.constant 2 : i32
      %ge3A_497 = arith.cmpi sge, %add3A_461, %ge3A : i32
      %convert_element_type3A = arith.extui %ge3A_497 : i1 to i32
      %cond3A = arith.constant 0 : i32
      %cond3A_498 = arith.cmpi ne, %convert_element_type3A, %cond3A : i32
      scf.if %cond3A_498 {
        %sub3A_659 = arith.constant 2 : i32
        %sub3A_660 = arith.subi %add3A_461, %sub3A_659 : i32
        %mul3A_661 = arith.constant 256 : i32
        %mul3A_662 = arith.muli %sub3A_660, %mul3A_661 : i32
        %add3A_663 = arith.addi %mul3A_36, %mul3A_662 : i32
        %dma_wait3A_664 = arith.constant 0 : i32
        %dma_wait3A_665 = tpu.memref_slice %arg4[%add3A_663, %dma_wait3A_664] : memref<262144x64xf32, #tpu.memory_space<hbm>> -> memref<256x64xf32, #tpu.memory_space<hbm>>
        %dma_wait3A_666 = arith.constant 0 : i32
        %dma_wait3A_667 = tpu.memref_slice %arg4[%add3A_663, %dma_wait3A_666] : memref<262144x64xf32, #tpu.memory_space<hbm>> -> memref<256x64xf32, #tpu.memory_space<hbm>>
        tpu.wait_dma2 semaphore(%arg20 : memref<!tpu.dma_semaphore, #tpu.memory_space<semaphore_mem>>) src(%arg12 : memref<256x64xf32, #tpu.memory_space<vmem>>) dst(%dma_wait3A_667 : memref<256x64xf32, #tpu.memory_space<hbm>>)
      } else {
      }
      %add3A_499 = arith.constant 2 : i32
      %add3A_500 = arith.addi %add3A_461, %add3A_499 : i32
      %lt3A_501 = arith.constant 32 : i32
      %lt3A_502 = arith.cmpi slt, %add3A_500, %lt3A_501 : i32
      %convert_element_type3A_503 = arith.extui %lt3A_502 : i1 to i32
      %cond3A_504 = arith.constant 0 : i32
      %cond3A_505 = arith.cmpi ne, %convert_element_type3A_503, %cond3A_504 : i32
      scf.if %cond3A_505 {
        %add3A_659 = arith.constant 2 : i32
        %add3A_660 = arith.addi %add3A_461, %add3A_659 : i32
        %mul3A_661 = arith.constant 16 : i32
        %mul3A_662 = arith.muli %add3A_660, %mul3A_661 : i32
        %add3A_663 = arith.constant 0 : i32
        %add3A_664 = arith.addi %mul3A_662, %add3A_663 : i32
        %get3A_665 = arith.index_cast %add3A_664 : i32 to index
        %get3A_666 = arith.constant 0 : index
        %get3A_667 = tpu.vector_load %arg5[%get3A_665, %get3A_666] {strides = array<i32>} : memref<512x16xi32, #tpu.memory_space<vmem>>, vector<1x16xi32>,
        %get3A_668 = vector.shape_cast %get3A_667 : vector<1x16xi32> to vector<16xi32>
        %swap3A_669 = arith.constant 0 : i32
        %swap3A_670 = arith.index_cast %swap3A_669 : i32 to index
        %swap3A_671 = arith.constant 0 : index
        %swap3A_672 = tpu.vector_load %arg8[%swap3A_670, %swap3A_671] {strides = array<i32>} : memref<2x128xi32, #tpu.memory_space<vmem>>, vector<1x16xi32>,
        %swap3A_673 = vector.shape_cast %swap3A_672 : vector<1x16xi32> to vector<16xi32>
        %swap3A_674 = vector.shape_cast %get3A_668 : vector<16xi32> to vector<1x16xi32>
        tpu.vector_store %arg8[%swap3A_670, %swap3A_671], %swap3A_674 {strides = array<i32>} : memref<2x128xi32, #tpu.memory_space<vmem>>, vector<1x16xi32>,
        %mul3A_675 = arith.constant 16 : i32
        %mul3A_676 = arith.muli %add3A_660, %mul3A_675 : i32
        %add3A_677 = arith.constant 1 : i32
        %add3A_678 = arith.addi %mul3A_676, %add3A_677 : i32
        %get3A_679 = arith.index_cast %add3A_678 : i32 to index
        %get3A_680 = arith.constant 0 : index
        %get3A_681 = tpu.vector_load %arg5[%get3A_679, %get3A_680] {strides = array<i32>} : memref<512x16xi32, #tpu.memory_space<vmem>>, vector<1x16xi32>,
        %get3A_682 = vector.shape_cast %get3A_681 : vector<1x16xi32> to vector<16xi32>
        %swap3A_683 = arith.constant 0 : i32
        %swap3A_684 = arith.index_cast %swap3A_683 : i32 to index
        %swap3A_685 = arith.constant 16 : index
        %swap3A_686 = tpu.vector_load %arg8[%swap3A_684, %swap3A_685] {strides = array<i32>} : memref<2x128xi32, #tpu.memory_space<vmem>>, vector<1x16xi32>,
        %swap3A_687 = vector.shape_cast %swap3A_686 : vector<1x16xi32> to vector<16xi32>
        %swap3A_688 = vector.shape_cast %get3A_682 : vector<16xi32> to vector<1x16xi32>
        tpu.vector_store %arg8[%swap3A_684, %swap3A_685], %swap3A_688 {strides = array<i32>} : memref<2x128xi32, #tpu.memory_space<vmem>>, vector<1x16xi32>,
        %mul3A_689 = arith.constant 16 : i32
        %mul3A_690 = arith.muli %add3A_660, %mul3A_689 : i32
        %add3A_691 = arith.constant 2 : i32
        %add3A_692 = arith.addi %mul3A_690, %add3A_691 : i32
        %get3A_693 = arith.index_cast %add3A_692 : i32 to index
        %get3A_694 = arith.constant 0 : index
        %get3A_695 = tpu.vector_load %arg5[%get3A_693, %get3A_694] {strides = array<i32>} : memref<512x16xi32, #tpu.memory_space<vmem>>, vector<1x16xi32>,
        %get3A_696 = vector.shape_cast %get3A_695 : vector<1x16xi32> to vector<16xi32>
        %swap3A_697 = arith.constant 0 : i32
        %swap3A_698 = arith.index_cast %swap3A_697 : i32 to index
        %swap3A_699 = arith.constant 32 : index
        %swap3A_700 = tpu.vector_load %arg8[%swap3A_698, %swap3A_699] {strides = array<i32>} : memref<2x128xi32, #tpu.memory_space<vmem>>, vector<1x16xi32>,
        %swap3A_701 = vector.shape_cast %swap3A_700 : vector<1x16xi32> to vector<16xi32>
        %swap3A_702 = vector.shape_cast %get3A_696 : vector<16xi32> to vector<1x16xi32>
        tpu.vector_store %arg8[%swap3A_698, %swap3A_699], %swap3A_702 {strides = array<i32>} : memref<2x128xi32, #tpu.memory_space<vmem>>, vector<1x16xi32>,
        %mul3A_703 = arith.constant 16 : i32
        %mul3A_704 = arith.muli %add3A_660, %mul3A_703 : i32
        %add3A_705 = arith.constant 3 : i32
        %add3A_706 = arith.addi %mul3A_704, %add3A_705 : i32
        %get3A_707 = arith.index_cast %add3A_706 : i32 to index
        %get3A_708 = arith.constant 0 : index
        %get3A_709 = tpu.vector_load %arg5[%get3A_707, %get3A_708] {strides = array<i32>} : memref<512x16xi32, #tpu.memory_space<vmem>>, vector<1x16xi32>,
        %get3A_710 = vector.shape_cast %get3A_709 : vector<1x16xi32> to vector<16xi32>
        %swap3A_711 = arith.constant 0 : i32
        %swap3A_712 = arith.index_cast %swap3A_711 : i32 to index
        %swap3A_713 = arith.constant 48 : index
        %swap3A_714 = tpu.vector_load %arg8[%swap3A_712, %swap3A_713] {strides = array<i32>} : memref<2x128xi32, #tpu.memory_space<vmem>>, vector<1x16xi32>,
        %swap3A_715 = vector.shape_cast %swap3A_714 : vector<1x16xi32> to vector<16xi32>
        %swap3A_716 = vector.shape_cast %get3A_710 : vector<16xi32> to vector<1x16xi32>
        tpu.vector_store %arg8[%swap3A_712, %swap3A_713], %swap3A_716 {strides = array<i32>} : memref<2x128xi32, #tpu.memory_space<vmem>>, vector<1x16xi32>,
        %mul3A_717 = arith.constant 16 : i32
        %mul3A_718 = arith.muli %add3A_660, %mul3A_717 : i32
        %add3A_719 = arith.constant 4 : i32
        %add3A_720 = arith.addi %mul3A_718, %add3A_719 : i32
        %get3A_721 = arith.index_cast %add3A_720 : i32 to index
        %get3A_722 = arith.constant 0 : index
        %get3A_723 = tpu.vector_load %arg5[%get3A_721, %get3A_722] {strides = array<i32>} : memref<512x16xi32, #tpu.memory_space<vmem>>, vector<1x16xi32>,
        %get3A_724 = vector.shape_cast %get3A_723 : vector<1x16xi32> to vector<16xi32>
        %swap3A_725 = arith.constant 0 : i32
        %swap3A_726 = arith.index_cast %swap3A_725 : i32 to index
        %swap3A_727 = arith.constant 64 : index
        %swap3A_728 = tpu.vector_load %arg8[%swap3A_726, %swap3A_727] {strides = array<i32>} : memref<2x128xi32, #tpu.memory_space<vmem>>, vector<1x16xi32>,
        %swap3A_729 = vector.shape_cast %swap3A_728 : vector<1x16xi32> to vector<16xi32>
        %swap3A_730 = vector.shape_cast %get3A_724 : vector<16xi32> to vector<1x16xi32>
        tpu.vector_store %arg8[%swap3A_726, %swap3A_727], %swap3A_730 {strides = array<i32>} : memref<2x128xi32, #tpu.memory_space<vmem>>, vector<1x16xi32>,
        %mul3A_731 = arith.constant 16 : i32
        %mul3A_732 = arith.muli %add3A_660, %mul3A_731 : i32
        %add3A_733 = arith.constant 5 : i32
        %add3A_734 = arith.addi %mul3A_732, %add3A_733 : i32
        %get3A_735 = arith.index_cast %add3A_734 : i32 to index
        %get3A_736 = arith.constant 0 : index
        %get3A_737 = tpu.vector_load %arg5[%get3A_735, %get3A_736] {strides = array<i32>} : memref<512x16xi32, #tpu.memory_space<vmem>>, vector<1x16xi32>,
        %get3A_738 = vector.shape_cast %get3A_737 : vector<1x16xi32> to vector<16xi32>
        %swap3A_739 = arith.constant 0 : i32
        %swap3A_740 = arith.index_cast %swap3A_739 : i32 to index
        %swap3A_741 = arith.constant 80 : index
        %swap3A_742 = tpu.vector_load %arg8[%swap3A_740, %swap3A_741] {strides = array<i32>} : memref<2x128xi32, #tpu.memory_space<vmem>>, vector<1x16xi32>,
        %swap3A_743 = vector.shape_cast %swap3A_742 : vector<1x16xi32> to vector<16xi32>
        %swap3A_744 = vector.shape_cast %get3A_738 : vector<16xi32> to vector<1x16xi32>
        tpu.vector_store %arg8[%swap3A_740, %swap3A_741], %swap3A_744 {strides = array<i32>} : memref<2x128xi32, #tpu.memory_space<vmem>>, vector<1x16xi32>,
        %mul3A_745 = arith.constant 16 : i32
        %mul3A_746 = arith.muli %add3A_660, %mul3A_745 : i32
        %add3A_747 = arith.constant 6 : i32
        %add3A_748 = arith.addi %mul3A_746, %add3A_747 : i32
        %get3A_749 = arith.index_cast %add3A_748 : i32 to index
        %get3A_750 = arith.constant 0 : index
        %get3A_751 = tpu.vector_load %arg5[%get3A_749, %get3A_750] {strides = array<i32>} : memref<512x16xi32, #tpu.memory_space<vmem>>, vector<1x16xi32>,
        %get3A_752 = vector.shape_cast %get3A_751 : vector<1x16xi32> to vector<16xi32>
        %swap3A_753 = arith.constant 0 : i32
        %swap3A_754 = arith.index_cast %swap3A_753 : i32 to index
        %swap3A_755 = arith.constant 96 : index
        %swap3A_756 = tpu.vector_load %arg8[%swap3A_754, %swap3A_755] {strides = array<i32>} : memref<2x128xi32, #tpu.memory_space<vmem>>, vector<1x16xi32>,
        %swap3A_757 = vector.shape_cast %swap3A_756 : vector<1x16xi32> to vector<16xi32>
        %swap3A_758 = vector.shape_cast %get3A_752 : vector<16xi32> to vector<1x16xi32>
        tpu.vector_store %arg8[%swap3A_754, %swap3A_755], %swap3A_758 {strides = array<i32>} : memref<2x128xi32, #tpu.memory_space<vmem>>, vector<1x16xi32>,
        %mul3A_759 = arith.constant 16 : i32
        %mul3A_760 = arith.muli %add3A_660, %mul3A_759 : i32
        %add3A_761 = arith.constant 7 : i32
        %add3A_762 = arith.addi %mul3A_760, %add3A_761 : i32
        %get3A_763 = arith.index_cast %add3A_762 : i32 to index
        %get3A_764 = arith.constant 0 : index
        %get3A_765 = tpu.vector_load %arg5[%get3A_763, %get3A_764] {strides = array<i32>} : memref<512x16xi32, #tpu.memory_space<vmem>>, vector<1x16xi32>,
        %get3A_766 = vector.shape_cast %get3A_765 : vector<1x16xi32> to vector<16xi32>
        %swap3A_767 = arith.constant 0 : i32
        %swap3A_768 = arith.index_cast %swap3A_767 : i32 to index
        %swap3A_769 = arith.constant 112 : index
        %swap3A_770 = tpu.vector_load %arg8[%swap3A_768, %swap3A_769] {strides = array<i32>} : memref<2x128xi32, #tpu.memory_space<vmem>>, vector<1x16xi32>,
        %swap3A_771 = vector.shape_cast %swap3A_770 : vector<1x16xi32> to vector<16xi32>
        %swap3A_772 = vector.shape_cast %get3A_766 : vector<16xi32> to vector<1x16xi32>
        tpu.vector_store %arg8[%swap3A_768, %swap3A_769], %swap3A_772 {strides = array<i32>} : memref<2x128xi32, #tpu.memory_space<vmem>>, vector<1x16xi32>,
        %mul3A_773 = arith.constant 16 : i32
        %mul3A_774 = arith.muli %add3A_660, %mul3A_773 : i32
        %add3A_775 = arith.constant 8 : i32
        %add3A_776 = arith.addi %mul3A_774, %add3A_775 : i32
        %get3A_777 = arith.index_cast %add3A_776 : i32 to index
        %get3A_778 = arith.constant 0 : index
        %get3A_779 = tpu.vector_load %arg5[%get3A_777, %get3A_778] {strides = array<i32>} : memref<512x16xi32, #tpu.memory_space<vmem>>, vector<1x16xi32>,
        %get3A_780 = vector.shape_cast %get3A_779 : vector<1x16xi32> to vector<16xi32>
        %swap3A_781 = arith.constant 1 : i32
        %swap3A_782 = arith.index_cast %swap3A_781 : i32 to index
        %swap3A_783 = arith.constant 0 : index
        %swap3A_784 = tpu.vector_load %arg8[%swap3A_782, %swap3A_783] {strides = array<i32>} : memref<2x128xi32, #tpu.memory_space<vmem>>, vector<1x16xi32>,
        %swap3A_785 = vector.shape_cast %swap3A_784 : vector<1x16xi32> to vector<16xi32>
        %swap3A_786 = vector.shape_cast %get3A_780 : vector<16xi32> to vector<1x16xi32>
        tpu.vector_store %arg8[%swap3A_782, %swap3A_783], %swap3A_786 {strides = array<i32>} : memref<2x128xi32, #tpu.memory_space<vmem>>, vector<1x16xi32>,
        %mul3A_787 = arith.constant 16 : i32
        %mul3A_788 = arith.muli %add3A_660, %mul3A_787 : i32
        %add3A_789 = arith.constant 9 : i32
        %add3A_790 = arith.addi %mul3A_788, %add3A_789 : i32
        %get3A_791 = arith.index_cast %add3A_790 : i32 to index
        %get3A_792 = arith.constant 0 : index
        %get3A_793 = tpu.vector_load %arg5[%get3A_791, %get3A_792] {strides = array<i32>} : memref<512x16xi32, #tpu.memory_space<vmem>>, vector<1x16xi32>,
        %get3A_794 = vector.shape_cast %get3A_793 : vector<1x16xi32> to vector<16xi32>
        %swap3A_795 = arith.constant 1 : i32
        %swap3A_796 = arith.index_cast %swap3A_795 : i32 to index
        %swap3A_797 = arith.constant 16 : index
        %swap3A_798 = tpu.vector_load %arg8[%swap3A_796, %swap3A_797] {strides = array<i32>} : memref<2x128xi32, #tpu.memory_space<vmem>>, vector<1x16xi32>,
        %swap3A_799 = vector.shape_cast %swap3A_798 : vector<1x16xi32> to vector<16xi32>
        %swap3A_800 = vector.shape_cast %get3A_794 : vector<16xi32> to vector<1x16xi32>
        tpu.vector_store %arg8[%swap3A_796, %swap3A_797], %swap3A_800 {strides = array<i32>} : memref<2x128xi32, #tpu.memory_space<vmem>>, vector<1x16xi32>,
        %mul3A_801 = arith.constant 16 : i32
        %mul3A_802 = arith.muli %add3A_660, %mul3A_801 : i32
        %add3A_803 = arith.constant 10 : i32
        %add3A_804 = arith.addi %mul3A_802, %add3A_803 : i32
        %get3A_805 = arith.index_cast %add3A_804 : i32 to index
        %get3A_806 = arith.constant 0 : index
        %get3A_807 = tpu.vector_load %arg5[%get3A_805, %get3A_806] {strides = array<i32>} : memref<512x16xi32, #tpu.memory_space<vmem>>, vector<1x16xi32>,
        %get3A_808 = vector.shape_cast %get3A_807 : vector<1x16xi32> to vector<16xi32>
        %swap3A_809 = arith.constant 1 : i32
        %swap3A_810 = arith.index_cast %swap3A_809 : i32 to index
        %swap3A_811 = arith.constant 32 : index
        %swap3A_812 = tpu.vector_load %arg8[%swap3A_810, %swap3A_811] {strides = array<i32>} : memref<2x128xi32, #tpu.memory_space<vmem>>, vector<1x16xi32>,
        %swap3A_813 = vector.shape_cast %swap3A_812 : vector<1x16xi32> to vector<16xi32>
        %swap3A_814 = vector.shape_cast %get3A_808 : vector<16xi32> to vector<1x16xi32>
        tpu.vector_store %arg8[%swap3A_810, %swap3A_811], %swap3A_814 {strides = array<i32>} : memref<2x128xi32, #tpu.memory_space<vmem>>, vector<1x16xi32>,
        %mul3A_815 = arith.constant 16 : i32
        %mul3A_816 = arith.muli %add3A_660, %mul3A_815 : i32
        %add3A_817 = arith.constant 11 : i32
        %add3A_818 = arith.addi %mul3A_816, %add3A_817 : i32
        %get3A_819 = arith.index_cast %add3A_818 : i32 to index
        %get3A_820 = arith.constant 0 : index
        %get3A_821 = tpu.vector_load %arg5[%get3A_819, %get3A_820] {strides = array<i32>} : memref<512x16xi32, #tpu.memory_space<vmem>>, vector<1x16xi32>,
        %get3A_822 = vector.shape_cast %get3A_821 : vector<1x16xi32> to vector<16xi32>
        %swap3A_823 = arith.constant 1 : i32
        %swap3A_824 = arith.index_cast %swap3A_823 : i32 to index
        %swap3A_825 = arith.constant 48 : index
        %swap3A_826 = tpu.vector_load %arg8[%swap3A_824, %swap3A_825] {strides = array<i32>} : memref<2x128xi32, #tpu.memory_space<vmem>>, vector<1x16xi32>,
        %swap3A_827 = vector.shape_cast %swap3A_826 : vector<1x16xi32> to vector<16xi32>
        %swap3A_828 = vector.shape_cast %get3A_822 : vector<16xi32> to vector<1x16xi32>
        tpu.vector_store %arg8[%swap3A_824, %swap3A_825], %swap3A_828 {strides = array<i32>} : memref<2x128xi32, #tpu.memory_space<vmem>>, vector<1x16xi32>,
        %mul3A_829 = arith.constant 16 : i32
        %mul3A_830 = arith.muli %add3A_660, %mul3A_829 : i32
        %add3A_831 = arith.constant 12 : i32
        %add3A_832 = arith.addi %mul3A_830, %add3A_831 : i32
        %get3A_833 = arith.index_cast %add3A_832 : i32 to index
        %get3A_834 = arith.constant 0 : index
        %get3A_835 = tpu.vector_load %arg5[%get3A_833, %get3A_834] {strides = array<i32>} : memref<512x16xi32, #tpu.memory_space<vmem>>, vector<1x16xi32>,
        %get3A_836 = vector.shape_cast %get3A_835 : vector<1x16xi32> to vector<16xi32>
        %swap3A_837 = arith.constant 1 : i32
        %swap3A_838 = arith.index_cast %swap3A_837 : i32 to index
        %swap3A_839 = arith.constant 64 : index
        %swap3A_840 = tpu.vector_load %arg8[%swap3A_838, %swap3A_839] {strides = array<i32>} : memref<2x128xi32, #tpu.memory_space<vmem>>, vector<1x16xi32>,
        %swap3A_841 = vector.shape_cast %swap3A_840 : vector<1x16xi32> to vector<16xi32>
        %swap3A_842 = vector.shape_cast %get3A_836 : vector<16xi32> to vector<1x16xi32>
        tpu.vector_store %arg8[%swap3A_838, %swap3A_839], %swap3A_842 {strides = array<i32>} : memref<2x128xi32, #tpu.memory_space<vmem>>, vector<1x16xi32>,
        %mul3A_843 = arith.constant 16 : i32
        %mul3A_844 = arith.muli %add3A_660, %mul3A_843 : i32
        %add3A_845 = arith.constant 13 : i32
        %add3A_846 = arith.addi %mul3A_844, %add3A_845 : i32
        %get3A_847 = arith.index_cast %add3A_846 : i32 to index
        %get3A_848 = arith.constant 0 : index
        %get3A_849 = tpu.vector_load %arg5[%get3A_847, %get3A_848] {strides = array<i32>} : memref<512x16xi32, #tpu.memory_space<vmem>>, vector<1x16xi32>,
        %get3A_850 = vector.shape_cast %get3A_849 : vector<1x16xi32> to vector<16xi32>
        %swap3A_851 = arith.constant 1 : i32
        %swap3A_852 = arith.index_cast %swap3A_851 : i32 to index
        %swap3A_853 = arith.constant 80 : index
        %swap3A_854 = tpu.vector_load %arg8[%swap3A_852, %swap3A_853] {strides = array<i32>} : memref<2x128xi32, #tpu.memory_space<vmem>>, vector<1x16xi32>,
        %swap3A_855 = vector.shape_cast %swap3A_854 : vector<1x16xi32> to vector<16xi32>
        %swap3A_856 = vector.shape_cast %get3A_850 : vector<16xi32> to vector<1x16xi32>
        tpu.vector_store %arg8[%swap3A_852, %swap3A_853], %swap3A_856 {strides = array<i32>} : memref<2x128xi32, #tpu.memory_space<vmem>>, vector<1x16xi32>,
        %mul3A_857 = arith.constant 16 : i32
        %mul3A_858 = arith.muli %add3A_660, %mul3A_857 : i32
        %add3A_859 = arith.constant 14 : i32
        %add3A_860 = arith.addi %mul3A_858, %add3A_859 : i32
        %get3A_861 = arith.index_cast %add3A_860 : i32 to index
        %get3A_862 = arith.constant 0 : index
        %get3A_863 = tpu.vector_load %arg5[%get3A_861, %get3A_862] {strides = array<i32>} : memref<512x16xi32, #tpu.memory_space<vmem>>, vector<1x16xi32>,
        %get3A_864 = vector.shape_cast %get3A_863 : vector<1x16xi32> to vector<16xi32>
        %swap3A_865 = arith.constant 1 : i32
        %swap3A_866 = arith.index_cast %swap3A_865 : i32 to index
        %swap3A_867 = arith.constant 96 : index
        %swap3A_868 = tpu.vector_load %arg8[%swap3A_866, %swap3A_867] {strides = array<i32>} : memref<2x128xi32, #tpu.memory_space<vmem>>, vector<1x16xi32>,
        %swap3A_869 = vector.shape_cast %swap3A_868 : vector<1x16xi32> to vector<16xi32>
        %swap3A_870 = vector.shape_cast %get3A_864 : vector<16xi32> to vector<1x16xi32>
        tpu.vector_store %arg8[%swap3A_866, %swap3A_867], %swap3A_870 {strides = array<i32>} : memref<2x128xi32, #tpu.memory_space<vmem>>, vector<1x16xi32>,
        %mul3A_871 = arith.constant 16 : i32
        %mul3A_872 = arith.muli %add3A_660, %mul3A_871 : i32
        %add3A_873 = arith.constant 15 : i32
        %add3A_874 = arith.addi %mul3A_872, %add3A_873 : i32
        %get3A_875 = arith.index_cast %add3A_874 : i32 to index
        %get3A_876 = arith.constant 0 : index
        %get3A_877 = tpu.vector_load %arg5[%get3A_875, %get3A_876] {strides = array<i32>} : memref<512x16xi32, #tpu.memory_space<vmem>>, vector<1x16xi32>,
        %get3A_878 = vector.shape_cast %get3A_877 : vector<1x16xi32> to vector<16xi32>
        %swap3A_879 = arith.constant 1 : i32
        %swap3A_880 = arith.index_cast %swap3A_879 : i32 to index
        %swap3A_881 = arith.constant 112 : index
        %swap3A_882 = tpu.vector_load %arg8[%swap3A_880, %swap3A_881] {strides = array<i32>} : memref<2x128xi32, #tpu.memory_space<vmem>>, vector<1x16xi32>,
        %swap3A_883 = vector.shape_cast %swap3A_882 : vector<1x16xi32> to vector<16xi32>
        %swap3A_884 = vector.shape_cast %get3A_878 : vector<16xi32> to vector<1x16xi32>
        tpu.vector_store %arg8[%swap3A_880, %swap3A_881], %swap3A_884 {strides = array<i32>} : memref<2x128xi32, #tpu.memory_space<vmem>>, vector<1x16xi32>,
        %add3A_885 = arith.constant 2 : i32
        %add3A_886 = arith.addi %add3A_461, %add3A_885 : i32
        %dma_start3A_887 = arith.constant 0 : i32
        %dma_start3A_888 = arith.constant 0 : i32
        %dma_start3A_889 = arith.constant 0 : i32
        %dma_start3A_890 = tpu.memref_slice %arg12[%dma_start3A_888, %dma_start3A_889] : memref<256x64xf32, #tpu.memory_space<vmem>> -> memref<128x64xf32, #tpu.memory_space<vmem>>
        %dma_start3A_891 = arith.constant 0 : i32
        %dma_start3A_892 = tpu.memref_slice %arg8[%dma_start3A_887, %dma_start3A_891] : memref<2x128xi32, #tpu.memory_space<vmem>> -> memref<1x128xi32, #tpu.memory_space<vmem>>
        %dma_start3A_893 = tpu.memref_squeeze %dma_start3A_892 : memref<1x128xi32, #tpu.memory_space<vmem>> -> memref<128xi32, #tpu.memory_space<vmem>>
        %dma_start3A_894 = arith.constant 0 : i32
        %dma_start3A_895 = arith.constant 0 : i32
        %dma_start3A_896 = tpu.memref_slice %arg2[%add3A_18, %dma_start3A_894, %dma_start3A_895] : memref<8x4096x64xf32, #tpu.memory_space<hbm>> -> memref<1x4096x64xf32, #tpu.memory_space<hbm>>
        %dma_start3A_897 = tpu.memref_squeeze %dma_start3A_896 : memref<1x4096x64xf32, #tpu.memory_space<hbm>> -> memref<4096x64xf32, #tpu.memory_space<hbm>>
        %dma_start3A_898 = arith.constant 0 : i32
        %dma_start3A_899 = arith.constant 0 : i32
        %dma_start3A_900 = tpu.memref_slice %dma_start3A_897[%dma_start3A_898, %dma_start3A_899] : memref<4096x64xf32, #tpu.memory_space<hbm>> -> memref<4096x64xf32, #tpu.memory_space<hbm>>
        tpu.enqueue_indirect_dma source(%dma_start3A_900 : memref<4096x64xf32, #tpu.memory_space<hbm>>) target(%dma_start3A_890 : memref<128x64xf32, #tpu.memory_space<vmem>>) offsets(%dma_start3A_893 : memref<128xi32, #tpu.memory_space<vmem>>) semaphore(%arg16 : memref<!tpu.dma_semaphore, #tpu.memory_space<semaphore_mem>>)
        %dma_start3A_901 = arith.constant 1 : i32
        %dma_start3A_902 = arith.constant 128 : i32
        %dma_start3A_903 = arith.constant 0 : i32
        %dma_start3A_904 = tpu.memref_slice %arg12[%dma_start3A_902, %dma_start3A_903] : memref<256x64xf32, #tpu.memory_space<vmem>> -> memref<128x64xf32, #tpu.memory_space<vmem>>
        %dma_start3A_905 = arith.constant 0 : i32
        %dma_start3A_906 = tpu.memref_slice %arg8[%dma_start3A_901, %dma_start3A_905] : memref<2x128xi32, #tpu.memory_space<vmem>> -> memref<1x128xi32, #tpu.memory_space<vmem>>
        %dma_start3A_907 = tpu.memref_squeeze %dma_start3A_906 : memref<1x128xi32, #tpu.memory_space<vmem>> -> memref<128xi32, #tpu.memory_space<vmem>>
        %dma_start3A_908 = arith.constant 0 : i32
        %dma_start3A_909 = arith.constant 0 : i32
        %dma_start3A_910 = tpu.memref_slice %arg2[%add3A_18, %dma_start3A_908, %dma_start3A_909] : memref<8x4096x64xf32, #tpu.memory_space<hbm>> -> memref<1x4096x64xf32, #tpu.memory_space<hbm>>
        %dma_start3A_911 = tpu.memref_squeeze %dma_start3A_910 : memref<1x4096x64xf32, #tpu.memory_space<hbm>> -> memref<4096x64xf32, #tpu.memory_space<hbm>>
        %dma_start3A_912 = arith.constant 0 : i32
        %dma_start3A_913 = arith.constant 0 : i32
        %dma_start3A_914 = tpu.memref_slice %dma_start3A_911[%dma_start3A_912, %dma_start3A_913] : memref<4096x64xf32, #tpu.memory_space<hbm>> -> memref<4096x64xf32, #tpu.memory_space<hbm>>
        tpu.enqueue_indirect_dma source(%dma_start3A_914 : memref<4096x64xf32, #tpu.memory_space<hbm>>) target(%dma_start3A_904 : memref<128x64xf32, #tpu.memory_space<vmem>>) offsets(%dma_start3A_907 : memref<128xi32, #tpu.memory_space<vmem>>) semaphore(%arg16 : memref<!tpu.dma_semaphore, #tpu.memory_space<semaphore_mem>>)
      } else {
      }
      %mul3A_506 = arith.constant 4 : i32
      %mul3A_507 = arith.muli %scan3A_457, %mul3A_506 : i32
      %add3A_508 = arith.constant 1 : i32
      %add3A_509 = arith.addi %mul3A_507, %add3A_508 : i32
      %dma_wait3A_510 = arith.constant 0 : i32
      %dma_wait3A_511 = arith.constant 0 : i32
      %dma_wait3A_512 = arith.constant 0 : i32
      %dma_wait3A_513 = tpu.memref_slice %arg11[%dma_wait3A_511, %dma_wait3A_512] : memref<256x64xf32, #tpu.memory_space<vmem>> -> memref<128x64xf32, #tpu.memory_space<vmem>>
      %dma_wait3A_514 = arith.constant 0 : i32
      %dma_wait3A_515 = tpu.memref_slice %arg7[%dma_wait3A_510, %dma_wait3A_514] : memref<2x128xi32, #tpu.memory_space<vmem>> -> memref<1x128xi32, #tpu.memory_space<vmem>>
      %dma_wait3A_516 = tpu.memref_squeeze %dma_wait3A_515 : memref<1x128xi32, #tpu.memory_space<vmem>> -> memref<128xi32, #tpu.memory_space<vmem>>
      %dma_wait3A_517 = arith.constant 0 : i32
      %dma_wait3A_518 = arith.constant 0 : i32
      %dma_wait3A_519 = tpu.memref_slice %arg2[%add3A_18, %dma_wait3A_517, %dma_wait3A_518] : memref<8x4096x64xf32, #tpu.memory_space<hbm>> -> memref<1x4096x64xf32, #tpu.memory_space<hbm>>
      %dma_wait3A_520 = tpu.memref_squeeze %dma_wait3A_519 : memref<1x4096x64xf32, #tpu.memory_space<hbm>> -> memref<4096x64xf32, #tpu.memory_space<hbm>>
      %dma_wait3A_521 = arith.constant 0 : i32
      %dma_wait3A_522 = arith.constant 0 : i32
      %dma_wait3A_523 = tpu.memref_slice %dma_wait3A_520[%dma_wait3A_521, %dma_wait3A_522] : memref<4096x64xf32, #tpu.memory_space<hbm>> -> memref<4096x64xf32, #tpu.memory_space<hbm>>
      tpu.wait_indirect_dma semaphore(%arg15 : memref<!tpu.dma_semaphore, #tpu.memory_space<semaphore_mem>>) src(%dma_wait3A_523 : memref<4096x64xf32, #tpu.memory_space<hbm>>) dst(%dma_wait3A_513 : memref<128x64xf32, #tpu.memory_space<vmem>>)
      %dma_wait3A_524 = arith.constant 1 : i32
      %dma_wait3A_525 = arith.constant 128 : i32
      %dma_wait3A_526 = arith.constant 0 : i32
      %dma_wait3A_527 = tpu.memref_slice %arg11[%dma_wait3A_525, %dma_wait3A_526] : memref<256x64xf32, #tpu.memory_space<vmem>> -> memref<128x64xf32, #tpu.memory_space<vmem>>
      %dma_wait3A_528 = arith.constant 0 : i32
      %dma_wait3A_529 = tpu.memref_slice %arg7[%dma_wait3A_524, %dma_wait3A_528] : memref<2x128xi32, #tpu.memory_space<vmem>> -> memref<1x128xi32, #tpu.memory_space<vmem>>
      %dma_wait3A_530 = tpu.memref_squeeze %dma_wait3A_529 : memref<1x128xi32, #tpu.memory_space<vmem>> -> memref<128xi32, #tpu.memory_space<vmem>>
      %dma_wait3A_531 = arith.constant 0 : i32
      %dma_wait3A_532 = arith.constant 0 : i32
      %dma_wait3A_533 = tpu.memref_slice %arg2[%add3A_18, %dma_wait3A_531, %dma_wait3A_532] : memref<8x4096x64xf32, #tpu.memory_space<hbm>> -> memref<1x4096x64xf32, #tpu.memory_space<hbm>>
      %dma_wait3A_534 = tpu.memref_squeeze %dma_wait3A_533 : memref<1x4096x64xf32, #tpu.memory_space<hbm>> -> memref<4096x64xf32, #tpu.memory_space<hbm>>
      %dma_wait3A_535 = arith.constant 0 : i32
      %dma_wait3A_536 = arith.constant 0 : i32
      %dma_wait3A_537 = tpu.memref_slice %dma_wait3A_534[%dma_wait3A_535, %dma_wait3A_536] : memref<4096x64xf32, #tpu.memory_space<hbm>> -> memref<4096x64xf32, #tpu.memory_space<hbm>>
      tpu.wait_indirect_dma semaphore(%arg15 : memref<!tpu.dma_semaphore, #tpu.memory_space<semaphore_mem>>) src(%dma_wait3A_537 : memref<4096x64xf32, #tpu.memory_space<hbm>>) dst(%dma_wait3A_527 : memref<128x64xf32, #tpu.memory_space<vmem>>)
      %mul3A_538 = arith.constant 256 : i32
      %mul3A_539 = arith.muli %add3A_509, %mul3A_538 : i32
      %add3A_540 = arith.addi %mul3A_36, %mul3A_539 : i32
      %dma_start3A_541 = arith.constant 0 : i32
      %dma_start3A_542 = tpu.memref_slice %arg4[%add3A_540, %dma_start3A_541] : memref<262144x64xf32, #tpu.memory_space<hbm>> -> memref<256x64xf32, #tpu.memory_space<hbm>>
      %dma_start3A_543 = arith.constant 0 : i32
      %dma_start3A_544 = tpu.memref_slice %arg4[%add3A_540, %dma_start3A_543] : memref<262144x64xf32, #tpu.memory_space<hbm>> -> memref<256x64xf32, #tpu.memory_space<hbm>>
      tpu.enqueue_dma source(%arg11 : memref<256x64xf32, #tpu.memory_space<vmem>>) target(%dma_start3A_544 : memref<256x64xf32, #tpu.memory_space<hbm>>) target_semaphore(%arg19 : memref<!tpu.dma_semaphore, #tpu.memory_space<semaphore_mem>>)
      %ge3A_545 = arith.constant 2 : i32
      %ge3A_546 = arith.cmpi sge, %add3A_509, %ge3A_545 : i32
      %convert_element_type3A_547 = arith.extui %ge3A_546 : i1 to i32
      %cond3A_548 = arith.constant 0 : i32
      %cond3A_549 = arith.cmpi ne, %convert_element_type3A_547, %cond3A_548 : i32
      scf.if %cond3A_549 {
        %sub3A_659 = arith.constant 2 : i32
        %sub3A_660 = arith.subi %add3A_509, %sub3A_659 : i32
        %mul3A_661 = arith.constant 256 : i32
        %mul3A_662 = arith.muli %sub3A_660, %mul3A_661 : i32
        %add3A_663 = arith.addi %mul3A_36, %mul3A_662 : i32
        %dma_wait3A_664 = arith.constant 0 : i32
        %dma_wait3A_665 = tpu.memref_slice %arg4[%add3A_663, %dma_wait3A_664] : memref<262144x64xf32, #tpu.memory_space<hbm>> -> memref<256x64xf32, #tpu.memory_space<hbm>>
        %dma_wait3A_666 = arith.constant 0 : i32
        %dma_wait3A_667 = tpu.memref_slice %arg4[%add3A_663, %dma_wait3A_666] : memref<262144x64xf32, #tpu.memory_space<hbm>> -> memref<256x64xf32, #tpu.memory_space<hbm>>
        tpu.wait_dma2 semaphore(%arg21 : memref<!tpu.dma_semaphore, #tpu.memory_space<semaphore_mem>>) src(%arg13 : memref<256x64xf32, #tpu.memory_space<vmem>>) dst(%dma_wait3A_667 : memref<256x64xf32, #tpu.memory_space<hbm>>)
      } else {
      }
      %add3A_550 = arith.constant 2 : i32
      %add3A_551 = arith.addi %add3A_509, %add3A_550 : i32
      %lt3A_552 = arith.constant 32 : i32
      %lt3A_553 = arith.cmpi slt, %add3A_551, %lt3A_552 : i32
      %convert_element_type3A_554 = arith.extui %lt3A_553 : i1 to i32
      %cond3A_555 = arith.constant 0 : i32
      %cond3A_556 = arith.cmpi ne, %convert_element_type3A_554, %cond3A_555 : i32
      scf.if %cond3A_556 {
        %add3A_659 = arith.constant 2 : i32
        %add3A_660 = arith.addi %add3A_509, %add3A_659 : i32
        %mul3A_661 = arith.constant 16 : i32
        %mul3A_662 = arith.muli %add3A_660, %mul3A_661 : i32
        %add3A_663 = arith.constant 0 : i32
        %add3A_664 = arith.addi %mul3A_662, %add3A_663 : i32
        %get3A_665 = arith.index_cast %add3A_664 : i32 to index
        %get3A_666 = arith.constant 0 : index
        %get3A_667 = tpu.vector_load %arg5[%get3A_665, %get3A_666] {strides = array<i32>} : memref<512x16xi32, #tpu.memory_space<vmem>>, vector<1x16xi32>,
        %get3A_668 = vector.shape_cast %get3A_667 : vector<1x16xi32> to vector<16xi32>
        %swap3A_669 = arith.constant 0 : i32
        %swap3A_670 = arith.index_cast %swap3A_669 : i32 to index
        %swap3A_671 = arith.constant 0 : index
        %swap3A_672 = tpu.vector_load %arg9[%swap3A_670, %swap3A_671] {strides = array<i32>} : memref<2x128xi32, #tpu.memory_space<vmem>>, vector<1x16xi32>,
        %swap3A_673 = vector.shape_cast %swap3A_672 : vector<1x16xi32> to vector<16xi32>
        %swap3A_674 = vector.shape_cast %get3A_668 : vector<16xi32> to vector<1x16xi32>
        tpu.vector_store %arg9[%swap3A_670, %swap3A_671], %swap3A_674 {strides = array<i32>} : memref<2x128xi32, #tpu.memory_space<vmem>>, vector<1x16xi32>,
        %mul3A_675 = arith.constant 16 : i32
        %mul3A_676 = arith.muli %add3A_660, %mul3A_675 : i32
        %add3A_677 = arith.constant 1 : i32
        %add3A_678 = arith.addi %mul3A_676, %add3A_677 : i32
        %get3A_679 = arith.index_cast %add3A_678 : i32 to index
        %get3A_680 = arith.constant 0 : index
        %get3A_681 = tpu.vector_load %arg5[%get3A_679, %get3A_680] {strides = array<i32>} : memref<512x16xi32, #tpu.memory_space<vmem>>, vector<1x16xi32>,
        %get3A_682 = vector.shape_cast %get3A_681 : vector<1x16xi32> to vector<16xi32>
        %swap3A_683 = arith.constant 0 : i32
        %swap3A_684 = arith.index_cast %swap3A_683 : i32 to index
        %swap3A_685 = arith.constant 16 : index
        %swap3A_686 = tpu.vector_load %arg9[%swap3A_684, %swap3A_685] {strides = array<i32>} : memref<2x128xi32, #tpu.memory_space<vmem>>, vector<1x16xi32>,
        %swap3A_687 = vector.shape_cast %swap3A_686 : vector<1x16xi32> to vector<16xi32>
        %swap3A_688 = vector.shape_cast %get3A_682 : vector<16xi32> to vector<1x16xi32>
        tpu.vector_store %arg9[%swap3A_684, %swap3A_685], %swap3A_688 {strides = array<i32>} : memref<2x128xi32, #tpu.memory_space<vmem>>, vector<1x16xi32>,
        %mul3A_689 = arith.constant 16 : i32
        %mul3A_690 = arith.muli %add3A_660, %mul3A_689 : i32
        %add3A_691 = arith.constant 2 : i32
        %add3A_692 = arith.addi %mul3A_690, %add3A_691 : i32
        %get3A_693 = arith.index_cast %add3A_692 : i32 to index
        %get3A_694 = arith.constant 0 : index
        %get3A_695 = tpu.vector_load %arg5[%get3A_693, %get3A_694] {strides = array<i32>} : memref<512x16xi32, #tpu.memory_space<vmem>>, vector<1x16xi32>,
        %get3A_696 = vector.shape_cast %get3A_695 : vector<1x16xi32> to vector<16xi32>
        %swap3A_697 = arith.constant 0 : i32
        %swap3A_698 = arith.index_cast %swap3A_697 : i32 to index
        %swap3A_699 = arith.constant 32 : index
        %swap3A_700 = tpu.vector_load %arg9[%swap3A_698, %swap3A_699] {strides = array<i32>} : memref<2x128xi32, #tpu.memory_space<vmem>>, vector<1x16xi32>,
        %swap3A_701 = vector.shape_cast %swap3A_700 : vector<1x16xi32> to vector<16xi32>
        %swap3A_702 = vector.shape_cast %get3A_696 : vector<16xi32> to vector<1x16xi32>
        tpu.vector_store %arg9[%swap3A_698, %swap3A_699], %swap3A_702 {strides = array<i32>} : memref<2x128xi32, #tpu.memory_space<vmem>>, vector<1x16xi32>,
        %mul3A_703 = arith.constant 16 : i32
        %mul3A_704 = arith.muli %add3A_660, %mul3A_703 : i32
        %add3A_705 = arith.constant 3 : i32
        %add3A_706 = arith.addi %mul3A_704, %add3A_705 : i32
        %get3A_707 = arith.index_cast %add3A_706 : i32 to index
        %get3A_708 = arith.constant 0 : index
        %get3A_709 = tpu.vector_load %arg5[%get3A_707, %get3A_708] {strides = array<i32>} : memref<512x16xi32, #tpu.memory_space<vmem>>, vector<1x16xi32>,
        %get3A_710 = vector.shape_cast %get3A_709 : vector<1x16xi32> to vector<16xi32>
        %swap3A_711 = arith.constant 0 : i32
        %swap3A_712 = arith.index_cast %swap3A_711 : i32 to index
        %swap3A_713 = arith.constant 48 : index
        %swap3A_714 = tpu.vector_load %arg9[%swap3A_712, %swap3A_713] {strides = array<i32>} : memref<2x128xi32, #tpu.memory_space<vmem>>, vector<1x16xi32>,
        %swap3A_715 = vector.shape_cast %swap3A_714 : vector<1x16xi32> to vector<16xi32>
        %swap3A_716 = vector.shape_cast %get3A_710 : vector<16xi32> to vector<1x16xi32>
        tpu.vector_store %arg9[%swap3A_712, %swap3A_713], %swap3A_716 {strides = array<i32>} : memref<2x128xi32, #tpu.memory_space<vmem>>, vector<1x16xi32>,
        %mul3A_717 = arith.constant 16 : i32
        %mul3A_718 = arith.muli %add3A_660, %mul3A_717 : i32
        %add3A_719 = arith.constant 4 : i32
        %add3A_720 = arith.addi %mul3A_718, %add3A_719 : i32
        %get3A_721 = arith.index_cast %add3A_720 : i32 to index
        %get3A_722 = arith.constant 0 : index
        %get3A_723 = tpu.vector_load %arg5[%get3A_721, %get3A_722] {strides = array<i32>} : memref<512x16xi32, #tpu.memory_space<vmem>>, vector<1x16xi32>,
        %get3A_724 = vector.shape_cast %get3A_723 : vector<1x16xi32> to vector<16xi32>
        %swap3A_725 = arith.constant 0 : i32
        %swap3A_726 = arith.index_cast %swap3A_725 : i32 to index
        %swap3A_727 = arith.constant 64 : index
        %swap3A_728 = tpu.vector_load %arg9[%swap3A_726, %swap3A_727] {strides = array<i32>} : memref<2x128xi32, #tpu.memory_space<vmem>>, vector<1x16xi32>,
        %swap3A_729 = vector.shape_cast %swap3A_728 : vector<1x16xi32> to vector<16xi32>
        %swap3A_730 = vector.shape_cast %get3A_724 : vector<16xi32> to vector<1x16xi32>
        tpu.vector_store %arg9[%swap3A_726, %swap3A_727], %swap3A_730 {strides = array<i32>} : memref<2x128xi32, #tpu.memory_space<vmem>>, vector<1x16xi32>,
        %mul3A_731 = arith.constant 16 : i32
        %mul3A_732 = arith.muli %add3A_660, %mul3A_731 : i32
        %add3A_733 = arith.constant 5 : i32
        %add3A_734 = arith.addi %mul3A_732, %add3A_733 : i32
        %get3A_735 = arith.index_cast %add3A_734 : i32 to index
        %get3A_736 = arith.constant 0 : index
        %get3A_737 = tpu.vector_load %arg5[%get3A_735, %get3A_736] {strides = array<i32>} : memref<512x16xi32, #tpu.memory_space<vmem>>, vector<1x16xi32>,
        %get3A_738 = vector.shape_cast %get3A_737 : vector<1x16xi32> to vector<16xi32>
        %swap3A_739 = arith.constant 0 : i32
        %swap3A_740 = arith.index_cast %swap3A_739 : i32 to index
        %swap3A_741 = arith.constant 80 : index
        %swap3A_742 = tpu.vector_load %arg9[%swap3A_740, %swap3A_741] {strides = array<i32>} : memref<2x128xi32, #tpu.memory_space<vmem>>, vector<1x16xi32>,
        %swap3A_743 = vector.shape_cast %swap3A_742 : vector<1x16xi32> to vector<16xi32>
        %swap3A_744 = vector.shape_cast %get3A_738 : vector<16xi32> to vector<1x16xi32>
        tpu.vector_store %arg9[%swap3A_740, %swap3A_741], %swap3A_744 {strides = array<i32>} : memref<2x128xi32, #tpu.memory_space<vmem>>, vector<1x16xi32>,
        %mul3A_745 = arith.constant 16 : i32
        %mul3A_746 = arith.muli %add3A_660, %mul3A_745 : i32
        %add3A_747 = arith.constant 6 : i32
        %add3A_748 = arith.addi %mul3A_746, %add3A_747 : i32
        %get3A_749 = arith.index_cast %add3A_748 : i32 to index
        %get3A_750 = arith.constant 0 : index
        %get3A_751 = tpu.vector_load %arg5[%get3A_749, %get3A_750] {strides = array<i32>} : memref<512x16xi32, #tpu.memory_space<vmem>>, vector<1x16xi32>,
        %get3A_752 = vector.shape_cast %get3A_751 : vector<1x16xi32> to vector<16xi32>
        %swap3A_753 = arith.constant 0 : i32
        %swap3A_754 = arith.index_cast %swap3A_753 : i32 to index
        %swap3A_755 = arith.constant 96 : index
        %swap3A_756 = tpu.vector_load %arg9[%swap3A_754, %swap3A_755] {strides = array<i32>} : memref<2x128xi32, #tpu.memory_space<vmem>>, vector<1x16xi32>,
        %swap3A_757 = vector.shape_cast %swap3A_756 : vector<1x16xi32> to vector<16xi32>
        %swap3A_758 = vector.shape_cast %get3A_752 : vector<16xi32> to vector<1x16xi32>
        tpu.vector_store %arg9[%swap3A_754, %swap3A_755], %swap3A_758 {strides = array<i32>} : memref<2x128xi32, #tpu.memory_space<vmem>>, vector<1x16xi32>,
        %mul3A_759 = arith.constant 16 : i32
        %mul3A_760 = arith.muli %add3A_660, %mul3A_759 : i32
        %add3A_761 = arith.constant 7 : i32
        %add3A_762 = arith.addi %mul3A_760, %add3A_761 : i32
        %get3A_763 = arith.index_cast %add3A_762 : i32 to index
        %get3A_764 = arith.constant 0 : index
        %get3A_765 = tpu.vector_load %arg5[%get3A_763, %get3A_764] {strides = array<i32>} : memref<512x16xi32, #tpu.memory_space<vmem>>, vector<1x16xi32>,
        %get3A_766 = vector.shape_cast %get3A_765 : vector<1x16xi32> to vector<16xi32>
        %swap3A_767 = arith.constant 0 : i32
        %swap3A_768 = arith.index_cast %swap3A_767 : i32 to index
        %swap3A_769 = arith.constant 112 : index
        %swap3A_770 = tpu.vector_load %arg9[%swap3A_768, %swap3A_769] {strides = array<i32>} : memref<2x128xi32, #tpu.memory_space<vmem>>, vector<1x16xi32>,
        %swap3A_771 = vector.shape_cast %swap3A_770 : vector<1x16xi32> to vector<16xi32>
        %swap3A_772 = vector.shape_cast %get3A_766 : vector<16xi32> to vector<1x16xi32>
        tpu.vector_store %arg9[%swap3A_768, %swap3A_769], %swap3A_772 {strides = array<i32>} : memref<2x128xi32, #tpu.memory_space<vmem>>, vector<1x16xi32>,
        %mul3A_773 = arith.constant 16 : i32
        %mul3A_774 = arith.muli %add3A_660, %mul3A_773 : i32
        %add3A_775 = arith.constant 8 : i32
        %add3A_776 = arith.addi %mul3A_774, %add3A_775 : i32
        %get3A_777 = arith.index_cast %add3A_776 : i32 to index
        %get3A_778 = arith.constant 0 : index
        %get3A_779 = tpu.vector_load %arg5[%get3A_777, %get3A_778] {strides = array<i32>} : memref<512x16xi32, #tpu.memory_space<vmem>>, vector<1x16xi32>,
        %get3A_780 = vector.shape_cast %get3A_779 : vector<1x16xi32> to vector<16xi32>
        %swap3A_781 = arith.constant 1 : i32
        %swap3A_782 = arith.index_cast %swap3A_781 : i32 to index
        %swap3A_783 = arith.constant 0 : index
        %swap3A_784 = tpu.vector_load %arg9[%swap3A_782, %swap3A_783] {strides = array<i32>} : memref<2x128xi32, #tpu.memory_space<vmem>>, vector<1x16xi32>,
        %swap3A_785 = vector.shape_cast %swap3A_784 : vector<1x16xi32> to vector<16xi32>
        %swap3A_786 = vector.shape_cast %get3A_780 : vector<16xi32> to vector<1x16xi32>
        tpu.vector_store %arg9[%swap3A_782, %swap3A_783], %swap3A_786 {strides = array<i32>} : memref<2x128xi32, #tpu.memory_space<vmem>>, vector<1x16xi32>,
        %mul3A_787 = arith.constant 16 : i32
        %mul3A_788 = arith.muli %add3A_660, %mul3A_787 : i32
        %add3A_789 = arith.constant 9 : i32
        %add3A_790 = arith.addi %mul3A_788, %add3A_789 : i32
        %get3A_791 = arith.index_cast %add3A_790 : i32 to index
        %get3A_792 = arith.constant 0 : index
        %get3A_793 = tpu.vector_load %arg5[%get3A_791, %get3A_792] {strides = array<i32>} : memref<512x16xi32, #tpu.memory_space<vmem>>, vector<1x16xi32>,
        %get3A_794 = vector.shape_cast %get3A_793 : vector<1x16xi32> to vector<16xi32>
        %swap3A_795 = arith.constant 1 : i32
        %swap3A_796 = arith.index_cast %swap3A_795 : i32 to index
        %swap3A_797 = arith.constant 16 : index
        %swap3A_798 = tpu.vector_load %arg9[%swap3A_796, %swap3A_797] {strides = array<i32>} : memref<2x128xi32, #tpu.memory_space<vmem>>, vector<1x16xi32>,
        %swap3A_799 = vector.shape_cast %swap3A_798 : vector<1x16xi32> to vector<16xi32>
        %swap3A_800 = vector.shape_cast %get3A_794 : vector<16xi32> to vector<1x16xi32>
        tpu.vector_store %arg9[%swap3A_796, %swap3A_797], %swap3A_800 {strides = array<i32>} : memref<2x128xi32, #tpu.memory_space<vmem>>, vector<1x16xi32>,
        %mul3A_801 = arith.constant 16 : i32
        %mul3A_802 = arith.muli %add3A_660, %mul3A_801 : i32
        %add3A_803 = arith.constant 10 : i32
        %add3A_804 = arith.addi %mul3A_802, %add3A_803 : i32
        %get3A_805 = arith.index_cast %add3A_804 : i32 to index
        %get3A_806 = arith.constant 0 : index
        %get3A_807 = tpu.vector_load %arg5[%get3A_805, %get3A_806] {strides = array<i32>} : memref<512x16xi32, #tpu.memory_space<vmem>>, vector<1x16xi32>,
        %get3A_808 = vector.shape_cast %get3A_807 : vector<1x16xi32> to vector<16xi32>
        %swap3A_809 = arith.constant 1 : i32
        %swap3A_810 = arith.index_cast %swap3A_809 : i32 to index
        %swap3A_811 = arith.constant 32 : index
        %swap3A_812 = tpu.vector_load %arg9[%swap3A_810, %swap3A_811] {strides = array<i32>} : memref<2x128xi32, #tpu.memory_space<vmem>>, vector<1x16xi32>,
        %swap3A_813 = vector.shape_cast %swap3A_812 : vector<1x16xi32> to vector<16xi32>
        %swap3A_814 = vector.shape_cast %get3A_808 : vector<16xi32> to vector<1x16xi32>
        tpu.vector_store %arg9[%swap3A_810, %swap3A_811], %swap3A_814 {strides = array<i32>} : memref<2x128xi32, #tpu.memory_space<vmem>>, vector<1x16xi32>,
        %mul3A_815 = arith.constant 16 : i32
        %mul3A_816 = arith.muli %add3A_660, %mul3A_815 : i32
        %add3A_817 = arith.constant 11 : i32
        %add3A_818 = arith.addi %mul3A_816, %add3A_817 : i32
        %get3A_819 = arith.index_cast %add3A_818 : i32 to index
        %get3A_820 = arith.constant 0 : index
        %get3A_821 = tpu.vector_load %arg5[%get3A_819, %get3A_820] {strides = array<i32>} : memref<512x16xi32, #tpu.memory_space<vmem>>, vector<1x16xi32>,
        %get3A_822 = vector.shape_cast %get3A_821 : vector<1x16xi32> to vector<16xi32>
        %swap3A_823 = arith.constant 1 : i32
        %swap3A_824 = arith.index_cast %swap3A_823 : i32 to index
        %swap3A_825 = arith.constant 48 : index
        %swap3A_826 = tpu.vector_load %arg9[%swap3A_824, %swap3A_825] {strides = array<i32>} : memref<2x128xi32, #tpu.memory_space<vmem>>, vector<1x16xi32>,
        %swap3A_827 = vector.shape_cast %swap3A_826 : vector<1x16xi32> to vector<16xi32>
        %swap3A_828 = vector.shape_cast %get3A_822 : vector<16xi32> to vector<1x16xi32>
        tpu.vector_store %arg9[%swap3A_824, %swap3A_825], %swap3A_828 {strides = array<i32>} : memref<2x128xi32, #tpu.memory_space<vmem>>, vector<1x16xi32>,
        %mul3A_829 = arith.constant 16 : i32
        %mul3A_830 = arith.muli %add3A_660, %mul3A_829 : i32
        %add3A_831 = arith.constant 12 : i32
        %add3A_832 = arith.addi %mul3A_830, %add3A_831 : i32
        %get3A_833 = arith.index_cast %add3A_832 : i32 to index
        %get3A_834 = arith.constant 0 : index
        %get3A_835 = tpu.vector_load %arg5[%get3A_833, %get3A_834] {strides = array<i32>} : memref<512x16xi32, #tpu.memory_space<vmem>>, vector<1x16xi32>,
        %get3A_836 = vector.shape_cast %get3A_835 : vector<1x16xi32> to vector<16xi32>
        %swap3A_837 = arith.constant 1 : i32
        %swap3A_838 = arith.index_cast %swap3A_837 : i32 to index
        %swap3A_839 = arith.constant 64 : index
        %swap3A_840 = tpu.vector_load %arg9[%swap3A_838, %swap3A_839] {strides = array<i32>} : memref<2x128xi32, #tpu.memory_space<vmem>>, vector<1x16xi32>,
        %swap3A_841 = vector.shape_cast %swap3A_840 : vector<1x16xi32> to vector<16xi32>
        %swap3A_842 = vector.shape_cast %get3A_836 : vector<16xi32> to vector<1x16xi32>
        tpu.vector_store %arg9[%swap3A_838, %swap3A_839], %swap3A_842 {strides = array<i32>} : memref<2x128xi32, #tpu.memory_space<vmem>>, vector<1x16xi32>,
        %mul3A_843 = arith.constant 16 : i32
        %mul3A_844 = arith.muli %add3A_660, %mul3A_843 : i32
        %add3A_845 = arith.constant 13 : i32
        %add3A_846 = arith.addi %mul3A_844, %add3A_845 : i32
        %get3A_847 = arith.index_cast %add3A_846 : i32 to index
        %get3A_848 = arith.constant 0 : index
        %get3A_849 = tpu.vector_load %arg5[%get3A_847, %get3A_848] {strides = array<i32>} : memref<512x16xi32, #tpu.memory_space<vmem>>, vector<1x16xi32>,
        %get3A_850 = vector.shape_cast %get3A_849 : vector<1x16xi32> to vector<16xi32>
        %swap3A_851 = arith.constant 1 : i32
        %swap3A_852 = arith.index_cast %swap3A_851 : i32 to index
        %swap3A_853 = arith.constant 80 : index
        %swap3A_854 = tpu.vector_load %arg9[%swap3A_852, %swap3A_853] {strides = array<i32>} : memref<2x128xi32, #tpu.memory_space<vmem>>, vector<1x16xi32>,
        %swap3A_855 = vector.shape_cast %swap3A_854 : vector<1x16xi32> to vector<16xi32>
        %swap3A_856 = vector.shape_cast %get3A_850 : vector<16xi32> to vector<1x16xi32>
        tpu.vector_store %arg9[%swap3A_852, %swap3A_853], %swap3A_856 {strides = array<i32>} : memref<2x128xi32, #tpu.memory_space<vmem>>, vector<1x16xi32>,
        %mul3A_857 = arith.constant 16 : i32
        %mul3A_858 = arith.muli %add3A_660, %mul3A_857 : i32
        %add3A_859 = arith.constant 14 : i32
        %add3A_860 = arith.addi %mul3A_858, %add3A_859 : i32
        %get3A_861 = arith.index_cast %add3A_860 : i32 to index
        %get3A_862 = arith.constant 0 : index
        %get3A_863 = tpu.vector_load %arg5[%get3A_861, %get3A_862] {strides = array<i32>} : memref<512x16xi32, #tpu.memory_space<vmem>>, vector<1x16xi32>,
        %get3A_864 = vector.shape_cast %get3A_863 : vector<1x16xi32> to vector<16xi32>
        %swap3A_865 = arith.constant 1 : i32
        %swap3A_866 = arith.index_cast %swap3A_865 : i32 to index
        %swap3A_867 = arith.constant 96 : index
        %swap3A_868 = tpu.vector_load %arg9[%swap3A_866, %swap3A_867] {strides = array<i32>} : memref<2x128xi32, #tpu.memory_space<vmem>>, vector<1x16xi32>,
        %swap3A_869 = vector.shape_cast %swap3A_868 : vector<1x16xi32> to vector<16xi32>
        %swap3A_870 = vector.shape_cast %get3A_864 : vector<16xi32> to vector<1x16xi32>
        tpu.vector_store %arg9[%swap3A_866, %swap3A_867], %swap3A_870 {strides = array<i32>} : memref<2x128xi32, #tpu.memory_space<vmem>>, vector<1x16xi32>,
        %mul3A_871 = arith.constant 16 : i32
        %mul3A_872 = arith.muli %add3A_660, %mul3A_871 : i32
        %add3A_873 = arith.constant 15 : i32
        %add3A_874 = arith.addi %mul3A_872, %add3A_873 : i32
        %get3A_875 = arith.index_cast %add3A_874 : i32 to index
        %get3A_876 = arith.constant 0 : index
        %get3A_877 = tpu.vector_load %arg5[%get3A_875, %get3A_876] {strides = array<i32>} : memref<512x16xi32, #tpu.memory_space<vmem>>, vector<1x16xi32>,
        %get3A_878 = vector.shape_cast %get3A_877 : vector<1x16xi32> to vector<16xi32>
        %swap3A_879 = arith.constant 1 : i32
        %swap3A_880 = arith.index_cast %swap3A_879 : i32 to index
        %swap3A_881 = arith.constant 112 : index
        %swap3A_882 = tpu.vector_load %arg9[%swap3A_880, %swap3A_881] {strides = array<i32>} : memref<2x128xi32, #tpu.memory_space<vmem>>, vector<1x16xi32>,
        %swap3A_883 = vector.shape_cast %swap3A_882 : vector<1x16xi32> to vector<16xi32>
        %swap3A_884 = vector.shape_cast %get3A_878 : vector<16xi32> to vector<1x16xi32>
        tpu.vector_store %arg9[%swap3A_880, %swap3A_881], %swap3A_884 {strides = array<i32>} : memref<2x128xi32, #tpu.memory_space<vmem>>, vector<1x16xi32>,
        %add3A_885 = arith.constant 2 : i32
        %add3A_886 = arith.addi %add3A_509, %add3A_885 : i32
        %dma_start3A_887 = arith.constant 0 : i32
        %dma_start3A_888 = arith.constant 0 : i32
        %dma_start3A_889 = arith.constant 0 : i32
        %dma_start3A_890 = tpu.memref_slice %arg13[%dma_start3A_888, %dma_start3A_889] : memref<256x64xf32, #tpu.memory_space<vmem>> -> memref<128x64xf32, #tpu.memory_space<vmem>>
        %dma_start3A_891 = arith.constant 0 : i32
        %dma_start3A_892 = tpu.memref_slice %arg9[%dma_start3A_887, %dma_start3A_891] : memref<2x128xi32, #tpu.memory_space<vmem>> -> memref<1x128xi32, #tpu.memory_space<vmem>>
        %dma_start3A_893 = tpu.memref_squeeze %dma_start3A_892 : memref<1x128xi32, #tpu.memory_space<vmem>> -> memref<128xi32, #tpu.memory_space<vmem>>
        %dma_start3A_894 = arith.constant 0 : i32
        %dma_start3A_895 = arith.constant 0 : i32
        %dma_start3A_896 = tpu.memref_slice %arg2[%add3A_18, %dma_start3A_894, %dma_start3A_895] : memref<8x4096x64xf32, #tpu.memory_space<hbm>> -> memref<1x4096x64xf32, #tpu.memory_space<hbm>>
        %dma_start3A_897 = tpu.memref_squeeze %dma_start3A_896 : memref<1x4096x64xf32, #tpu.memory_space<hbm>> -> memref<4096x64xf32, #tpu.memory_space<hbm>>
        %dma_start3A_898 = arith.constant 0 : i32
        %dma_start3A_899 = arith.constant 0 : i32
        %dma_start3A_900 = tpu.memref_slice %dma_start3A_897[%dma_start3A_898, %dma_start3A_899] : memref<4096x64xf32, #tpu.memory_space<hbm>> -> memref<4096x64xf32, #tpu.memory_space<hbm>>
        tpu.enqueue_indirect_dma source(%dma_start3A_900 : memref<4096x64xf32, #tpu.memory_space<hbm>>) target(%dma_start3A_890 : memref<128x64xf32, #tpu.memory_space<vmem>>) offsets(%dma_start3A_893 : memref<128xi32, #tpu.memory_space<vmem>>) semaphore(%arg17 : memref<!tpu.dma_semaphore, #tpu.memory_space<semaphore_mem>>)
        %dma_start3A_901 = arith.constant 1 : i32
        %dma_start3A_902 = arith.constant 128 : i32
        %dma_start3A_903 = arith.constant 0 : i32
        %dma_start3A_904 = tpu.memref_slice %arg13[%dma_start3A_902, %dma_start3A_903] : memref<256x64xf32, #tpu.memory_space<vmem>> -> memref<128x64xf32, #tpu.memory_space<vmem>>
        %dma_start3A_905 = arith.constant 0 : i32
        %dma_start3A_906 = tpu.memref_slice %arg9[%dma_start3A_901, %dma_start3A_905] : memref<2x128xi32, #tpu.memory_space<vmem>> -> memref<1x128xi32, #tpu.memory_space<vmem>>
        %dma_start3A_907 = tpu.memref_squeeze %dma_start3A_906 : memref<1x128xi32, #tpu.memory_space<vmem>> -> memref<128xi32, #tpu.memory_space<vmem>>
        %dma_start3A_908 = arith.constant 0 : i32
        %dma_start3A_909 = arith.constant 0 : i32
        %dma_start3A_910 = tpu.memref_slice %arg2[%add3A_18, %dma_start3A_908, %dma_start3A_909] : memref<8x4096x64xf32, #tpu.memory_space<hbm>> -> memref<1x4096x64xf32, #tpu.memory_space<hbm>>
        %dma_start3A_911 = tpu.memref_squeeze %dma_start3A_910 : memref<1x4096x64xf32, #tpu.memory_space<hbm>> -> memref<4096x64xf32, #tpu.memory_space<hbm>>
        %dma_start3A_912 = arith.constant 0 : i32
        %dma_start3A_913 = arith.constant 0 : i32
        %dma_start3A_914 = tpu.memref_slice %dma_start3A_911[%dma_start3A_912, %dma_start3A_913] : memref<4096x64xf32, #tpu.memory_space<hbm>> -> memref<4096x64xf32, #tpu.memory_space<hbm>>
        tpu.enqueue_indirect_dma source(%dma_start3A_914 : memref<4096x64xf32, #tpu.memory_space<hbm>>) target(%dma_start3A_904 : memref<128x64xf32, #tpu.memory_space<vmem>>) offsets(%dma_start3A_907 : memref<128xi32, #tpu.memory_space<vmem>>) semaphore(%arg17 : memref<!tpu.dma_semaphore, #tpu.memory_space<semaphore_mem>>)
      } else {
      }
      %mul3A_557 = arith.constant 4 : i32
      %mul3A_558 = arith.muli %scan3A_457, %mul3A_557 : i32
      %add3A_559 = arith.constant 2 : i32
      %add3A_560 = arith.addi %mul3A_558, %add3A_559 : i32
      %dma_wait3A_561 = arith.constant 0 : i32
      %dma_wait3A_562 = arith.constant 0 : i32
      %dma_wait3A_563 = arith.constant 0 : i32
      %dma_wait3A_564 = tpu.memref_slice %arg12[%dma_wait3A_562, %dma_wait3A_563] : memref<256x64xf32, #tpu.memory_space<vmem>> -> memref<128x64xf32, #tpu.memory_space<vmem>>
      %dma_wait3A_565 = arith.constant 0 : i32
      %dma_wait3A_566 = tpu.memref_slice %arg8[%dma_wait3A_561, %dma_wait3A_565] : memref<2x128xi32, #tpu.memory_space<vmem>> -> memref<1x128xi32, #tpu.memory_space<vmem>>
      %dma_wait3A_567 = tpu.memref_squeeze %dma_wait3A_566 : memref<1x128xi32, #tpu.memory_space<vmem>> -> memref<128xi32, #tpu.memory_space<vmem>>
      %dma_wait3A_568 = arith.constant 0 : i32
      %dma_wait3A_569 = arith.constant 0 : i32
      %dma_wait3A_570 = tpu.memref_slice %arg2[%add3A_18, %dma_wait3A_568, %dma_wait3A_569] : memref<8x4096x64xf32, #tpu.memory_space<hbm>> -> memref<1x4096x64xf32, #tpu.memory_space<hbm>>
      %dma_wait3A_571 = tpu.memref_squeeze %dma_wait3A_570 : memref<1x4096x64xf32, #tpu.memory_space<hbm>> -> memref<4096x64xf32, #tpu.memory_space<hbm>>
      %dma_wait3A_572 = arith.constant 0 : i32
      %dma_wait3A_573 = arith.constant 0 : i32
      %dma_wait3A_574 = tpu.memref_slice %dma_wait3A_571[%dma_wait3A_572, %dma_wait3A_573] : memref<4096x64xf32, #tpu.memory_space<hbm>> -> memref<4096x64xf32, #tpu.memory_space<hbm>>
      tpu.wait_indirect_dma semaphore(%arg16 : memref<!tpu.dma_semaphore, #tpu.memory_space<semaphore_mem>>) src(%dma_wait3A_574 : memref<4096x64xf32, #tpu.memory_space<hbm>>) dst(%dma_wait3A_564 : memref<128x64xf32, #tpu.memory_space<vmem>>)
      %dma_wait3A_575 = arith.constant 1 : i32
      %dma_wait3A_576 = arith.constant 128 : i32
      %dma_wait3A_577 = arith.constant 0 : i32
      %dma_wait3A_578 = tpu.memref_slice %arg12[%dma_wait3A_576, %dma_wait3A_577] : memref<256x64xf32, #tpu.memory_space<vmem>> -> memref<128x64xf32, #tpu.memory_space<vmem>>
      %dma_wait3A_579 = arith.constant 0 : i32
      %dma_wait3A_580 = tpu.memref_slice %arg8[%dma_wait3A_575, %dma_wait3A_579] : memref<2x128xi32, #tpu.memory_space<vmem>> -> memref<1x128xi32, #tpu.memory_space<vmem>>
      %dma_wait3A_581 = tpu.memref_squeeze %dma_wait3A_580 : memref<1x128xi32, #tpu.memory_space<vmem>> -> memref<128xi32, #tpu.memory_space<vmem>>
      %dma_wait3A_582 = arith.constant 0 : i32
      %dma_wait3A_583 = arith.constant 0 : i32
      %dma_wait3A_584 = tpu.memref_slice %arg2[%add3A_18, %dma_wait3A_582, %dma_wait3A_583] : memref<8x4096x64xf32, #tpu.memory_space<hbm>> -> memref<1x4096x64xf32, #tpu.memory_space<hbm>>
      %dma_wait3A_585 = tpu.memref_squeeze %dma_wait3A_584 : memref<1x4096x64xf32, #tpu.memory_space<hbm>> -> memref<4096x64xf32, #tpu.memory_space<hbm>>
      %dma_wait3A_586 = arith.constant 0 : i32
      %dma_wait3A_587 = arith.constant 0 : i32
      %dma_wait3A_588 = tpu.memref_slice %dma_wait3A_585[%dma_wait3A_586, %dma_wait3A_587] : memref<4096x64xf32, #tpu.memory_space<hbm>> -> memref<4096x64xf32, #tpu.memory_space<hbm>>
      tpu.wait_indirect_dma semaphore(%arg16 : memref<!tpu.dma_semaphore, #tpu.memory_space<semaphore_mem>>) src(%dma_wait3A_588 : memref<4096x64xf32, #tpu.memory_space<hbm>>) dst(%dma_wait3A_578 : memref<128x64xf32, #tpu.memory_space<vmem>>)
      %mul3A_589 = arith.constant 256 : i32
      %mul3A_590 = arith.muli %add3A_560, %mul3A_589 : i32
      %add3A_591 = arith.addi %mul3A_36, %mul3A_590 : i32
      %dma_start3A_592 = arith.constant 0 : i32
      %dma_start3A_593 = tpu.memref_slice %arg4[%add3A_591, %dma_start3A_592] : memref<262144x64xf32, #tpu.memory_space<hbm>> -> memref<256x64xf32, #tpu.memory_space<hbm>>
      %dma_start3A_594 = arith.constant 0 : i32
      %dma_start3A_595 = tpu.memref_slice %arg4[%add3A_591, %dma_start3A_594] : memref<262144x64xf32, #tpu.memory_space<hbm>> -> memref<256x64xf32, #tpu.memory_space<hbm>>
      tpu.enqueue_dma source(%arg12 : memref<256x64xf32, #tpu.memory_space<vmem>>) target(%dma_start3A_595 : memref<256x64xf32, #tpu.memory_space<hbm>>) target_semaphore(%arg20 : memref<!tpu.dma_semaphore, #tpu.memory_space<semaphore_mem>>)
      %ge3A_596 = arith.constant 2 : i32
      %ge3A_597 = arith.cmpi sge, %add3A_560, %ge3A_596 : i32
      %convert_element_type3A_598 = arith.extui %ge3A_597 : i1 to i32
      %cond3A_599 = arith.constant 0 : i32
      %cond3A_600 = arith.cmpi ne, %convert_element_type3A_598, %cond3A_599 : i32
      scf.if %cond3A_600 {
        %sub3A_659 = arith.constant 2 : i32
        %sub3A_660 = arith.subi %add3A_560, %sub3A_659 : i32
        %mul3A_661 = arith.constant 256 : i32
        %mul3A_662 = arith.muli %sub3A_660, %mul3A_661 : i32
        %add3A_663 = arith.addi %mul3A_36, %mul3A_662 : i32
        %dma_wait3A_664 = arith.constant 0 : i32
        %dma_wait3A_665 = tpu.memref_slice %arg4[%add3A_663, %dma_wait3A_664] : memref<262144x64xf32, #tpu.memory_space<hbm>> -> memref<256x64xf32, #tpu.memory_space<hbm>>
        %dma_wait3A_666 = arith.constant 0 : i32
        %dma_wait3A_667 = tpu.memref_slice %arg4[%add3A_663, %dma_wait3A_666] : memref<262144x64xf32, #tpu.memory_space<hbm>> -> memref<256x64xf32, #tpu.memory_space<hbm>>
        tpu.wait_dma2 semaphore(%arg18 : memref<!tpu.dma_semaphore, #tpu.memory_space<semaphore_mem>>) src(%arg10 : memref<256x64xf32, #tpu.memory_space<vmem>>) dst(%dma_wait3A_667 : memref<256x64xf32, #tpu.memory_space<hbm>>)
      } else {
      }
      %add3A_601 = arith.constant 2 : i32
      %add3A_602 = arith.addi %add3A_560, %add3A_601 : i32
      %lt3A_603 = arith.constant 32 : i32
      %lt3A_604 = arith.cmpi slt, %add3A_602, %lt3A_603 : i32
      %convert_element_type3A_605 = arith.extui %lt3A_604 : i1 to i32
      %cond3A_606 = arith.constant 0 : i32
      %cond3A_607 = arith.cmpi ne, %convert_element_type3A_605, %cond3A_606 : i32
      scf.if %cond3A_607 {
        %add3A_659 = arith.constant 2 : i32
        %add3A_660 = arith.addi %add3A_560, %add3A_659 : i32
        %mul3A_661 = arith.constant 16 : i32
        %mul3A_662 = arith.muli %add3A_660, %mul3A_661 : i32
        %add3A_663 = arith.constant 0 : i32
        %add3A_664 = arith.addi %mul3A_662, %add3A_663 : i32
        %get3A_665 = arith.index_cast %add3A_664 : i32 to index
        %get3A_666 = arith.constant 0 : index
        %get3A_667 = tpu.vector_load %arg5[%get3A_665, %get3A_666] {strides = array<i32>} : memref<512x16xi32, #tpu.memory_space<vmem>>, vector<1x16xi32>,
        %get3A_668 = vector.shape_cast %get3A_667 : vector<1x16xi32> to vector<16xi32>
        %swap3A_669 = arith.constant 0 : i32
        %swap3A_670 = arith.index_cast %swap3A_669 : i32 to index
        %swap3A_671 = arith.constant 0 : index
        %swap3A_672 = tpu.vector_load %arg6[%swap3A_670, %swap3A_671] {strides = array<i32>} : memref<2x128xi32, #tpu.memory_space<vmem>>, vector<1x16xi32>,
        %swap3A_673 = vector.shape_cast %swap3A_672 : vector<1x16xi32> to vector<16xi32>
        %swap3A_674 = vector.shape_cast %get3A_668 : vector<16xi32> to vector<1x16xi32>
        tpu.vector_store %arg6[%swap3A_670, %swap3A_671], %swap3A_674 {strides = array<i32>} : memref<2x128xi32, #tpu.memory_space<vmem>>, vector<1x16xi32>,
        %mul3A_675 = arith.constant 16 : i32
        %mul3A_676 = arith.muli %add3A_660, %mul3A_675 : i32
        %add3A_677 = arith.constant 1 : i32
        %add3A_678 = arith.addi %mul3A_676, %add3A_677 : i32
        %get3A_679 = arith.index_cast %add3A_678 : i32 to index
        %get3A_680 = arith.constant 0 : index
        %get3A_681 = tpu.vector_load %arg5[%get3A_679, %get3A_680] {strides = array<i32>} : memref<512x16xi32, #tpu.memory_space<vmem>>, vector<1x16xi32>,
        %get3A_682 = vector.shape_cast %get3A_681 : vector<1x16xi32> to vector<16xi32>
        %swap3A_683 = arith.constant 0 : i32
        %swap3A_684 = arith.index_cast %swap3A_683 : i32 to index
        %swap3A_685 = arith.constant 16 : index
        %swap3A_686 = tpu.vector_load %arg6[%swap3A_684, %swap3A_685] {strides = array<i32>} : memref<2x128xi32, #tpu.memory_space<vmem>>, vector<1x16xi32>,
        %swap3A_687 = vector.shape_cast %swap3A_686 : vector<1x16xi32> to vector<16xi32>
        %swap3A_688 = vector.shape_cast %get3A_682 : vector<16xi32> to vector<1x16xi32>
        tpu.vector_store %arg6[%swap3A_684, %swap3A_685], %swap3A_688 {strides = array<i32>} : memref<2x128xi32, #tpu.memory_space<vmem>>, vector<1x16xi32>,
        %mul3A_689 = arith.constant 16 : i32
        %mul3A_690 = arith.muli %add3A_660, %mul3A_689 : i32
        %add3A_691 = arith.constant 2 : i32
        %add3A_692 = arith.addi %mul3A_690, %add3A_691 : i32
        %get3A_693 = arith.index_cast %add3A_692 : i32 to index
        %get3A_694 = arith.constant 0 : index
        %get3A_695 = tpu.vector_load %arg5[%get3A_693, %get3A_694] {strides = array<i32>} : memref<512x16xi32, #tpu.memory_space<vmem>>, vector<1x16xi32>,
        %get3A_696 = vector.shape_cast %get3A_695 : vector<1x16xi32> to vector<16xi32>
        %swap3A_697 = arith.constant 0 : i32
        %swap3A_698 = arith.index_cast %swap3A_697 : i32 to index
        %swap3A_699 = arith.constant 32 : index
        %swap3A_700 = tpu.vector_load %arg6[%swap3A_698, %swap3A_699] {strides = array<i32>} : memref<2x128xi32, #tpu.memory_space<vmem>>, vector<1x16xi32>,
        %swap3A_701 = vector.shape_cast %swap3A_700 : vector<1x16xi32> to vector<16xi32>
        %swap3A_702 = vector.shape_cast %get3A_696 : vector<16xi32> to vector<1x16xi32>
        tpu.vector_store %arg6[%swap3A_698, %swap3A_699], %swap3A_702 {strides = array<i32>} : memref<2x128xi32, #tpu.memory_space<vmem>>, vector<1x16xi32>,
        %mul3A_703 = arith.constant 16 : i32
        %mul3A_704 = arith.muli %add3A_660, %mul3A_703 : i32
        %add3A_705 = arith.constant 3 : i32
        %add3A_706 = arith.addi %mul3A_704, %add3A_705 : i32
        %get3A_707 = arith.index_cast %add3A_706 : i32 to index
        %get3A_708 = arith.constant 0 : index
        %get3A_709 = tpu.vector_load %arg5[%get3A_707, %get3A_708] {strides = array<i32>} : memref<512x16xi32, #tpu.memory_space<vmem>>, vector<1x16xi32>,
        %get3A_710 = vector.shape_cast %get3A_709 : vector<1x16xi32> to vector<16xi32>
        %swap3A_711 = arith.constant 0 : i32
        %swap3A_712 = arith.index_cast %swap3A_711 : i32 to index
        %swap3A_713 = arith.constant 48 : index
        %swap3A_714 = tpu.vector_load %arg6[%swap3A_712, %swap3A_713] {strides = array<i32>} : memref<2x128xi32, #tpu.memory_space<vmem>>, vector<1x16xi32>,
        %swap3A_715 = vector.shape_cast %swap3A_714 : vector<1x16xi32> to vector<16xi32>
        %swap3A_716 = vector.shape_cast %get3A_710 : vector<16xi32> to vector<1x16xi32>
        tpu.vector_store %arg6[%swap3A_712, %swap3A_713], %swap3A_716 {strides = array<i32>} : memref<2x128xi32, #tpu.memory_space<vmem>>, vector<1x16xi32>,
        %mul3A_717 = arith.constant 16 : i32
        %mul3A_718 = arith.muli %add3A_660, %mul3A_717 : i32
        %add3A_719 = arith.constant 4 : i32
        %add3A_720 = arith.addi %mul3A_718, %add3A_719 : i32
        %get3A_721 = arith.index_cast %add3A_720 : i32 to index
        %get3A_722 = arith.constant 0 : index
        %get3A_723 = tpu.vector_load %arg5[%get3A_721, %get3A_722] {strides = array<i32>} : memref<512x16xi32, #tpu.memory_space<vmem>>, vector<1x16xi32>,
        %get3A_724 = vector.shape_cast %get3A_723 : vector<1x16xi32> to vector<16xi32>
        %swap3A_725 = arith.constant 0 : i32
        %swap3A_726 = arith.index_cast %swap3A_725 : i32 to index
        %swap3A_727 = arith.constant 64 : index
        %swap3A_728 = tpu.vector_load %arg6[%swap3A_726, %swap3A_727] {strides = array<i32>} : memref<2x128xi32, #tpu.memory_space<vmem>>, vector<1x16xi32>,
        %swap3A_729 = vector.shape_cast %swap3A_728 : vector<1x16xi32> to vector<16xi32>
        %swap3A_730 = vector.shape_cast %get3A_724 : vector<16xi32> to vector<1x16xi32>
        tpu.vector_store %arg6[%swap3A_726, %swap3A_727], %swap3A_730 {strides = array<i32>} : memref<2x128xi32, #tpu.memory_space<vmem>>, vector<1x16xi32>,
        %mul3A_731 = arith.constant 16 : i32
        %mul3A_732 = arith.muli %add3A_660, %mul3A_731 : i32
        %add3A_733 = arith.constant 5 : i32
        %add3A_734 = arith.addi %mul3A_732, %add3A_733 : i32
        %get3A_735 = arith.index_cast %add3A_734 : i32 to index
        %get3A_736 = arith.constant 0 : index
        %get3A_737 = tpu.vector_load %arg5[%get3A_735, %get3A_736] {strides = array<i32>} : memref<512x16xi32, #tpu.memory_space<vmem>>, vector<1x16xi32>,
        %get3A_738 = vector.shape_cast %get3A_737 : vector<1x16xi32> to vector<16xi32>
        %swap3A_739 = arith.constant 0 : i32
        %swap3A_740 = arith.index_cast %swap3A_739 : i32 to index
        %swap3A_741 = arith.constant 80 : index
        %swap3A_742 = tpu.vector_load %arg6[%swap3A_740, %swap3A_741] {strides = array<i32>} : memref<2x128xi32, #tpu.memory_space<vmem>>, vector<1x16xi32>,
        %swap3A_743 = vector.shape_cast %swap3A_742 : vector<1x16xi32> to vector<16xi32>
        %swap3A_744 = vector.shape_cast %get3A_738 : vector<16xi32> to vector<1x16xi32>
        tpu.vector_store %arg6[%swap3A_740, %swap3A_741], %swap3A_744 {strides = array<i32>} : memref<2x128xi32, #tpu.memory_space<vmem>>, vector<1x16xi32>,
        %mul3A_745 = arith.constant 16 : i32
        %mul3A_746 = arith.muli %add3A_660, %mul3A_745 : i32
        %add3A_747 = arith.constant 6 : i32
        %add3A_748 = arith.addi %mul3A_746, %add3A_747 : i32
        %get3A_749 = arith.index_cast %add3A_748 : i32 to index
        %get3A_750 = arith.constant 0 : index
        %get3A_751 = tpu.vector_load %arg5[%get3A_749, %get3A_750] {strides = array<i32>} : memref<512x16xi32, #tpu.memory_space<vmem>>, vector<1x16xi32>,
        %get3A_752 = vector.shape_cast %get3A_751 : vector<1x16xi32> to vector<16xi32>
        %swap3A_753 = arith.constant 0 : i32
        %swap3A_754 = arith.index_cast %swap3A_753 : i32 to index
        %swap3A_755 = arith.constant 96 : index
        %swap3A_756 = tpu.vector_load %arg6[%swap3A_754, %swap3A_755] {strides = array<i32>} : memref<2x128xi32, #tpu.memory_space<vmem>>, vector<1x16xi32>,
        %swap3A_757 = vector.shape_cast %swap3A_756 : vector<1x16xi32> to vector<16xi32>
        %swap3A_758 = vector.shape_cast %get3A_752 : vector<16xi32> to vector<1x16xi32>
        tpu.vector_store %arg6[%swap3A_754, %swap3A_755], %swap3A_758 {strides = array<i32>} : memref<2x128xi32, #tpu.memory_space<vmem>>, vector<1x16xi32>,
        %mul3A_759 = arith.constant 16 : i32
        %mul3A_760 = arith.muli %add3A_660, %mul3A_759 : i32
        %add3A_761 = arith.constant 7 : i32
        %add3A_762 = arith.addi %mul3A_760, %add3A_761 : i32
        %get3A_763 = arith.index_cast %add3A_762 : i32 to index
        %get3A_764 = arith.constant 0 : index
        %get3A_765 = tpu.vector_load %arg5[%get3A_763, %get3A_764] {strides = array<i32>} : memref<512x16xi32, #tpu.memory_space<vmem>>, vector<1x16xi32>,
        %get3A_766 = vector.shape_cast %get3A_765 : vector<1x16xi32> to vector<16xi32>
        %swap3A_767 = arith.constant 0 : i32
        %swap3A_768 = arith.index_cast %swap3A_767 : i32 to index
        %swap3A_769 = arith.constant 112 : index
        %swap3A_770 = tpu.vector_load %arg6[%swap3A_768, %swap3A_769] {strides = array<i32>} : memref<2x128xi32, #tpu.memory_space<vmem>>, vector<1x16xi32>,
        %swap3A_771 = vector.shape_cast %swap3A_770 : vector<1x16xi32> to vector<16xi32>
        %swap3A_772 = vector.shape_cast %get3A_766 : vector<16xi32> to vector<1x16xi32>
        tpu.vector_store %arg6[%swap3A_768, %swap3A_769], %swap3A_772 {strides = array<i32>} : memref<2x128xi32, #tpu.memory_space<vmem>>, vector<1x16xi32>,
        %mul3A_773 = arith.constant 16 : i32
        %mul3A_774 = arith.muli %add3A_660, %mul3A_773 : i32
        %add3A_775 = arith.constant 8 : i32
        %add3A_776 = arith.addi %mul3A_774, %add3A_775 : i32
        %get3A_777 = arith.index_cast %add3A_776 : i32 to index
        %get3A_778 = arith.constant 0 : index
        %get3A_779 = tpu.vector_load %arg5[%get3A_777, %get3A_778] {strides = array<i32>} : memref<512x16xi32, #tpu.memory_space<vmem>>, vector<1x16xi32>,
        %get3A_780 = vector.shape_cast %get3A_779 : vector<1x16xi32> to vector<16xi32>
        %swap3A_781 = arith.constant 1 : i32
        %swap3A_782 = arith.index_cast %swap3A_781 : i32 to index
        %swap3A_783 = arith.constant 0 : index
        %swap3A_784 = tpu.vector_load %arg6[%swap3A_782, %swap3A_783] {strides = array<i32>} : memref<2x128xi32, #tpu.memory_space<vmem>>, vector<1x16xi32>,
        %swap3A_785 = vector.shape_cast %swap3A_784 : vector<1x16xi32> to vector<16xi32>
        %swap3A_786 = vector.shape_cast %get3A_780 : vector<16xi32> to vector<1x16xi32>
        tpu.vector_store %arg6[%swap3A_782, %swap3A_783], %swap3A_786 {strides = array<i32>} : memref<2x128xi32, #tpu.memory_space<vmem>>, vector<1x16xi32>,
        %mul3A_787 = arith.constant 16 : i32
        %mul3A_788 = arith.muli %add3A_660, %mul3A_787 : i32
        %add3A_789 = arith.constant 9 : i32
        %add3A_790 = arith.addi %mul3A_788, %add3A_789 : i32
        %get3A_791 = arith.index_cast %add3A_790 : i32 to index
        %get3A_792 = arith.constant 0 : index
        %get3A_793 = tpu.vector_load %arg5[%get3A_791, %get3A_792] {strides = array<i32>} : memref<512x16xi32, #tpu.memory_space<vmem>>, vector<1x16xi32>,
        %get3A_794 = vector.shape_cast %get3A_793 : vector<1x16xi32> to vector<16xi32>
        %swap3A_795 = arith.constant 1 : i32
        %swap3A_796 = arith.index_cast %swap3A_795 : i32 to index
        %swap3A_797 = arith.constant 16 : index
        %swap3A_798 = tpu.vector_load %arg6[%swap3A_796, %swap3A_797] {strides = array<i32>} : memref<2x128xi32, #tpu.memory_space<vmem>>, vector<1x16xi32>,
        %swap3A_799 = vector.shape_cast %swap3A_798 : vector<1x16xi32> to vector<16xi32>
        %swap3A_800 = vector.shape_cast %get3A_794 : vector<16xi32> to vector<1x16xi32>
        tpu.vector_store %arg6[%swap3A_796, %swap3A_797], %swap3A_800 {strides = array<i32>} : memref<2x128xi32, #tpu.memory_space<vmem>>, vector<1x16xi32>,
        %mul3A_801 = arith.constant 16 : i32
        %mul3A_802 = arith.muli %add3A_660, %mul3A_801 : i32
        %add3A_803 = arith.constant 10 : i32
        %add3A_804 = arith.addi %mul3A_802, %add3A_803 : i32
        %get3A_805 = arith.index_cast %add3A_804 : i32 to index
        %get3A_806 = arith.constant 0 : index
        %get3A_807 = tpu.vector_load %arg5[%get3A_805, %get3A_806] {strides = array<i32>} : memref<512x16xi32, #tpu.memory_space<vmem>>, vector<1x16xi32>,
        %get3A_808 = vector.shape_cast %get3A_807 : vector<1x16xi32> to vector<16xi32>
        %swap3A_809 = arith.constant 1 : i32
        %swap3A_810 = arith.index_cast %swap3A_809 : i32 to index
        %swap3A_811 = arith.constant 32 : index
        %swap3A_812 = tpu.vector_load %arg6[%swap3A_810, %swap3A_811] {strides = array<i32>} : memref<2x128xi32, #tpu.memory_space<vmem>>, vector<1x16xi32>,
        %swap3A_813 = vector.shape_cast %swap3A_812 : vector<1x16xi32> to vector<16xi32>
        %swap3A_814 = vector.shape_cast %get3A_808 : vector<16xi32> to vector<1x16xi32>
        tpu.vector_store %arg6[%swap3A_810, %swap3A_811], %swap3A_814 {strides = array<i32>} : memref<2x128xi32, #tpu.memory_space<vmem>>, vector<1x16xi32>,
        %mul3A_815 = arith.constant 16 : i32
        %mul3A_816 = arith.muli %add3A_660, %mul3A_815 : i32
        %add3A_817 = arith.constant 11 : i32
        %add3A_818 = arith.addi %mul3A_816, %add3A_817 : i32
        %get3A_819 = arith.index_cast %add3A_818 : i32 to index
        %get3A_820 = arith.constant 0 : index
        %get3A_821 = tpu.vector_load %arg5[%get3A_819, %get3A_820] {strides = array<i32>} : memref<512x16xi32, #tpu.memory_space<vmem>>, vector<1x16xi32>,
        %get3A_822 = vector.shape_cast %get3A_821 : vector<1x16xi32> to vector<16xi32>
        %swap3A_823 = arith.constant 1 : i32
        %swap3A_824 = arith.index_cast %swap3A_823 : i32 to index
        %swap3A_825 = arith.constant 48 : index
        %swap3A_826 = tpu.vector_load %arg6[%swap3A_824, %swap3A_825] {strides = array<i32>} : memref<2x128xi32, #tpu.memory_space<vmem>>, vector<1x16xi32>,
        %swap3A_827 = vector.shape_cast %swap3A_826 : vector<1x16xi32> to vector<16xi32>
        %swap3A_828 = vector.shape_cast %get3A_822 : vector<16xi32> to vector<1x16xi32>
        tpu.vector_store %arg6[%swap3A_824, %swap3A_825], %swap3A_828 {strides = array<i32>} : memref<2x128xi32, #tpu.memory_space<vmem>>, vector<1x16xi32>,
        %mul3A_829 = arith.constant 16 : i32
        %mul3A_830 = arith.muli %add3A_660, %mul3A_829 : i32
        %add3A_831 = arith.constant 12 : i32
        %add3A_832 = arith.addi %mul3A_830, %add3A_831 : i32
        %get3A_833 = arith.index_cast %add3A_832 : i32 to index
        %get3A_834 = arith.constant 0 : index
        %get3A_835 = tpu.vector_load %arg5[%get3A_833, %get3A_834] {strides = array<i32>} : memref<512x16xi32, #tpu.memory_space<vmem>>, vector<1x16xi32>,
        %get3A_836 = vector.shape_cast %get3A_835 : vector<1x16xi32> to vector<16xi32>
        %swap3A_837 = arith.constant 1 : i32
        %swap3A_838 = arith.index_cast %swap3A_837 : i32 to index
        %swap3A_839 = arith.constant 64 : index
        %swap3A_840 = tpu.vector_load %arg6[%swap3A_838, %swap3A_839] {strides = array<i32>} : memref<2x128xi32, #tpu.memory_space<vmem>>, vector<1x16xi32>,
        %swap3A_841 = vector.shape_cast %swap3A_840 : vector<1x16xi32> to vector<16xi32>
        %swap3A_842 = vector.shape_cast %get3A_836 : vector<16xi32> to vector<1x16xi32>
        tpu.vector_store %arg6[%swap3A_838, %swap3A_839], %swap3A_842 {strides = array<i32>} : memref<2x128xi32, #tpu.memory_space<vmem>>, vector<1x16xi32>,
        %mul3A_843 = arith.constant 16 : i32
        %mul3A_844 = arith.muli %add3A_660, %mul3A_843 : i32
        %add3A_845 = arith.constant 13 : i32
        %add3A_846 = arith.addi %mul3A_844, %add3A_845 : i32
        %get3A_847 = arith.index_cast %add3A_846 : i32 to index
        %get3A_848 = arith.constant 0 : index
        %get3A_849 = tpu.vector_load %arg5[%get3A_847, %get3A_848] {strides = array<i32>} : memref<512x16xi32, #tpu.memory_space<vmem>>, vector<1x16xi32>,
        %get3A_850 = vector.shape_cast %get3A_849 : vector<1x16xi32> to vector<16xi32>
        %swap3A_851 = arith.constant 1 : i32
        %swap3A_852 = arith.index_cast %swap3A_851 : i32 to index
        %swap3A_853 = arith.constant 80 : index
        %swap3A_854 = tpu.vector_load %arg6[%swap3A_852, %swap3A_853] {strides = array<i32>} : memref<2x128xi32, #tpu.memory_space<vmem>>, vector<1x16xi32>,
        %swap3A_855 = vector.shape_cast %swap3A_854 : vector<1x16xi32> to vector<16xi32>
        %swap3A_856 = vector.shape_cast %get3A_850 : vector<16xi32> to vector<1x16xi32>
        tpu.vector_store %arg6[%swap3A_852, %swap3A_853], %swap3A_856 {strides = array<i32>} : memref<2x128xi32, #tpu.memory_space<vmem>>, vector<1x16xi32>,
        %mul3A_857 = arith.constant 16 : i32
        %mul3A_858 = arith.muli %add3A_660, %mul3A_857 : i32
        %add3A_859 = arith.constant 14 : i32
        %add3A_860 = arith.addi %mul3A_858, %add3A_859 : i32
        %get3A_861 = arith.index_cast %add3A_860 : i32 to index
        %get3A_862 = arith.constant 0 : index
        %get3A_863 = tpu.vector_load %arg5[%get3A_861, %get3A_862] {strides = array<i32>} : memref<512x16xi32, #tpu.memory_space<vmem>>, vector<1x16xi32>,
        %get3A_864 = vector.shape_cast %get3A_863 : vector<1x16xi32> to vector<16xi32>
        %swap3A_865 = arith.constant 1 : i32
        %swap3A_866 = arith.index_cast %swap3A_865 : i32 to index
        %swap3A_867 = arith.constant 96 : index
        %swap3A_868 = tpu.vector_load %arg6[%swap3A_866, %swap3A_867] {strides = array<i32>} : memref<2x128xi32, #tpu.memory_space<vmem>>, vector<1x16xi32>,
        %swap3A_869 = vector.shape_cast %swap3A_868 : vector<1x16xi32> to vector<16xi32>
        %swap3A_870 = vector.shape_cast %get3A_864 : vector<16xi32> to vector<1x16xi32>
        tpu.vector_store %arg6[%swap3A_866, %swap3A_867], %swap3A_870 {strides = array<i32>} : memref<2x128xi32, #tpu.memory_space<vmem>>, vector<1x16xi32>,
        %mul3A_871 = arith.constant 16 : i32
        %mul3A_872 = arith.muli %add3A_660, %mul3A_871 : i32
        %add3A_873 = arith.constant 15 : i32
        %add3A_874 = arith.addi %mul3A_872, %add3A_873 : i32
        %get3A_875 = arith.index_cast %add3A_874 : i32 to index
        %get3A_876 = arith.constant 0 : index
        %get3A_877 = tpu.vector_load %arg5[%get3A_875, %get3A_876] {strides = array<i32>} : memref<512x16xi32, #tpu.memory_space<vmem>>, vector<1x16xi32>,
        %get3A_878 = vector.shape_cast %get3A_877 : vector<1x16xi32> to vector<16xi32>
        %swap3A_879 = arith.constant 1 : i32
        %swap3A_880 = arith.index_cast %swap3A_879 : i32 to index
        %swap3A_881 = arith.constant 112 : index
        %swap3A_882 = tpu.vector_load %arg6[%swap3A_880, %swap3A_881] {strides = array<i32>} : memref<2x128xi32, #tpu.memory_space<vmem>>, vector<1x16xi32>,
        %swap3A_883 = vector.shape_cast %swap3A_882 : vector<1x16xi32> to vector<16xi32>
        %swap3A_884 = vector.shape_cast %get3A_878 : vector<16xi32> to vector<1x16xi32>
        tpu.vector_store %arg6[%swap3A_880, %swap3A_881], %swap3A_884 {strides = array<i32>} : memref<2x128xi32, #tpu.memory_space<vmem>>, vector<1x16xi32>,
        %add3A_885 = arith.constant 2 : i32
        %add3A_886 = arith.addi %add3A_560, %add3A_885 : i32
        %dma_start3A_887 = arith.constant 0 : i32
        %dma_start3A_888 = arith.constant 0 : i32
        %dma_start3A_889 = arith.constant 0 : i32
        %dma_start3A_890 = tpu.memref_slice %arg10[%dma_start3A_888, %dma_start3A_889] : memref<256x64xf32, #tpu.memory_space<vmem>> -> memref<128x64xf32, #tpu.memory_space<vmem>>
        %dma_start3A_891 = arith.constant 0 : i32
        %dma_start3A_892 = tpu.memref_slice %arg6[%dma_start3A_887, %dma_start3A_891] : memref<2x128xi32, #tpu.memory_space<vmem>> -> memref<1x128xi32, #tpu.memory_space<vmem>>
        %dma_start3A_893 = tpu.memref_squeeze %dma_start3A_892 : memref<1x128xi32, #tpu.memory_space<vmem>> -> memref<128xi32, #tpu.memory_space<vmem>>
        %dma_start3A_894 = arith.constant 0 : i32
        %dma_start3A_895 = arith.constant 0 : i32
        %dma_start3A_896 = tpu.memref_slice %arg2[%add3A_18, %dma_start3A_894, %dma_start3A_895] : memref<8x4096x64xf32, #tpu.memory_space<hbm>> -> memref<1x4096x64xf32, #tpu.memory_space<hbm>>
        %dma_start3A_897 = tpu.memref_squeeze %dma_start3A_896 : memref<1x4096x64xf32, #tpu.memory_space<hbm>> -> memref<4096x64xf32, #tpu.memory_space<hbm>>
        %dma_start3A_898 = arith.constant 0 : i32
        %dma_start3A_899 = arith.constant 0 : i32
        %dma_start3A_900 = tpu.memref_slice %dma_start3A_897[%dma_start3A_898, %dma_start3A_899] : memref<4096x64xf32, #tpu.memory_space<hbm>> -> memref<4096x64xf32, #tpu.memory_space<hbm>>
        tpu.enqueue_indirect_dma source(%dma_start3A_900 : memref<4096x64xf32, #tpu.memory_space<hbm>>) target(%dma_start3A_890 : memref<128x64xf32, #tpu.memory_space<vmem>>) offsets(%dma_start3A_893 : memref<128xi32, #tpu.memory_space<vmem>>) semaphore(%arg14 : memref<!tpu.dma_semaphore, #tpu.memory_space<semaphore_mem>>)
        %dma_start3A_901 = arith.constant 1 : i32
        %dma_start3A_902 = arith.constant 128 : i32
        %dma_start3A_903 = arith.constant 0 : i32
        %dma_start3A_904 = tpu.memref_slice %arg10[%dma_start3A_902, %dma_start3A_903] : memref<256x64xf32, #tpu.memory_space<vmem>> -> memref<128x64xf32, #tpu.memory_space<vmem>>
        %dma_start3A_905 = arith.constant 0 : i32
        %dma_start3A_906 = tpu.memref_slice %arg6[%dma_start3A_901, %dma_start3A_905] : memref<2x128xi32, #tpu.memory_space<vmem>> -> memref<1x128xi32, #tpu.memory_space<vmem>>
        %dma_start3A_907 = tpu.memref_squeeze %dma_start3A_906 : memref<1x128xi32, #tpu.memory_space<vmem>> -> memref<128xi32, #tpu.memory_space<vmem>>
        %dma_start3A_908 = arith.constant 0 : i32
        %dma_start3A_909 = arith.constant 0 : i32
        %dma_start3A_910 = tpu.memref_slice %arg2[%add3A_18, %dma_start3A_908, %dma_start3A_909] : memref<8x4096x64xf32, #tpu.memory_space<hbm>> -> memref<1x4096x64xf32, #tpu.memory_space<hbm>>
        %dma_start3A_911 = tpu.memref_squeeze %dma_start3A_910 : memref<1x4096x64xf32, #tpu.memory_space<hbm>> -> memref<4096x64xf32, #tpu.memory_space<hbm>>
        %dma_start3A_912 = arith.constant 0 : i32
        %dma_start3A_913 = arith.constant 0 : i32
        %dma_start3A_914 = tpu.memref_slice %dma_start3A_911[%dma_start3A_912, %dma_start3A_913] : memref<4096x64xf32, #tpu.memory_space<hbm>> -> memref<4096x64xf32, #tpu.memory_space<hbm>>
        tpu.enqueue_indirect_dma source(%dma_start3A_914 : memref<4096x64xf32, #tpu.memory_space<hbm>>) target(%dma_start3A_904 : memref<128x64xf32, #tpu.memory_space<vmem>>) offsets(%dma_start3A_907 : memref<128xi32, #tpu.memory_space<vmem>>) semaphore(%arg14 : memref<!tpu.dma_semaphore, #tpu.memory_space<semaphore_mem>>)
      } else {
      }
      %mul3A_608 = arith.constant 4 : i32
      %mul3A_609 = arith.muli %scan3A_457, %mul3A_608 : i32
      %add3A_610 = arith.constant 3 : i32
      %add3A_611 = arith.addi %mul3A_609, %add3A_610 : i32
      %dma_wait3A_612 = arith.constant 0 : i32
      %dma_wait3A_613 = arith.constant 0 : i32
      %dma_wait3A_614 = arith.constant 0 : i32
      %dma_wait3A_615 = tpu.memref_slice %arg13[%dma_wait3A_613, %dma_wait3A_614] : memref<256x64xf32, #tpu.memory_space<vmem>> -> memref<128x64xf32, #tpu.memory_space<vmem>>
      %dma_wait3A_616 = arith.constant 0 : i32
      %dma_wait3A_617 = tpu.memref_slice %arg9[%dma_wait3A_612, %dma_wait3A_616] : memref<2x128xi32, #tpu.memory_space<vmem>> -> memref<1x128xi32, #tpu.memory_space<vmem>>
      %dma_wait3A_618 = tpu.memref_squeeze %dma_wait3A_617 : memref<1x128xi32, #tpu.memory_space<vmem>> -> memref<128xi32, #tpu.memory_space<vmem>>
      %dma_wait3A_619 = arith.constant 0 : i32
      %dma_wait3A_620 = arith.constant 0 : i32
      %dma_wait3A_621 = tpu.memref_slice %arg2[%add3A_18, %dma_wait3A_619, %dma_wait3A_620] : memref<8x4096x64xf32, #tpu.memory_space<hbm>> -> memref<1x4096x64xf32, #tpu.memory_space<hbm>>
      %dma_wait3A_622 = tpu.memref_squeeze %dma_wait3A_621 : memref<1x4096x64xf32, #tpu.memory_space<hbm>> -> memref<4096x64xf32, #tpu.memory_space<hbm>>
      %dma_wait3A_623 = arith.constant 0 : i32
      %dma_wait3A_624 = arith.constant 0 : i32
      %dma_wait3A_625 = tpu.memref_slice %dma_wait3A_622[%dma_wait3A_623, %dma_wait3A_624] : memref<4096x64xf32, #tpu.memory_space<hbm>> -> memref<4096x64xf32, #tpu.memory_space<hbm>>
      tpu.wait_indirect_dma semaphore(%arg17 : memref<!tpu.dma_semaphore, #tpu.memory_space<semaphore_mem>>) src(%dma_wait3A_625 : memref<4096x64xf32, #tpu.memory_space<hbm>>) dst(%dma_wait3A_615 : memref<128x64xf32, #tpu.memory_space<vmem>>)
      %dma_wait3A_626 = arith.constant 1 : i32
      %dma_wait3A_627 = arith.constant 128 : i32
      %dma_wait3A_628 = arith.constant 0 : i32
      %dma_wait3A_629 = tpu.memref_slice %arg13[%dma_wait3A_627, %dma_wait3A_628] : memref<256x64xf32, #tpu.memory_space<vmem>> -> memref<128x64xf32, #tpu.memory_space<vmem>>
      %dma_wait3A_630 = arith.constant 0 : i32
      %dma_wait3A_631 = tpu.memref_slice %arg9[%dma_wait3A_626, %dma_wait3A_630] : memref<2x128xi32, #tpu.memory_space<vmem>> -> memref<1x128xi32, #tpu.memory_space<vmem>>
      %dma_wait3A_632 = tpu.memref_squeeze %dma_wait3A_631 : memref<1x128xi32, #tpu.memory_space<vmem>> -> memref<128xi32, #tpu.memory_space<vmem>>
      %dma_wait3A_633 = arith.constant 0 : i32
      %dma_wait3A_634 = arith.constant 0 : i32
      %dma_wait3A_635 = tpu.memref_slice %arg2[%add3A_18, %dma_wait3A_633, %dma_wait3A_634] : memref<8x4096x64xf32, #tpu.memory_space<hbm>> -> memref<1x4096x64xf32, #tpu.memory_space<hbm>>
      %dma_wait3A_636 = tpu.memref_squeeze %dma_wait3A_635 : memref<1x4096x64xf32, #tpu.memory_space<hbm>> -> memref<4096x64xf32, #tpu.memory_space<hbm>>
      %dma_wait3A_637 = arith.constant 0 : i32
      %dma_wait3A_638 = arith.constant 0 : i32
      %dma_wait3A_639 = tpu.memref_slice %dma_wait3A_636[%dma_wait3A_637, %dma_wait3A_638] : memref<4096x64xf32, #tpu.memory_space<hbm>> -> memref<4096x64xf32, #tpu.memory_space<hbm>>
      tpu.wait_indirect_dma semaphore(%arg17 : memref<!tpu.dma_semaphore, #tpu.memory_space<semaphore_mem>>) src(%dma_wait3A_639 : memref<4096x64xf32, #tpu.memory_space<hbm>>) dst(%dma_wait3A_629 : memref<128x64xf32, #tpu.memory_space<vmem>>)
      %mul3A_640 = arith.constant 256 : i32
      %mul3A_641 = arith.muli %add3A_611, %mul3A_640 : i32
      %add3A_642 = arith.addi %mul3A_36, %mul3A_641 : i32
      %dma_start3A_643 = arith.constant 0 : i32
      %dma_start3A_644 = tpu.memref_slice %arg4[%add3A_642, %dma_start3A_643] : memref<262144x64xf32, #tpu.memory_space<hbm>> -> memref<256x64xf32, #tpu.memory_space<hbm>>
      %dma_start3A_645 = arith.constant 0 : i32
      %dma_start3A_646 = tpu.memref_slice %arg4[%add3A_642, %dma_start3A_645] : memref<262144x64xf32, #tpu.memory_space<hbm>> -> memref<256x64xf32, #tpu.memory_space<hbm>>
      tpu.enqueue_dma source(%arg13 : memref<256x64xf32, #tpu.memory_space<vmem>>) target(%dma_start3A_646 : memref<256x64xf32, #tpu.memory_space<hbm>>) target_semaphore(%arg21 : memref<!tpu.dma_semaphore, #tpu.memory_space<semaphore_mem>>)
      %ge3A_647 = arith.constant 2 : i32
      %ge3A_648 = arith.cmpi sge, %add3A_611, %ge3A_647 : i32
      %convert_element_type3A_649 = arith.extui %ge3A_648 : i1 to i32
      %cond3A_650 = arith.constant 0 : i32
      %cond3A_651 = arith.cmpi ne, %convert_element_type3A_649, %cond3A_650 : i32
      scf.if %cond3A_651 {
        %sub3A_659 = arith.constant 2 : i32
        %sub3A_660 = arith.subi %add3A_611, %sub3A_659 : i32
        %mul3A_661 = arith.constant 256 : i32
        %mul3A_662 = arith.muli %sub3A_660, %mul3A_661 : i32
        %add3A_663 = arith.addi %mul3A_36, %mul3A_662 : i32
        %dma_wait3A_664 = arith.constant 0 : i32
        %dma_wait3A_665 = tpu.memref_slice %arg4[%add3A_663, %dma_wait3A_664] : memref<262144x64xf32, #tpu.memory_space<hbm>> -> memref<256x64xf32, #tpu.memory_space<hbm>>
        %dma_wait3A_666 = arith.constant 0 : i32
        %dma_wait3A_667 = tpu.memref_slice %arg4[%add3A_663, %dma_wait3A_666] : memref<262144x64xf32, #tpu.memory_space<hbm>> -> memref<256x64xf32, #tpu.memory_space<hbm>>
        tpu.wait_dma2 semaphore(%arg19 : memref<!tpu.dma_semaphore, #tpu.memory_space<semaphore_mem>>) src(%arg11 : memref<256x64xf32, #tpu.memory_space<vmem>>) dst(%dma_wait3A_667 : memref<256x64xf32, #tpu.memory_space<hbm>>)
      } else {
      }
      %add3A_652 = arith.constant 2 : i32
      %add3A_653 = arith.addi %add3A_611, %add3A_652 : i32
      %lt3A_654 = arith.constant 32 : i32
      %lt3A_655 = arith.cmpi slt, %add3A_653, %lt3A_654 : i32
      %convert_element_type3A_656 = arith.extui %lt3A_655 : i1 to i32
      %cond3A_657 = arith.constant 0 : i32
      %cond3A_658 = arith.cmpi ne, %convert_element_type3A_656, %cond3A_657 : i32
      scf.if %cond3A_658 {
        %add3A_659 = arith.constant 2 : i32
        %add3A_660 = arith.addi %add3A_611, %add3A_659 : i32
        %mul3A_661 = arith.constant 16 : i32
        %mul3A_662 = arith.muli %add3A_660, %mul3A_661 : i32
        %add3A_663 = arith.constant 0 : i32
        %add3A_664 = arith.addi %mul3A_662, %add3A_663 : i32
        %get3A_665 = arith.index_cast %add3A_664 : i32 to index
        %get3A_666 = arith.constant 0 : index
        %get3A_667 = tpu.vector_load %arg5[%get3A_665, %get3A_666] {strides = array<i32>} : memref<512x16xi32, #tpu.memory_space<vmem>>, vector<1x16xi32>,
        %get3A_668 = vector.shape_cast %get3A_667 : vector<1x16xi32> to vector<16xi32>
        %swap3A_669 = arith.constant 0 : i32
        %swap3A_670 = arith.index_cast %swap3A_669 : i32 to index
        %swap3A_671 = arith.constant 0 : index
        %swap3A_672 = tpu.vector_load %arg7[%swap3A_670, %swap3A_671] {strides = array<i32>} : memref<2x128xi32, #tpu.memory_space<vmem>>, vector<1x16xi32>,
        %swap3A_673 = vector.shape_cast %swap3A_672 : vector<1x16xi32> to vector<16xi32>
        %swap3A_674 = vector.shape_cast %get3A_668 : vector<16xi32> to vector<1x16xi32>
        tpu.vector_store %arg7[%swap3A_670, %swap3A_671], %swap3A_674 {strides = array<i32>} : memref<2x128xi32, #tpu.memory_space<vmem>>, vector<1x16xi32>,
        %mul3A_675 = arith.constant 16 : i32
        %mul3A_676 = arith.muli %add3A_660, %mul3A_675 : i32
        %add3A_677 = arith.constant 1 : i32
        %add3A_678 = arith.addi %mul3A_676, %add3A_677 : i32
        %get3A_679 = arith.index_cast %add3A_678 : i32 to index
        %get3A_680 = arith.constant 0 : index
        %get3A_681 = tpu.vector_load %arg5[%get3A_679, %get3A_680] {strides = array<i32>} : memref<512x16xi32, #tpu.memory_space<vmem>>, vector<1x16xi32>,
        %get3A_682 = vector.shape_cast %get3A_681 : vector<1x16xi32> to vector<16xi32>
        %swap3A_683 = arith.constant 0 : i32
        %swap3A_684 = arith.index_cast %swap3A_683 : i32 to index
        %swap3A_685 = arith.constant 16 : index
        %swap3A_686 = tpu.vector_load %arg7[%swap3A_684, %swap3A_685] {strides = array<i32>} : memref<2x128xi32, #tpu.memory_space<vmem>>, vector<1x16xi32>,
        %swap3A_687 = vector.shape_cast %swap3A_686 : vector<1x16xi32> to vector<16xi32>
        %swap3A_688 = vector.shape_cast %get3A_682 : vector<16xi32> to vector<1x16xi32>
        tpu.vector_store %arg7[%swap3A_684, %swap3A_685], %swap3A_688 {strides = array<i32>} : memref<2x128xi32, #tpu.memory_space<vmem>>, vector<1x16xi32>,
        %mul3A_689 = arith.constant 16 : i32
        %mul3A_690 = arith.muli %add3A_660, %mul3A_689 : i32
        %add3A_691 = arith.constant 2 : i32
        %add3A_692 = arith.addi %mul3A_690, %add3A_691 : i32
        %get3A_693 = arith.index_cast %add3A_692 : i32 to index
        %get3A_694 = arith.constant 0 : index
        %get3A_695 = tpu.vector_load %arg5[%get3A_693, %get3A_694] {strides = array<i32>} : memref<512x16xi32, #tpu.memory_space<vmem>>, vector<1x16xi32>,
        %get3A_696 = vector.shape_cast %get3A_695 : vector<1x16xi32> to vector<16xi32>
        %swap3A_697 = arith.constant 0 : i32
        %swap3A_698 = arith.index_cast %swap3A_697 : i32 to index
        %swap3A_699 = arith.constant 32 : index
        %swap3A_700 = tpu.vector_load %arg7[%swap3A_698, %swap3A_699] {strides = array<i32>} : memref<2x128xi32, #tpu.memory_space<vmem>>, vector<1x16xi32>,
        %swap3A_701 = vector.shape_cast %swap3A_700 : vector<1x16xi32> to vector<16xi32>
        %swap3A_702 = vector.shape_cast %get3A_696 : vector<16xi32> to vector<1x16xi32>
        tpu.vector_store %arg7[%swap3A_698, %swap3A_699], %swap3A_702 {strides = array<i32>} : memref<2x128xi32, #tpu.memory_space<vmem>>, vector<1x16xi32>,
        %mul3A_703 = arith.constant 16 : i32
        %mul3A_704 = arith.muli %add3A_660, %mul3A_703 : i32
        %add3A_705 = arith.constant 3 : i32
        %add3A_706 = arith.addi %mul3A_704, %add3A_705 : i32
        %get3A_707 = arith.index_cast %add3A_706 : i32 to index
        %get3A_708 = arith.constant 0 : index
        %get3A_709 = tpu.vector_load %arg5[%get3A_707, %get3A_708] {strides = array<i32>} : memref<512x16xi32, #tpu.memory_space<vmem>>, vector<1x16xi32>,
        %get3A_710 = vector.shape_cast %get3A_709 : vector<1x16xi32> to vector<16xi32>
        %swap3A_711 = arith.constant 0 : i32
        %swap3A_712 = arith.index_cast %swap3A_711 : i32 to index
        %swap3A_713 = arith.constant 48 : index
        %swap3A_714 = tpu.vector_load %arg7[%swap3A_712, %swap3A_713] {strides = array<i32>} : memref<2x128xi32, #tpu.memory_space<vmem>>, vector<1x16xi32>,
        %swap3A_715 = vector.shape_cast %swap3A_714 : vector<1x16xi32> to vector<16xi32>
        %swap3A_716 = vector.shape_cast %get3A_710 : vector<16xi32> to vector<1x16xi32>
        tpu.vector_store %arg7[%swap3A_712, %swap3A_713], %swap3A_716 {strides = array<i32>} : memref<2x128xi32, #tpu.memory_space<vmem>>, vector<1x16xi32>,
        %mul3A_717 = arith.constant 16 : i32
        %mul3A_718 = arith.muli %add3A_660, %mul3A_717 : i32
        %add3A_719 = arith.constant 4 : i32
        %add3A_720 = arith.addi %mul3A_718, %add3A_719 : i32
        %get3A_721 = arith.index_cast %add3A_720 : i32 to index
        %get3A_722 = arith.constant 0 : index
        %get3A_723 = tpu.vector_load %arg5[%get3A_721, %get3A_722] {strides = array<i32>} : memref<512x16xi32, #tpu.memory_space<vmem>>, vector<1x16xi32>,
        %get3A_724 = vector.shape_cast %get3A_723 : vector<1x16xi32> to vector<16xi32>
        %swap3A_725 = arith.constant 0 : i32
        %swap3A_726 = arith.index_cast %swap3A_725 : i32 to index
        %swap3A_727 = arith.constant 64 : index
        %swap3A_728 = tpu.vector_load %arg7[%swap3A_726, %swap3A_727] {strides = array<i32>} : memref<2x128xi32, #tpu.memory_space<vmem>>, vector<1x16xi32>,
        %swap3A_729 = vector.shape_cast %swap3A_728 : vector<1x16xi32> to vector<16xi32>
        %swap3A_730 = vector.shape_cast %get3A_724 : vector<16xi32> to vector<1x16xi32>
        tpu.vector_store %arg7[%swap3A_726, %swap3A_727], %swap3A_730 {strides = array<i32>} : memref<2x128xi32, #tpu.memory_space<vmem>>, vector<1x16xi32>,
        %mul3A_731 = arith.constant 16 : i32
        %mul3A_732 = arith.muli %add3A_660, %mul3A_731 : i32
        %add3A_733 = arith.constant 5 : i32
        %add3A_734 = arith.addi %mul3A_732, %add3A_733 : i32
        %get3A_735 = arith.index_cast %add3A_734 : i32 to index
        %get3A_736 = arith.constant 0 : index
        %get3A_737 = tpu.vector_load %arg5[%get3A_735, %get3A_736] {strides = array<i32>} : memref<512x16xi32, #tpu.memory_space<vmem>>, vector<1x16xi32>,
        %get3A_738 = vector.shape_cast %get3A_737 : vector<1x16xi32> to vector<16xi32>
        %swap3A_739 = arith.constant 0 : i32
        %swap3A_740 = arith.index_cast %swap3A_739 : i32 to index
        %swap3A_741 = arith.constant 80 : index
        %swap3A_742 = tpu.vector_load %arg7[%swap3A_740, %swap3A_741] {strides = array<i32>} : memref<2x128xi32, #tpu.memory_space<vmem>>, vector<1x16xi32>,
        %swap3A_743 = vector.shape_cast %swap3A_742 : vector<1x16xi32> to vector<16xi32>
        %swap3A_744 = vector.shape_cast %get3A_738 : vector<16xi32> to vector<1x16xi32>
        tpu.vector_store %arg7[%swap3A_740, %swap3A_741], %swap3A_744 {strides = array<i32>} : memref<2x128xi32, #tpu.memory_space<vmem>>, vector<1x16xi32>,
        %mul3A_745 = arith.constant 16 : i32
        %mul3A_746 = arith.muli %add3A_660, %mul3A_745 : i32
        %add3A_747 = arith.constant 6 : i32
        %add3A_748 = arith.addi %mul3A_746, %add3A_747 : i32
        %get3A_749 = arith.index_cast %add3A_748 : i32 to index
        %get3A_750 = arith.constant 0 : index
        %get3A_751 = tpu.vector_load %arg5[%get3A_749, %get3A_750] {strides = array<i32>} : memref<512x16xi32, #tpu.memory_space<vmem>>, vector<1x16xi32>,
        %get3A_752 = vector.shape_cast %get3A_751 : vector<1x16xi32> to vector<16xi32>
        %swap3A_753 = arith.constant 0 : i32
        %swap3A_754 = arith.index_cast %swap3A_753 : i32 to index
        %swap3A_755 = arith.constant 96 : index
        %swap3A_756 = tpu.vector_load %arg7[%swap3A_754, %swap3A_755] {strides = array<i32>} : memref<2x128xi32, #tpu.memory_space<vmem>>, vector<1x16xi32>,
        %swap3A_757 = vector.shape_cast %swap3A_756 : vector<1x16xi32> to vector<16xi32>
        %swap3A_758 = vector.shape_cast %get3A_752 : vector<16xi32> to vector<1x16xi32>
        tpu.vector_store %arg7[%swap3A_754, %swap3A_755], %swap3A_758 {strides = array<i32>} : memref<2x128xi32, #tpu.memory_space<vmem>>, vector<1x16xi32>,
        %mul3A_759 = arith.constant 16 : i32
        %mul3A_760 = arith.muli %add3A_660, %mul3A_759 : i32
        %add3A_761 = arith.constant 7 : i32
        %add3A_762 = arith.addi %mul3A_760, %add3A_761 : i32
        %get3A_763 = arith.index_cast %add3A_762 : i32 to index
        %get3A_764 = arith.constant 0 : index
        %get3A_765 = tpu.vector_load %arg5[%get3A_763, %get3A_764] {strides = array<i32>} : memref<512x16xi32, #tpu.memory_space<vmem>>, vector<1x16xi32>,
        %get3A_766 = vector.shape_cast %get3A_765 : vector<1x16xi32> to vector<16xi32>
        %swap3A_767 = arith.constant 0 : i32
        %swap3A_768 = arith.index_cast %swap3A_767 : i32 to index
        %swap3A_769 = arith.constant 112 : index
        %swap3A_770 = tpu.vector_load %arg7[%swap3A_768, %swap3A_769] {strides = array<i32>} : memref<2x128xi32, #tpu.memory_space<vmem>>, vector<1x16xi32>,
        %swap3A_771 = vector.shape_cast %swap3A_770 : vector<1x16xi32> to vector<16xi32>
        %swap3A_772 = vector.shape_cast %get3A_766 : vector<16xi32> to vector<1x16xi32>
        tpu.vector_store %arg7[%swap3A_768, %swap3A_769], %swap3A_772 {strides = array<i32>} : memref<2x128xi32, #tpu.memory_space<vmem>>, vector<1x16xi32>,
        %mul3A_773 = arith.constant 16 : i32
        %mul3A_774 = arith.muli %add3A_660, %mul3A_773 : i32
        %add3A_775 = arith.constant 8 : i32
        %add3A_776 = arith.addi %mul3A_774, %add3A_775 : i32
        %get3A_777 = arith.index_cast %add3A_776 : i32 to index
        %get3A_778 = arith.constant 0 : index
        %get3A_779 = tpu.vector_load %arg5[%get3A_777, %get3A_778] {strides = array<i32>} : memref<512x16xi32, #tpu.memory_space<vmem>>, vector<1x16xi32>,
        %get3A_780 = vector.shape_cast %get3A_779 : vector<1x16xi32> to vector<16xi32>
        %swap3A_781 = arith.constant 1 : i32
        %swap3A_782 = arith.index_cast %swap3A_781 : i32 to index
        %swap3A_783 = arith.constant 0 : index
        %swap3A_784 = tpu.vector_load %arg7[%swap3A_782, %swap3A_783] {strides = array<i32>} : memref<2x128xi32, #tpu.memory_space<vmem>>, vector<1x16xi32>,
        %swap3A_785 = vector.shape_cast %swap3A_784 : vector<1x16xi32> to vector<16xi32>
        %swap3A_786 = vector.shape_cast %get3A_780 : vector<16xi32> to vector<1x16xi32>
        tpu.vector_store %arg7[%swap3A_782, %swap3A_783], %swap3A_786 {strides = array<i32>} : memref<2x128xi32, #tpu.memory_space<vmem>>, vector<1x16xi32>,
        %mul3A_787 = arith.constant 16 : i32
        %mul3A_788 = arith.muli %add3A_660, %mul3A_787 : i32
        %add3A_789 = arith.constant 9 : i32
        %add3A_790 = arith.addi %mul3A_788, %add3A_789 : i32
        %get3A_791 = arith.index_cast %add3A_790 : i32 to index
        %get3A_792 = arith.constant 0 : index
        %get3A_793 = tpu.vector_load %arg5[%get3A_791, %get3A_792] {strides = array<i32>} : memref<512x16xi32, #tpu.memory_space<vmem>>, vector<1x16xi32>,
        %get3A_794 = vector.shape_cast %get3A_793 : vector<1x16xi32> to vector<16xi32>
        %swap3A_795 = arith.constant 1 : i32
        %swap3A_796 = arith.index_cast %swap3A_795 : i32 to index
        %swap3A_797 = arith.constant 16 : index
        %swap3A_798 = tpu.vector_load %arg7[%swap3A_796, %swap3A_797] {strides = array<i32>} : memref<2x128xi32, #tpu.memory_space<vmem>>, vector<1x16xi32>,
        %swap3A_799 = vector.shape_cast %swap3A_798 : vector<1x16xi32> to vector<16xi32>
        %swap3A_800 = vector.shape_cast %get3A_794 : vector<16xi32> to vector<1x16xi32>
        tpu.vector_store %arg7[%swap3A_796, %swap3A_797], %swap3A_800 {strides = array<i32>} : memref<2x128xi32, #tpu.memory_space<vmem>>, vector<1x16xi32>,
        %mul3A_801 = arith.constant 16 : i32
        %mul3A_802 = arith.muli %add3A_660, %mul3A_801 : i32
        %add3A_803 = arith.constant 10 : i32
        %add3A_804 = arith.addi %mul3A_802, %add3A_803 : i32
        %get3A_805 = arith.index_cast %add3A_804 : i32 to index
        %get3A_806 = arith.constant 0 : index
        %get3A_807 = tpu.vector_load %arg5[%get3A_805, %get3A_806] {strides = array<i32>} : memref<512x16xi32, #tpu.memory_space<vmem>>, vector<1x16xi32>,
        %get3A_808 = vector.shape_cast %get3A_807 : vector<1x16xi32> to vector<16xi32>
        %swap3A_809 = arith.constant 1 : i32
        %swap3A_810 = arith.index_cast %swap3A_809 : i32 to index
        %swap3A_811 = arith.constant 32 : index
        %swap3A_812 = tpu.vector_load %arg7[%swap3A_810, %swap3A_811] {strides = array<i32>} : memref<2x128xi32, #tpu.memory_space<vmem>>, vector<1x16xi32>,
        %swap3A_813 = vector.shape_cast %swap3A_812 : vector<1x16xi32> to vector<16xi32>
        %swap3A_814 = vector.shape_cast %get3A_808 : vector<16xi32> to vector<1x16xi32>
        tpu.vector_store %arg7[%swap3A_810, %swap3A_811], %swap3A_814 {strides = array<i32>} : memref<2x128xi32, #tpu.memory_space<vmem>>, vector<1x16xi32>,
        %mul3A_815 = arith.constant 16 : i32
        %mul3A_816 = arith.muli %add3A_660, %mul3A_815 : i32
        %add3A_817 = arith.constant 11 : i32
        %add3A_818 = arith.addi %mul3A_816, %add3A_817 : i32
        %get3A_819 = arith.index_cast %add3A_818 : i32 to index
        %get3A_820 = arith.constant 0 : index
        %get3A_821 = tpu.vector_load %arg5[%get3A_819, %get3A_820] {strides = array<i32>} : memref<512x16xi32, #tpu.memory_space<vmem>>, vector<1x16xi32>,
        %get3A_822 = vector.shape_cast %get3A_821 : vector<1x16xi32> to vector<16xi32>
        %swap3A_823 = arith.constant 1 : i32
        %swap3A_824 = arith.index_cast %swap3A_823 : i32 to index
        %swap3A_825 = arith.constant 48 : index
        %swap3A_826 = tpu.vector_load %arg7[%swap3A_824, %swap3A_825] {strides = array<i32>} : memref<2x128xi32, #tpu.memory_space<vmem>>, vector<1x16xi32>,
        %swap3A_827 = vector.shape_cast %swap3A_826 : vector<1x16xi32> to vector<16xi32>
        %swap3A_828 = vector.shape_cast %get3A_822 : vector<16xi32> to vector<1x16xi32>
        tpu.vector_store %arg7[%swap3A_824, %swap3A_825], %swap3A_828 {strides = array<i32>} : memref<2x128xi32, #tpu.memory_space<vmem>>, vector<1x16xi32>,
        %mul3A_829 = arith.constant 16 : i32
        %mul3A_830 = arith.muli %add3A_660, %mul3A_829 : i32
        %add3A_831 = arith.constant 12 : i32
        %add3A_832 = arith.addi %mul3A_830, %add3A_831 : i32
        %get3A_833 = arith.index_cast %add3A_832 : i32 to index
        %get3A_834 = arith.constant 0 : index
        %get3A_835 = tpu.vector_load %arg5[%get3A_833, %get3A_834] {strides = array<i32>} : memref<512x16xi32, #tpu.memory_space<vmem>>, vector<1x16xi32>,
        %get3A_836 = vector.shape_cast %get3A_835 : vector<1x16xi32> to vector<16xi32>
        %swap3A_837 = arith.constant 1 : i32
        %swap3A_838 = arith.index_cast %swap3A_837 : i32 to index
        %swap3A_839 = arith.constant 64 : index
        %swap3A_840 = tpu.vector_load %arg7[%swap3A_838, %swap3A_839] {strides = array<i32>} : memref<2x128xi32, #tpu.memory_space<vmem>>, vector<1x16xi32>,
        %swap3A_841 = vector.shape_cast %swap3A_840 : vector<1x16xi32> to vector<16xi32>
        %swap3A_842 = vector.shape_cast %get3A_836 : vector<16xi32> to vector<1x16xi32>
        tpu.vector_store %arg7[%swap3A_838, %swap3A_839], %swap3A_842 {strides = array<i32>} : memref<2x128xi32, #tpu.memory_space<vmem>>, vector<1x16xi32>,
        %mul3A_843 = arith.constant 16 : i32
        %mul3A_844 = arith.muli %add3A_660, %mul3A_843 : i32
        %add3A_845 = arith.constant 13 : i32
        %add3A_846 = arith.addi %mul3A_844, %add3A_845 : i32
        %get3A_847 = arith.index_cast %add3A_846 : i32 to index
        %get3A_848 = arith.constant 0 : index
        %get3A_849 = tpu.vector_load %arg5[%get3A_847, %get3A_848] {strides = array<i32>} : memref<512x16xi32, #tpu.memory_space<vmem>>, vector<1x16xi32>,
        %get3A_850 = vector.shape_cast %get3A_849 : vector<1x16xi32> to vector<16xi32>
        %swap3A_851 = arith.constant 1 : i32
        %swap3A_852 = arith.index_cast %swap3A_851 : i32 to index
        %swap3A_853 = arith.constant 80 : index
        %swap3A_854 = tpu.vector_load %arg7[%swap3A_852, %swap3A_853] {strides = array<i32>} : memref<2x128xi32, #tpu.memory_space<vmem>>, vector<1x16xi32>,
        %swap3A_855 = vector.shape_cast %swap3A_854 : vector<1x16xi32> to vector<16xi32>
        %swap3A_856 = vector.shape_cast %get3A_850 : vector<16xi32> to vector<1x16xi32>
        tpu.vector_store %arg7[%swap3A_852, %swap3A_853], %swap3A_856 {strides = array<i32>} : memref<2x128xi32, #tpu.memory_space<vmem>>, vector<1x16xi32>,
        %mul3A_857 = arith.constant 16 : i32
        %mul3A_858 = arith.muli %add3A_660, %mul3A_857 : i32
        %add3A_859 = arith.constant 14 : i32
        %add3A_860 = arith.addi %mul3A_858, %add3A_859 : i32
        %get3A_861 = arith.index_cast %add3A_860 : i32 to index
        %get3A_862 = arith.constant 0 : index
        %get3A_863 = tpu.vector_load %arg5[%get3A_861, %get3A_862] {strides = array<i32>} : memref<512x16xi32, #tpu.memory_space<vmem>>, vector<1x16xi32>,
        %get3A_864 = vector.shape_cast %get3A_863 : vector<1x16xi32> to vector<16xi32>
        %swap3A_865 = arith.constant 1 : i32
        %swap3A_866 = arith.index_cast %swap3A_865 : i32 to index
        %swap3A_867 = arith.constant 96 : index
        %swap3A_868 = tpu.vector_load %arg7[%swap3A_866, %swap3A_867] {strides = array<i32>} : memref<2x128xi32, #tpu.memory_space<vmem>>, vector<1x16xi32>,
        %swap3A_869 = vector.shape_cast %swap3A_868 : vector<1x16xi32> to vector<16xi32>
        %swap3A_870 = vector.shape_cast %get3A_864 : vector<16xi32> to vector<1x16xi32>
        tpu.vector_store %arg7[%swap3A_866, %swap3A_867], %swap3A_870 {strides = array<i32>} : memref<2x128xi32, #tpu.memory_space<vmem>>, vector<1x16xi32>,
        %mul3A_871 = arith.constant 16 : i32
        %mul3A_872 = arith.muli %add3A_660, %mul3A_871 : i32
        %add3A_873 = arith.constant 15 : i32
        %add3A_874 = arith.addi %mul3A_872, %add3A_873 : i32
        %get3A_875 = arith.index_cast %add3A_874 : i32 to index
        %get3A_876 = arith.constant 0 : index
        %get3A_877 = tpu.vector_load %arg5[%get3A_875, %get3A_876] {strides = array<i32>} : memref<512x16xi32, #tpu.memory_space<vmem>>, vector<1x16xi32>,
        %get3A_878 = vector.shape_cast %get3A_877 : vector<1x16xi32> to vector<16xi32>
        %swap3A_879 = arith.constant 1 : i32
        %swap3A_880 = arith.index_cast %swap3A_879 : i32 to index
        %swap3A_881 = arith.constant 112 : index
        %swap3A_882 = tpu.vector_load %arg7[%swap3A_880, %swap3A_881] {strides = array<i32>} : memref<2x128xi32, #tpu.memory_space<vmem>>, vector<1x16xi32>,
        %swap3A_883 = vector.shape_cast %swap3A_882 : vector<1x16xi32> to vector<16xi32>
        %swap3A_884 = vector.shape_cast %get3A_878 : vector<16xi32> to vector<1x16xi32>
        tpu.vector_store %arg7[%swap3A_880, %swap3A_881], %swap3A_884 {strides = array<i32>} : memref<2x128xi32, #tpu.memory_space<vmem>>, vector<1x16xi32>,
        %add3A_885 = arith.constant 2 : i32
        %add3A_886 = arith.addi %add3A_611, %add3A_885 : i32
        %dma_start3A_887 = arith.constant 0 : i32
        %dma_start3A_888 = arith.constant 0 : i32
        %dma_start3A_889 = arith.constant 0 : i32
        %dma_start3A_890 = tpu.memref_slice %arg11[%dma_start3A_888, %dma_start3A_889] : memref<256x64xf32, #tpu.memory_space<vmem>> -> memref<128x64xf32, #tpu.memory_space<vmem>>
        %dma_start3A_891 = arith.constant 0 : i32
        %dma_start3A_892 = tpu.memref_slice %arg7[%dma_start3A_887, %dma_start3A_891] : memref<2x128xi32, #tpu.memory_space<vmem>> -> memref<1x128xi32, #tpu.memory_space<vmem>>
        %dma_start3A_893 = tpu.memref_squeeze %dma_start3A_892 : memref<1x128xi32, #tpu.memory_space<vmem>> -> memref<128xi32, #tpu.memory_space<vmem>>
        %dma_start3A_894 = arith.constant 0 : i32
        %dma_start3A_895 = arith.constant 0 : i32
        %dma_start3A_896 = tpu.memref_slice %arg2[%add3A_18, %dma_start3A_894, %dma_start3A_895] : memref<8x4096x64xf32, #tpu.memory_space<hbm>> -> memref<1x4096x64xf32, #tpu.memory_space<hbm>>
        %dma_start3A_897 = tpu.memref_squeeze %dma_start3A_896 : memref<1x4096x64xf32, #tpu.memory_space<hbm>> -> memref<4096x64xf32, #tpu.memory_space<hbm>>
        %dma_start3A_898 = arith.constant 0 : i32
        %dma_start3A_899 = arith.constant 0 : i32
        %dma_start3A_900 = tpu.memref_slice %dma_start3A_897[%dma_start3A_898, %dma_start3A_899] : memref<4096x64xf32, #tpu.memory_space<hbm>> -> memref<4096x64xf32, #tpu.memory_space<hbm>>
        tpu.enqueue_indirect_dma source(%dma_start3A_900 : memref<4096x64xf32, #tpu.memory_space<hbm>>) target(%dma_start3A_890 : memref<128x64xf32, #tpu.memory_space<vmem>>) offsets(%dma_start3A_893 : memref<128xi32, #tpu.memory_space<vmem>>) semaphore(%arg15 : memref<!tpu.dma_semaphore, #tpu.memory_space<semaphore_mem>>)
        %dma_start3A_901 = arith.constant 1 : i32
        %dma_start3A_902 = arith.constant 128 : i32
        %dma_start3A_903 = arith.constant 0 : i32
        %dma_start3A_904 = tpu.memref_slice %arg11[%dma_start3A_902, %dma_start3A_903] : memref<256x64xf32, #tpu.memory_space<vmem>> -> memref<128x64xf32, #tpu.memory_space<vmem>>
        %dma_start3A_905 = arith.constant 0 : i32
        %dma_start3A_906 = tpu.memref_slice %arg7[%dma_start3A_901, %dma_start3A_905] : memref<2x128xi32, #tpu.memory_space<vmem>> -> memref<1x128xi32, #tpu.memory_space<vmem>>
        %dma_start3A_907 = tpu.memref_squeeze %dma_start3A_906 : memref<1x128xi32, #tpu.memory_space<vmem>> -> memref<128xi32, #tpu.memory_space<vmem>>
        %dma_start3A_908 = arith.constant 0 : i32
        %dma_start3A_909 = arith.constant 0 : i32
        %dma_start3A_910 = tpu.memref_slice %arg2[%add3A_18, %dma_start3A_908, %dma_start3A_909] : memref<8x4096x64xf32, #tpu.memory_space<hbm>> -> memref<1x4096x64xf32, #tpu.memory_space<hbm>>
        %dma_start3A_911 = tpu.memref_squeeze %dma_start3A_910 : memref<1x4096x64xf32, #tpu.memory_space<hbm>> -> memref<4096x64xf32, #tpu.memory_space<hbm>>
        %dma_start3A_912 = arith.constant 0 : i32
        %dma_start3A_913 = arith.constant 0 : i32
        %dma_start3A_914 = tpu.memref_slice %dma_start3A_911[%dma_start3A_912, %dma_start3A_913] : memref<4096x64xf32, #tpu.memory_space<hbm>> -> memref<4096x64xf32, #tpu.memory_space<hbm>>
        tpu.enqueue_indirect_dma source(%dma_start3A_914 : memref<4096x64xf32, #tpu.memory_space<hbm>>) target(%dma_start3A_904 : memref<128x64xf32, #tpu.memory_space<vmem>>) offsets(%dma_start3A_907 : memref<128xi32, #tpu.memory_space<vmem>>) semaphore(%arg15 : memref<!tpu.dma_semaphore, #tpu.memory_space<semaphore_mem>>)
      } else {
      }
    }
    %scan3A_445 = arith.constant 8 : i32
    %add3A_446 = arith.constant 7680 : i32
    %add3A_447 = arith.addi %mul3A_36, %add3A_446 : i32
    %dma_wait3A = arith.constant 0 : i32
    %dma_wait3A_448 = tpu.memref_slice %arg4[%add3A_447, %dma_wait3A] : memref<262144x64xf32, #tpu.memory_space<hbm>> -> memref<256x64xf32, #tpu.memory_space<hbm>>
    %dma_wait3A_449 = arith.constant 0 : i32
    %dma_wait3A_450 = tpu.memref_slice %arg4[%add3A_447, %dma_wait3A_449] : memref<262144x64xf32, #tpu.memory_space<hbm>> -> memref<256x64xf32, #tpu.memory_space<hbm>>
    tpu.wait_dma2 semaphore(%arg20 : memref<!tpu.dma_semaphore, #tpu.memory_space<semaphore_mem>>) src(%arg12 : memref<256x64xf32, #tpu.memory_space<vmem>>) dst(%dma_wait3A_450 : memref<256x64xf32, #tpu.memory_space<hbm>>)
    %add3A_451 = arith.constant 7936 : i32
    %add3A_452 = arith.addi %mul3A_36, %add3A_451 : i32
    %dma_wait3A_453 = arith.constant 0 : i32
    %dma_wait3A_454 = tpu.memref_slice %arg4[%add3A_452, %dma_wait3A_453] : memref<262144x64xf32, #tpu.memory_space<hbm>> -> memref<256x64xf32, #tpu.memory_space<hbm>>
    %dma_wait3A_455 = arith.constant 0 : i32
    %dma_wait3A_456 = tpu.memref_slice %arg4[%add3A_452, %dma_wait3A_455] : memref<262144x64xf32, #tpu.memory_space<hbm>> -> memref<256x64xf32, #tpu.memory_space<hbm>>
    tpu.wait_dma2 semaphore(%arg21 : memref<!tpu.dma_semaphore, #tpu.memory_space<semaphore_mem>>) src(%arg13 : memref<256x64xf32, #tpu.memory_space<vmem>>) dst(%dma_wait3A_456 : memref<256x64xf32, #tpu.memory_space<hbm>>)
    return
  }
}

module attributes {stable_mosaic.version = 14 : i64} {
  func.func @body(%arg0: i32, %arg1: memref<1024x8x128xf32, #tpu.memory_space<vmem>>, %arg2: memref<1x1024x1024xf32, #tpu.memory_space<vmem>>) attributes {dimension_semantics = [#tpu.dimension_semantics<arbitrary>], iteration_bounds = array<i64: 16>, scalar_prefetch = 0 : i64, scratch_operands = 0 : i64, tpu.core_type = #tpu.core_type<tc>, window_params = [{transform_indices = @transform_0, window_bounds = array<i64: 1024, 8, 128>}, {transform_indices = @transform_1, window_bounds = array<i64: 1, 1024, 1024>}]} {
    %get3A = arith.constant 0 : index
    %get3A_0 = arith.constant 0 : index
    %get3A_1 = arith.constant 0 : index
    %get3A_2 = vector.load %arg1[%get3A, %get3A_0, %get3A_1] : memref<1024x8x128xf32, #tpu.memory_space<vmem>>, vector<1024x1x128xf32>
    %get3A_3 = vector.shape_cast %get3A_2 : vector<1024x1x128xf32> to vector<1024x128xf32>
    %swap3A = arith.constant 0 : index
    %swap3A_4 = arith.constant 0 : index
    %swap3A_5 = arith.constant 0 : index
    %swap3A_6 = vector.load %arg2[%swap3A, %swap3A_4, %swap3A_5] : memref<1x1024x1024xf32, #tpu.memory_space<vmem>>, vector<1x1024x128xf32>
    %swap3A_7 = vector.shape_cast %swap3A_6 : vector<1x1024x128xf32> to vector<1024x128xf32>
    %swap3A_8 = vector.shape_cast %get3A_3 : vector<1024x128xf32> to vector<1x1024x128xf32>
    tpu.vector_store %arg2[%swap3A, %swap3A_4, %swap3A_5], %swap3A_8 {strides = array<i32>} : memref<1x1024x1024xf32, #tpu.memory_space<vmem>>, vector<1x1024x128xf32>,
    %get3A_9 = arith.constant 0 : index
    %get3A_10 = arith.constant 1 : index
    %get3A_11 = arith.constant 0 : index
    %get3A_12 = vector.load %arg1[%get3A_9, %get3A_10, %get3A_11] : memref<1024x8x128xf32, #tpu.memory_space<vmem>>, vector<1024x1x128xf32>
    %get3A_13 = vector.shape_cast %get3A_12 : vector<1024x1x128xf32> to vector<1024x128xf32>
    %swap3A_14 = arith.constant 0 : index
    %swap3A_15 = arith.constant 0 : index
    %swap3A_16 = arith.constant 128 : index
    %swap3A_17 = vector.load %arg2[%swap3A_14, %swap3A_15, %swap3A_16] : memref<1x1024x1024xf32, #tpu.memory_space<vmem>>, vector<1x1024x128xf32>
    %swap3A_18 = vector.shape_cast %swap3A_17 : vector<1x1024x128xf32> to vector<1024x128xf32>
    %swap3A_19 = vector.shape_cast %get3A_13 : vector<1024x128xf32> to vector<1x1024x128xf32>
    tpu.vector_store %arg2[%swap3A_14, %swap3A_15, %swap3A_16], %swap3A_19 {strides = array<i32>} : memref<1x1024x1024xf32, #tpu.memory_space<vmem>>, vector<1x1024x128xf32>,
    %get3A_20 = arith.constant 0 : index
    %get3A_21 = arith.constant 2 : index
    %get3A_22 = arith.constant 0 : index
    %get3A_23 = vector.load %arg1[%get3A_20, %get3A_21, %get3A_22] : memref<1024x8x128xf32, #tpu.memory_space<vmem>>, vector<1024x1x128xf32>
    %get3A_24 = vector.shape_cast %get3A_23 : vector<1024x1x128xf32> to vector<1024x128xf32>
    %swap3A_25 = arith.constant 0 : index
    %swap3A_26 = arith.constant 0 : index
    %swap3A_27 = arith.constant 256 : index
    %swap3A_28 = vector.load %arg2[%swap3A_25, %swap3A_26, %swap3A_27] : memref<1x1024x1024xf32, #tpu.memory_space<vmem>>, vector<1x1024x128xf32>
    %swap3A_29 = vector.shape_cast %swap3A_28 : vector<1x1024x128xf32> to vector<1024x128xf32>
    %swap3A_30 = vector.shape_cast %get3A_24 : vector<1024x128xf32> to vector<1x1024x128xf32>
    tpu.vector_store %arg2[%swap3A_25, %swap3A_26, %swap3A_27], %swap3A_30 {strides = array<i32>} : memref<1x1024x1024xf32, #tpu.memory_space<vmem>>, vector<1x1024x128xf32>,
    %get3A_31 = arith.constant 0 : index
    %get3A_32 = arith.constant 3 : index
    %get3A_33 = arith.constant 0 : index
    %get3A_34 = vector.load %arg1[%get3A_31, %get3A_32, %get3A_33] : memref<1024x8x128xf32, #tpu.memory_space<vmem>>, vector<1024x1x128xf32>
    %get3A_35 = vector.shape_cast %get3A_34 : vector<1024x1x128xf32> to vector<1024x128xf32>
    %swap3A_36 = arith.constant 0 : index
    %swap3A_37 = arith.constant 0 : index
    %swap3A_38 = arith.constant 384 : index
    %swap3A_39 = vector.load %arg2[%swap3A_36, %swap3A_37, %swap3A_38] : memref<1x1024x1024xf32, #tpu.memory_space<vmem>>, vector<1x1024x128xf32>
    %swap3A_40 = vector.shape_cast %swap3A_39 : vector<1x1024x128xf32> to vector<1024x128xf32>
    %swap3A_41 = vector.shape_cast %get3A_35 : vector<1024x128xf32> to vector<1x1024x128xf32>
    tpu.vector_store %arg2[%swap3A_36, %swap3A_37, %swap3A_38], %swap3A_41 {strides = array<i32>} : memref<1x1024x1024xf32, #tpu.memory_space<vmem>>, vector<1x1024x128xf32>,
    %get3A_42 = arith.constant 0 : index
    %get3A_43 = arith.constant 4 : index
    %get3A_44 = arith.constant 0 : index
    %get3A_45 = vector.load %arg1[%get3A_42, %get3A_43, %get3A_44] : memref<1024x8x128xf32, #tpu.memory_space<vmem>>, vector<1024x1x128xf32>
    %get3A_46 = vector.shape_cast %get3A_45 : vector<1024x1x128xf32> to vector<1024x128xf32>
    %swap3A_47 = arith.constant 0 : index
    %swap3A_48 = arith.constant 0 : index
    %swap3A_49 = arith.constant 512 : index
    %swap3A_50 = vector.load %arg2[%swap3A_47, %swap3A_48, %swap3A_49] : memref<1x1024x1024xf32, #tpu.memory_space<vmem>>, vector<1x1024x128xf32>
    %swap3A_51 = vector.shape_cast %swap3A_50 : vector<1x1024x128xf32> to vector<1024x128xf32>
    %swap3A_52 = vector.shape_cast %get3A_46 : vector<1024x128xf32> to vector<1x1024x128xf32>
    tpu.vector_store %arg2[%swap3A_47, %swap3A_48, %swap3A_49], %swap3A_52 {strides = array<i32>} : memref<1x1024x1024xf32, #tpu.memory_space<vmem>>, vector<1x1024x128xf32>,
    %get3A_53 = arith.constant 0 : index
    %get3A_54 = arith.constant 5 : index
    %get3A_55 = arith.constant 0 : index
    %get3A_56 = vector.load %arg1[%get3A_53, %get3A_54, %get3A_55] : memref<1024x8x128xf32, #tpu.memory_space<vmem>>, vector<1024x1x128xf32>
    %get3A_57 = vector.shape_cast %get3A_56 : vector<1024x1x128xf32> to vector<1024x128xf32>
    %swap3A_58 = arith.constant 0 : index
    %swap3A_59 = arith.constant 0 : index
    %swap3A_60 = arith.constant 640 : index
    %swap3A_61 = vector.load %arg2[%swap3A_58, %swap3A_59, %swap3A_60] : memref<1x1024x1024xf32, #tpu.memory_space<vmem>>, vector<1x1024x128xf32>
    %swap3A_62 = vector.shape_cast %swap3A_61 : vector<1x1024x128xf32> to vector<1024x128xf32>
    %swap3A_63 = vector.shape_cast %get3A_57 : vector<1024x128xf32> to vector<1x1024x128xf32>
    tpu.vector_store %arg2[%swap3A_58, %swap3A_59, %swap3A_60], %swap3A_63 {strides = array<i32>} : memref<1x1024x1024xf32, #tpu.memory_space<vmem>>, vector<1x1024x128xf32>,
    %get3A_64 = arith.constant 0 : index
    %get3A_65 = arith.constant 6 : index
    %get3A_66 = arith.constant 0 : index
    %get3A_67 = vector.load %arg1[%get3A_64, %get3A_65, %get3A_66] : memref<1024x8x128xf32, #tpu.memory_space<vmem>>, vector<1024x1x128xf32>
    %get3A_68 = vector.shape_cast %get3A_67 : vector<1024x1x128xf32> to vector<1024x128xf32>
    %swap3A_69 = arith.constant 0 : index
    %swap3A_70 = arith.constant 0 : index
    %swap3A_71 = arith.constant 768 : index
    %swap3A_72 = vector.load %arg2[%swap3A_69, %swap3A_70, %swap3A_71] : memref<1x1024x1024xf32, #tpu.memory_space<vmem>>, vector<1x1024x128xf32>
    %swap3A_73 = vector.shape_cast %swap3A_72 : vector<1x1024x128xf32> to vector<1024x128xf32>
    %swap3A_74 = vector.shape_cast %get3A_68 : vector<1024x128xf32> to vector<1x1024x128xf32>
    tpu.vector_store %arg2[%swap3A_69, %swap3A_70, %swap3A_71], %swap3A_74 {strides = array<i32>} : memref<1x1024x1024xf32, #tpu.memory_space<vmem>>, vector<1x1024x128xf32>,
    %get3A_75 = arith.constant 0 : index
    %get3A_76 = arith.constant 7 : index
    %get3A_77 = arith.constant 0 : index
    %get3A_78 = vector.load %arg1[%get3A_75, %get3A_76, %get3A_77] : memref<1024x8x128xf32, #tpu.memory_space<vmem>>, vector<1024x1x128xf32>
    %get3A_79 = vector.shape_cast %get3A_78 : vector<1024x1x128xf32> to vector<1024x128xf32>
    %swap3A_80 = arith.constant 0 : index
    %swap3A_81 = arith.constant 0 : index
    %swap3A_82 = arith.constant 896 : index
    %swap3A_83 = vector.load %arg2[%swap3A_80, %swap3A_81, %swap3A_82] : memref<1x1024x1024xf32, #tpu.memory_space<vmem>>, vector<1x1024x128xf32>
    %swap3A_84 = vector.shape_cast %swap3A_83 : vector<1x1024x128xf32> to vector<1024x128xf32>
    %swap3A_85 = vector.shape_cast %get3A_79 : vector<1024x128xf32> to vector<1x1024x128xf32>
    tpu.vector_store %arg2[%swap3A_80, %swap3A_81, %swap3A_82], %swap3A_85 {strides = array<i32>} : memref<1x1024x1024xf32, #tpu.memory_space<vmem>>, vector<1x1024x128xf32>,
    return
  }
  func.func @transform_0(%arg0: i32) -> (i32, i32, i32) {
    %c0_i32 = arith.constant 0 : i32
    %c0_i32_0 = arith.constant 0 : i32
    %c0_i32_1 = arith.constant 0 : i32
    return %arg0, %c0_i32, %c0_i32_0 : i32, i32, i32
  }
  func.func @transform_1(%arg0: i32) -> (i32, i32, i32) {
    %jit3A = arith.constant 4 : i32
    %div3A = arith.divsi %arg0, %jit3A : i32
    %sign3A = arith.constant 0 : i32
    %sign3A_0 = arith.cmpi sgt, %arg0, %sign3A : i32
    %sign3A_1 = arith.extui %sign3A_0 : i1 to i32
    %sign3A_2 = arith.constant 0 : i32
    %sign3A_3 = arith.cmpi slt, %arg0, %sign3A_2 : i32
    %sign3A_4 = arith.extui %sign3A_3 : i1 to i32
    %sign3A_5 = arith.subi %sign3A_1, %sign3A_4 : i32
    %sign3A_6 = arith.constant 0 : i32
    %sign3A_7 = arith.cmpi sgt, %jit3A, %sign3A_6 : i32
    %sign3A_8 = arith.extui %sign3A_7 : i1 to i32
    %sign3A_9 = arith.constant 0 : i32
    %sign3A_10 = arith.cmpi slt, %jit3A, %sign3A_9 : i32
    %sign3A_11 = arith.extui %sign3A_10 : i1 to i32
    %sign3A_12 = arith.subi %sign3A_8, %sign3A_11 : i32
    %ne3A = arith.cmpi ne, %sign3A_5, %sign3A_12 : i32
    %rem3A = arith.remsi %arg0, %jit3A : i32
    %ne3A_13 = arith.constant 0 : i32
    %ne3A_14 = arith.cmpi ne, %rem3A, %ne3A_13 : i32
    %and3A = arith.andi %ne3A, %ne3A_14 : i1
    %sub3A = arith.constant 1 : i32
    %sub3A_15 = arith.subi %div3A, %sub3A : i32
    %select_n3A = arith.select %and3A, %sub3A_15, %div3A : i32
    %add3A = arith.constant 0 : i32
    %add3A_16 = arith.addi %add3A, %select_n3A : i32
    %jit3A_17 = arith.constant 4 : i32
    %eq3A = arith.constant 0 : i32
    %eq3A_18 = arith.cmpi eq, %jit3A_17, %eq3A : i32
    %jit3A_19 = arith.constant 1 : i32
    %select_n3A_20 = arith.select %eq3A_18, %jit3A_19, %jit3A_17 : i32
    %rem3A_21 = arith.remsi %arg0, %select_n3A_20 : i32
    %ne3A_22 = arith.constant 0 : i32
    %ne3A_23 = arith.cmpi ne, %rem3A_21, %ne3A_22 : i32
    %lt3A = arith.constant 0 : i32
    %lt3A_24 = arith.cmpi slt, %rem3A_21, %lt3A : i32
    %lt3A_25 = arith.constant 0 : i32
    %lt3A_26 = arith.cmpi slt, %select_n3A_20, %lt3A_25 : i32
    %ne3A_27 = arith.xori %lt3A_24, %lt3A_26 : i1
    %and3A_28 = arith.andi %ne3A_27, %ne3A_23 : i1
    %add3A_29 = arith.addi %rem3A_21, %select_n3A_20 : i32
    %select_n3A_30 = arith.select %and3A_28, %add3A_29, %rem3A_21 : i32
    %c0_i32 = arith.constant 0 : i32
    %c0_i32_31 = arith.constant 0 : i32
    return %add3A_16, %select_n3A_30, %c0_i32 : i32, i32, i32
  }
}

module attributes {stable_mosaic.version = 14 : i64} {
  func.func @body(%arg0: i32, %arg1: memref<1024x8x128xf32, #tpu.memory_space<vmem>>, %arg2: memref<8x4096x1024xf32, #tpu.memory_space<any>>, %arg3: memref<1x1024x1024xf32, #tpu.memory_space<vmem>>) attributes {dimension_semantics = [#tpu.dimension_semantics<arbitrary>], iteration_bounds = array<i64: 16>, scalar_prefetch = 0 : i64, scratch_operands = 0 : i64, tpu.core_type = #tpu.core_type<tc>, window_params = [{transform_indices = @transform_0, window_bounds = array<i64: 1024, 8, 128>}, {}, {transform_indices = @transform_2, window_bounds = array<i64: 1, 1024, 1024>}]} {
    %get3A = arith.constant 0 : index
    %get3A_0 = arith.constant 0 : index
    %get3A_1 = arith.constant 0 : index
    %get3A_2 = vector.load %arg1[%get3A, %get3A_0, %get3A_1] : memref<1024x8x128xf32, #tpu.memory_space<vmem>>, vector<1024x1x128xf32>
    %get3A_3 = vector.shape_cast %get3A_2 : vector<1024x1x128xf32> to vector<1024x128xf32>
    %swap3A = arith.constant 0 : index
    %swap3A_4 = arith.constant 0 : index
    %swap3A_5 = arith.constant 0 : index
    %swap3A_6 = vector.load %arg3[%swap3A, %swap3A_4, %swap3A_5] : memref<1x1024x1024xf32, #tpu.memory_space<vmem>>, vector<1x1024x128xf32>
    %swap3A_7 = vector.shape_cast %swap3A_6 : vector<1x1024x128xf32> to vector<1024x128xf32>
    %swap3A_8 = vector.shape_cast %get3A_3 : vector<1024x128xf32> to vector<1x1024x128xf32>
    tpu.vector_store %arg3[%swap3A, %swap3A_4, %swap3A_5], %swap3A_8 {strides = array<i32>} : memref<1x1024x1024xf32, #tpu.memory_space<vmem>>, vector<1x1024x128xf32>,
    %get3A_9 = arith.constant 0 : index
    %get3A_10 = arith.constant 1 : index
    %get3A_11 = arith.constant 0 : index
    %get3A_12 = vector.load %arg1[%get3A_9, %get3A_10, %get3A_11] : memref<1024x8x128xf32, #tpu.memory_space<vmem>>, vector<1024x1x128xf32>
    %get3A_13 = vector.shape_cast %get3A_12 : vector<1024x1x128xf32> to vector<1024x128xf32>
    %swap3A_14 = arith.constant 0 : index
    %swap3A_15 = arith.constant 0 : index
    %swap3A_16 = arith.constant 128 : index
    %swap3A_17 = vector.load %arg3[%swap3A_14, %swap3A_15, %swap3A_16] : memref<1x1024x1024xf32, #tpu.memory_space<vmem>>, vector<1x1024x128xf32>
    %swap3A_18 = vector.shape_cast %swap3A_17 : vector<1x1024x128xf32> to vector<1024x128xf32>
    %swap3A_19 = vector.shape_cast %get3A_13 : vector<1024x128xf32> to vector<1x1024x128xf32>
    tpu.vector_store %arg3[%swap3A_14, %swap3A_15, %swap3A_16], %swap3A_19 {strides = array<i32>} : memref<1x1024x1024xf32, #tpu.memory_space<vmem>>, vector<1x1024x128xf32>,
    %get3A_20 = arith.constant 0 : index
    %get3A_21 = arith.constant 2 : index
    %get3A_22 = arith.constant 0 : index
    %get3A_23 = vector.load %arg1[%get3A_20, %get3A_21, %get3A_22] : memref<1024x8x128xf32, #tpu.memory_space<vmem>>, vector<1024x1x128xf32>
    %get3A_24 = vector.shape_cast %get3A_23 : vector<1024x1x128xf32> to vector<1024x128xf32>
    %swap3A_25 = arith.constant 0 : index
    %swap3A_26 = arith.constant 0 : index
    %swap3A_27 = arith.constant 256 : index
    %swap3A_28 = vector.load %arg3[%swap3A_25, %swap3A_26, %swap3A_27] : memref<1x1024x1024xf32, #tpu.memory_space<vmem>>, vector<1x1024x128xf32>
    %swap3A_29 = vector.shape_cast %swap3A_28 : vector<1x1024x128xf32> to vector<1024x128xf32>
    %swap3A_30 = vector.shape_cast %get3A_24 : vector<1024x128xf32> to vector<1x1024x128xf32>
    tpu.vector_store %arg3[%swap3A_25, %swap3A_26, %swap3A_27], %swap3A_30 {strides = array<i32>} : memref<1x1024x1024xf32, #tpu.memory_space<vmem>>, vector<1x1024x128xf32>,
    %get3A_31 = arith.constant 0 : index
    %get3A_32 = arith.constant 3 : index
    %get3A_33 = arith.constant 0 : index
    %get3A_34 = vector.load %arg1[%get3A_31, %get3A_32, %get3A_33] : memref<1024x8x128xf32, #tpu.memory_space<vmem>>, vector<1024x1x128xf32>
    %get3A_35 = vector.shape_cast %get3A_34 : vector<1024x1x128xf32> to vector<1024x128xf32>
    %swap3A_36 = arith.constant 0 : index
    %swap3A_37 = arith.constant 0 : index
    %swap3A_38 = arith.constant 384 : index
    %swap3A_39 = vector.load %arg3[%swap3A_36, %swap3A_37, %swap3A_38] : memref<1x1024x1024xf32, #tpu.memory_space<vmem>>, vector<1x1024x128xf32>
    %swap3A_40 = vector.shape_cast %swap3A_39 : vector<1x1024x128xf32> to vector<1024x128xf32>
    %swap3A_41 = vector.shape_cast %get3A_35 : vector<1024x128xf32> to vector<1x1024x128xf32>
    tpu.vector_store %arg3[%swap3A_36, %swap3A_37, %swap3A_38], %swap3A_41 {strides = array<i32>} : memref<1x1024x1024xf32, #tpu.memory_space<vmem>>, vector<1x1024x128xf32>,
    %get3A_42 = arith.constant 0 : index
    %get3A_43 = arith.constant 4 : index
    %get3A_44 = arith.constant 0 : index
    %get3A_45 = vector.load %arg1[%get3A_42, %get3A_43, %get3A_44] : memref<1024x8x128xf32, #tpu.memory_space<vmem>>, vector<1024x1x128xf32>
    %get3A_46 = vector.shape_cast %get3A_45 : vector<1024x1x128xf32> to vector<1024x128xf32>
    %swap3A_47 = arith.constant 0 : index
    %swap3A_48 = arith.constant 0 : index
    %swap3A_49 = arith.constant 512 : index
    %swap3A_50 = vector.load %arg3[%swap3A_47, %swap3A_48, %swap3A_49] : memref<1x1024x1024xf32, #tpu.memory_space<vmem>>, vector<1x1024x128xf32>
    %swap3A_51 = vector.shape_cast %swap3A_50 : vector<1x1024x128xf32> to vector<1024x128xf32>
    %swap3A_52 = vector.shape_cast %get3A_46 : vector<1024x128xf32> to vector<1x1024x128xf32>
    tpu.vector_store %arg3[%swap3A_47, %swap3A_48, %swap3A_49], %swap3A_52 {strides = array<i32>} : memref<1x1024x1024xf32, #tpu.memory_space<vmem>>, vector<1x1024x128xf32>,
    %get3A_53 = arith.constant 0 : index
    %get3A_54 = arith.constant 5 : index
    %get3A_55 = arith.constant 0 : index
    %get3A_56 = vector.load %arg1[%get3A_53, %get3A_54, %get3A_55] : memref<1024x8x128xf32, #tpu.memory_space<vmem>>, vector<1024x1x128xf32>
    %get3A_57 = vector.shape_cast %get3A_56 : vector<1024x1x128xf32> to vector<1024x128xf32>
    %swap3A_58 = arith.constant 0 : index
    %swap3A_59 = arith.constant 0 : index
    %swap3A_60 = arith.constant 640 : index
    %swap3A_61 = vector.load %arg3[%swap3A_58, %swap3A_59, %swap3A_60] : memref<1x1024x1024xf32, #tpu.memory_space<vmem>>, vector<1x1024x128xf32>
    %swap3A_62 = vector.shape_cast %swap3A_61 : vector<1x1024x128xf32> to vector<1024x128xf32>
    %swap3A_63 = vector.shape_cast %get3A_57 : vector<1024x128xf32> to vector<1x1024x128xf32>
    tpu.vector_store %arg3[%swap3A_58, %swap3A_59, %swap3A_60], %swap3A_63 {strides = array<i32>} : memref<1x1024x1024xf32, #tpu.memory_space<vmem>>, vector<1x1024x128xf32>,
    %get3A_64 = arith.constant 0 : index
    %get3A_65 = arith.constant 6 : index
    %get3A_66 = arith.constant 0 : index
    %get3A_67 = vector.load %arg1[%get3A_64, %get3A_65, %get3A_66] : memref<1024x8x128xf32, #tpu.memory_space<vmem>>, vector<1024x1x128xf32>
    %get3A_68 = vector.shape_cast %get3A_67 : vector<1024x1x128xf32> to vector<1024x128xf32>
    %swap3A_69 = arith.constant 0 : index
    %swap3A_70 = arith.constant 0 : index
    %swap3A_71 = arith.constant 768 : index
    %swap3A_72 = vector.load %arg3[%swap3A_69, %swap3A_70, %swap3A_71] : memref<1x1024x1024xf32, #tpu.memory_space<vmem>>, vector<1x1024x128xf32>
    %swap3A_73 = vector.shape_cast %swap3A_72 : vector<1x1024x128xf32> to vector<1024x128xf32>
    %swap3A_74 = vector.shape_cast %get3A_68 : vector<1024x128xf32> to vector<1x1024x128xf32>
    tpu.vector_store %arg3[%swap3A_69, %swap3A_70, %swap3A_71], %swap3A_74 {strides = array<i32>} : memref<1x1024x1024xf32, #tpu.memory_space<vmem>>, vector<1x1024x128xf32>,
    %get3A_75 = arith.constant 0 : index
    %get3A_76 = arith.constant 7 : index
    %get3A_77 = arith.constant 0 : index
    %get3A_78 = vector.load %arg1[%get3A_75, %get3A_76, %get3A_77] : memref<1024x8x128xf32, #tpu.memory_space<vmem>>, vector<1024x1x128xf32>
    %get3A_79 = vector.shape_cast %get3A_78 : vector<1024x1x128xf32> to vector<1024x128xf32>
    %swap3A_80 = arith.constant 0 : index
    %swap3A_81 = arith.constant 0 : index
    %swap3A_82 = arith.constant 896 : index
    %swap3A_83 = vector.load %arg3[%swap3A_80, %swap3A_81, %swap3A_82] : memref<1x1024x1024xf32, #tpu.memory_space<vmem>>, vector<1x1024x128xf32>
    %swap3A_84 = vector.shape_cast %swap3A_83 : vector<1x1024x128xf32> to vector<1024x128xf32>
    %swap3A_85 = vector.shape_cast %get3A_79 : vector<1024x128xf32> to vector<1x1024x128xf32>
    tpu.vector_store %arg3[%swap3A_80, %swap3A_81, %swap3A_82], %swap3A_85 {strides = array<i32>} : memref<1x1024x1024xf32, #tpu.memory_space<vmem>>, vector<1x1024x128xf32>,
    return
  }
  func.func @transform_0(%arg0: i32) -> (i32, i32, i32) {
    %c0_i32 = arith.constant 0 : i32
    %c0_i32_0 = arith.constant 0 : i32
    %c0_i32_1 = arith.constant 0 : i32
    return %arg0, %c0_i32, %c0_i32_0 : i32, i32, i32
  }
  func.func @transform_2(%arg0: i32) -> (i32, i32, i32) {
    %jit3A = arith.constant 4 : i32
    %div3A = arith.divsi %arg0, %jit3A : i32
    %sign3A = arith.constant 0 : i32
    %sign3A_0 = arith.cmpi sgt, %arg0, %sign3A : i32
    %sign3A_1 = arith.extui %sign3A_0 : i1 to i32
    %sign3A_2 = arith.constant 0 : i32
    %sign3A_3 = arith.cmpi slt, %arg0, %sign3A_2 : i32
    %sign3A_4 = arith.extui %sign3A_3 : i1 to i32
    %sign3A_5 = arith.subi %sign3A_1, %sign3A_4 : i32
    %sign3A_6 = arith.constant 0 : i32
    %sign3A_7 = arith.cmpi sgt, %jit3A, %sign3A_6 : i32
    %sign3A_8 = arith.extui %sign3A_7 : i1 to i32
    %sign3A_9 = arith.constant 0 : i32
    %sign3A_10 = arith.cmpi slt, %jit3A, %sign3A_9 : i32
    %sign3A_11 = arith.extui %sign3A_10 : i1 to i32
    %sign3A_12 = arith.subi %sign3A_8, %sign3A_11 : i32
    %ne3A = arith.cmpi ne, %sign3A_5, %sign3A_12 : i32
    %rem3A = arith.remsi %arg0, %jit3A : i32
    %ne3A_13 = arith.constant 0 : i32
    %ne3A_14 = arith.cmpi ne, %rem3A, %ne3A_13 : i32
    %and3A = arith.andi %ne3A, %ne3A_14 : i1
    %sub3A = arith.constant 1 : i32
    %sub3A_15 = arith.subi %div3A, %sub3A : i32
    %select_n3A = arith.select %and3A, %sub3A_15, %div3A : i32
    %add3A = arith.constant 4 : i32
    %add3A_16 = arith.addi %add3A, %select_n3A : i32
    %jit3A_17 = arith.constant 4 : i32
    %eq3A = arith.constant 0 : i32
    %eq3A_18 = arith.cmpi eq, %jit3A_17, %eq3A : i32
    %jit3A_19 = arith.constant 1 : i32
    %select_n3A_20 = arith.select %eq3A_18, %jit3A_19, %jit3A_17 : i32
    %rem3A_21 = arith.remsi %arg0, %select_n3A_20 : i32
    %ne3A_22 = arith.constant 0 : i32
    %ne3A_23 = arith.cmpi ne, %rem3A_21, %ne3A_22 : i32
    %lt3A = arith.constant 0 : i32
    %lt3A_24 = arith.cmpi slt, %rem3A_21, %lt3A : i32
    %lt3A_25 = arith.constant 0 : i32
    %lt3A_26 = arith.cmpi slt, %select_n3A_20, %lt3A_25 : i32
    %ne3A_27 = arith.xori %lt3A_24, %lt3A_26 : i1
    %and3A_28 = arith.andi %ne3A_27, %ne3A_23 : i1
    %add3A_29 = arith.addi %rem3A_21, %select_n3A_20 : i32
    %select_n3A_30 = arith.select %and3A_28, %add3A_29, %rem3A_21 : i32
    %c0_i32 = arith.constant 0 : i32
    %c0_i32_31 = arith.constant 0 : i32
    return %add3A_16, %select_n3A_30, %c0_i32 : i32, i32, i32
  }
}

</mosaic_0001>

<sc_bundles>
// kernel: kernel.6.cloned.1.call-start
scs
__scs_entry_jumppad:
0x0: {  	(pc) =	sbr.rel $0x88, $3  }
0x1: {  	(tag) =	ssettag $0x0;
	lr =	simm.s32 $0x1  }
0x2: {  	[smem:$0x3F9F] =	sst lr;
	_ =	strace $0xD0000000  }
0x3: {  	_ = 	snop  }
0x4: {  	_ = 	snop  }
0x5: {  	_ = 	snop  }
0x6: {  	_ = 	snop  }
0x7: {  	_ = 	snop  }
__scs_overlays_trampoline_lowered:
0x8: {  	[smem:$0x3FAE] =	sst s0  }
0x9: {  	[smem:$0x3FAF] =	sst s1  }
0xa: {  	[smem:$0x3FB0] =	sst s2  }
0xb: {  	[smem:$0x3FB1] =	sst s3  }
0xc: {  	[smem:$0x3FB2] =	sst s4  }
0xd: {  	[smem:$0x3FB3] =	sst s5  }
0xe: {  	[smem:$0x3FB4] =	sst s6  }
0xf: {  	[smem:$0x3FB5] =	sst s7  }
0x10: {  	[smem:$0x3FB6] =	sst s8  }
0x11: {  	[smem:$0x3FB7] =	sst s9;
	s0 =	simm.s32 @!p0 $0x0  }
0x12: {  	s1 =	sld [smem:$0x3F9D];
	s0 =	simm.s32 @p0 $0x1  }
0x13: {  	[smem:$0x3FB8] =	sst s0;
	s0 =	simm.s32 @!p1 $0x0  }
0x14: {  	s2 =	sld [smem:$0x3F9C];
	s0 =	simm.s32 @p1 $0x1  }
0x15: {  	[smem:$0x3FB9] =	sst s0;
	s0 =	simm.s32 @!p2 $0x0  }
0x16: {  	s3 =	sld [smem:$0x3FDB];
	s0 =	simm.s32 @p2 $0x1  }
0x17: {  	s4 =	simm.s32 $0x1BF5;
	[smem:$0x3FBB] =	sst s0  }
0x18: {  	s0 =	sld [smem:$0x3F9E];
	_ =	swait.ge [sflag:s4], $0x0  }
0x19: {  	s7 =	sld [smem:$0x3F9F]  }
0x1a: {  	s8 =	sadd.s32 $0xFFFFE003, lr  }
0x1b: {  	s9 =	sadd.s32 $0xFFFFFEF7, lr;
	s5 =	simm.s32 $0xFFFFFFFF;
	p2 =	slt.u32 s8, $0xFFFFF086  }
0x1c: {  	p1 =	slt.u32 s9, $0xF7A;
	s5 =	simm.s32 @!p2 $0x0  }
0x1d: {  	s5 =	simm.s32 @p1 $0x1;
	p0 =	seq.s32 s7, s2  }
0x1e: {  	s7 =	smul.u32 @!p0 $0xF7A, s2;
	p2 =	seq.s32 @!p0 s5, $0x0  }
0x1f: {  	s9 =	smul.u32 $0xF7A, s1;
	s8 =	simm.s32 @!p0 $0x1BF5;
	p2 =	por !p2, p0  }
0x20: {  	[sflag:s8] =	ssyncset.s32 @!p0 $0xFFFFF086;
	s6 =	sadd.s32 @!p0 s3, s7;
	s7 =	simm.s32 @!p0 $0x108  }
0x21: {  	s3 =	sadd.s32 s3, s9;
	s6 =	sadd.s32 @!p0 $0x88, s6;
	s7 =	simm.s32 @p2 $0x1082  }
0x22: {  	[simem:s7], [sflag:s8] =	dma.local @!p0 [hbm:s6], $0xF7A  }
0x23: {  	s9 =	sor.u32 $0xD0000000, s2;
	s6 =	simm.s32 $0x108;
	_ =	swait.ge @!p0 [sflag:s8], $0x0  }
0x24: {  	s3 =	sadd.s32 $0x88, s3;
	s6 =	simm.s32 @!p1 $0x1082;
	[sflag:s4] =	ssyncset.s32 $0xFFFFF086  }
0x25: {  	[simem:s6], [sflag:s4] =	dma.local [hbm:s3], $0xF7A  }
0x26: {  	[smem:$0x3F9F] =	sst s1;
	(tag) =	ssettag s2;
	_ =	strace s9  }
0x27: {  	s1 =	sld [smem:$0x3FAF]  }
0x28: {  	s2 =	sld [smem:$0x3FB0]  }
0x29: {  	s4 =	sld [smem:$0x3FB2]  }
0x2a: {  	p0 =	seq.s32 s5, $0x0;
	s5 =	sld [smem:$0x3FB3]  }
0x2b: {  	s6 =	sld [smem:$0x3FB4]  }
0x2c: {  	s7 =	sld [smem:$0x3FB5]  }
0x2d: {  	s3 =	simm.s32 $0x108;
	s8 =	sld [smem:$0x3FB6]  }
0x2e: {  	s3 =	simm.s32 @!p0 $0x1082;
	s9 =	sld [smem:$0x3FB7]  }
0x2f: {  	lr =	sadd.s32 s0, s3;
	s0 =	sld [smem:$0x3FAE]  }
0x30: {  	s3 =	sld [smem:$0x3FB1]  }
0x31: {  	[smem:$0x3FBA] =	sst s10  }
0x32: {  	s10 =	sld [smem:$0x3FB8];
	_ =	sdelay $0x3  }
0x33: {  	p0 =	seq.s32 s10, $0x1;
	s10 =	sld [smem:$0x3FBA];
	_ =	sdelay $0x3  }
0x34: {  	[smem:$0x3FBA] =	sst s10  }
0x35: {  	s10 =	sld [smem:$0x3FB9];
	_ =	sdelay $0x3  }
0x36: {  	p1 =	seq.s32 s10, $0x1;
	s10 =	sld [smem:$0x3FBA];
	_ =	sdelay $0x3  }
0x37: {  	[smem:$0x3FBA] =	sst s10  }
0x38: {  	s10 =	sld [smem:$0x3FBB]  }
0x39: {  	_ = 	snop;
	(pc) =	sbr.ind lr, $3  }
0x3a: {  	_ = 	snop  }
0x3b: {  	_ = 	snop  }
0x3c: {  	p2 =	seq.s32 s10, $0x1;
	s10 =	sld [smem:$0x3FBA]  }
0x3d: {  	_ =	shalt  }
0x3e: {  	_ =	shalt  }
0x3f: {  	_ =	shalt  }
0x40: {  	_ =	shalt  }
0x41: {  	_ =	shalt  }
0x42: {  	_ =	shalt  }
0x43: {  	_ =	shalt  }
0x44: {  	_ =	shalt  }
0x45: {  	_ =	shalt  }
0x46: {  	_ =	shalt  }
0x47: {  	_ =	shalt  }
0x48: {  	_ =	shalt  }
0x49: {  	_ =	shalt  }
0x4a: {  	_ =	shalt  }
0x4b: {  	_ =	shalt  }
0x4c: {  	_ =	shalt  }
0x4d: {  	_ =	shalt  }
0x4e: {  	_ =	shalt  }
0x4f: {  	_ =	shalt  }
0x50: {  	_ =	shalt  }
0x51: {  	_ =	shalt  }
0x52: {  	_ =	shalt  }
0x53: {  	_ =	shalt  }
0x54: {  	_ =	shalt  }
0x55: {  	_ =	shalt  }
0x56: {  	_ =	shalt  }
0x57: {  	_ =	shalt  }
0x58: {  	_ =	shalt  }
0x59: {  	_ =	shalt  }
0x5a: {  	_ =	shalt  }
0x5b: {  	_ =	shalt  }
0x5c: {  	_ =	shalt  }
0x5d: {  	_ =	shalt  }
0x5e: {  	_ =	shalt  }
0x5f: {  	_ =	shalt  }
0x60: {  	_ =	shalt  }
0x61: {  	_ =	shalt  }
0x62: {  	_ =	shalt  }
0x63: {  	_ =	shalt  }
0x64: {  	_ =	shalt  }
0x65: {  	_ =	shalt  }
0x66: {  	_ =	shalt  }
0x67: {  	_ =	shalt  }
0x68: {  	_ =	shalt  }
0x69: {  	_ =	shalt  }
0x6a: {  	_ =	shalt  }
0x6b: {  	_ =	shalt  }
0x6c: {  	_ =	shalt  }
0x6d: {  	_ =	shalt  }
0x6e: {  	_ =	shalt  }
0x6f: {  	_ =	shalt  }
0x70: {  	_ =	shalt  }
0x71: {  	_ =	shalt  }
0x72: {  	_ =	shalt  }
0x73: {  	_ =	shalt  }
0x74: {  	_ =	shalt  }
0x75: {  	_ =	shalt  }
0x76: {  	_ =	shalt  }
0x77: {  	_ =	shalt  }
0x78: {  	_ =	shalt  }
0x79: {  	_ =	shalt  }
0x7a: {  	_ =	shalt  }
0x7b: {  	_ =	shalt  }
0x7c: {  	_ =	shalt  }
0x7d: {  	_ =	shalt  }
0x7e: {  	_ =	shalt  }
0x7f: {  	_ =	shalt  }
0x80: {  	_ =	shalt  }
0x81: {  	_ =	shalt  }
0x82: {  	_ =	shalt  }
0x83: {  	_ =	shalt  }
0x84: {  	_ =	shalt  }
0x85: {  	_ =	shalt  }
0x86: {  	_ =	shalt  }
0x87: {  	_ =	shalt  }
.Lfunc_end0:
.L_simem_size_0:
called_computation_lowered:
.L_overlay_start_0:
0x88: {  	s2 =	sld [smem:$0x3FD9]  }
0x89: {  	s3 =	sld [smem:$0x3FFE];
	_ =	sdelay $0x1  }
0x8a: {  	s1 =	srdreg.scid  }
0x8b: {  	s0 =	sand.u32 $0x1, s1  }
0x8c: {  	s16 =	sshll.u32 s0, $0xA;
	s2 =	sadd.s32 s3, s2  }
0x8d: {  	s2 =	sadd.s32 s2, s16  }
0x8e: {  	[smem:$0x3FC6] =	sst s2  }
0x8f: {  	_ = 	snop  }
0x90: {  	(tm) =	ssettm $0x1  }
0x91: {  	s17 =	sld [smem:$0x3FFB];
	_ =	sdelay $0x3  }
0x92: {  	_ =	strace s17  }
0x93: {  	s2 =	sld [smem:$0x3FFC];
	_ =	sdelay $0x3  }
0x94: {  	_ =	strace s2  }
0x95: {  	s2 =	sld [smem:$0x3FFD];
	_ =	sdelay $0x3  }
0x96: {  	_ =	strace s2  }
0x97: {  	_ =	strace $0x8FFFFFFF  }
0x98: {  	s18 =	sld [smem:$0x3FDB];
	_ =	sdelay $0x1  }
0x99: {  	s19 =	simm.s32 $_scs_section_size  }
0x9a: {  	s4 =	simm.s32 $_size__tile_overlayer_lowered;
	s5 =	simm.s32 $_tile_overlayer_lowered  }
0x9b: {  	s22 =	simm.s32 $0x1BFF;
	s21 =	sshll.u32 s5, $0x1;
	s2 =	sadd.s32 s19, s18  }
0x9c: {  	s6 =	simm.s32 $0x0;
	s20 =	sshll.u32 s4, $0x1;
	s4 =	sadd.s32 s21, s2  }
0x9d: {  	[timem:s6], [sflag:s22] =	dma.local [hbm:s4], s20  }
0x9e: {  	_ =	swait.ge [sflag:s22], s20  }
0x9f: {  	s3 =	ssub.s32 $0x0, s20;
	[sflag:s22] =	ssyncset.done $0x0  }
0xa0: {  	[sflag:s22] =	ssyncadd.s32 s3;
	_ =	sdelay $0x1  }
0xa1: {  	s23 =	simm.s32 $0x1B8B  }
0xa2: {  	_ =	swait.ge [sflag:s23], $0x1  }
0xa3: {  	[sflag:s23] =	ssyncset.done $0x0  }
0xa4: {  	s25 =	simm.s32 $0x1B8E;
	s24 =	sld [smem:$0x3FFE];
	[sflag:s23] =	ssyncadd.s32 $0xFFFFFFFF  }
0xa5: {  	s26 =	simm.s32 $execute0_lowered;
	[smem:$0x3FD2] =	sst s25  }
0xa6: {  	s4 =	sshll.u32 s26, $0x1;
	_ =	strace $0x80000046;
	[dreg:$0x1] =	wrdreg $0xFFFFFFFF  }
0xa7: {  	s28 =	simm.s32 $_size_execute0_lowered;
	s2 =	sadd.s32 s2, s4;
	[dreg:$0x0] =	wrdreg $0x0  }
0xa8: {  	s4 =	sshll.u32 s28, $0x1;
	[dreg:$0x2] =	wrdreg s2  }
0xa9: {  	[dreg:$0x3] =	wrdreg s4  }
0xaa: {  	[dreg:$0x4] =	wrdreg $0xC0  }
0xab: {  	_ =	task [dreg:s6], $0x5FFFF  }
0xac: {  	[dreg:$0x1] =	wrdreg $0xFFFFFFFF  }
0xad: {  	[dreg:$0x0] =	wrdreg $0x60  }
0xae: {  	[dreg:$0x2] =	wrdreg s24  }
0xaf: {  	[dreg:$0x3] =	wrdreg $0x9  }
0xb0: {  	_ =	task.clear_ibuf [dreg:s6], $0x4FFFF;
	_ =	strace $0x90000046  }
0xb1: {  	s29 =	simm.s32 $0x9;
	_ =	strace $0x80000048  }
0xb2: {  	_ =	swait.ge [sflag:s29], $0x1  }
0xb3: {  	[sflag:s29] =	ssyncadd.s32 $0xFFFFFFFF  }
0xb4: {  	_ =	strace $0x90000048  }
0xb5: {  	_ =	sfence  }
0xb6: {  	s30 =	sld [smem:$0x0];
	_ =	sdelay $0x2  }
0xb7: {  	s31 =	sshll.u32 s1, $0xD;
	s1 =	sshrl.u32 s1, $0x2  }
0xb8: {  	s3 =	sand.u32 $0x4000, s31;
	s1 =	sadd.s32 s1, s30  }
0xb9: {  	s0 =	sor.u32 s3, s0;
	s1 =	sshll.u32 s1, $0x11  }
0xba: {  	s0 =	sor.u32 s1, s0  }
0xbb: {  	s0 =	sadd.s32 $0x8F2B, s0  }
0xbc: {  	[sflag:s0] =	ssyncadd.remote.s32 $0x1  }
0xbd: {  	_ =	sfence.sel $0xFFFF  }
0xbe: {  	[dreg:$0x0] =	wrdreg $0xFFFFFFFF;
	(pc) =	sbr.abs _section_cstart, $3  }
0xbf: {  	[dreg:$0x1] =	wrdreg $0xFFFFFFFF  }
0xc0: {  	_ =	task.clear_ibuf [dreg:s6], $0x2FFFF;
	_ =	strace $0x9FFFFFFF  }
0xc1: {  	(tm) =	ssettm $0x7FFFFFFF  }
tec
execute0_lowered:
.L_overlay_start_1:
0x0: {  	(tag) =	ssettag $0x1  }
0x1: {  	s0 =	rddreg [dreg:$0x0];
	s7 =	stileid.u32  }
0x2: {  	s2 =	simm.s32 $0x0;
	s4 =	srdreg.scid;
	s8 =	simm.s32 $0x80  }
0x3: {  	s10 =	simm.s32 $0x2400;
	s13 =	simm.s32 $0x2100;
	s14 =	simm.s32 $0x6400  }
0x4: {  	s15 =	simm.s32 $0x2180;
	s16 =	simm.s32 $0x8400;
	s17 =	simm.s32 $0x1  }
0x5: {  	s18 =	simm.s32 $0x2200;
	s19 =	simm.s32 $0xA400;
	s20 =	simm.s32 $0x2280  }
0x6: {  	s21 =	simm.s32 $0xC400;
	s22 =	simm.s32 $0x2;
	s28 =	simm.s32 $0x3  }
0x7: {  	s29 =	simm.s32 $0x5;
	s30 =	simm.s32 $0x4;
	s31 =	simm.s32 $0x6  }
0x8: {  	s9 =	simm.s32 $0x0;
	s1 =	sshrl.u32 s7, $0x2;
	[smem:$0x7FF] =	sst s2  }
0x9: {  	s4 =	sand.u32 $0x1, s4;
	s5 =	sshll.u32 s7, $0xB;
	s7 =	sshll.u32 s7, $0x11  }
0xa: {  	s3 =	sshll.u32 s1, $0xF;
	_ =	strace $0x80000047;
	s1 =	sshll.u32 s1, $0xD  }
0xb: {  	s6 =	sshll.u32 s4, $0xA;
	s23 =	ssub.s32 $0x2, s4;
	s4 =	sshll.u32 s4, $0x10  }
0xc: {  	s3 =	sadd.s32 s3, s0;
	s1 =	sadd.s32 s1, s0;
	s5 =	sor.u32 s6, s5  }
0xd: {  	s0 =	sadd.s32 s7, s0;
	s24 =	sshrl.u32 s23, $0x1;
	s5 =	sand.u32 $0x1C00, s5  }
.Ltmp0:
0xe: {  	s25 =	ssub.s32 s23, s24;
	s0 =	sadd.s32 s4, s0;
	(pc) =	sbr.rel .LBB2_1-.Ltmp0, $4  }
0xf: {  	s4 =	sadd.s32 $0xA00, s3;
	s23 =	simm.s32 $0x2300;
	s24 =	simm.s32 $0xE400  }
0x10: {  	s1 =	sadd.s32 s5, s1;
	s26 =	smax.u32 s25, $0x1;
	s6 =	sadd.s32 $0x50A00, s0  }
0x11: {  	s25 =	simm.s32 $0x2380;
	s1 =	sadd.s32 $0x40A00, s1;
	[dreg:$0x3] =	wrdreg s26  }
0x12: {  	s26 =	simm.s32 $0x10400;
	[dreg:$0x2] =	wrdreg s1;
	s1 =	simm.s32 $0x8  }
.LBB2_4:
0x13: {  	s0 =	simm.s32 $0x7  }
0x14: {  	_ =	swait.ge [sflag:s0], $0x4000  }
0x15: {  	[sflag:s0] =	ssyncset.done $0x0  }
0x16: {  	[sflag:s0] =	ssyncadd.s32 $0xFFFFC000  }
0x17: {  	_ =	swait.ge [sflag:s1], $0x4000  }
0x18: {  	s9 =	sadd.s32 $0x1, s9;
	s12 =	rddreg [dreg:$0x3]  }
0x19: {  	p0 =	sne.s32 s9, s12  }
.Ltmp1:
0x1a: {  	_ = 	snop;
	(pc) =	sbr.rel @!p0 .LBB2_5-.Ltmp1, $3  }
0x1b: {  	_ =	sdelay $0x1  }
0x1c: {  	[sflag:s1] =	ssyncset.done $0x0  }
0x1d: {  	[sflag:s1] =	ssyncadd.s32 $0xFFFFC000  }
.LBB2_1:
0x1e: {  	s0 =	rddreg [dreg:$0x2];
	s7 =	simm.s32 $0x9  }
0x1f: {  	[tilespmem:s2], [sflag:$0x9] =	stream.linear.gather [hbm4b:s0+s2], $0x2000, $0x38;
	[tilespmem:$0x12400] =	vst v63  }
0x20: {  	_ =	swait.ge [sflag:s7], $0x2000  }
0x21: {  	[sflag:s7] =	ssyncset.done $0x0  }
0x22: {  	[sflag:s7] =	ssyncadd.s32 $0xFFFFE000  }
0x23: {  	v0 =	vld [tilespmem:$0x0]  }
0x24: {  	v1 =	vld [tilespmem:$0x10]  }
0x25: {  	v2 =	vld [tilespmem:$0x20]  }
0x26: {  	v3 =	vld [tilespmem:$0x30]  }
0x27: {  	v4 =	vld [tilespmem:$0x40]  }
0x28: {  	v37 =	vld [tilespmem:$0x50];
	[tilespmem:$0x2000] =	vst v0  }
0x29: {  	v38 =	vld [tilespmem:$0x60];
	[tilespmem:$0x2010] =	vst v1  }
0x2a: {  	v39 =	vld [tilespmem:$0x70];
	[tilespmem:$0x2020] =	vst v2  }
0x2b: {  	v40 =	vld [tilespmem:$0x80];
	[tilespmem:$0x2030] =	vst v3  }
0x2c: {  	v41 =	vld [tilespmem:$0x90];
	[tilespmem:$0x2040] =	vst v4  }
0x2d: {  	v42 =	vld [tilespmem:$0xA0];
	[tilespmem:$0x2050] =	vst v37  }
0x2e: {  	v43 =	vld [tilespmem:$0xB0];
	[tilespmem:$0x2060] =	vst v38  }
0x2f: {  	v44 =	vld [tilespmem:$0xC0];
	[tilespmem:$0x2070] =	vst v39  }
0x30: {  	v45 =	vld [tilespmem:$0xD0];
	[tilespmem:$0x2080] =	vst v40  }
0x31: {  	v46 =	vld [tilespmem:$0xE0];
	[tilespmem:$0x2090] =	vst v41  }
0x32: {  	v47 =	vld [tilespmem:$0xF0];
	[tilespmem:$0x20A0] =	vst v42  }
0x33: {  	[tilespmem:$0x20B0] =	vst v43  }
0x34: {  	[tilespmem:$0x20C0] =	vst v44  }
0x35: {  	[tilespmem:$0x20D0] =	vst v45  }
0x36: {  	[tilespmem:$0x20E0] =	vst v46  }
0x37: {  	s11 =	simm.s32 $0x2000;
	[tilespmem:$0x20F0] =	vst v47  }
0x38: {  	[tilespmem:s10], [sflag:$0x1] =	stream.indirect.gather [hbm4b:s4+s8], $0x40, s11, s8, $0xb8;
	[tilespmem:$0x12400] =	vst v63  }
0x39: {  	s12 =	simm.s32 $0x2080;
	s3 =	simm.s32 $0x4400  }
0x3a: {  	[tilespmem:s3], [sflag:$0x1] =	stream.indirect.gather [hbm4b:s4+s8], $0x40, s12, s8, $0xb8;
	[tilespmem:$0x12400] =	vst v63  }
0x3b: {  	v48 =	vld [tilespmem:$0x100]  }
0x3c: {  	v49 =	vld [tilespmem:$0x110]  }
0x3d: {  	v50 =	vld [tilespmem:$0x120]  }
0x3e: {  	v51 =	vld [tilespmem:$0x130]  }
0x3f: {  	v52 =	vld [tilespmem:$0x140]  }
0x40: {  	v53 =	vld [tilespmem:$0x150];
	[tilespmem:$0x2100] =	vst v48  }
0x41: {  	v54 =	vld [tilespmem:$0x160];
	[tilespmem:$0x2110] =	vst v49  }
0x42: {  	v55 =	vld [tilespmem:$0x170];
	[tilespmem:$0x2120] =	vst v50  }
0x43: {  	v56 =	vld [tilespmem:$0x180];
	[tilespmem:$0x2130] =	vst v51  }
0x44: {  	v57 =	vld [tilespmem:$0x190];
	[tilespmem:$0x2140] =	vst v52  }
0x45: {  	v58 =	vld [tilespmem:$0x1A0];
	[tilespmem:$0x2150] =	vst v53  }
0x46: {  	v59 =	vld [tilespmem:$0x1B0];
	[tilespmem:$0x2160] =	vst v54  }
0x47: {  	v60 =	vld [tilespmem:$0x1C0];
	[tilespmem:$0x2170] =	vst v55  }
0x48: {  	v61 =	vld [tilespmem:$0x1D0];
	[tilespmem:$0x2180] =	vst v56  }
0x49: {  	v62 =	vld [tilespmem:$0x1E0];
	[tilespmem:$0x2190] =	vst v57  }
0x4a: {  	v63 =	vld [tilespmem:$0x1F0];
	[tilespmem:$0x21A0] =	vst v58  }
0x4b: {  	[tilespmem:$0x21B0] =	vst v59  }
0x4c: {  	[tilespmem:$0x21C0] =	vst v60  }
0x4d: {  	[tilespmem:$0x21D0] =	vst v61  }
0x4e: {  	[tilespmem:$0x21E0] =	vst v62  }
0x4f: {  	[tilespmem:$0x21F0] =	vst v63  }
0x50: {  	[tilespmem:s14], [sflag:$0x2] =	stream.indirect.gather [hbm4b:s4+s8], $0x40, s13, s8, $0xb8;
	[tilespmem:$0x12400] =	vst v63  }
0x51: {  	s11 =	simm.s32 $0x300;
	s12 =	simm.s32 $0x0  }
0x52: {  	[tilespmem:s16], [sflag:$0x2] =	stream.indirect.gather [hbm4b:s4+s8], $0x40, s15, s8, $0xb8;
	[tilespmem:$0x12400] =	vst v63  }
.LBB2_2:
0x53: {  	_ =	swait.ge [sflag:s17], $0x2000  }
0x54: {  	[sflag:s17] =	ssyncset.done $0x0  }
0x55: {  	[sflag:s17] =	ssyncadd.s32 $0xFFFFE000  }
0x56: {  	_ =	swait.ge [sflag:s17], $0x2000  }
0x57: {  	p0 =	seq.s32 s12, $0x0;
	[sflag:s17] =	ssyncset.done $0x0  }
0x58: {  	s3 =	sadd.s32 s12, s6;
	s5 =	simm.s32 @!p0 $0x7;
	[sflag:s17] =	ssyncadd.s32 $0xFFFFE000  }
0x59: {  	[hbm4b:s3+s2] =	stream.linear.scatter [tilespmem:s10], [sflag:$0x5], $0x4000, $0x38;
	[tilespmem:$0x12400] =	vst v63  }
0x5a: {  	_ =	swait.ge @!p0 [sflag:s5], $0x4000  }
0x5b: {  	[sflag:s5] =	ssyncset.done @!p0 $0x0  }
0x5c: {  	[sflag:s5] =	ssyncadd.s32 @!p0 $0xFFFFC000  }
0x5d: {  	v0 =	vld [tilespmem:s11+$0xFFFFFF00];
	_ =	sdelay $0x4  }
0x5e: {  	[tilespmem:$0x2200] =	vst v0  }
0x5f: {  	v0 =	vld [tilespmem:s11+$0xFFFFFF10];
	_ =	sdelay $0x4  }
0x60: {  	[tilespmem:$0x2210] =	vst v0  }
0x61: {  	v0 =	vld [tilespmem:s11+$0xFFFFFF20];
	_ =	sdelay $0x4  }
0x62: {  	[tilespmem:$0x2220] =	vst v0  }
0x63: {  	v0 =	vld [tilespmem:s11+$0xFFFFFF30];
	_ =	sdelay $0x4  }
0x64: {  	[tilespmem:$0x2230] =	vst v0  }
0x65: {  	v0 =	vld [tilespmem:s11+$0xFFFFFF40];
	_ =	sdelay $0x4  }
0x66: {  	[tilespmem:$0x2240] =	vst v0  }
0x67: {  	v0 =	vld [tilespmem:s11+$0xFFFFFF50];
	_ =	sdelay $0x4  }
0x68: {  	[tilespmem:$0x2250] =	vst v0  }
0x69: {  	v0 =	vld [tilespmem:s11+$0xFFFFFF60];
	_ =	sdelay $0x4  }
0x6a: {  	[tilespmem:$0x2260] =	vst v0  }
0x6b: {  	v0 =	vld [tilespmem:s11+$0xFFFFFF70];
	_ =	sdelay $0x4  }
0x6c: {  	[tilespmem:$0x2270] =	vst v0  }
0x6d: {  	v0 =	vld [tilespmem:s11+$0xFFFFFF80];
	_ =	sdelay $0x4  }
0x6e: {  	[tilespmem:$0x2280] =	vst v0  }
0x6f: {  	v0 =	vld [tilespmem:s11+$0xFFFFFF90];
	_ =	sdelay $0x4  }
0x70: {  	[tilespmem:$0x2290] =	vst v0  }
0x71: {  	v0 =	vld [tilespmem:s11+$0xFFFFFFA0];
	_ =	sdelay $0x4  }
0x72: {  	[tilespmem:$0x22A0] =	vst v0  }
0x73: {  	v0 =	vld [tilespmem:s11+$0xFFFFFFB0];
	_ =	sdelay $0x4  }
0x74: {  	[tilespmem:$0x22B0] =	vst v0  }
0x75: {  	v0 =	vld [tilespmem:s11+$0xFFFFFFC0];
	_ =	sdelay $0x4  }
0x76: {  	[tilespmem:$0x22C0] =	vst v0  }
0x77: {  	v0 =	vld [tilespmem:s11+$0xFFFFFFD0];
	_ =	sdelay $0x4  }
0x78: {  	[tilespmem:$0x22D0] =	vst v0  }
0x79: {  	v0 =	vld [tilespmem:s11+$0xFFFFFFE0];
	_ =	sdelay $0x4  }
0x7a: {  	[tilespmem:$0x22E0] =	vst v0  }
0x7b: {  	v0 =	vld [tilespmem:s11+$0xFFFFFFF0];
	_ =	sdelay $0x4  }
0x7c: {  	[tilespmem:$0x22F0] =	vst v0  }
0x7d: {  	[tilespmem:s19], [sflag:$0x3] =	stream.indirect.gather [hbm4b:s4+s8], $0x40, s18, s8, $0xb8;
	[tilespmem:$0x12400] =	vst v63  }
0x7e: {  	_ = 	snop  }
0x7f: {  	[tilespmem:s21], [sflag:$0x3] =	stream.indirect.gather [hbm4b:s4+s8], $0x40, s20, s8, $0xb8;
	[tilespmem:$0x12400] =	vst v63  }
0x80: {  	_ =	swait.ge [sflag:s22], $0x2000  }
0x81: {  	[sflag:s22] =	ssyncset.done $0x0  }
0x82: {  	[sflag:s22] =	ssyncadd.s32 $0xFFFFE000  }
0x83: {  	_ =	swait.ge [sflag:s22], $0x2000  }
0x84: {  	[sflag:s22] =	ssyncset.done $0x0  }
0x85: {  	s7 =	sadd.s32 $0x800, s3;
	s5 =	simm.s32 @!p0 $0x8;
	[sflag:s22] =	ssyncadd.s32 $0xFFFFE000  }
0x86: {  	[hbm4b:s7+s2] =	stream.linear.scatter [tilespmem:s14], [sflag:$0x6], $0x4000, $0x38;
	[tilespmem:$0x12400] =	vst v63  }
0x87: {  	_ =	swait.ge @!p0 [sflag:s5], $0x4000  }
0x88: {  	[sflag:s5] =	ssyncset.done @!p0 $0x0  }
0x89: {  	[sflag:s5] =	ssyncadd.s32 @!p0 $0xFFFFC000  }
0x8a: {  	v63 =	vld [tilespmem:s11+$0x0];
	_ =	sdelay $0x4  }
0x8b: {  	[tilespmem:$0x2300] =	vst v63  }
0x8c: {  	v0 =	vld [tilespmem:s11+$0x10];
	_ =	sdelay $0x4  }
0x8d: {  	[tilespmem:$0x2310] =	vst v0  }
0x8e: {  	v0 =	vld [tilespmem:s11+$0x20];
	_ =	sdelay $0x4  }
0x8f: {  	[tilespmem:$0x2320] =	vst v0  }
0x90: {  	v0 =	vld [tilespmem:s11+$0x30];
	_ =	sdelay $0x4  }
0x91: {  	[tilespmem:$0x2330] =	vst v0  }
0x92: {  	v0 =	vld [tilespmem:s11+$0x40];
	_ =	sdelay $0x4  }
0x93: {  	[tilespmem:$0x2340] =	vst v0  }
0x94: {  	v0 =	vld [tilespmem:s11+$0x50];
	_ =	sdelay $0x4  }
0x95: {  	[tilespmem:$0x2350] =	vst v0  }
0x96: {  	v0 =	vld [tilespmem:s11+$0x60];
	_ =	sdelay $0x4  }
0x97: {  	[tilespmem:$0x2360] =	vst v0  }
0x98: {  	v0 =	vld [tilespmem:s11+$0x70];
	_ =	sdelay $0x4  }
0x99: {  	[tilespmem:$0x2370] =	vst v0  }
0x9a: {  	v0 =	vld [tilespmem:s11+$0x80];
	_ =	sdelay $0x4  }
0x9b: {  	[tilespmem:$0x2380] =	vst v0  }
0x9c: {  	v0 =	vld [tilespmem:s11+$0x90];
	_ =	sdelay $0x4  }
0x9d: {  	[tilespmem:$0x2390] =	vst v0  }
0x9e: {  	v0 =	vld [tilespmem:s11+$0xA0];
	_ =	sdelay $0x4  }
0x9f: {  	[tilespmem:$0x23A0] =	vst v0  }
0xa0: {  	v0 =	vld [tilespmem:s11+$0xB0];
	_ =	sdelay $0x4  }
0xa1: {  	[tilespmem:$0x23B0] =	vst v0  }
0xa2: {  	v0 =	vld [tilespmem:s11+$0xC0];
	_ =	sdelay $0x4  }
0xa3: {  	[tilespmem:$0x23C0] =	vst v0  }
0xa4: {  	v0 =	vld [tilespmem:s11+$0xD0];
	_ =	sdelay $0x4  }
0xa5: {  	[tilespmem:$0x23D0] =	vst v0  }
0xa6: {  	v0 =	vld [tilespmem:s11+$0xE0];
	_ =	sdelay $0x4  }
0xa7: {  	[tilespmem:$0x23E0] =	vst v0  }
0xa8: {  	v0 =	vld [tilespmem:s11+$0xF0];
	_ =	sdelay $0x4  }
0xa9: {  	[tilespmem:$0x23F0] =	vst v0  }
0xaa: {  	[tilespmem:s24], [sflag:$0x4] =	stream.indirect.gather [hbm4b:s4+s8], $0x40, s23, s8, $0xb8;
	[tilespmem:$0x12400] =	vst v63  }
0xab: {  	_ = 	snop  }
0xac: {  	[tilespmem:s26], [sflag:$0x4] =	stream.indirect.gather [hbm4b:s4+s8], $0x40, s25, s8, $0xb8;
	[tilespmem:$0x12400] =	vst v63  }
0xad: {  	_ =	swait.ge [sflag:s28], $0x2000  }
0xae: {  	[sflag:s28] =	ssyncset.done $0x0  }
0xaf: {  	[sflag:s28] =	ssyncadd.s32 $0xFFFFE000  }
0xb0: {  	_ =	swait.ge [sflag:s28], $0x2000  }
0xb1: {  	[sflag:s28] =	ssyncset.done $0x0  }
0xb2: {  	s0 =	sadd.s32 $0x1000, s3;
	[sflag:s28] =	ssyncadd.s32 $0xFFFFE000  }
0xb3: {  	[hbm4b:s0+s2] =	stream.linear.scatter [tilespmem:s19], [sflag:$0x7], $0x4000, $0x38;
	[tilespmem:$0x12400] =	vst v63  }
0xb4: {  	_ =	swait.ge [sflag:s29], $0x4000  }
0xb5: {  	[sflag:s29] =	ssyncset.done $0x0  }
0xb6: {  	p0 =	seq.s32 s12, $0xE000;
	[sflag:s29] =	ssyncadd.s32 $0xFFFFC000  }
0xb7: {  	v0 =	vld @!p0 [tilespmem:s11+$0x100];
	_ =	sdelay $0x4  }
0xb8: {  	[tilespmem:$0x2000] =	vst @!p0 v0  }
0xb9: {  	v0 =	vld @!p0 [tilespmem:s11+$0x110];
	_ =	sdelay $0x4  }
0xba: {  	[tilespmem:$0x2010] =	vst @!p0 v0  }
0xbb: {  	v0 =	vld @!p0 [tilespmem:s11+$0x120];
	_ =	sdelay $0x4  }
0xbc: {  	[tilespmem:$0x2020] =	vst @!p0 v0  }
0xbd: {  	v0 =	vld @!p0 [tilespmem:s11+$0x130];
	_ =	sdelay $0x4  }
0xbe: {  	[tilespmem:$0x2030] =	vst @!p0 v0  }
0xbf: {  	v0 =	vld @!p0 [tilespmem:s11+$0x140];
	_ =	sdelay $0x4  }
0xc0: {  	[tilespmem:$0x2040] =	vst @!p0 v0  }
0xc1: {  	v0 =	vld @!p0 [tilespmem:s11+$0x150];
	_ =	sdelay $0x4  }
0xc2: {  	[tilespmem:$0x2050] =	vst @!p0 v0  }
0xc3: {  	v0 =	vld @!p0 [tilespmem:s11+$0x160];
	_ =	sdelay $0x4  }
0xc4: {  	[tilespmem:$0x2060] =	vst @!p0 v0  }
0xc5: {  	v0 =	vld @!p0 [tilespmem:s11+$0x170];
	_ =	sdelay $0x4  }
0xc6: {  	[tilespmem:$0x2070] =	vst @!p0 v0  }
0xc7: {  	v0 =	vld @!p0 [tilespmem:s11+$0x180];
	_ =	sdelay $0x4  }
0xc8: {  	[tilespmem:$0x2080] =	vst @!p0 v0  }
0xc9: {  	v0 =	vld @!p0 [tilespmem:s11+$0x190];
	_ =	sdelay $0x4  }
0xca: {  	[tilespmem:$0x2090] =	vst @!p0 v0  }
0xcb: {  	v0 =	vld @!p0 [tilespmem:s11+$0x1A0];
	_ =	sdelay $0x4  }
0xcc: {  	[tilespmem:$0x20A0] =	vst @!p0 v0  }
0xcd: {  	v0 =	vld @!p0 [tilespmem:s11+$0x1B0];
	_ =	sdelay $0x4  }
0xce: {  	[tilespmem:$0x20B0] =	vst @!p0 v0  }
0xcf: {  	v0 =	vld @!p0 [tilespmem:s11+$0x1C0];
	_ =	sdelay $0x4  }
0xd0: {  	[tilespmem:$0x20C0] =	vst @!p0 v0  }
0xd1: {  	v0 =	vld @!p0 [tilespmem:s11+$0x1D0];
	_ =	sdelay $0x4  }
0xd2: {  	[tilespmem:$0x20D0] =	vst @!p0 v0  }
0xd3: {  	v0 =	vld @!p0 [tilespmem:s11+$0x1E0];
	_ =	sdelay $0x4  }
0xd4: {  	[tilespmem:$0x20E0] =	vst @!p0 v0  }
0xd5: {  	v0 =	vld @!p0 [tilespmem:s11+$0x1F0];
	_ =	sdelay $0x4  }
0xd6: {  	s5 =	simm.s32 @!p0 $0x80;
	s7 =	simm.s32 @!p0 $0x2000;
	s0 =	simm.s32 @!p0 $0x2400;
	[tilespmem:$0x20F0] =	vst @!p0 v0  }
0xd7: {  	[tilespmem:s0], [sflag:$0x1] =	stream.indirect.gather @!p0 [hbm4b:s4+s5], $0x40, s7, s5, $0xb8;
	[tilespmem:$0x12400] =	vst v63  }
0xd8: {  	s0 =	simm.s32 @!p0 $0x2080;
	s7 =	simm.s32 @!p0 $0x4400  }
0xd9: {  	[tilespmem:s7], [sflag:$0x1] =	stream.indirect.gather @!p0 [hbm4b:s4+s5], $0x40, s0, s5, $0xb8;
	[tilespmem:$0x12400] =	vst v63  }
0xda: {  	_ =	swait.ge [sflag:s30], $0x2000  }
0xdb: {  	[sflag:s30] =	ssyncset.done $0x0  }
0xdc: {  	[sflag:s30] =	ssyncadd.s32 $0xFFFFE000  }
0xdd: {  	_ =	swait.ge [sflag:s30], $0x2000  }
0xde: {  	[sflag:s30] =	ssyncset.done $0x0  }
.Ltmp2:
0xdf: {  	s7 =	sadd.s32 $0x1800, s3;
	[sflag:s30] =	ssyncadd.s32 $0xFFFFE000;
	(pc) =	sbr.rel @p0 .LBB2_4-.Ltmp2, $4  }
0xe0: {  	[hbm4b:s7+s2] =	stream.linear.scatter [tilespmem:s24], [sflag:$0x8], $0x4000, $0x38;
	[tilespmem:$0x12400] =	vst v63  }
0xe1: {  	_ =	swait.ge [sflag:s31], $0x4000  }
0xe2: {  	[sflag:s31] =	ssyncset.done $0x0  }
0xe3: {  	[sflag:s31] =	ssyncadd.s32 $0xFFFFC000  }
0xe4: {  	v0 =	vld [tilespmem:s11+$0x200];
	_ =	sdelay $0x4  }
0xe5: {  	[tilespmem:$0x2100] =	vst v0  }
0xe6: {  	v0 =	vld [tilespmem:s11+$0x210];
	_ =	sdelay $0x4  }
0xe7: {  	[tilespmem:$0x2110] =	vst v0  }
0xe8: {  	v0 =	vld [tilespmem:s11+$0x220];
	_ =	sdelay $0x4  }
0xe9: {  	[tilespmem:$0x2120] =	vst v0  }
0xea: {  	v0 =	vld [tilespmem:s11+$0x230];
	_ =	sdelay $0x4  }
0xeb: {  	[tilespmem:$0x2130] =	vst v0  }
0xec: {  	v0 =	vld [tilespmem:s11+$0x240];
	_ =	sdelay $0x4  }
0xed: {  	[tilespmem:$0x2140] =	vst v0  }
0xee: {  	v0 =	vld [tilespmem:s11+$0x250];
	_ =	sdelay $0x4  }
0xef: {  	[tilespmem:$0x2150] =	vst v0  }
0xf0: {  	v0 =	vld [tilespmem:s11+$0x260];
	_ =	sdelay $0x4  }
0xf1: {  	[tilespmem:$0x2160] =	vst v0  }
0xf2: {  	v0 =	vld [tilespmem:s11+$0x270];
	_ =	sdelay $0x4  }
0xf3: {  	[tilespmem:$0x2170] =	vst v0  }
0xf4: {  	v0 =	vld [tilespmem:s11+$0x280];
	_ =	sdelay $0x4  }
0xf5: {  	[tilespmem:$0x2180] =	vst v0  }
0xf6: {  	v0 =	vld [tilespmem:s11+$0x290];
	_ =	sdelay $0x4  }
0xf7: {  	[tilespmem:$0x2190] =	vst v0  }
0xf8: {  	v0 =	vld [tilespmem:s11+$0x2A0];
	_ =	sdelay $0x4  }
0xf9: {  	[tilespmem:$0x21A0] =	vst v0  }
0xfa: {  	v0 =	vld [tilespmem:s11+$0x2B0];
	_ =	sdelay $0x4  }
0xfb: {  	[tilespmem:$0x21B0] =	vst v0  }
0xfc: {  	v0 =	vld [tilespmem:s11+$0x2C0];
	_ =	sdelay $0x4  }
0xfd: {  	[tilespmem:$0x21C0] =	vst v0  }
0xfe: {  	v0 =	vld [tilespmem:s11+$0x2D0];
	_ =	sdelay $0x4  }
0xff: {  	[tilespmem:$0x21D0] =	vst v0  }
0x100: {  	v0 =	vld [tilespmem:s11+$0x2E0];
	_ =	sdelay $0x4  }
0x101: {  	[tilespmem:$0x21E0] =	vst v0  }
0x102: {  	v0 =	vld [tilespmem:s11+$0x2F0];
	_ =	sdelay $0x3  }
.Ltmp3:
0x103: {  	_ = 	snop;
	(pc) =	sbr.rel .LBB2_2-.Ltmp3, $4  }
0x104: {  	[tilespmem:$0x21F0] =	vst v0  }
0x105: {  	[tilespmem:s14], [sflag:$0x2] =	stream.indirect.gather [hbm4b:s4+s8], $0x40, s13, s8, $0xb8;
	[tilespmem:$0x12400] =	vst v63  }
0x106: {  	s12 =	sadd.s32 $0x2000, s12;
	s11 =	sadd.s32 $0x400, s11  }
0x107: {  	[tilespmem:s16], [sflag:$0x2] =	stream.indirect.gather [hbm4b:s4+s8], $0x40, s15, s8, $0xb8;
	[tilespmem:$0x12400] =	vst v63  }
.LBB2_5:
0x108: {  	_ =	sfence.sel $0x180000  }
0x109: {  	[bflag:$0x0] =	sbarrier.arrive $0xFFFF  }
0x10a: {  	_ =	strace $0x90000047  }
0x10b: {  	s0 =	stileid.u32;
	[bflag:$0x2] =	sbarrier.arrive $0xFFFF  }
0x10c: {  	p0 =	sne.s32 s0, $0x0;
	s0 =	rddreg [dreg:$0x1]  }
0x10d: {  	s0 =	sadd.s32 @!p0 $0x100000, s0  }
0x10e: {  	[sflag:s0] =	ssyncadd.tile.s32 @!p0 $0x1;
	_ =	shalt  }
.Lfunc_end2:
_tile_overlayer_lowered:
.L_overlay_start_2:
0x10f: {  	(tag) =	ssettag $0x2  }
0x110: {  	s0 =	rddreg [dreg:$0x0];
	s2 =	stileid.u32  }
0x111: {  	s1 =	rddreg [dreg:$0x1];
	p0 =	sne.s32 s2, $0x0  }
0x112: {  	s3 =	rddreg [dreg:$0x2];
	[bflag:$0x3] =	sbarrier.arrive $0xFFFF;
	s2 =	simm.s32 @!p0 $0x1C09  }
0x113: {  	[timem:s3], [sflag:s2] =	dma.local @!p0 [hbm:s0], s1  }
0x114: {  	s0 =	simm.s32 @!p0 $0x9  }
0x115: {  	_ =	swait.ge @!p0 [sflag:s0], s1  }
0x116: {  	s1 =	ssub.s32 @!p0 $0x0, s1;
	[sflag:s0] =	ssyncset.done @!p0 $0x0  }
0x117: {  	[sflag:s0] =	ssyncadd.s32 @!p0 s1  }
0x118: {  	[bflag:$0x3] =	sbarrier.arrive $0xFFFF  }
0x119: {  	_ =	shalt  }

// kernel: kernel.9.cloned.1.call-start
scs
__scs_entry_jumppad:
0x0: {  	(pc) =	sbr.rel $0x88, $3  }
0x1: {  	(tag) =	ssettag $0x0;
	lr =	simm.s32 $0x1  }
0x2: {  	[smem:$0x3F9F] =	sst lr;
	_ =	strace $0xD0000000  }
0x3: {  	_ = 	snop  }
0x4: {  	_ = 	snop  }
0x5: {  	_ = 	snop  }
0x6: {  	_ = 	snop  }
0x7: {  	_ = 	snop  }
__scs_overlays_trampoline_lowered:
0x8: {  	[smem:$0x3FAE] =	sst s0  }
0x9: {  	[smem:$0x3FAF] =	sst s1  }
0xa: {  	[smem:$0x3FB0] =	sst s2  }
0xb: {  	[smem:$0x3FB1] =	sst s3  }
0xc: {  	[smem:$0x3FB2] =	sst s4  }
0xd: {  	[smem:$0x3FB3] =	sst s5  }
0xe: {  	[smem:$0x3FB4] =	sst s6  }
0xf: {  	[smem:$0x3FB5] =	sst s7  }
0x10: {  	[smem:$0x3FB6] =	sst s8  }
0x11: {  	[smem:$0x3FB7] =	sst s9;
	s0 =	simm.s32 @!p0 $0x0  }
0x12: {  	s1 =	sld [smem:$0x3F9D];
	s0 =	simm.s32 @p0 $0x1  }
0x13: {  	[smem:$0x3FB8] =	sst s0;
	s0 =	simm.s32 @!p1 $0x0  }
0x14: {  	s2 =	sld [smem:$0x3F9C];
	s0 =	simm.s32 @p1 $0x1  }
0x15: {  	[smem:$0x3FB9] =	sst s0;
	s0 =	simm.s32 @!p2 $0x0  }
0x16: {  	s3 =	sld [smem:$0x3FDB];
	s0 =	simm.s32 @p2 $0x1  }
0x17: {  	s4 =	simm.s32 $0x1BF5;
	[smem:$0x3FBB] =	sst s0  }
0x18: {  	s0 =	sld [smem:$0x3F9E];
	_ =	swait.ge [sflag:s4], $0x0  }
0x19: {  	s7 =	sld [smem:$0x3F9F]  }
0x1a: {  	s8 =	sadd.s32 $0xFFFFE003, lr  }
0x1b: {  	s9 =	sadd.s32 $0xFFFFFEF7, lr;
	s5 =	simm.s32 $0xFFFFFFFF;
	p2 =	slt.u32 s8, $0xFFFFF086  }
0x1c: {  	p1 =	slt.u32 s9, $0xF7A;
	s5 =	simm.s32 @!p2 $0x0  }
0x1d: {  	s5 =	simm.s32 @p1 $0x1;
	p0 =	seq.s32 s7, s2  }
0x1e: {  	s7 =	smul.u32 @!p0 $0xF7A, s2;
	p2 =	seq.s32 @!p0 s5, $0x0  }
0x1f: {  	s9 =	smul.u32 $0xF7A, s1;
	s8 =	simm.s32 @!p0 $0x1BF5;
	p2 =	por !p2, p0  }
0x20: {  	[sflag:s8] =	ssyncset.s32 @!p0 $0xFFFFF086;
	s6 =	sadd.s32 @!p0 s3, s7;
	s7 =	simm.s32 @!p0 $0x108  }
0x21: {  	s3 =	sadd.s32 s3, s9;
	s6 =	sadd.s32 @!p0 $0x88, s6;
	s7 =	simm.s32 @p2 $0x1082  }
0x22: {  	[simem:s7], [sflag:s8] =	dma.local @!p0 [hbm:s6], $0xF7A  }
0x23: {  	s9 =	sor.u32 $0xD0000000, s2;
	s6 =	simm.s32 $0x108;
	_ =	swait.ge @!p0 [sflag:s8], $0x0  }
0x24: {  	s3 =	sadd.s32 $0x88, s3;
	s6 =	simm.s32 @!p1 $0x1082;
	[sflag:s4] =	ssyncset.s32 $0xFFFFF086  }
0x25: {  	[simem:s6], [sflag:s4] =	dma.local [hbm:s3], $0xF7A  }
0x26: {  	[smem:$0x3F9F] =	sst s1;
	(tag) =	ssettag s2;
	_ =	strace s9  }
0x27: {  	s1 =	sld [smem:$0x3FAF]  }
0x28: {  	s2 =	sld [smem:$0x3FB0]  }
0x29: {  	s4 =	sld [smem:$0x3FB2]  }
0x2a: {  	p0 =	seq.s32 s5, $0x0;
	s5 =	sld [smem:$0x3FB3]  }
0x2b: {  	s6 =	sld [smem:$0x3FB4]  }
0x2c: {  	s7 =	sld [smem:$0x3FB5]  }
0x2d: {  	s3 =	simm.s32 $0x108;
	s8 =	sld [smem:$0x3FB6]  }
0x2e: {  	s3 =	simm.s32 @!p0 $0x1082;
	s9 =	sld [smem:$0x3FB7]  }
0x2f: {  	lr =	sadd.s32 s0, s3;
	s0 =	sld [smem:$0x3FAE]  }
0x30: {  	s3 =	sld [smem:$0x3FB1]  }
0x31: {  	[smem:$0x3FBA] =	sst s10  }
0x32: {  	s10 =	sld [smem:$0x3FB8];
	_ =	sdelay $0x3  }
0x33: {  	p0 =	seq.s32 s10, $0x1;
	s10 =	sld [smem:$0x3FBA];
	_ =	sdelay $0x3  }
0x34: {  	[smem:$0x3FBA] =	sst s10  }
0x35: {  	s10 =	sld [smem:$0x3FB9];
	_ =	sdelay $0x3  }
0x36: {  	p1 =	seq.s32 s10, $0x1;
	s10 =	sld [smem:$0x3FBA];
	_ =	sdelay $0x3  }
0x37: {  	[smem:$0x3FBA] =	sst s10  }
0x38: {  	s10 =	sld [smem:$0x3FBB]  }
0x39: {  	_ = 	snop;
	(pc) =	sbr.ind lr, $3  }
0x3a: {  	_ = 	snop  }
0x3b: {  	_ = 	snop  }
0x3c: {  	p2 =	seq.s32 s10, $0x1;
	s10 =	sld [smem:$0x3FBA]  }
0x3d: {  	_ =	shalt  }
0x3e: {  	_ =	shalt  }
0x3f: {  	_ =	shalt  }
0x40: {  	_ =	shalt  }
0x41: {  	_ =	shalt  }
0x42: {  	_ =	shalt  }
0x43: {  	_ =	shalt  }
0x44: {  	_ =	shalt  }
0x45: {  	_ =	shalt  }
0x46: {  	_ =	shalt  }
0x47: {  	_ =	shalt  }
0x48: {  	_ =	shalt  }
0x49: {  	_ =	shalt  }
0x4a: {  	_ =	shalt  }
0x4b: {  	_ =	shalt  }
0x4c: {  	_ =	shalt  }
0x4d: {  	_ =	shalt  }
0x4e: {  	_ =	shalt  }
0x4f: {  	_ =	shalt  }
0x50: {  	_ =	shalt  }
0x51: {  	_ =	shalt  }
0x52: {  	_ =	shalt  }
0x53: {  	_ =	shalt  }
0x54: {  	_ =	shalt  }
0x55: {  	_ =	shalt  }
0x56: {  	_ =	shalt  }
0x57: {  	_ =	shalt  }
0x58: {  	_ =	shalt  }
0x59: {  	_ =	shalt  }
0x5a: {  	_ =	shalt  }
0x5b: {  	_ =	shalt  }
0x5c: {  	_ =	shalt  }
0x5d: {  	_ =	shalt  }
0x5e: {  	_ =	shalt  }
0x5f: {  	_ =	shalt  }
0x60: {  	_ =	shalt  }
0x61: {  	_ =	shalt  }
0x62: {  	_ =	shalt  }
0x63: {  	_ =	shalt  }
0x64: {  	_ =	shalt  }
0x65: {  	_ =	shalt  }
0x66: {  	_ =	shalt  }
0x67: {  	_ =	shalt  }
0x68: {  	_ =	shalt  }
0x69: {  	_ =	shalt  }
0x6a: {  	_ =	shalt  }
0x6b: {  	_ =	shalt  }
0x6c: {  	_ =	shalt  }
0x6d: {  	_ =	shalt  }
0x6e: {  	_ =	shalt  }
0x6f: {  	_ =	shalt  }
0x70: {  	_ =	shalt  }
0x71: {  	_ =	shalt  }
0x72: {  	_ =	shalt  }
0x73: {  	_ =	shalt  }
0x74: {  	_ =	shalt  }
0x75: {  	_ =	shalt  }
0x76: {  	_ =	shalt  }
0x77: {  	_ =	shalt  }
0x78: {  	_ =	shalt  }
0x79: {  	_ =	shalt  }
0x7a: {  	_ =	shalt  }
0x7b: {  	_ =	shalt  }
0x7c: {  	_ =	shalt  }
0x7d: {  	_ =	shalt  }
0x7e: {  	_ =	shalt  }
0x7f: {  	_ =	shalt  }
0x80: {  	_ =	shalt  }
0x81: {  	_ =	shalt  }
0x82: {  	_ =	shalt  }
0x83: {  	_ =	shalt  }
0x84: {  	_ =	shalt  }
0x85: {  	_ =	shalt  }
0x86: {  	_ =	shalt  }
0x87: {  	_ =	shalt  }
.Lfunc_end0:
.L_simem_size_0:
called_computation.1_lowered:
.L_overlay_start_0:
0x88: {  	s2 =	sld [smem:$0x3FD9]  }
0x89: {  	s3 =	sld [smem:$0x3FFE];
	_ =	sdelay $0x1  }
0x8a: {  	s1 =	srdreg.scid  }
0x8b: {  	s0 =	sand.u32 $0x1, s1  }
0x8c: {  	s17 =	sshll.u32 s0, $0xA;
	s2 =	sadd.s32 s3, s2  }
0x8d: {  	s2 =	sadd.s32 s2, s17  }
0x8e: {  	[smem:$0x3FC6] =	sst s2  }
0x8f: {  	_ = 	snop  }
0x90: {  	(tm) =	ssettm $0x1  }
0x91: {  	s18 =	sld [smem:$0x3FFB];
	_ =	sdelay $0x3  }
0x92: {  	_ =	strace s18  }
0x93: {  	s2 =	sld [smem:$0x3FFC];
	_ =	sdelay $0x3  }
0x94: {  	_ =	strace s2  }
0x95: {  	s2 =	sld [smem:$0x3FFD];
	_ =	sdelay $0x3  }
0x96: {  	_ =	strace s2  }
0x97: {  	_ =	strace $0x8FFFFFFF  }
0x98: {  	s19 =	sld [smem:$0x3FDB];
	_ =	sdelay $0x1  }
0x99: {  	s20 =	simm.s32 $_scs_section_size  }
0x9a: {  	s4 =	simm.s32 $_size__tile_overlayer_lowered;
	s5 =	simm.s32 $_tile_overlayer_lowered  }
0x9b: {  	s6 =	simm.s32 $0x1BFF;
	s21 =	sshll.u32 s5, $0x1;
	s3 =	sadd.s32 s20, s19  }
0x9c: {  	s22 =	simm.s32 $0x0;
	s4 =	sshll.u32 s4, $0x1;
	s5 =	sadd.s32 s21, s3  }
0x9d: {  	[timem:s22], [sflag:s6] =	dma.local [hbm:s5], s4  }
0x9e: {  	_ =	swait.ge [sflag:s6], s4  }
0x9f: {  	s4 =	ssub.s32 $0x0, s4;
	[sflag:s6] =	ssyncset.done $0x0  }
0xa0: {  	[sflag:s6] =	ssyncadd.s32 s4;
	_ =	sdelay $0x1  }
0xa1: {  	s23 =	simm.s32 $0x1B8B  }
0xa2: {  	_ =	swait.ge [sflag:s23], $0x1  }
0xa3: {  	[sflag:s23] =	ssyncset.done $0x0  }
0xa4: {  	[sflag:s23] =	ssyncadd.s32 $0xFFFFFFFF  }
0xa5: {  	s4 =	sld [smem:$0x0]  }
0xa6: {  	s5 =	sand.u32 $0xFFFFFFFE, s1  }
0xa7: {  	p0 =	sne.s32 s1, s5  }
0xa8: {  	s5 =	sshll.u32 @p0 s5, $0xE  }
0xa9: {  	s5 =	sadd.s32 @p0 $0x11B8D, s5;
	s6 =	sshll.u32 @p0 s4, $0x11  }
0xaa: {  	s5 =	sor.u32 @p0 s6, s5  }
0xab: {  	[sflag:s5] =	ssyncadd.remote.s32 @p0 $0x1;
	_ =	sdelay $0x1  }
0xac: {  	s5 =	simm.s32 @p0 $0x1B8D  }
0xad: {  	_ =	swait.eq @p0 [sflag:s5], $0x1  }
0xae: {  	[sflag:s5] =	ssyncadd.s32 @p0 $0xFFFFFFFF  }
0xaf: {  	s6 =	sshll.u32 @!p0 s1, $0xE  }
0xb0: {  	s6 =	sor.u32 @!p0 $0x4000, s6;
	s5 =	simm.s32 @!p0 $0x1B8D  }
0xb1: {  	s4 =	sshll.u32 @!p0 s4, $0x11;
	s6 =	sadd.s32 @!p0 $0x11B8D, s6;
	_ =	swait.eq @!p0 [sflag:s5], $0x1  }
0xb2: {  	s4 =	sor.u32 @!p0 s4, s6;
	[sflag:s5] =	ssyncadd.s32 @!p0 $0xFFFFFFFF  }
0xb3: {  	s25 =	simm.s32 $0x1B8E;
	s24 =	sld [smem:$0x3FFE];
	[sflag:s4] =	ssyncadd.remote.s32 @!p0 $0x1  }
0xb4: {  	s26 =	simm.s32 $execute0_lowered;
	[smem:$0x3FD2] =	sst s25  }
0xb5: {  	s5 =	sshll.u32 s26, $0x1;
	_ =	strace $0x80000049;
	[dreg:$0x1] =	wrdreg $0xFFFFFFFF  }
0xb6: {  	s28 =	simm.s32 $_size_execute0_lowered;
	s3 =	sadd.s32 s3, s5;
	[dreg:$0x0] =	wrdreg $0x0  }
0xb7: {  	s5 =	sshll.u32 s28, $0x1;
	[dreg:$0x2] =	wrdreg s3  }
0xb8: {  	[dreg:$0x3] =	wrdreg s5  }
0xb9: {  	[dreg:$0x4] =	wrdreg $0xC0  }
0xba: {  	_ =	task [dreg:s22], $0x5FFFF  }
0xbb: {  	[dreg:$0x1] =	wrdreg $0xFFFFFFFF  }
0xbc: {  	[dreg:$0x0] =	wrdreg $0x60  }
0xbd: {  	[dreg:$0x2] =	wrdreg s24  }
0xbe: {  	[dreg:$0x3] =	wrdreg $0xA  }
0xbf: {  	_ =	task.clear_ibuf [dreg:s22], $0x4FFFF;
	_ =	strace $0x90000049  }
0xc0: {  	s29 =	simm.s32 $0xA;
	_ =	strace $0x8000004B  }
0xc1: {  	_ =	swait.ge [sflag:s29], $0x1  }
0xc2: {  	[sflag:s29] =	ssyncadd.s32 $0xFFFFFFFF  }
0xc3: {  	_ =	strace $0x9000004B  }
0xc4: {  	_ =	sfence  }
0xc5: {  	s30 =	sld [smem:$0x0];
	_ =	sdelay $0x2  }
0xc6: {  	s31 =	sshll.u32 s1, $0xD;
	s1 =	sshrl.u32 s1, $0x2  }
0xc7: {  	s4 =	sand.u32 $0x4000, s31;
	s1 =	sadd.s32 s1, s30  }
0xc8: {  	s0 =	sor.u32 s4, s0;
	s1 =	sshll.u32 s1, $0x11  }
0xc9: {  	s0 =	sor.u32 s1, s0  }
0xca: {  	s0 =	sadd.s32 $0x8F2B, s0  }
0xcb: {  	[sflag:s0] =	ssyncadd.remote.s32 $0x1  }
0xcc: {  	_ =	sfence.sel $0xFFFF  }
0xcd: {  	[dreg:$0x0] =	wrdreg $0xFFFFFFFF;
	(pc) =	sbr.abs _section_cstart, $3  }
0xce: {  	[dreg:$0x1] =	wrdreg $0xFFFFFFFF  }
0xcf: {  	_ =	task.clear_ibuf [dreg:s22], $0x2FFFF;
	_ =	strace $0x9FFFFFFF  }
0xd0: {  	(tm) =	ssettm $0x7FFFFFFF  }
0xd1: {  	_ =	shalt  }
tec
execute0_lowered:
.L_overlay_start_1:
0x0: {  	(tag) =	ssettag $0x1  }
0x1: {  	s7 =	stileid.u32;
	s0 =	rddreg [dreg:$0x0];
	s2 =	simm.s32 $0x0  }
0x2: {  	s4 =	srdreg.scid;
	s8 =	simm.s32 $0x80;
	s10 =	simm.s32 $0x2400  }
0x3: {  	s13 =	simm.s32 $0x2100;
	s14 =	simm.s32 $0x6400;
	s15 =	simm.s32 $0x2180  }
0x4: {  	s16 =	simm.s32 $0x8400;
	s17 =	simm.s32 $0x1;
	s18 =	simm.s32 $0x2200  }
0x5: {  	s19 =	simm.s32 $0xA400;
	s20 =	simm.s32 $0x2280;
	s21 =	simm.s32 $0xC400  }
0x6: {  	s22 =	simm.s32 $0x2;
	s28 =	simm.s32 $0x3;
	s29 =	simm.s32 $0x5  }
0x7: {  	s30 =	simm.s32 $0x4;
	s31 =	simm.s32 $0x6;
	s9 =	simm.s32 $0x0  }
0x8: {  	s1 =	sshrl.u32 s7, $0x2;
	[smem:$0x7FF] =	sst s2;
	s4 =	sand.u32 $0x1, s4  }
0x9: {  	s5 =	sshll.u32 s7, $0xB;
	s7 =	sshll.u32 s7, $0x11;
	s1 =	sor.u32 $0x4, s1  }
0xa: {  	_ =	strace $0x8000004A;
	s6 =	sshll.u32 s4, $0xA;
	s23 =	ssub.s32 $0x2, s4  }
0xb: {  	s4 =	sshll.u32 s4, $0x10;
	s3 =	sshll.u32 s1, $0xF;
	s1 =	sshll.u32 s1, $0xD  }
0xc: {  	s5 =	sor.u32 s6, s5;
	s24 =	sshrl.u32 s23, $0x1;
	s3 =	sadd.s32 s3, s0  }
0xd: {  	s1 =	sadd.s32 s1, s0;
	s0 =	sadd.s32 s7, s0;
	s5 =	sand.u32 $0x1C00, s5  }
.Ltmp0:
0xe: {  	s25 =	ssub.s32 s23, s24;
	s23 =	simm.s32 $0x2300;
	(pc) =	sbr.rel .LBB2_1-.Ltmp0, $4  }
0xf: {  	s24 =	simm.s32 $0xE400;
	s1 =	sadd.s32 s5, s1;
	s0 =	sadd.s32 s4, s0  }
0x10: {  	s4 =	sadd.s32 $0xA00, s3;
	s26 =	smax.u32 s25, $0x1;
	s25 =	simm.s32 $0x2380  }
0x11: {  	s1 =	sadd.s32 $0x40A00, s1;
	[dreg:$0x3] =	wrdreg s26;
	s6 =	sadd.s32 $0x250A00, s0  }
0x12: {  	s26 =	simm.s32 $0x10400;
	s0 =	simm.s32 $0x8;
	[dreg:$0x2] =	wrdreg s1  }
.LBB2_4:
0x13: {  	s1 =	simm.s32 $0x7  }
0x14: {  	_ =	swait.ge [sflag:s1], $0x4000  }
0x15: {  	[sflag:s1] =	ssyncset.done $0x0  }
0x16: {  	[sflag:s1] =	ssyncadd.s32 $0xFFFFC000  }
0x17: {  	_ =	swait.ge [sflag:s0], $0x4000  }
0x18: {  	s9 =	sadd.s32 $0x1, s9;
	s12 =	rddreg [dreg:$0x3]  }
0x19: {  	p0 =	sne.s32 s9, s12  }
.Ltmp1:
0x1a: {  	_ = 	snop;
	(pc) =	sbr.rel @!p0 .LBB2_5-.Ltmp1, $3  }
0x1b: {  	_ =	sdelay $0x1  }
0x1c: {  	[sflag:s0] =	ssyncset.done $0x0  }
0x1d: {  	[sflag:s0] =	ssyncadd.s32 $0xFFFFC000  }
.LBB2_1:
0x1e: {  	s1 =	rddreg [dreg:$0x2];
	s7 =	simm.s32 $0x9  }
0x1f: {  	[tilespmem:s2], [sflag:$0x9] =	stream.linear.gather [hbm4b:s1+s2], $0x2000, $0x38;
	[tilespmem:$0x12400] =	vst v63  }
0x20: {  	_ =	swait.ge [sflag:s7], $0x2000  }
0x21: {  	[sflag:s7] =	ssyncset.done $0x0  }
0x22: {  	[sflag:s7] =	ssyncadd.s32 $0xFFFFE000  }
0x23: {  	v0 =	vld [tilespmem:$0x0]  }
0x24: {  	v1 =	vld [tilespmem:$0x10]  }
0x25: {  	v2 =	vld [tilespmem:$0x20]  }
0x26: {  	v3 =	vld [tilespmem:$0x30]  }
0x27: {  	v4 =	vld [tilespmem:$0x40]  }
0x28: {  	v37 =	vld [tilespmem:$0x50];
	[tilespmem:$0x2000] =	vst v0  }
0x29: {  	v38 =	vld [tilespmem:$0x60];
	[tilespmem:$0x2010] =	vst v1  }
0x2a: {  	v39 =	vld [tilespmem:$0x70];
	[tilespmem:$0x2020] =	vst v2  }
0x2b: {  	v40 =	vld [tilespmem:$0x80];
	[tilespmem:$0x2030] =	vst v3  }
0x2c: {  	v41 =	vld [tilespmem:$0x90];
	[tilespmem:$0x2040] =	vst v4  }
0x2d: {  	v42 =	vld [tilespmem:$0xA0];
	[tilespmem:$0x2050] =	vst v37  }
0x2e: {  	v43 =	vld [tilespmem:$0xB0];
	[tilespmem:$0x2060] =	vst v38  }
0x2f: {  	v44 =	vld [tilespmem:$0xC0];
	[tilespmem:$0x2070] =	vst v39  }
0x30: {  	v45 =	vld [tilespmem:$0xD0];
	[tilespmem:$0x2080] =	vst v40  }
0x31: {  	v46 =	vld [tilespmem:$0xE0];
	[tilespmem:$0x2090] =	vst v41  }
0x32: {  	v47 =	vld [tilespmem:$0xF0];
	[tilespmem:$0x20A0] =	vst v42  }
0x33: {  	[tilespmem:$0x20B0] =	vst v43  }
0x34: {  	[tilespmem:$0x20C0] =	vst v44  }
0x35: {  	[tilespmem:$0x20D0] =	vst v45  }
0x36: {  	[tilespmem:$0x20E0] =	vst v46  }
0x37: {  	s11 =	simm.s32 $0x2000;
	[tilespmem:$0x20F0] =	vst v47  }
0x38: {  	[tilespmem:s10], [sflag:$0x1] =	stream.indirect.gather [hbm4b:s4+s8], $0x40, s11, s8, $0xb8;
	[tilespmem:$0x12400] =	vst v63  }
0x39: {  	s12 =	simm.s32 $0x2080;
	s3 =	simm.s32 $0x4400  }
0x3a: {  	[tilespmem:s3], [sflag:$0x1] =	stream.indirect.gather [hbm4b:s4+s8], $0x40, s12, s8, $0xb8;
	[tilespmem:$0x12400] =	vst v63  }
0x3b: {  	v48 =	vld [tilespmem:$0x100]  }
0x3c: {  	v49 =	vld [tilespmem:$0x110]  }
0x3d: {  	v50 =	vld [tilespmem:$0x120]  }
0x3e: {  	v51 =	vld [tilespmem:$0x130]  }
0x3f: {  	v52 =	vld [tilespmem:$0x140]  }
0x40: {  	v53 =	vld [tilespmem:$0x150];
	[tilespmem:$0x2100] =	vst v48  }
0x41: {  	v54 =	vld [tilespmem:$0x160];
	[tilespmem:$0x2110] =	vst v49  }
0x42: {  	v55 =	vld [tilespmem:$0x170];
	[tilespmem:$0x2120] =	vst v50  }
0x43: {  	v56 =	vld [tilespmem:$0x180];
	[tilespmem:$0x2130] =	vst v51  }
0x44: {  	v57 =	vld [tilespmem:$0x190];
	[tilespmem:$0x2140] =	vst v52  }
0x45: {  	v58 =	vld [tilespmem:$0x1A0];
	[tilespmem:$0x2150] =	vst v53  }
0x46: {  	v59 =	vld [tilespmem:$0x1B0];
	[tilespmem:$0x2160] =	vst v54  }
0x47: {  	v60 =	vld [tilespmem:$0x1C0];
	[tilespmem:$0x2170] =	vst v55  }
0x48: {  	v61 =	vld [tilespmem:$0x1D0];
	[tilespmem:$0x2180] =	vst v56  }
0x49: {  	v62 =	vld [tilespmem:$0x1E0];
	[tilespmem:$0x2190] =	vst v57  }
0x4a: {  	v63 =	vld [tilespmem:$0x1F0];
	[tilespmem:$0x21A0] =	vst v58  }
0x4b: {  	[tilespmem:$0x21B0] =	vst v59  }
0x4c: {  	[tilespmem:$0x21C0] =	vst v60  }
0x4d: {  	[tilespmem:$0x21D0] =	vst v61  }
0x4e: {  	[tilespmem:$0x21E0] =	vst v62  }
0x4f: {  	[tilespmem:$0x21F0] =	vst v63  }
0x50: {  	[tilespmem:s14], [sflag:$0x2] =	stream.indirect.gather [hbm4b:s4+s8], $0x40, s13, s8, $0xb8;
	[tilespmem:$0x12400] =	vst v63  }
0x51: {  	s11 =	simm.s32 $0x300;
	s12 =	simm.s32 $0x0  }
0x52: {  	[tilespmem:s16], [sflag:$0x2] =	stream.indirect.gather [hbm4b:s4+s8], $0x40, s15, s8, $0xb8;
	[tilespmem:$0x12400] =	vst v63  }
.LBB2_2:
0x53: {  	_ =	swait.ge [sflag:s17], $0x2000  }
0x54: {  	[sflag:s17] =	ssyncset.done $0x0  }
0x55: {  	[sflag:s17] =	ssyncadd.s32 $0xFFFFE000  }
0x56: {  	_ =	swait.ge [sflag:s17], $0x2000  }
0x57: {  	p0 =	seq.s32 s12, $0x0;
	[sflag:s17] =	ssyncset.done $0x0  }
0x58: {  	s3 =	sadd.s32 s12, s6;
	s5 =	simm.s32 @!p0 $0x7;
	[sflag:s17] =	ssyncadd.s32 $0xFFFFE000  }
0x59: {  	[hbm4b:s3+s2] =	stream.linear.scatter [tilespmem:s10], [sflag:$0x5], $0x4000, $0x38;
	[tilespmem:$0x12400] =	vst v63  }
0x5a: {  	_ =	swait.ge @!p0 [sflag:s5], $0x4000  }
0x5b: {  	[sflag:s5] =	ssyncset.done @!p0 $0x0  }
0x5c: {  	[sflag:s5] =	ssyncadd.s32 @!p0 $0xFFFFC000  }
0x5d: {  	v0 =	vld [tilespmem:s11+$0xFFFFFF00];
	_ =	sdelay $0x4  }
0x5e: {  	[tilespmem:$0x2200] =	vst v0  }
0x5f: {  	v0 =	vld [tilespmem:s11+$0xFFFFFF10];
	_ =	sdelay $0x4  }
0x60: {  	[tilespmem:$0x2210] =	vst v0  }
0x61: {  	v0 =	vld [tilespmem:s11+$0xFFFFFF20];
	_ =	sdelay $0x4  }
0x62: {  	[tilespmem:$0x2220] =	vst v0  }
0x63: {  	v0 =	vld [tilespmem:s11+$0xFFFFFF30];
	_ =	sdelay $0x4  }
0x64: {  	[tilespmem:$0x2230] =	vst v0  }
0x65: {  	v0 =	vld [tilespmem:s11+$0xFFFFFF40];
	_ =	sdelay $0x4  }
0x66: {  	[tilespmem:$0x2240] =	vst v0  }
0x67: {  	v0 =	vld [tilespmem:s11+$0xFFFFFF50];
	_ =	sdelay $0x4  }
0x68: {  	[tilespmem:$0x2250] =	vst v0  }
0x69: {  	v0 =	vld [tilespmem:s11+$0xFFFFFF60];
	_ =	sdelay $0x4  }
0x6a: {  	[tilespmem:$0x2260] =	vst v0  }
0x6b: {  	v0 =	vld [tilespmem:s11+$0xFFFFFF70];
	_ =	sdelay $0x4  }
0x6c: {  	[tilespmem:$0x2270] =	vst v0  }
0x6d: {  	v0 =	vld [tilespmem:s11+$0xFFFFFF80];
	_ =	sdelay $0x4  }
0x6e: {  	[tilespmem:$0x2280] =	vst v0  }
0x6f: {  	v0 =	vld [tilespmem:s11+$0xFFFFFF90];
	_ =	sdelay $0x4  }
0x70: {  	[tilespmem:$0x2290] =	vst v0  }
0x71: {  	v0 =	vld [tilespmem:s11+$0xFFFFFFA0];
	_ =	sdelay $0x4  }
0x72: {  	[tilespmem:$0x22A0] =	vst v0  }
0x73: {  	v0 =	vld [tilespmem:s11+$0xFFFFFFB0];
	_ =	sdelay $0x4  }
0x74: {  	[tilespmem:$0x22B0] =	vst v0  }
0x75: {  	v0 =	vld [tilespmem:s11+$0xFFFFFFC0];
	_ =	sdelay $0x4  }
0x76: {  	[tilespmem:$0x22C0] =	vst v0  }
0x77: {  	v0 =	vld [tilespmem:s11+$0xFFFFFFD0];
	_ =	sdelay $0x4  }
0x78: {  	[tilespmem:$0x22D0] =	vst v0  }
0x79: {  	v0 =	vld [tilespmem:s11+$0xFFFFFFE0];
	_ =	sdelay $0x4  }
0x7a: {  	[tilespmem:$0x22E0] =	vst v0  }
0x7b: {  	v0 =	vld [tilespmem:s11+$0xFFFFFFF0];
	_ =	sdelay $0x4  }
0x7c: {  	[tilespmem:$0x22F0] =	vst v0  }
0x7d: {  	[tilespmem:s19], [sflag:$0x3] =	stream.indirect.gather [hbm4b:s4+s8], $0x40, s18, s8, $0xb8;
	[tilespmem:$0x12400] =	vst v63  }
0x7e: {  	_ = 	snop  }
0x7f: {  	[tilespmem:s21], [sflag:$0x3] =	stream.indirect.gather [hbm4b:s4+s8], $0x40, s20, s8, $0xb8;
	[tilespmem:$0x12400] =	vst v63  }
0x80: {  	_ =	swait.ge [sflag:s22], $0x2000  }
0x81: {  	[sflag:s22] =	ssyncset.done $0x0  }
0x82: {  	[sflag:s22] =	ssyncadd.s32 $0xFFFFE000  }
0x83: {  	_ =	swait.ge [sflag:s22], $0x2000  }
0x84: {  	[sflag:s22] =	ssyncset.done $0x0  }
0x85: {  	s7 =	sadd.s32 $0x800, s3;
	s5 =	simm.s32 @!p0 $0x8;
	[sflag:s22] =	ssyncadd.s32 $0xFFFFE000  }
0x86: {  	[hbm4b:s7+s2] =	stream.linear.scatter [tilespmem:s14], [sflag:$0x6], $0x4000, $0x38;
	[tilespmem:$0x12400] =	vst v63  }
0x87: {  	_ =	swait.ge @!p0 [sflag:s5], $0x4000  }
0x88: {  	[sflag:s5] =	ssyncset.done @!p0 $0x0  }
0x89: {  	[sflag:s5] =	ssyncadd.s32 @!p0 $0xFFFFC000  }
0x8a: {  	v63 =	vld [tilespmem:s11+$0x0];
	_ =	sdelay $0x4  }
0x8b: {  	[tilespmem:$0x2300] =	vst v63  }
0x8c: {  	v0 =	vld [tilespmem:s11+$0x10];
	_ =	sdelay $0x4  }
0x8d: {  	[tilespmem:$0x2310] =	vst v0  }
0x8e: {  	v0 =	vld [tilespmem:s11+$0x20];
	_ =	sdelay $0x4  }
0x8f: {  	[tilespmem:$0x2320] =	vst v0  }
0x90: {  	v0 =	vld [tilespmem:s11+$0x30];
	_ =	sdelay $0x4  }
0x91: {  	[tilespmem:$0x2330] =	vst v0  }
0x92: {  	v0 =	vld [tilespmem:s11+$0x40];
	_ =	sdelay $0x4  }
0x93: {  	[tilespmem:$0x2340] =	vst v0  }
0x94: {  	v0 =	vld [tilespmem:s11+$0x50];
	_ =	sdelay $0x4  }
0x95: {  	[tilespmem:$0x2350] =	vst v0  }
0x96: {  	v0 =	vld [tilespmem:s11+$0x60];
	_ =	sdelay $0x4  }
0x97: {  	[tilespmem:$0x2360] =	vst v0  }
0x98: {  	v0 =	vld [tilespmem:s11+$0x70];
	_ =	sdelay $0x4  }
0x99: {  	[tilespmem:$0x2370] =	vst v0  }
0x9a: {  	v0 =	vld [tilespmem:s11+$0x80];
	_ =	sdelay $0x4  }
0x9b: {  	[tilespmem:$0x2380] =	vst v0  }
0x9c: {  	v0 =	vld [tilespmem:s11+$0x90];
	_ =	sdelay $0x4  }
0x9d: {  	[tilespmem:$0x2390] =	vst v0  }
0x9e: {  	v0 =	vld [tilespmem:s11+$0xA0];
	_ =	sdelay $0x4  }
0x9f: {  	[tilespmem:$0x23A0] =	vst v0  }
0xa0: {  	v0 =	vld [tilespmem:s11+$0xB0];
	_ =	sdelay $0x4  }
0xa1: {  	[tilespmem:$0x23B0] =	vst v0  }
0xa2: {  	v0 =	vld [tilespmem:s11+$0xC0];
	_ =	sdelay $0x4  }
0xa3: {  	[tilespmem:$0x23C0] =	vst v0  }
0xa4: {  	v0 =	vld [tilespmem:s11+$0xD0];
	_ =	sdelay $0x4  }
0xa5: {  	[tilespmem:$0x23D0] =	vst v0  }
0xa6: {  	v0 =	vld [tilespmem:s11+$0xE0];
	_ =	sdelay $0x4  }
0xa7: {  	[tilespmem:$0x23E0] =	vst v0  }
0xa8: {  	v0 =	vld [tilespmem:s11+$0xF0];
	_ =	sdelay $0x4  }
0xa9: {  	[tilespmem:$0x23F0] =	vst v0  }
0xaa: {  	[tilespmem:s24], [sflag:$0x4] =	stream.indirect.gather [hbm4b:s4+s8], $0x40, s23, s8, $0xb8;
	[tilespmem:$0x12400] =	vst v63  }
0xab: {  	_ = 	snop  }
0xac: {  	[tilespmem:s26], [sflag:$0x4] =	stream.indirect.gather [hbm4b:s4+s8], $0x40, s25, s8, $0xb8;
	[tilespmem:$0x12400] =	vst v63  }
0xad: {  	_ =	swait.ge [sflag:s28], $0x2000  }
0xae: {  	[sflag:s28] =	ssyncset.done $0x0  }
0xaf: {  	[sflag:s28] =	ssyncadd.s32 $0xFFFFE000  }
0xb0: {  	_ =	swait.ge [sflag:s28], $0x2000  }
0xb1: {  	[sflag:s28] =	ssyncset.done $0x0  }
0xb2: {  	s1 =	sadd.s32 $0x1000, s3;
	[sflag:s28] =	ssyncadd.s32 $0xFFFFE000  }
0xb3: {  	[hbm4b:s1+s2] =	stream.linear.scatter [tilespmem:s19], [sflag:$0x7], $0x4000, $0x38;
	[tilespmem:$0x12400] =	vst v63  }
0xb4: {  	_ =	swait.ge [sflag:s29], $0x4000  }
0xb5: {  	[sflag:s29] =	ssyncset.done $0x0  }
0xb6: {  	p0 =	seq.s32 s12, $0xE000;
	[sflag:s29] =	ssyncadd.s32 $0xFFFFC000  }
0xb7: {  	v0 =	vld @!p0 [tilespmem:s11+$0x100];
	_ =	sdelay $0x4  }
0xb8: {  	[tilespmem:$0x2000] =	vst @!p0 v0  }
0xb9: {  	v0 =	vld @!p0 [tilespmem:s11+$0x110];
	_ =	sdelay $0x4  }
0xba: {  	[tilespmem:$0x2010] =	vst @!p0 v0  }
0xbb: {  	v0 =	vld @!p0 [tilespmem:s11+$0x120];
	_ =	sdelay $0x4  }
0xbc: {  	[tilespmem:$0x2020] =	vst @!p0 v0  }
0xbd: {  	v0 =	vld @!p0 [tilespmem:s11+$0x130];
	_ =	sdelay $0x4  }
0xbe: {  	[tilespmem:$0x2030] =	vst @!p0 v0  }
0xbf: {  	v0 =	vld @!p0 [tilespmem:s11+$0x140];
	_ =	sdelay $0x4  }
0xc0: {  	[tilespmem:$0x2040] =	vst @!p0 v0  }
0xc1: {  	v0 =	vld @!p0 [tilespmem:s11+$0x150];
	_ =	sdelay $0x4  }
0xc2: {  	[tilespmem:$0x2050] =	vst @!p0 v0  }
0xc3: {  	v0 =	vld @!p0 [tilespmem:s11+$0x160];
	_ =	sdelay $0x4  }
0xc4: {  	[tilespmem:$0x2060] =	vst @!p0 v0  }
0xc5: {  	v0 =	vld @!p0 [tilespmem:s11+$0x170];
	_ =	sdelay $0x4  }
0xc6: {  	[tilespmem:$0x2070] =	vst @!p0 v0  }
0xc7: {  	v0 =	vld @!p0 [tilespmem:s11+$0x180];
	_ =	sdelay $0x4  }
0xc8: {  	[tilespmem:$0x2080] =	vst @!p0 v0  }
0xc9: {  	v0 =	vld @!p0 [tilespmem:s11+$0x190];
	_ =	sdelay $0x4  }
0xca: {  	[tilespmem:$0x2090] =	vst @!p0 v0  }
0xcb: {  	v0 =	vld @!p0 [tilespmem:s11+$0x1A0];
	_ =	sdelay $0x4  }
0xcc: {  	[tilespmem:$0x20A0] =	vst @!p0 v0  }
0xcd: {  	v0 =	vld @!p0 [tilespmem:s11+$0x1B0];
	_ =	sdelay $0x4  }
0xce: {  	[tilespmem:$0x20B0] =	vst @!p0 v0  }
0xcf: {  	v0 =	vld @!p0 [tilespmem:s11+$0x1C0];
	_ =	sdelay $0x4  }
0xd0: {  	[tilespmem:$0x20C0] =	vst @!p0 v0  }
0xd1: {  	v0 =	vld @!p0 [tilespmem:s11+$0x1D0];
	_ =	sdelay $0x4  }
0xd2: {  	[tilespmem:$0x20D0] =	vst @!p0 v0  }
0xd3: {  	v0 =	vld @!p0 [tilespmem:s11+$0x1E0];
	_ =	sdelay $0x4  }
0xd4: {  	[tilespmem:$0x20E0] =	vst @!p0 v0  }
0xd5: {  	v0 =	vld @!p0 [tilespmem:s11+$0x1F0];
	_ =	sdelay $0x4  }
0xd6: {  	s5 =	simm.s32 @!p0 $0x80;
	s7 =	simm.s32 @!p0 $0x2000;
	s1 =	simm.s32 @!p0 $0x2400;
	[tilespmem:$0x20F0] =	vst @!p0 v0  }
0xd7: {  	[tilespmem:s1], [sflag:$0x1] =	stream.indirect.gather @!p0 [hbm4b:s4+s5], $0x40, s7, s5, $0xb8;
	[tilespmem:$0x12400] =	vst v63  }
0xd8: {  	s1 =	simm.s32 @!p0 $0x2080;
	s7 =	simm.s32 @!p0 $0x4400  }
0xd9: {  	[tilespmem:s7], [sflag:$0x1] =	stream.indirect.gather @!p0 [hbm4b:s4+s5], $0x40, s1, s5, $0xb8;
	[tilespmem:$0x12400] =	vst v63  }
0xda: {  	_ =	swait.ge [sflag:s30], $0x2000  }
0xdb: {  	[sflag:s30] =	ssyncset.done $0x0  }
0xdc: {  	[sflag:s30] =	ssyncadd.s32 $0xFFFFE000  }
0xdd: {  	_ =	swait.ge [sflag:s30], $0x2000  }
0xde: {  	[sflag:s30] =	ssyncset.done $0x0  }
.Ltmp2:
0xdf: {  	s7 =	sadd.s32 $0x1800, s3;
	[sflag:s30] =	ssyncadd.s32 $0xFFFFE000;
	(pc) =	sbr.rel @p0 .LBB2_4-.Ltmp2, $4  }
0xe0: {  	[hbm4b:s7+s2] =	stream.linear.scatter [tilespmem:s24], [sflag:$0x8], $0x4000, $0x38;
	[tilespmem:$0x12400] =	vst v63  }
0xe1: {  	_ =	swait.ge [sflag:s31], $0x4000  }
0xe2: {  	[sflag:s31] =	ssyncset.done $0x0  }
0xe3: {  	[sflag:s31] =	ssyncadd.s32 $0xFFFFC000  }
0xe4: {  	v0 =	vld [tilespmem:s11+$0x200];
	_ =	sdelay $0x4  }
0xe5: {  	[tilespmem:$0x2100] =	vst v0  }
0xe6: {  	v0 =	vld [tilespmem:s11+$0x210];
	_ =	sdelay $0x4  }
0xe7: {  	[tilespmem:$0x2110] =	vst v0  }
0xe8: {  	v0 =	vld [tilespmem:s11+$0x220];
	_ =	sdelay $0x4  }
0xe9: {  	[tilespmem:$0x2120] =	vst v0  }
0xea: {  	v0 =	vld [tilespmem:s11+$0x230];
	_ =	sdelay $0x4  }
0xeb: {  	[tilespmem:$0x2130] =	vst v0  }
0xec: {  	v0 =	vld [tilespmem:s11+$0x240];
	_ =	sdelay $0x4  }
0xed: {  	[tilespmem:$0x2140] =	vst v0  }
0xee: {  	v0 =	vld [tilespmem:s11+$0x250];
	_ =	sdelay $0x4  }
0xef: {  	[tilespmem:$0x2150] =	vst v0  }
0xf0: {  	v0 =	vld [tilespmem:s11+$0x260];
	_ =	sdelay $0x4  }
0xf1: {  	[tilespmem:$0x2160] =	vst v0  }
0xf2: {  	v0 =	vld [tilespmem:s11+$0x270];
	_ =	sdelay $0x4  }
0xf3: {  	[tilespmem:$0x2170] =	vst v0  }
0xf4: {  	v0 =	vld [tilespmem:s11+$0x280];
	_ =	sdelay $0x4  }
0xf5: {  	[tilespmem:$0x2180] =	vst v0  }
0xf6: {  	v0 =	vld [tilespmem:s11+$0x290];
	_ =	sdelay $0x4  }
0xf7: {  	[tilespmem:$0x2190] =	vst v0  }
0xf8: {  	v0 =	vld [tilespmem:s11+$0x2A0];
	_ =	sdelay $0x4  }
0xf9: {  	[tilespmem:$0x21A0] =	vst v0  }
0xfa: {  	v0 =	vld [tilespmem:s11+$0x2B0];
	_ =	sdelay $0x4  }
0xfb: {  	[tilespmem:$0x21B0] =	vst v0  }
0xfc: {  	v0 =	vld [tilespmem:s11+$0x2C0];
	_ =	sdelay $0x4  }
0xfd: {  	[tilespmem:$0x21C0] =	vst v0  }
0xfe: {  	v0 =	vld [tilespmem:s11+$0x2D0];
	_ =	sdelay $0x4  }
0xff: {  	[tilespmem:$0x21D0] =	vst v0  }
0x100: {  	v0 =	vld [tilespmem:s11+$0x2E0];
	_ =	sdelay $0x4  }
0x101: {  	[tilespmem:$0x21E0] =	vst v0  }
0x102: {  	v0 =	vld [tilespmem:s11+$0x2F0];
	_ =	sdelay $0x3  }
.Ltmp3:
0x103: {  	_ = 	snop;
	(pc) =	sbr.rel .LBB2_2-.Ltmp3, $4  }
0x104: {  	[tilespmem:$0x21F0] =	vst v0  }
0x105: {  	[tilespmem:s14], [sflag:$0x2] =	stream.indirect.gather [hbm4b:s4+s8], $0x40, s13, s8, $0xb8;
	[tilespmem:$0x12400] =	vst v63  }
0x106: {  	s12 =	sadd.s32 $0x2000, s12;
	s11 =	sadd.s32 $0x400, s11  }
0x107: {  	[tilespmem:s16], [sflag:$0x2] =	stream.indirect.gather [hbm4b:s4+s8], $0x40, s15, s8, $0xb8;
	[tilespmem:$0x12400] =	vst v63  }
.LBB2_5:
0x108: {  	_ =	sfence.sel $0x180000  }
0x109: {  	[bflag:$0x0] =	sbarrier.arrive $0xFFFF  }
0x10a: {  	_ =	strace $0x9000004A  }
0x10b: {  	s0 =	stileid.u32;
	[bflag:$0x2] =	sbarrier.arrive $0xFFFF  }
0x10c: {  	p0 =	sne.s32 s0, $0x0;
	s0 =	rddreg [dreg:$0x1]  }
0x10d: {  	s0 =	sadd.s32 @!p0 $0x100000, s0  }
0x10e: {  	[sflag:s0] =	ssyncadd.tile.s32 @!p0 $0x1;
	_ =	shalt  }
.Lfunc_end2:
_tile_overlayer_lowered:
.L_overlay_start_2:
0x10f: {  	(tag) =	ssettag $0x2  }
0x110: {  	s0 =	rddreg [dreg:$0x0];
	s2 =	stileid.u32  }
0x111: {  	s1 =	rddreg [dreg:$0x1];
	p0 =	sne.s32 s2, $0x0  }
0x112: {  	s3 =	rddreg [dreg:$0x2];
	[bflag:$0x3] =	sbarrier.arrive $0xFFFF;
	s2 =	simm.s32 @!p0 $0x1C09  }
0x113: {  	[timem:s3], [sflag:s2] =	dma.local @!p0 [hbm:s0], s1  }
0x114: {  	s0 =	simm.s32 @!p0 $0x9  }
0x115: {  	_ =	swait.ge @!p0 [sflag:s0], s1  }
0x116: {  	s1 =	ssub.s32 @!p0 $0x0, s1;
	[sflag:s0] =	ssyncset.done @!p0 $0x0  }
0x117: {  	[sflag:s0] =	ssyncadd.s32 @!p0 s1  }
0x118: {  	[bflag:$0x3] =	sbarrier.arrive $0xFFFF  }
0x119: {  	_ =	shalt  }

</sc_bundles>
